<compile_context>
chip_gen: v7x
topology: tpu7x:2x2x1
jax: 0.10.2.dev20260603
libtpu: 0.0.44.dev20260713+nightly
codegen_flags: <defaults>
</compile_context>

<pallas_src>
import jax
import jax.numpy as jnp
from jax import lax
from jax.experimental import pallas as pl
from jax.experimental.pallas import tpu as pltpu
from jax.experimental.pallas import tpu_sc as plsc

N = 10000
NPAD = 10240
E = 160000
NC, NS = 2, 16
NW = NC * NS
EPT = E // NW
K = 125
NJ = EPT // K
RPT = NPAD // NS
BM = 1024
GRID = NPAD // BM

import functools


@functools.lru_cache(maxsize=None)
def _mesh():
    return plsc.VectorSubcoreMesh(
        core_axis_name="c", subcore_axis_name="s",
        num_cores=NC, num_subcores=NS)



def _deg_body(dst2, ones_h, z128, out, ones_v, dstv, acc):
    c = lax.axis_index("c")
    s = lax.axis_index("s")
    w = c * NS + s
    pltpu.sync_copy(ones_h, ones_v)
    pltpu.sync_copy(dst2.at[pl.ds(w * NJ, NJ)], dstv)
    pltpu.sync_copy(z128.at[pl.ds(s * RPT, RPT)], acc.at[pl.ds(s * RPT, RPT)])
    plsc.subcore_barrier()

    def body(j, carry):
        pltpu.sync_copy(ones_v, acc.at[dstv.at[j]], add=True)
        return carry

    lax.fori_loop(0, NJ, body, 0)
    plsc.subcore_barrier()
    pltpu.sync_copy(acc.at[pl.ds(s * RPT, RPT)], out.at[c, pl.ds(s * RPT, RPT)])


@functools.lru_cache(maxsize=None)
def _deg_kernel():
    return pl.kernel(
        _deg_body,
        out_type=jax.ShapeDtypeStruct((NC, NPAD, 128), jnp.float32),
        mesh=_mesh(),
        scratch_types=[
            pltpu.VMEM((K, 128), jnp.float32),
            pltpu.VMEM((NJ, K), jnp.int32),
            pltpu.VMEM_SHARED((NPAD, 128), jnp.float32),
        ],
    )


def _deg_call(dst2, ones_st, z128):
    return _deg_kernel()(dst2, ones_st, z128)


def _make_scatter(nchunks, F):
    def body(*refs):
        tables = refs[:nchunks]
        src2, dst2, zf = refs[nchunks:nchunks + 3]
        outs = refs[nchunks + 3:2 * nchunks + 3]
        srcv, dstv, stage0, stage1, acc, sema, semb = refs[2 * nchunks + 3:]
        c = lax.axis_index("c")
        s = lax.axis_index("s")
        w = c * NS + s
        pltpu.sync_copy(src2.at[pl.ds(w * NJ, NJ)], srcv)
        pltpu.sync_copy(dst2.at[pl.ds(w * NJ, NJ)], dstv)
        for f in range(nchunks):
            table = tables[f]
            @pl.when(c == 0)
            def _seed(table=table):
                pltpu.sync_copy(table.at[pl.ds(s * RPT, RPT)],
                                acc.at[pl.ds(s * RPT, RPT)])

            @pl.when(c != 0)
            def _zero():
                pltpu.sync_copy(zf.at[pl.ds(s * RPT, RPT)],
                                acc.at[pl.ds(s * RPT, RPT)])

            plsc.subcore_barrier()

            pltpu.async_copy(table.at[srcv.at[0]], stage0, sema)

            def body_i(i, carry, table=table):
                j0 = 2 * i
                j1 = j0 + 1
                pltpu.async_copy(table.at[srcv.at[j1]], stage1, semb)
                pltpu.make_async_copy(table.at[srcv.at[0]], stage0, sema).wait()
                pltpu.sync_copy(stage0, acc.at[dstv.at[j0]], add=True)
                jn = jnp.where(j0 + 2 < NJ, j0 + 2, 0)
                pltpu.async_copy(table.at[srcv.at[jn]], stage0, sema)
                pltpu.make_async_copy(table.at[srcv.at[0]], stage1, semb).wait()
                pltpu.sync_copy(stage1, acc.at[dstv.at[j1]], add=True)
                return carry

            lax.fori_loop(0, NJ // 2, body_i, 0)
            pltpu.make_async_copy(table.at[srcv.at[0]], stage0, sema).wait()
            plsc.subcore_barrier()
            pltpu.sync_copy(acc.at[pl.ds(s * RPT, RPT)],
                            outs[f].at[c, pl.ds(s * RPT, RPT)])

    def call(*args):
        return pl.kernel(
            body,
            out_type=[jax.ShapeDtypeStruct((NC, NPAD, F), jnp.float32)] * nchunks,
            mesh=_mesh(),
            scratch_types=[
                pltpu.VMEM((NJ, K), jnp.int32),
                pltpu.VMEM((NJ, K), jnp.int32),
                pltpu.VMEM((K, F), jnp.float32),
                pltpu.VMEM((K, F), jnp.float32),
                pltpu.VMEM_SHARED((NPAD, F), jnp.float32),
                pltpu.SemaphoreType.DMA,
                pltpu.SemaphoreType.DMA,
            ],
        )(*args)

    return call


_scat512 = _make_scatter(4, 128)
_scat128 = _make_scatter(1, 128)



def _mm1_body(x_ref, w_ref, degp_ref, o0, o1, o2, o3, odinv):
    dinv = lax.rsqrt(degp_ref[0, :, 0:1] + degp_ref[1, :, 0:1] + 1.0)
    h = jnp.dot(x_ref[...], w_ref[...], precision=lax.Precision.DEFAULT,
                preferred_element_type=jnp.float32)
    hd = h * dinv
    for cc, o in enumerate((o0, o1, o2, o3)):
        o[...] = hd[:, cc * 128:(cc + 1) * 128]
    odinv[...] = dinv


def _mm1_call(x, W1, degp):
    return pl.pallas_call(
        _mm1_body,
        grid=(GRID,),
        in_specs=[
            pl.BlockSpec((BM, 784), lambda i: (i, 0)),
            pl.BlockSpec((784, 512), lambda i: (0, 0)),
            pl.BlockSpec((NC, BM, 128), lambda i: (0, i, 0)),
        ],
        out_specs=[pl.BlockSpec((BM, 128), lambda i: (i, 0))] * 4
        + [pl.BlockSpec((BM, 1), lambda i: (i, 0))],
        out_shape=[jax.ShapeDtypeStruct((NPAD, 128), jnp.float32)] * 4
        + [jax.ShapeDtypeStruct((NPAD, 1), jnp.float32)],
    )(x, W1, degp)


def _mm2_body(p0, p1, p2, p3, dinv_ref, b_ref, w_ref,
              o0, o1, o2, o3):
    dinv = dinv_ref[...]
    cols = []
    for cc, p in enumerate((p0, p1, p2, p3)):
        t = p[0] + p[1]
        cols.append(jnp.maximum(dinv * t + b_ref[cc, :], 0.0))
    a = jnp.concatenate(cols, axis=1)
    h = jnp.dot(a, w_ref[...], precision=lax.Precision.DEFAULT,
                preferred_element_type=jnp.float32)
    hd = h * dinv
    for cc, o in enumerate((o0, o1, o2, o3)):
        o[...] = hd[:, cc * 128:(cc + 1) * 128]


def _mm2_call(p, dinv, brow, W2):
    return pl.pallas_call(
        _mm2_body,
        grid=(GRID,),
        in_specs=(
            [pl.BlockSpec((NC, BM, 128), lambda i: (0, i, 0))] * 4
            + [
                pl.BlockSpec((BM, 1), lambda i: (i, 0)),
                pl.BlockSpec((4, 128), lambda i: (0, 0)),
                pl.BlockSpec((512, 512), lambda i: (0, 0)),
            ]
        ),
        out_specs=[pl.BlockSpec((BM, 128), lambda i: (i, 0))] * 4,
        out_shape=[jax.ShapeDtypeStruct((NPAD, 128), jnp.float32)] * 4,
    )(*p, dinv, brow, W2)


def _mm3_body(p0, p1, p2, p3, dinv_ref, b_ref, w_ref, o):
    dinv = dinv_ref[...]
    cols = []
    for cc, p in enumerate((p0, p1, p2, p3)):
        t = p[0] + p[1]
        cols.append(jnp.maximum(dinv * t + b_ref[cc, :], 0.0))
    a = jnp.concatenate(cols, axis=1)
    h = jnp.dot(a, w_ref[...], precision=lax.Precision.DEFAULT,
                preferred_element_type=jnp.float32)
    o[...] = h * dinv


def _mm3_call(p, dinv, brow, Wcp):
    return pl.pallas_call(
        _mm3_body,
        grid=(GRID,),
        in_specs=(
            [pl.BlockSpec((NC, BM, 128), lambda i: (0, i, 0))] * 4
            + [
                pl.BlockSpec((BM, 1), lambda i: (i, 0)),
                pl.BlockSpec((4, 128), lambda i: (0, 0)),
                pl.BlockSpec((512, 128), lambda i: (0, 0)),
            ]
        ),
        out_specs=pl.BlockSpec((BM, 128), lambda i: (i, 0)),
        out_shape=jax.ShapeDtypeStruct((NPAD, 128), jnp.float32),
    )(*p, dinv, brow, Wcp)


def _fin_body(q_ref, dinv_ref, bc_ref, out_ref):
    t = q_ref[0] + q_ref[1]
    logits = dinv_ref[...] * t + bc_ref[...]
    mask = lax.broadcasted_iota(jnp.int32, (BM, 128), 1) < 10
    lm = jnp.where(mask, logits, -1e30)
    m = jnp.max(lm, axis=1, keepdims=True)
    e = jnp.where(mask, jnp.exp(logits - m), 0.0)
    ssum = jnp.sum(e, axis=1, keepdims=True)
    res = (logits - m) - jnp.log(ssum)
    out_ref[...] = res[:, :16]


def _fin_call(q, dinv, bcp):
    return pl.pallas_call(
        _fin_body,
        grid=(GRID,),
        in_specs=[
            pl.BlockSpec((NC, BM, 128), lambda i: (0, i, 0)),
            pl.BlockSpec((BM, 1), lambda i: (i, 0)),
            pl.BlockSpec((1, 128), lambda i: (0, 0)),
        ],
        out_specs=pl.BlockSpec((BM, 16), lambda i: (i, 0)),
        out_shape=jax.ShapeDtypeStruct((NPAD, 16), jnp.float32),
    )(q, dinv, bcp)



def kernel(x, edge_index, W1, b1, W2, b2, Wc, bc):
    x = x.reshape(-1, 784)
    src = edge_index[0].astype(jnp.int32)
    dst = edge_index[1].astype(jnp.int32)
    src2 = src.reshape(NW * NJ, K)
    dst2 = dst.reshape(NW * NJ, K)
    z128 = jnp.zeros((NPAD, 128), jnp.float32)
    ones_st = jnp.ones((K, 128), jnp.float32)
    Wcp = jnp.pad(Wc, ((0, 0), (0, 118)))
    bcp = jnp.pad(bc, (0, 118)).reshape(1, 128)
    b1r = b1.reshape(4, 128)
    b2r = b2.reshape(4, 128)

    degp = _deg_call(dst2, ones_st, z128)
    *g1, dinv = _mm1_call(x, W1, degp)
    p1 = _scat512(*g1, src2, dst2, z128)
    g2 = _mm2_call(p1, dinv, b1r, W2)
    p2 = _scat512(*g2, src2, dst2, z128)
    g3 = _mm3_call(p2, dinv, b2r, Wcp)
    q = _scat128(g3, src2, dst2, z128)
    out = _fin_call(q[0], dinv, bcp)
    return out[:N, :10]

# --- scband reference (transcript-rebuilt; emitter-appended) ---
"""Pipeline reference for scband-mnist-node-pred-gnn-56667798504112 (READ-ONLY COPY).

The authoritative reference and input builder live on the scoring server;
editing this copy changes nothing except your own understanding.
"""

import jax, jax.numpy as jnp
import numpy as np


def gcn_conv(x, W, b, src, dst, n):
    # PyG GCNConv: h = W^T x, add self-loops, symmetric normalization, scatter-add, + bias
    h = x @ W
    loop = jnp.arange(n, dtype=src.dtype)
    s = jnp.concatenate([src, loop])
    d = jnp.concatenate([dst, loop])
    deg = jax.ops.segment_sum(jnp.ones(s.shape[0], dtype=h.dtype), d, num_segments=n)
    dinv = jnp.where(deg > 0, 1.0 / jnp.sqrt(deg), 0.0)
    norm = dinv[s] * dinv[d]
    msg = h[s] * norm[:, None]
    out = jax.ops.segment_sum(msg, d, num_segments=n)
    return out + b


def setup_inputs(seed: int = 0) -> dict:
    key = jax.random.key(seed)
    ks = jax.random.split(key, 8)
    n, e = 10000, 160000
    x = jax.random.normal(ks[0], (n, 784), dtype=jnp.float32)
    edge_index = jax.random.randint(ks[1], (2, e), 0, n)
    W1 = jax.random.normal(ks[2], (784, 512), dtype=jnp.float32) * (1.0 / np.sqrt(784))
    b1 = jnp.zeros((512,), dtype=jnp.float32)
    W2 = jax.random.normal(ks[3], (512, 512), dtype=jnp.float32) * (1.0 / np.sqrt(512))
    b2 = jnp.zeros((512,), dtype=jnp.float32)
    Wc = jax.random.normal(ks[4], (512, 10), dtype=jnp.float32) * (1.0 / np.sqrt(512))
    bc = jnp.zeros((10,), dtype=jnp.float32)
    return {"x": x, "edge_index": edge_index, "W1": W1, "b1": b1, "W2": W2, "b2": b2, "Wc": Wc, "bc": bc}


def reference(x, edge_index, W1, b1, W2, b2, Wc, bc):
    x = x.reshape(-1, 784)
    n = x.shape[0]
    src, dst = edge_index[0], edge_index[1]
    h = jax.nn.relu(gcn_conv(x, W1, b1, src, dst, n))
    # dropout is identity in eval mode
    h = jax.nn.relu(gcn_conv(h, W2, b2, src, dst, n))
    h = jax.nn.relu(h)
    logits = gcn_conv(h, Wc, bc, src, dst, n)
    return jax.nn.log_softmax(logits, axis=1)

if __name__ == "__main__":
    import jax
    _d = setup_inputs()
    print(jax.jit(kernel)(*tuple(_d.values())))

</pallas_src>

<mosaic_0001>
#map = affine_map<(d0, d1) -> (0, 0)>
#map1 = affine_map<(d0, d1) -> (0, 0, 0)>
module attributes {stable_mosaic.version = 14 : i64} {
  func.func @body(%arg0: i32, %arg1: i32, %arg2: memref<10240x128xf32, #tpu.memory_space<hbm>>, %arg3: memref<10240x128xf32, #tpu.memory_space<hbm>>, %arg4: memref<10240x128xf32, #tpu.memory_space<hbm>>, %arg5: memref<10240x128xf32, #tpu.memory_space<hbm>>, %arg6: memref<1280x125xi32, #tpu.memory_space<hbm>>, %arg7: memref<1280x125xi32, #tpu.memory_space<hbm>>, %arg8: memref<10240x128xf32, #tpu.memory_space<hbm>>, %arg9: memref<2x10240x128xf32, #tpu.memory_space<hbm>>, %arg10: memref<2x10240x128xf32, #tpu.memory_space<hbm>>, %arg11: memref<2x10240x128xf32, #tpu.memory_space<hbm>>, %arg12: memref<2x10240x128xf32, #tpu.memory_space<hbm>>, %arg13: memref<40x125xi32, #tpu.memory_space<vmem>>, %arg14: memref<40x125xi32, #tpu.memory_space<vmem>>, %arg15: memref<125x128xf32, #tpu.memory_space<vmem>>, %arg16: memref<125x128xf32, #tpu.memory_space<vmem>>, %arg17: memref<10240x128xf32, #tpu.memory_space<vmem_shared>>, %arg18: memref<!tpu.dma_semaphore, #tpu.memory_space<semaphore_mem>>, %arg19: memref<!tpu.dma_semaphore, #tpu.memory_space<semaphore_mem>>) attributes {dimension_semantics = [#tpu.dimension_semantics<core_parallel>, #tpu.dimension_semantics<subcore_parallel>], iteration_bounds = array<i64: 2, 16>, scalar_prefetch = 0 : i64, scratch_operands = 7 : i64, tpu.core_type = #tpu.core_type<sc_vector_subcore>, window_params = [{transform_indices = #map}, {transform_indices = #map}, {transform_indices = #map}, {transform_indices = #map}, {transform_indices = #map}, {transform_indices = #map}, {transform_indices = #map}, {transform_indices = #map1}, {transform_indices = #map1}, {transform_indices = #map1}, {transform_indices = #map1}]} {
    %mul3A = arith.constant 16 : i32
    %mul3A_0 = arith.muli %arg0, %mul3A : i32
    %add3A = arith.addi %mul3A_0, %arg1 : i32
    %mul3A_1 = arith.constant 40 : i32
    %mul3A_2 = arith.muli %add3A, %mul3A_1 : i32
    "tpu.region"() ({
      %run_scoped3A = tpu.sem_alloc : memref<!tpu.dma_semaphore, #tpu.memory_space<semaphore_mem>>
      %dma_start3A_141 = arith.constant 0 : i32
      %dma_start3A_142 = tpu.memref_slice %arg6[%mul3A_2, %dma_start3A_141] : memref<1280x125xi32, #tpu.memory_space<hbm>> -> memref<40x125xi32, #tpu.memory_space<hbm>>
      %dma_start3A_143 = arith.constant 0 : i32
      %dma_start3A_144 = tpu.memref_slice %arg6[%mul3A_2, %dma_start3A_143] : memref<1280x125xi32, #tpu.memory_space<hbm>> -> memref<40x125xi32, #tpu.memory_space<hbm>>
      tpu.enqueue_dma source(%dma_start3A_144 : memref<40x125xi32, #tpu.memory_space<hbm>>) target(%arg13 : memref<40x125xi32, #tpu.memory_space<vmem>>) target_semaphore(%run_scoped3A : memref<!tpu.dma_semaphore, #tpu.memory_space<semaphore_mem>>)
      %dma_wait3A_145 = arith.constant 0 : i32
      %dma_wait3A_146 = tpu.memref_slice %arg6[%mul3A_2, %dma_wait3A_145] : memref<1280x125xi32, #tpu.memory_space<hbm>> -> memref<40x125xi32, #tpu.memory_space<hbm>>
      %dma_wait3A_147 = arith.constant 0 : i32
      %dma_wait3A_148 = tpu.memref_slice %arg6[%mul3A_2, %dma_wait3A_147] : memref<1280x125xi32, #tpu.memory_space<hbm>> -> memref<40x125xi32, #tpu.memory_space<hbm>>
      tpu.wait_dma2 semaphore(%run_scoped3A : memref<!tpu.dma_semaphore, #tpu.memory_space<semaphore_mem>>) src(%dma_wait3A_148 : memref<40x125xi32, #tpu.memory_space<hbm>>) dst(%arg13 : memref<40x125xi32, #tpu.memory_space<vmem>>)
      tpu.yield
    }) : () -> ()
    %mul3A_3 = arith.constant 40 : i32
    %mul3A_4 = arith.muli %add3A, %mul3A_3 : i32
    "tpu.region"() ({
      %run_scoped3A = tpu.sem_alloc : memref<!tpu.dma_semaphore, #tpu.memory_space<semaphore_mem>>
      %dma_start3A_141 = arith.constant 0 : i32
      %dma_start3A_142 = tpu.memref_slice %arg7[%mul3A_4, %dma_start3A_141] : memref<1280x125xi32, #tpu.memory_space<hbm>> -> memref<40x125xi32, #tpu.memory_space<hbm>>
      %dma_start3A_143 = arith.constant 0 : i32
      %dma_start3A_144 = tpu.memref_slice %arg7[%mul3A_4, %dma_start3A_143] : memref<1280x125xi32, #tpu.memory_space<hbm>> -> memref<40x125xi32, #tpu.memory_space<hbm>>
      tpu.enqueue_dma source(%dma_start3A_144 : memref<40x125xi32, #tpu.memory_space<hbm>>) target(%arg14 : memref<40x125xi32, #tpu.memory_space<vmem>>) target_semaphore(%run_scoped3A : memref<!tpu.dma_semaphore, #tpu.memory_space<semaphore_mem>>)
      %dma_wait3A_145 = arith.constant 0 : i32
      %dma_wait3A_146 = tpu.memref_slice %arg7[%mul3A_4, %dma_wait3A_145] : memref<1280x125xi32, #tpu.memory_space<hbm>> -> memref<40x125xi32, #tpu.memory_space<hbm>>
      %dma_wait3A_147 = arith.constant 0 : i32
      %dma_wait3A_148 = tpu.memref_slice %arg7[%mul3A_4, %dma_wait3A_147] : memref<1280x125xi32, #tpu.memory_space<hbm>> -> memref<40x125xi32, #tpu.memory_space<hbm>>
      tpu.wait_dma2 semaphore(%run_scoped3A : memref<!tpu.dma_semaphore, #tpu.memory_space<semaphore_mem>>) src(%dma_wait3A_148 : memref<40x125xi32, #tpu.memory_space<hbm>>) dst(%arg14 : memref<40x125xi32, #tpu.memory_space<vmem>>)
      tpu.yield
    }) : () -> ()
    %eq3A = arith.constant 0 : i32
    %eq3A_5 = arith.cmpi eq, %arg0, %eq3A : i32
    %convert_element_type3A = arith.extui %eq3A_5 : i1 to i32
    %cond3A = arith.constant 0 : i32
    %cond3A_6 = arith.cmpi ne, %convert_element_type3A, %cond3A : i32
    scf.if %cond3A_6 {
      %mul3A_141 = arith.constant 640 : i32
      %mul3A_142 = arith.muli %arg1, %mul3A_141 : i32
      %mul3A_143 = arith.constant 640 : i32
      %mul3A_144 = arith.muli %arg1, %mul3A_143 : i32
      "tpu.region"() ({
        %run_scoped3A = tpu.sem_alloc : memref<!tpu.dma_semaphore, #tpu.memory_space<semaphore_mem>>
        %dma_start3A_145 = arith.constant 0 : i32
        %dma_start3A_146 = tpu.memref_slice %arg17[%mul3A_144, %dma_start3A_145] : memref<10240x128xf32, #tpu.memory_space<vmem_shared>> -> memref<640x128xf32, #tpu.memory_space<vmem_shared>>
        %dma_start3A_147 = arith.constant 0 : i32
        %dma_start3A_148 = tpu.memref_slice %arg2[%mul3A_142, %dma_start3A_147] : memref<10240x128xf32, #tpu.memory_space<hbm>> -> memref<640x128xf32, #tpu.memory_space<hbm>>
        tpu.enqueue_dma source(%dma_start3A_148 : memref<640x128xf32, #tpu.memory_space<hbm>>) target(%dma_start3A_146 : memref<640x128xf32, #tpu.memory_space<vmem_shared>>) target_semaphore(%run_scoped3A : memref<!tpu.dma_semaphore, #tpu.memory_space<semaphore_mem>>)
        %dma_wait3A_149 = arith.constant 0 : i32
        %dma_wait3A_150 = tpu.memref_slice %arg17[%mul3A_144, %dma_wait3A_149] : memref<10240x128xf32, #tpu.memory_space<vmem_shared>> -> memref<640x128xf32, #tpu.memory_space<vmem_shared>>
        %dma_wait3A_151 = arith.constant 0 : i32
        %dma_wait3A_152 = tpu.memref_slice %arg2[%mul3A_142, %dma_wait3A_151] : memref<10240x128xf32, #tpu.memory_space<hbm>> -> memref<640x128xf32, #tpu.memory_space<hbm>>
        tpu.wait_dma2 semaphore(%run_scoped3A : memref<!tpu.dma_semaphore, #tpu.memory_space<semaphore_mem>>) src(%dma_wait3A_152 : memref<640x128xf32, #tpu.memory_space<hbm>>) dst(%dma_wait3A_150 : memref<640x128xf32, #tpu.memory_space<vmem_shared>>)
        tpu.yield
      }) : () -> ()
    } else {
    }
    %ne3A = arith.constant 0 : i32
    %ne3A_7 = arith.cmpi ne, %arg0, %ne3A : i32
    %convert_element_type3A_8 = arith.extui %ne3A_7 : i1 to i32
    %cond3A_9 = arith.constant 0 : i32
    %cond3A_10 = arith.cmpi ne, %convert_element_type3A_8, %cond3A_9 : i32
    scf.if %cond3A_10 {
      %mul3A_141 = arith.constant 640 : i32
      %mul3A_142 = arith.muli %arg1, %mul3A_141 : i32
      %mul3A_143 = arith.constant 640 : i32
      %mul3A_144 = arith.muli %arg1, %mul3A_143 : i32
      "tpu.region"() ({
        %run_scoped3A = tpu.sem_alloc : memref<!tpu.dma_semaphore, #tpu.memory_space<semaphore_mem>>
        %dma_start3A_145 = arith.constant 0 : i32
        %dma_start3A_146 = tpu.memref_slice %arg17[%mul3A_144, %dma_start3A_145] : memref<10240x128xf32, #tpu.memory_space<vmem_shared>> -> memref<640x128xf32, #tpu.memory_space<vmem_shared>>
        %dma_start3A_147 = arith.constant 0 : i32
        %dma_start3A_148 = tpu.memref_slice %arg8[%mul3A_142, %dma_start3A_147] : memref<10240x128xf32, #tpu.memory_space<hbm>> -> memref<640x128xf32, #tpu.memory_space<hbm>>
        tpu.enqueue_dma source(%dma_start3A_148 : memref<640x128xf32, #tpu.memory_space<hbm>>) target(%dma_start3A_146 : memref<640x128xf32, #tpu.memory_space<vmem_shared>>) target_semaphore(%run_scoped3A : memref<!tpu.dma_semaphore, #tpu.memory_space<semaphore_mem>>)
        %dma_wait3A_149 = arith.constant 0 : i32
        %dma_wait3A_150 = tpu.memref_slice %arg17[%mul3A_144, %dma_wait3A_149] : memref<10240x128xf32, #tpu.memory_space<vmem_shared>> -> memref<640x128xf32, #tpu.memory_space<vmem_shared>>
        %dma_wait3A_151 = arith.constant 0 : i32
        %dma_wait3A_152 = tpu.memref_slice %arg8[%mul3A_142, %dma_wait3A_151] : memref<10240x128xf32, #tpu.memory_space<hbm>> -> memref<640x128xf32, #tpu.memory_space<hbm>>
        tpu.wait_dma2 semaphore(%run_scoped3A : memref<!tpu.dma_semaphore, #tpu.memory_space<semaphore_mem>>) src(%dma_wait3A_152 : memref<640x128xf32, #tpu.memory_space<hbm>>) dst(%dma_wait3A_150 : memref<640x128xf32, #tpu.memory_space<vmem_shared>>)
        tpu.yield
      }) : () -> ()
    } else {
    }
    %barrier3A = arith.constant 0 : index
    tpu.barrier barrier_id(%barrier3A)
    %dma_start3A = arith.constant 0 : i32
    %dma_start3A_11 = arith.constant 0 : i32
    %dma_start3A_12 = tpu.memref_slice %arg13[%dma_start3A, %dma_start3A_11] : memref<40x125xi32, #tpu.memory_space<vmem>> -> memref<1x125xi32, #tpu.memory_space<vmem>>
    %dma_start3A_13 = tpu.memref_squeeze %dma_start3A_12 : memref<1x125xi32, #tpu.memory_space<vmem>> -> memref<125xi32, #tpu.memory_space<vmem>>
    %dma_start3A_14 = arith.constant 0 : i32
    %dma_start3A_15 = arith.constant 0 : i32
    %dma_start3A_16 = tpu.memref_slice %arg2[%dma_start3A_14, %dma_start3A_15] : memref<10240x128xf32, #tpu.memory_space<hbm>> -> memref<10240x128xf32, #tpu.memory_space<hbm>>
    tpu.enqueue_indirect_dma source(%dma_start3A_16 : memref<10240x128xf32, #tpu.memory_space<hbm>>) target(%arg15 : memref<125x128xf32, #tpu.memory_space<vmem>>) offsets(%dma_start3A_13 : memref<125xi32, #tpu.memory_space<vmem>>) semaphore(%arg18 : memref<!tpu.dma_semaphore, #tpu.memory_space<semaphore_mem>>)
    %scan3A = arith.constant 0 : i32
    %scan3A_17 = arith.constant 0 : i32
    %scan3A_18 = arith.constant 20 : i32
    %scan3A_19 = arith.addi %scan3A_17, %scan3A_18 : i32
    %scan3A_20 = arith.constant 1 : i32
    scf.for %scan3A_141 = %scan3A_17 to %scan3A_19 step %scan3A_20  : i32 {
      %mul3A_142 = arith.constant 2 : i32
      %mul3A_143 = arith.muli %mul3A_142, %scan3A_141 : i32
      %add3A_144 = arith.constant 1 : i32
      %add3A_145 = arith.addi %mul3A_143, %add3A_144 : i32
      %dma_start3A_146 = arith.constant 0 : i32
      %dma_start3A_147 = tpu.memref_slice %arg13[%add3A_145, %dma_start3A_146] : memref<40x125xi32, #tpu.memory_space<vmem>> -> memref<1x125xi32, #tpu.memory_space<vmem>>
      %dma_start3A_148 = tpu.memref_squeeze %dma_start3A_147 : memref<1x125xi32, #tpu.memory_space<vmem>> -> memref<125xi32, #tpu.memory_space<vmem>>
      %dma_start3A_149 = arith.constant 0 : i32
      %dma_start3A_150 = arith.constant 0 : i32
      %dma_start3A_151 = tpu.memref_slice %arg2[%dma_start3A_149, %dma_start3A_150] : memref<10240x128xf32, #tpu.memory_space<hbm>> -> memref<10240x128xf32, #tpu.memory_space<hbm>>
      tpu.enqueue_indirect_dma source(%dma_start3A_151 : memref<10240x128xf32, #tpu.memory_space<hbm>>) target(%arg16 : memref<125x128xf32, #tpu.memory_space<vmem>>) offsets(%dma_start3A_148 : memref<125xi32, #tpu.memory_space<vmem>>) semaphore(%arg19 : memref<!tpu.dma_semaphore, #tpu.memory_space<semaphore_mem>>)
      %dma_wait3A_152 = arith.constant 0 : i32
      %dma_wait3A_153 = arith.constant 0 : i32
      %dma_wait3A_154 = tpu.memref_slice %arg13[%dma_wait3A_152, %dma_wait3A_153] : memref<40x125xi32, #tpu.memory_space<vmem>> -> memref<1x125xi32, #tpu.memory_space<vmem>>
      %dma_wait3A_155 = tpu.memref_squeeze %dma_wait3A_154 : memref<1x125xi32, #tpu.memory_space<vmem>> -> memref<125xi32, #tpu.memory_space<vmem>>
      %dma_wait3A_156 = arith.constant 0 : i32
      %dma_wait3A_157 = arith.constant 0 : i32
      %dma_wait3A_158 = tpu.memref_slice %arg2[%dma_wait3A_156, %dma_wait3A_157] : memref<10240x128xf32, #tpu.memory_space<hbm>> -> memref<10240x128xf32, #tpu.memory_space<hbm>>
      tpu.wait_indirect_dma semaphore(%arg18 : memref<!tpu.dma_semaphore, #tpu.memory_space<semaphore_mem>>) src(%dma_wait3A_158 : memref<10240x128xf32, #tpu.memory_space<hbm>>) dst(%arg15 : memref<125x128xf32, #tpu.memory_space<vmem>>)
      "tpu.region"() ({
        %run_scoped3A = tpu.sem_alloc : memref<!tpu.dma_semaphore, #tpu.memory_space<semaphore_mem>>
        %dma_start3A_177 = arith.constant 0 : i32
        %dma_start3A_178 = tpu.memref_slice %arg14[%mul3A_143, %dma_start3A_177] : memref<40x125xi32, #tpu.memory_space<vmem>> -> memref<1x125xi32, #tpu.memory_space<vmem>>
        %dma_start3A_179 = tpu.memref_squeeze %dma_start3A_178 : memref<1x125xi32, #tpu.memory_space<vmem>> -> memref<125xi32, #tpu.memory_space<vmem>>
        %dma_start3A_180 = arith.constant 0 : i32
        %dma_start3A_181 = arith.constant 0 : i32
        %dma_start3A_182 = tpu.memref_slice %arg17[%dma_start3A_180, %dma_start3A_181] : memref<10240x128xf32, #tpu.memory_space<vmem_shared>> -> memref<10240x128xf32, #tpu.memory_space<vmem_shared>>
        tpu.enqueue_indirect_dma source(%arg15 : memref<125x128xf32, #tpu.memory_space<vmem>>) target(%dma_start3A_182 : memref<10240x128xf32, #tpu.memory_space<vmem_shared>>) offsets(%dma_start3A_179 : memref<125xi32, #tpu.memory_space<vmem>>) semaphore(%run_scoped3A : memref<!tpu.dma_semaphore, #tpu.memory_space<semaphore_mem>>) {add = true}
        %dma_wait3A_183 = arith.constant 0 : i32
        %dma_wait3A_184 = tpu.memref_slice %arg14[%mul3A_143, %dma_wait3A_183] : memref<40x125xi32, #tpu.memory_space<vmem>> -> memref<1x125xi32, #tpu.memory_space<vmem>>
        %dma_wait3A_185 = tpu.memref_squeeze %dma_wait3A_184 : memref<1x125xi32, #tpu.memory_space<vmem>> -> memref<125xi32, #tpu.memory_space<vmem>>
        %dma_wait3A_186 = arith.constant 0 : i32
        %dma_wait3A_187 = arith.constant 0 : i32
        %dma_wait3A_188 = tpu.memref_slice %arg17[%dma_wait3A_186, %dma_wait3A_187] : memref<10240x128xf32, #tpu.memory_space<vmem_shared>> -> memref<10240x128xf32, #tpu.memory_space<vmem_shared>>
        tpu.wait_indirect_dma semaphore(%run_scoped3A : memref<!tpu.dma_semaphore, #tpu.memory_space<semaphore_mem>>) src(%arg15 : memref<125x128xf32, #tpu.memory_space<vmem>>) dst(%dma_wait3A_188 : memref<10240x128xf32, #tpu.memory_space<vmem_shared>>)
        tpu.yield
      }) : () -> ()
      %add3A_159 = arith.constant 2 : i32
      %add3A_160 = arith.addi %mul3A_143, %add3A_159 : i32
      %lt3A = arith.constant 40 : i32
      %lt3A_161 = arith.cmpi slt, %add3A_160, %lt3A : i32
      %add3A_162 = arith.constant 2 : i32
      %add3A_163 = arith.addi %mul3A_143, %add3A_162 : i32
      %jit3A = arith.constant 0 : i32
      %select_n3A = arith.select %lt3A_161, %add3A_163, %jit3A : i32
      %dma_start3A_164 = arith.constant 0 : i32
      %dma_start3A_165 = tpu.memref_slice %arg13[%select_n3A, %dma_start3A_164] : memref<40x125xi32, #tpu.memory_space<vmem>> -> memref<1x125xi32, #tpu.memory_space<vmem>>
      %dma_start3A_166 = tpu.memref_squeeze %dma_start3A_165 : memref<1x125xi32, #tpu.memory_space<vmem>> -> memref<125xi32, #tpu.memory_space<vmem>>
      %dma_start3A_167 = arith.constant 0 : i32
      %dma_start3A_168 = arith.constant 0 : i32
      %dma_start3A_169 = tpu.memref_slice %arg2[%dma_start3A_167, %dma_start3A_168] : memref<10240x128xf32, #tpu.memory_space<hbm>> -> memref<10240x128xf32, #tpu.memory_space<hbm>>
      tpu.enqueue_indirect_dma source(%dma_start3A_169 : memref<10240x128xf32, #tpu.memory_space<hbm>>) target(%arg15 : memref<125x128xf32, #tpu.memory_space<vmem>>) offsets(%dma_start3A_166 : memref<125xi32, #tpu.memory_space<vmem>>) semaphore(%arg18 : memref<!tpu.dma_semaphore, #tpu.memory_space<semaphore_mem>>)
      %dma_wait3A_170 = arith.constant 0 : i32
      %dma_wait3A_171 = arith.constant 0 : i32
      %dma_wait3A_172 = tpu.memref_slice %arg13[%dma_wait3A_170, %dma_wait3A_171] : memref<40x125xi32, #tpu.memory_space<vmem>> -> memref<1x125xi32, #tpu.memory_space<vmem>>
      %dma_wait3A_173 = tpu.memref_squeeze %dma_wait3A_172 : memref<1x125xi32, #tpu.memory_space<vmem>> -> memref<125xi32, #tpu.memory_space<vmem>>
      %dma_wait3A_174 = arith.constant 0 : i32
      %dma_wait3A_175 = arith.constant 0 : i32
      %dma_wait3A_176 = tpu.memref_slice %arg2[%dma_wait3A_174, %dma_wait3A_175] : memref<10240x128xf32, #tpu.memory_space<hbm>> -> memref<10240x128xf32, #tpu.memory_space<hbm>>
      tpu.wait_indirect_dma semaphore(%arg19 : memref<!tpu.dma_semaphore, #tpu.memory_space<semaphore_mem>>) src(%dma_wait3A_176 : memref<10240x128xf32, #tpu.memory_space<hbm>>) dst(%arg16 : memref<125x128xf32, #tpu.memory_space<vmem>>)
      "tpu.region"() ({
        %run_scoped3A = tpu.sem_alloc : memref<!tpu.dma_semaphore, #tpu.memory_space<semaphore_mem>>
        %dma_start3A_177 = arith.constant 0 : i32
        %dma_start3A_178 = tpu.memref_slice %arg14[%add3A_145, %dma_start3A_177] : memref<40x125xi32, #tpu.memory_space<vmem>> -> memref<1x125xi32, #tpu.memory_space<vmem>>
        %dma_start3A_179 = tpu.memref_squeeze %dma_start3A_178 : memref<1x125xi32, #tpu.memory_space<vmem>> -> memref<125xi32, #tpu.memory_space<vmem>>
        %dma_start3A_180 = arith.constant 0 : i32
        %dma_start3A_181 = arith.constant 0 : i32
        %dma_start3A_182 = tpu.memref_slice %arg17[%dma_start3A_180, %dma_start3A_181] : memref<10240x128xf32, #tpu.memory_space<vmem_shared>> -> memref<10240x128xf32, #tpu.memory_space<vmem_shared>>
        tpu.enqueue_indirect_dma source(%arg16 : memref<125x128xf32, #tpu.memory_space<vmem>>) target(%dma_start3A_182 : memref<10240x128xf32, #tpu.memory_space<vmem_shared>>) offsets(%dma_start3A_179 : memref<125xi32, #tpu.memory_space<vmem>>) semaphore(%run_scoped3A : memref<!tpu.dma_semaphore, #tpu.memory_space<semaphore_mem>>) {add = true}
        %dma_wait3A_183 = arith.constant 0 : i32
        %dma_wait3A_184 = tpu.memref_slice %arg14[%add3A_145, %dma_wait3A_183] : memref<40x125xi32, #tpu.memory_space<vmem>> -> memref<1x125xi32, #tpu.memory_space<vmem>>
        %dma_wait3A_185 = tpu.memref_squeeze %dma_wait3A_184 : memref<1x125xi32, #tpu.memory_space<vmem>> -> memref<125xi32, #tpu.memory_space<vmem>>
        %dma_wait3A_186 = arith.constant 0 : i32
        %dma_wait3A_187 = arith.constant 0 : i32
        %dma_wait3A_188 = tpu.memref_slice %arg17[%dma_wait3A_186, %dma_wait3A_187] : memref<10240x128xf32, #tpu.memory_space<vmem_shared>> -> memref<10240x128xf32, #tpu.memory_space<vmem_shared>>
        tpu.wait_indirect_dma semaphore(%run_scoped3A : memref<!tpu.dma_semaphore, #tpu.memory_space<semaphore_mem>>) src(%arg16 : memref<125x128xf32, #tpu.memory_space<vmem>>) dst(%dma_wait3A_188 : memref<10240x128xf32, #tpu.memory_space<vmem_shared>>)
        tpu.yield
      }) : () -> ()
    }
    %scan3A_21 = arith.constant 20 : i32
    %dma_wait3A = arith.constant 0 : i32
    %dma_wait3A_22 = arith.constant 0 : i32
    %dma_wait3A_23 = tpu.memref_slice %arg13[%dma_wait3A, %dma_wait3A_22] : memref<40x125xi32, #tpu.memory_space<vmem>> -> memref<1x125xi32, #tpu.memory_space<vmem>>
    %dma_wait3A_24 = tpu.memref_squeeze %dma_wait3A_23 : memref<1x125xi32, #tpu.memory_space<vmem>> -> memref<125xi32, #tpu.memory_space<vmem>>
    %dma_wait3A_25 = arith.constant 0 : i32
    %dma_wait3A_26 = arith.constant 0 : i32
    %dma_wait3A_27 = tpu.memref_slice %arg2[%dma_wait3A_25, %dma_wait3A_26] : memref<10240x128xf32, #tpu.memory_space<hbm>> -> memref<10240x128xf32, #tpu.memory_space<hbm>>
    tpu.wait_indirect_dma semaphore(%arg18 : memref<!tpu.dma_semaphore, #tpu.memory_space<semaphore_mem>>) src(%dma_wait3A_27 : memref<10240x128xf32, #tpu.memory_space<hbm>>) dst(%arg15 : memref<125x128xf32, #tpu.memory_space<vmem>>)
    %barrier3A_28 = arith.constant 0 : index
    tpu.barrier barrier_id(%barrier3A_28)
    %mul3A_29 = arith.constant 640 : i32
    %mul3A_30 = arith.muli %arg1, %mul3A_29 : i32
    %mul3A_31 = arith.constant 640 : i32
    %mul3A_32 = arith.muli %arg1, %mul3A_31 : i32
    "tpu.region"() ({
      %run_scoped3A = tpu.sem_alloc : memref<!tpu.dma_semaphore, #tpu.memory_space<semaphore_mem>>
      %dma_start3A_141 = arith.constant 0 : i32
      %dma_start3A_142 = tpu.memref_slice %arg9[%arg0, %mul3A_32, %dma_start3A_141] : memref<2x10240x128xf32, #tpu.memory_space<hbm>> -> memref<1x640x128xf32, #tpu.memory_space<hbm>>
      %dma_start3A_143 = tpu.memref_squeeze %dma_start3A_142 : memref<1x640x128xf32, #tpu.memory_space<hbm>> -> memref<640x128xf32, #tpu.memory_space<hbm>>
      %dma_start3A_144 = arith.constant 0 : i32
      %dma_start3A_145 = tpu.memref_slice %arg17[%mul3A_30, %dma_start3A_144] : memref<10240x128xf32, #tpu.memory_space<vmem_shared>> -> memref<640x128xf32, #tpu.memory_space<vmem_shared>>
      tpu.enqueue_dma source(%dma_start3A_145 : memref<640x128xf32, #tpu.memory_space<vmem_shared>>) target(%dma_start3A_143 : memref<640x128xf32, #tpu.memory_space<hbm>>) target_semaphore(%run_scoped3A : memref<!tpu.dma_semaphore, #tpu.memory_space<semaphore_mem>>)
      %dma_wait3A_146 = arith.constant 0 : i32
      %dma_wait3A_147 = tpu.memref_slice %arg9[%arg0, %mul3A_32, %dma_wait3A_146] : memref<2x10240x128xf32, #tpu.memory_space<hbm>> -> memref<1x640x128xf32, #tpu.memory_space<hbm>>
      %dma_wait3A_148 = tpu.memref_squeeze %dma_wait3A_147 : memref<1x640x128xf32, #tpu.memory_space<hbm>> -> memref<640x128xf32, #tpu.memory_space<hbm>>
      %dma_wait3A_149 = arith.constant 0 : i32
      %dma_wait3A_150 = tpu.memref_slice %arg17[%mul3A_30, %dma_wait3A_149] : memref<10240x128xf32, #tpu.memory_space<vmem_shared>> -> memref<640x128xf32, #tpu.memory_space<vmem_shared>>
      tpu.wait_dma2 semaphore(%run_scoped3A : memref<!tpu.dma_semaphore, #tpu.memory_space<semaphore_mem>>) src(%dma_wait3A_150 : memref<640x128xf32, #tpu.memory_space<vmem_shared>>) dst(%dma_wait3A_148 : memref<640x128xf32, #tpu.memory_space<hbm>>)
      tpu.yield
    }) : () -> ()
    %eq3A_33 = arith.constant 0 : i32
    %eq3A_34 = arith.cmpi eq, %arg0, %eq3A_33 : i32
    %convert_element_type3A_35 = arith.extui %eq3A_34 : i1 to i32
    %cond3A_36 = arith.constant 0 : i32
    %cond3A_37 = arith.cmpi ne, %convert_element_type3A_35, %cond3A_36 : i32
    scf.if %cond3A_37 {
      %mul3A_141 = arith.constant 640 : i32
      %mul3A_142 = arith.muli %arg1, %mul3A_141 : i32
      %mul3A_143 = arith.constant 640 : i32
      %mul3A_144 = arith.muli %arg1, %mul3A_143 : i32
      "tpu.region"() ({
        %run_scoped3A = tpu.sem_alloc : memref<!tpu.dma_semaphore, #tpu.memory_space<semaphore_mem>>
        %dma_start3A_145 = arith.constant 0 : i32
        %dma_start3A_146 = tpu.memref_slice %arg17[%mul3A_144, %dma_start3A_145] : memref<10240x128xf32, #tpu.memory_space<vmem_shared>> -> memref<640x128xf32, #tpu.memory_space<vmem_shared>>
        %dma_start3A_147 = arith.constant 0 : i32
        %dma_start3A_148 = tpu.memref_slice %arg3[%mul3A_142, %dma_start3A_147] : memref<10240x128xf32, #tpu.memory_space<hbm>> -> memref<640x128xf32, #tpu.memory_space<hbm>>
        tpu.enqueue_dma source(%dma_start3A_148 : memref<640x128xf32, #tpu.memory_space<hbm>>) target(%dma_start3A_146 : memref<640x128xf32, #tpu.memory_space<vmem_shared>>) target_semaphore(%run_scoped3A : memref<!tpu.dma_semaphore, #tpu.memory_space<semaphore_mem>>)
        %dma_wait3A_149 = arith.constant 0 : i32
        %dma_wait3A_150 = tpu.memref_slice %arg17[%mul3A_144, %dma_wait3A_149] : memref<10240x128xf32, #tpu.memory_space<vmem_shared>> -> memref<640x128xf32, #tpu.memory_space<vmem_shared>>
        %dma_wait3A_151 = arith.constant 0 : i32
        %dma_wait3A_152 = tpu.memref_slice %arg3[%mul3A_142, %dma_wait3A_151] : memref<10240x128xf32, #tpu.memory_space<hbm>> -> memref<640x128xf32, #tpu.memory_space<hbm>>
        tpu.wait_dma2 semaphore(%run_scoped3A : memref<!tpu.dma_semaphore, #tpu.memory_space<semaphore_mem>>) src(%dma_wait3A_152 : memref<640x128xf32, #tpu.memory_space<hbm>>) dst(%dma_wait3A_150 : memref<640x128xf32, #tpu.memory_space<vmem_shared>>)
        tpu.yield
      }) : () -> ()
    } else {
    }
    %ne3A_38 = arith.constant 0 : i32
    %ne3A_39 = arith.cmpi ne, %arg0, %ne3A_38 : i32
    %convert_element_type3A_40 = arith.extui %ne3A_39 : i1 to i32
    %cond3A_41 = arith.constant 0 : i32
    %cond3A_42 = arith.cmpi ne, %convert_element_type3A_40, %cond3A_41 : i32
    scf.if %cond3A_42 {
      %mul3A_141 = arith.constant 640 : i32
      %mul3A_142 = arith.muli %arg1, %mul3A_141 : i32
      %mul3A_143 = arith.constant 640 : i32
      %mul3A_144 = arith.muli %arg1, %mul3A_143 : i32
      "tpu.region"() ({
        %run_scoped3A = tpu.sem_alloc : memref<!tpu.dma_semaphore, #tpu.memory_space<semaphore_mem>>
        %dma_start3A_145 = arith.constant 0 : i32
        %dma_start3A_146 = tpu.memref_slice %arg17[%mul3A_144, %dma_start3A_145] : memref<10240x128xf32, #tpu.memory_space<vmem_shared>> -> memref<640x128xf32, #tpu.memory_space<vmem_shared>>
        %dma_start3A_147 = arith.constant 0 : i32
        %dma_start3A_148 = tpu.memref_slice %arg8[%mul3A_142, %dma_start3A_147] : memref<10240x128xf32, #tpu.memory_space<hbm>> -> memref<640x128xf32, #tpu.memory_space<hbm>>
        tpu.enqueue_dma source(%dma_start3A_148 : memref<640x128xf32, #tpu.memory_space<hbm>>) target(%dma_start3A_146 : memref<640x128xf32, #tpu.memory_space<vmem_shared>>) target_semaphore(%run_scoped3A : memref<!tpu.dma_semaphore, #tpu.memory_space<semaphore_mem>>)
        %dma_wait3A_149 = arith.constant 0 : i32
        %dma_wait3A_150 = tpu.memref_slice %arg17[%mul3A_144, %dma_wait3A_149] : memref<10240x128xf32, #tpu.memory_space<vmem_shared>> -> memref<640x128xf32, #tpu.memory_space<vmem_shared>>
        %dma_wait3A_151 = arith.constant 0 : i32
        %dma_wait3A_152 = tpu.memref_slice %arg8[%mul3A_142, %dma_wait3A_151] : memref<10240x128xf32, #tpu.memory_space<hbm>> -> memref<640x128xf32, #tpu.memory_space<hbm>>
        tpu.wait_dma2 semaphore(%run_scoped3A : memref<!tpu.dma_semaphore, #tpu.memory_space<semaphore_mem>>) src(%dma_wait3A_152 : memref<640x128xf32, #tpu.memory_space<hbm>>) dst(%dma_wait3A_150 : memref<640x128xf32, #tpu.memory_space<vmem_shared>>)
        tpu.yield
      }) : () -> ()
    } else {
    }
    %barrier3A_43 = arith.constant 0 : index
    tpu.barrier barrier_id(%barrier3A_43)
    %dma_start3A_44 = arith.constant 0 : i32
    %dma_start3A_45 = arith.constant 0 : i32
    %dma_start3A_46 = tpu.memref_slice %arg13[%dma_start3A_44, %dma_start3A_45] : memref<40x125xi32, #tpu.memory_space<vmem>> -> memref<1x125xi32, #tpu.memory_space<vmem>>
    %dma_start3A_47 = tpu.memref_squeeze %dma_start3A_46 : memref<1x125xi32, #tpu.memory_space<vmem>> -> memref<125xi32, #tpu.memory_space<vmem>>
    %dma_start3A_48 = arith.constant 0 : i32
    %dma_start3A_49 = arith.constant 0 : i32
    %dma_start3A_50 = tpu.memref_slice %arg3[%dma_start3A_48, %dma_start3A_49] : memref<10240x128xf32, #tpu.memory_space<hbm>> -> memref<10240x128xf32, #tpu.memory_space<hbm>>
    tpu.enqueue_indirect_dma source(%dma_start3A_50 : memref<10240x128xf32, #tpu.memory_space<hbm>>) target(%arg15 : memref<125x128xf32, #tpu.memory_space<vmem>>) offsets(%dma_start3A_47 : memref<125xi32, #tpu.memory_space<vmem>>) semaphore(%arg18 : memref<!tpu.dma_semaphore, #tpu.memory_space<semaphore_mem>>)
    %scan3A_51 = arith.constant 0 : i32
    %scan3A_52 = arith.constant 0 : i32
    %scan3A_53 = arith.constant 20 : i32
    %scan3A_54 = arith.addi %scan3A_52, %scan3A_53 : i32
    %scan3A_55 = arith.constant 1 : i32
    scf.for %scan3A_141 = %scan3A_52 to %scan3A_54 step %scan3A_55  : i32 {
      %mul3A_142 = arith.constant 2 : i32
      %mul3A_143 = arith.muli %mul3A_142, %scan3A_141 : i32
      %add3A_144 = arith.constant 1 : i32
      %add3A_145 = arith.addi %mul3A_143, %add3A_144 : i32
      %dma_start3A_146 = arith.constant 0 : i32
      %dma_start3A_147 = tpu.memref_slice %arg13[%add3A_145, %dma_start3A_146] : memref<40x125xi32, #tpu.memory_space<vmem>> -> memref<1x125xi32, #tpu.memory_space<vmem>>
      %dma_start3A_148 = tpu.memref_squeeze %dma_start3A_147 : memref<1x125xi32, #tpu.memory_space<vmem>> -> memref<125xi32, #tpu.memory_space<vmem>>
      %dma_start3A_149 = arith.constant 0 : i32
      %dma_start3A_150 = arith.constant 0 : i32
      %dma_start3A_151 = tpu.memref_slice %arg3[%dma_start3A_149, %dma_start3A_150] : memref<10240x128xf32, #tpu.memory_space<hbm>> -> memref<10240x128xf32, #tpu.memory_space<hbm>>
      tpu.enqueue_indirect_dma source(%dma_start3A_151 : memref<10240x128xf32, #tpu.memory_space<hbm>>) target(%arg16 : memref<125x128xf32, #tpu.memory_space<vmem>>) offsets(%dma_start3A_148 : memref<125xi32, #tpu.memory_space<vmem>>) semaphore(%arg19 : memref<!tpu.dma_semaphore, #tpu.memory_space<semaphore_mem>>)
      %dma_wait3A_152 = arith.constant 0 : i32
      %dma_wait3A_153 = arith.constant 0 : i32
      %dma_wait3A_154 = tpu.memref_slice %arg13[%dma_wait3A_152, %dma_wait3A_153] : memref<40x125xi32, #tpu.memory_space<vmem>> -> memref<1x125xi32, #tpu.memory_space<vmem>>
      %dma_wait3A_155 = tpu.memref_squeeze %dma_wait3A_154 : memref<1x125xi32, #tpu.memory_space<vmem>> -> memref<125xi32, #tpu.memory_space<vmem>>
      %dma_wait3A_156 = arith.constant 0 : i32
      %dma_wait3A_157 = arith.constant 0 : i32
      %dma_wait3A_158 = tpu.memref_slice %arg3[%dma_wait3A_156, %dma_wait3A_157] : memref<10240x128xf32, #tpu.memory_space<hbm>> -> memref<10240x128xf32, #tpu.memory_space<hbm>>
      tpu.wait_indirect_dma semaphore(%arg18 : memref<!tpu.dma_semaphore, #tpu.memory_space<semaphore_mem>>) src(%dma_wait3A_158 : memref<10240x128xf32, #tpu.memory_space<hbm>>) dst(%arg15 : memref<125x128xf32, #tpu.memory_space<vmem>>)
      "tpu.region"() ({
        %run_scoped3A = tpu.sem_alloc : memref<!tpu.dma_semaphore, #tpu.memory_space<semaphore_mem>>
        %dma_start3A_177 = arith.constant 0 : i32
        %dma_start3A_178 = tpu.memref_slice %arg14[%mul3A_143, %dma_start3A_177] : memref<40x125xi32, #tpu.memory_space<vmem>> -> memref<1x125xi32, #tpu.memory_space<vmem>>
        %dma_start3A_179 = tpu.memref_squeeze %dma_start3A_178 : memref<1x125xi32, #tpu.memory_space<vmem>> -> memref<125xi32, #tpu.memory_space<vmem>>
        %dma_start3A_180 = arith.constant 0 : i32
        %dma_start3A_181 = arith.constant 0 : i32
        %dma_start3A_182 = tpu.memref_slice %arg17[%dma_start3A_180, %dma_start3A_181] : memref<10240x128xf32, #tpu.memory_space<vmem_shared>> -> memref<10240x128xf32, #tpu.memory_space<vmem_shared>>
        tpu.enqueue_indirect_dma source(%arg15 : memref<125x128xf32, #tpu.memory_space<vmem>>) target(%dma_start3A_182 : memref<10240x128xf32, #tpu.memory_space<vmem_shared>>) offsets(%dma_start3A_179 : memref<125xi32, #tpu.memory_space<vmem>>) semaphore(%run_scoped3A : memref<!tpu.dma_semaphore, #tpu.memory_space<semaphore_mem>>) {add = true}
        %dma_wait3A_183 = arith.constant 0 : i32
        %dma_wait3A_184 = tpu.memref_slice %arg14[%mul3A_143, %dma_wait3A_183] : memref<40x125xi32, #tpu.memory_space<vmem>> -> memref<1x125xi32, #tpu.memory_space<vmem>>
        %dma_wait3A_185 = tpu.memref_squeeze %dma_wait3A_184 : memref<1x125xi32, #tpu.memory_space<vmem>> -> memref<125xi32, #tpu.memory_space<vmem>>
        %dma_wait3A_186 = arith.constant 0 : i32
        %dma_wait3A_187 = arith.constant 0 : i32
        %dma_wait3A_188 = tpu.memref_slice %arg17[%dma_wait3A_186, %dma_wait3A_187] : memref<10240x128xf32, #tpu.memory_space<vmem_shared>> -> memref<10240x128xf32, #tpu.memory_space<vmem_shared>>
        tpu.wait_indirect_dma semaphore(%run_scoped3A : memref<!tpu.dma_semaphore, #tpu.memory_space<semaphore_mem>>) src(%arg15 : memref<125x128xf32, #tpu.memory_space<vmem>>) dst(%dma_wait3A_188 : memref<10240x128xf32, #tpu.memory_space<vmem_shared>>)
        tpu.yield
      }) : () -> ()
      %add3A_159 = arith.constant 2 : i32
      %add3A_160 = arith.addi %mul3A_143, %add3A_159 : i32
      %lt3A = arith.constant 40 : i32
      %lt3A_161 = arith.cmpi slt, %add3A_160, %lt3A : i32
      %add3A_162 = arith.constant 2 : i32
      %add3A_163 = arith.addi %mul3A_143, %add3A_162 : i32
      %jit3A = arith.constant 0 : i32
      %select_n3A = arith.select %lt3A_161, %add3A_163, %jit3A : i32
      %dma_start3A_164 = arith.constant 0 : i32
      %dma_start3A_165 = tpu.memref_slice %arg13[%select_n3A, %dma_start3A_164] : memref<40x125xi32, #tpu.memory_space<vmem>> -> memref<1x125xi32, #tpu.memory_space<vmem>>
      %dma_start3A_166 = tpu.memref_squeeze %dma_start3A_165 : memref<1x125xi32, #tpu.memory_space<vmem>> -> memref<125xi32, #tpu.memory_space<vmem>>
      %dma_start3A_167 = arith.constant 0 : i32
      %dma_start3A_168 = arith.constant 0 : i32
      %dma_start3A_169 = tpu.memref_slice %arg3[%dma_start3A_167, %dma_start3A_168] : memref<10240x128xf32, #tpu.memory_space<hbm>> -> memref<10240x128xf32, #tpu.memory_space<hbm>>
      tpu.enqueue_indirect_dma source(%dma_start3A_169 : memref<10240x128xf32, #tpu.memory_space<hbm>>) target(%arg15 : memref<125x128xf32, #tpu.memory_space<vmem>>) offsets(%dma_start3A_166 : memref<125xi32, #tpu.memory_space<vmem>>) semaphore(%arg18 : memref<!tpu.dma_semaphore, #tpu.memory_space<semaphore_mem>>)
      %dma_wait3A_170 = arith.constant 0 : i32
      %dma_wait3A_171 = arith.constant 0 : i32
      %dma_wait3A_172 = tpu.memref_slice %arg13[%dma_wait3A_170, %dma_wait3A_171] : memref<40x125xi32, #tpu.memory_space<vmem>> -> memref<1x125xi32, #tpu.memory_space<vmem>>
      %dma_wait3A_173 = tpu.memref_squeeze %dma_wait3A_172 : memref<1x125xi32, #tpu.memory_space<vmem>> -> memref<125xi32, #tpu.memory_space<vmem>>
      %dma_wait3A_174 = arith.constant 0 : i32
      %dma_wait3A_175 = arith.constant 0 : i32
      %dma_wait3A_176 = tpu.memref_slice %arg3[%dma_wait3A_174, %dma_wait3A_175] : memref<10240x128xf32, #tpu.memory_space<hbm>> -> memref<10240x128xf32, #tpu.memory_space<hbm>>
      tpu.wait_indirect_dma semaphore(%arg19 : memref<!tpu.dma_semaphore, #tpu.memory_space<semaphore_mem>>) src(%dma_wait3A_176 : memref<10240x128xf32, #tpu.memory_space<hbm>>) dst(%arg16 : memref<125x128xf32, #tpu.memory_space<vmem>>)
      "tpu.region"() ({
        %run_scoped3A = tpu.sem_alloc : memref<!tpu.dma_semaphore, #tpu.memory_space<semaphore_mem>>
        %dma_start3A_177 = arith.constant 0 : i32
        %dma_start3A_178 = tpu.memref_slice %arg14[%add3A_145, %dma_start3A_177] : memref<40x125xi32, #tpu.memory_space<vmem>> -> memref<1x125xi32, #tpu.memory_space<vmem>>
        %dma_start3A_179 = tpu.memref_squeeze %dma_start3A_178 : memref<1x125xi32, #tpu.memory_space<vmem>> -> memref<125xi32, #tpu.memory_space<vmem>>
        %dma_start3A_180 = arith.constant 0 : i32
        %dma_start3A_181 = arith.constant 0 : i32
        %dma_start3A_182 = tpu.memref_slice %arg17[%dma_start3A_180, %dma_start3A_181] : memref<10240x128xf32, #tpu.memory_space<vmem_shared>> -> memref<10240x128xf32, #tpu.memory_space<vmem_shared>>
        tpu.enqueue_indirect_dma source(%arg16 : memref<125x128xf32, #tpu.memory_space<vmem>>) target(%dma_start3A_182 : memref<10240x128xf32, #tpu.memory_space<vmem_shared>>) offsets(%dma_start3A_179 : memref<125xi32, #tpu.memory_space<vmem>>) semaphore(%run_scoped3A : memref<!tpu.dma_semaphore, #tpu.memory_space<semaphore_mem>>) {add = true}
        %dma_wait3A_183 = arith.constant 0 : i32
        %dma_wait3A_184 = tpu.memref_slice %arg14[%add3A_145, %dma_wait3A_183] : memref<40x125xi32, #tpu.memory_space<vmem>> -> memref<1x125xi32, #tpu.memory_space<vmem>>
        %dma_wait3A_185 = tpu.memref_squeeze %dma_wait3A_184 : memref<1x125xi32, #tpu.memory_space<vmem>> -> memref<125xi32, #tpu.memory_space<vmem>>
        %dma_wait3A_186 = arith.constant 0 : i32
        %dma_wait3A_187 = arith.constant 0 : i32
        %dma_wait3A_188 = tpu.memref_slice %arg17[%dma_wait3A_186, %dma_wait3A_187] : memref<10240x128xf32, #tpu.memory_space<vmem_shared>> -> memref<10240x128xf32, #tpu.memory_space<vmem_shared>>
        tpu.wait_indirect_dma semaphore(%run_scoped3A : memref<!tpu.dma_semaphore, #tpu.memory_space<semaphore_mem>>) src(%arg16 : memref<125x128xf32, #tpu.memory_space<vmem>>) dst(%dma_wait3A_188 : memref<10240x128xf32, #tpu.memory_space<vmem_shared>>)
        tpu.yield
      }) : () -> ()
    }
    %scan3A_56 = arith.constant 20 : i32
    %dma_wait3A_57 = arith.constant 0 : i32
    %dma_wait3A_58 = arith.constant 0 : i32
    %dma_wait3A_59 = tpu.memref_slice %arg13[%dma_wait3A_57, %dma_wait3A_58] : memref<40x125xi32, #tpu.memory_space<vmem>> -> memref<1x125xi32, #tpu.memory_space<vmem>>
    %dma_wait3A_60 = tpu.memref_squeeze %dma_wait3A_59 : memref<1x125xi32, #tpu.memory_space<vmem>> -> memref<125xi32, #tpu.memory_space<vmem>>
    %dma_wait3A_61 = arith.constant 0 : i32
    %dma_wait3A_62 = arith.constant 0 : i32
    %dma_wait3A_63 = tpu.memref_slice %arg3[%dma_wait3A_61, %dma_wait3A_62] : memref<10240x128xf32, #tpu.memory_space<hbm>> -> memref<10240x128xf32, #tpu.memory_space<hbm>>
    tpu.wait_indirect_dma semaphore(%arg18 : memref<!tpu.dma_semaphore, #tpu.memory_space<semaphore_mem>>) src(%dma_wait3A_63 : memref<10240x128xf32, #tpu.memory_space<hbm>>) dst(%arg15 : memref<125x128xf32, #tpu.memory_space<vmem>>)
    %barrier3A_64 = arith.constant 0 : index
    tpu.barrier barrier_id(%barrier3A_64)
    %mul3A_65 = arith.constant 640 : i32
    %mul3A_66 = arith.muli %arg1, %mul3A_65 : i32
    %mul3A_67 = arith.constant 640 : i32
    %mul3A_68 = arith.muli %arg1, %mul3A_67 : i32
    "tpu.region"() ({
      %run_scoped3A = tpu.sem_alloc : memref<!tpu.dma_semaphore, #tpu.memory_space<semaphore_mem>>
      %dma_start3A_141 = arith.constant 0 : i32
      %dma_start3A_142 = tpu.memref_slice %arg10[%arg0, %mul3A_68, %dma_start3A_141] : memref<2x10240x128xf32, #tpu.memory_space<hbm>> -> memref<1x640x128xf32, #tpu.memory_space<hbm>>
      %dma_start3A_143 = tpu.memref_squeeze %dma_start3A_142 : memref<1x640x128xf32, #tpu.memory_space<hbm>> -> memref<640x128xf32, #tpu.memory_space<hbm>>
      %dma_start3A_144 = arith.constant 0 : i32
      %dma_start3A_145 = tpu.memref_slice %arg17[%mul3A_66, %dma_start3A_144] : memref<10240x128xf32, #tpu.memory_space<vmem_shared>> -> memref<640x128xf32, #tpu.memory_space<vmem_shared>>
      tpu.enqueue_dma source(%dma_start3A_145 : memref<640x128xf32, #tpu.memory_space<vmem_shared>>) target(%dma_start3A_143 : memref<640x128xf32, #tpu.memory_space<hbm>>) target_semaphore(%run_scoped3A : memref<!tpu.dma_semaphore, #tpu.memory_space<semaphore_mem>>)
      %dma_wait3A_146 = arith.constant 0 : i32
      %dma_wait3A_147 = tpu.memref_slice %arg10[%arg0, %mul3A_68, %dma_wait3A_146] : memref<2x10240x128xf32, #tpu.memory_space<hbm>> -> memref<1x640x128xf32, #tpu.memory_space<hbm>>
      %dma_wait3A_148 = tpu.memref_squeeze %dma_wait3A_147 : memref<1x640x128xf32, #tpu.memory_space<hbm>> -> memref<640x128xf32, #tpu.memory_space<hbm>>
      %dma_wait3A_149 = arith.constant 0 : i32
      %dma_wait3A_150 = tpu.memref_slice %arg17[%mul3A_66, %dma_wait3A_149] : memref<10240x128xf32, #tpu.memory_space<vmem_shared>> -> memref<640x128xf32, #tpu.memory_space<vmem_shared>>
      tpu.wait_dma2 semaphore(%run_scoped3A : memref<!tpu.dma_semaphore, #tpu.memory_space<semaphore_mem>>) src(%dma_wait3A_150 : memref<640x128xf32, #tpu.memory_space<vmem_shared>>) dst(%dma_wait3A_148 : memref<640x128xf32, #tpu.memory_space<hbm>>)
      tpu.yield
    }) : () -> ()
    %eq3A_69 = arith.constant 0 : i32
    %eq3A_70 = arith.cmpi eq, %arg0, %eq3A_69 : i32
    %convert_element_type3A_71 = arith.extui %eq3A_70 : i1 to i32
    %cond3A_72 = arith.constant 0 : i32
    %cond3A_73 = arith.cmpi ne, %convert_element_type3A_71, %cond3A_72 : i32
    scf.if %cond3A_73 {
      %mul3A_141 = arith.constant 640 : i32
      %mul3A_142 = arith.muli %arg1, %mul3A_141 : i32
      %mul3A_143 = arith.constant 640 : i32
      %mul3A_144 = arith.muli %arg1, %mul3A_143 : i32
      "tpu.region"() ({
        %run_scoped3A = tpu.sem_alloc : memref<!tpu.dma_semaphore, #tpu.memory_space<semaphore_mem>>
        %dma_start3A_145 = arith.constant 0 : i32
        %dma_start3A_146 = tpu.memref_slice %arg17[%mul3A_144, %dma_start3A_145] : memref<10240x128xf32, #tpu.memory_space<vmem_shared>> -> memref<640x128xf32, #tpu.memory_space<vmem_shared>>
        %dma_start3A_147 = arith.constant 0 : i32
        %dma_start3A_148 = tpu.memref_slice %arg4[%mul3A_142, %dma_start3A_147] : memref<10240x128xf32, #tpu.memory_space<hbm>> -> memref<640x128xf32, #tpu.memory_space<hbm>>
        tpu.enqueue_dma source(%dma_start3A_148 : memref<640x128xf32, #tpu.memory_space<hbm>>) target(%dma_start3A_146 : memref<640x128xf32, #tpu.memory_space<vmem_shared>>) target_semaphore(%run_scoped3A : memref<!tpu.dma_semaphore, #tpu.memory_space<semaphore_mem>>)
        %dma_wait3A_149 = arith.constant 0 : i32
        %dma_wait3A_150 = tpu.memref_slice %arg17[%mul3A_144, %dma_wait3A_149] : memref<10240x128xf32, #tpu.memory_space<vmem_shared>> -> memref<640x128xf32, #tpu.memory_space<vmem_shared>>
        %dma_wait3A_151 = arith.constant 0 : i32
        %dma_wait3A_152 = tpu.memref_slice %arg4[%mul3A_142, %dma_wait3A_151] : memref<10240x128xf32, #tpu.memory_space<hbm>> -> memref<640x128xf32, #tpu.memory_space<hbm>>
        tpu.wait_dma2 semaphore(%run_scoped3A : memref<!tpu.dma_semaphore, #tpu.memory_space<semaphore_mem>>) src(%dma_wait3A_152 : memref<640x128xf32, #tpu.memory_space<hbm>>) dst(%dma_wait3A_150 : memref<640x128xf32, #tpu.memory_space<vmem_shared>>)
        tpu.yield
      }) : () -> ()
    } else {
    }
    %ne3A_74 = arith.constant 0 : i32
    %ne3A_75 = arith.cmpi ne, %arg0, %ne3A_74 : i32
    %convert_element_type3A_76 = arith.extui %ne3A_75 : i1 to i32
    %cond3A_77 = arith.constant 0 : i32
    %cond3A_78 = arith.cmpi ne, %convert_element_type3A_76, %cond3A_77 : i32
    scf.if %cond3A_78 {
      %mul3A_141 = arith.constant 640 : i32
      %mul3A_142 = arith.muli %arg1, %mul3A_141 : i32
      %mul3A_143 = arith.constant 640 : i32
      %mul3A_144 = arith.muli %arg1, %mul3A_143 : i32
      "tpu.region"() ({
        %run_scoped3A = tpu.sem_alloc : memref<!tpu.dma_semaphore, #tpu.memory_space<semaphore_mem>>
        %dma_start3A_145 = arith.constant 0 : i32
        %dma_start3A_146 = tpu.memref_slice %arg17[%mul3A_144, %dma_start3A_145] : memref<10240x128xf32, #tpu.memory_space<vmem_shared>> -> memref<640x128xf32, #tpu.memory_space<vmem_shared>>
        %dma_start3A_147 = arith.constant 0 : i32
        %dma_start3A_148 = tpu.memref_slice %arg8[%mul3A_142, %dma_start3A_147] : memref<10240x128xf32, #tpu.memory_space<hbm>> -> memref<640x128xf32, #tpu.memory_space<hbm>>
        tpu.enqueue_dma source(%dma_start3A_148 : memref<640x128xf32, #tpu.memory_space<hbm>>) target(%dma_start3A_146 : memref<640x128xf32, #tpu.memory_space<vmem_shared>>) target_semaphore(%run_scoped3A : memref<!tpu.dma_semaphore, #tpu.memory_space<semaphore_mem>>)
        %dma_wait3A_149 = arith.constant 0 : i32
        %dma_wait3A_150 = tpu.memref_slice %arg17[%mul3A_144, %dma_wait3A_149] : memref<10240x128xf32, #tpu.memory_space<vmem_shared>> -> memref<640x128xf32, #tpu.memory_space<vmem_shared>>
        %dma_wait3A_151 = arith.constant 0 : i32
        %dma_wait3A_152 = tpu.memref_slice %arg8[%mul3A_142, %dma_wait3A_151] : memref<10240x128xf32, #tpu.memory_space<hbm>> -> memref<640x128xf32, #tpu.memory_space<hbm>>
        tpu.wait_dma2 semaphore(%run_scoped3A : memref<!tpu.dma_semaphore, #tpu.memory_space<semaphore_mem>>) src(%dma_wait3A_152 : memref<640x128xf32, #tpu.memory_space<hbm>>) dst(%dma_wait3A_150 : memref<640x128xf32, #tpu.memory_space<vmem_shared>>)
        tpu.yield
      }) : () -> ()
    } else {
    }
    %barrier3A_79 = arith.constant 0 : index
    tpu.barrier barrier_id(%barrier3A_79)
    %dma_start3A_80 = arith.constant 0 : i32
    %dma_start3A_81 = arith.constant 0 : i32
    %dma_start3A_82 = tpu.memref_slice %arg13[%dma_start3A_80, %dma_start3A_81] : memref<40x125xi32, #tpu.memory_space<vmem>> -> memref<1x125xi32, #tpu.memory_space<vmem>>
    %dma_start3A_83 = tpu.memref_squeeze %dma_start3A_82 : memref<1x125xi32, #tpu.memory_space<vmem>> -> memref<125xi32, #tpu.memory_space<vmem>>
    %dma_start3A_84 = arith.constant 0 : i32
    %dma_start3A_85 = arith.constant 0 : i32
    %dma_start3A_86 = tpu.memref_slice %arg4[%dma_start3A_84, %dma_start3A_85] : memref<10240x128xf32, #tpu.memory_space<hbm>> -> memref<10240x128xf32, #tpu.memory_space<hbm>>
    tpu.enqueue_indirect_dma source(%dma_start3A_86 : memref<10240x128xf32, #tpu.memory_space<hbm>>) target(%arg15 : memref<125x128xf32, #tpu.memory_space<vmem>>) offsets(%dma_start3A_83 : memref<125xi32, #tpu.memory_space<vmem>>) semaphore(%arg18 : memref<!tpu.dma_semaphore, #tpu.memory_space<semaphore_mem>>)
    %scan3A_87 = arith.constant 0 : i32
    %scan3A_88 = arith.constant 0 : i32
    %scan3A_89 = arith.constant 20 : i32
    %scan3A_90 = arith.addi %scan3A_88, %scan3A_89 : i32
    %scan3A_91 = arith.constant 1 : i32
    scf.for %scan3A_141 = %scan3A_88 to %scan3A_90 step %scan3A_91  : i32 {
      %mul3A_142 = arith.constant 2 : i32
      %mul3A_143 = arith.muli %mul3A_142, %scan3A_141 : i32
      %add3A_144 = arith.constant 1 : i32
      %add3A_145 = arith.addi %mul3A_143, %add3A_144 : i32
      %dma_start3A_146 = arith.constant 0 : i32
      %dma_start3A_147 = tpu.memref_slice %arg13[%add3A_145, %dma_start3A_146] : memref<40x125xi32, #tpu.memory_space<vmem>> -> memref<1x125xi32, #tpu.memory_space<vmem>>
      %dma_start3A_148 = tpu.memref_squeeze %dma_start3A_147 : memref<1x125xi32, #tpu.memory_space<vmem>> -> memref<125xi32, #tpu.memory_space<vmem>>
      %dma_start3A_149 = arith.constant 0 : i32
      %dma_start3A_150 = arith.constant 0 : i32
      %dma_start3A_151 = tpu.memref_slice %arg4[%dma_start3A_149, %dma_start3A_150] : memref<10240x128xf32, #tpu.memory_space<hbm>> -> memref<10240x128xf32, #tpu.memory_space<hbm>>
      tpu.enqueue_indirect_dma source(%dma_start3A_151 : memref<10240x128xf32, #tpu.memory_space<hbm>>) target(%arg16 : memref<125x128xf32, #tpu.memory_space<vmem>>) offsets(%dma_start3A_148 : memref<125xi32, #tpu.memory_space<vmem>>) semaphore(%arg19 : memref<!tpu.dma_semaphore, #tpu.memory_space<semaphore_mem>>)
      %dma_wait3A_152 = arith.constant 0 : i32
      %dma_wait3A_153 = arith.constant 0 : i32
      %dma_wait3A_154 = tpu.memref_slice %arg13[%dma_wait3A_152, %dma_wait3A_153] : memref<40x125xi32, #tpu.memory_space<vmem>> -> memref<1x125xi32, #tpu.memory_space<vmem>>
      %dma_wait3A_155 = tpu.memref_squeeze %dma_wait3A_154 : memref<1x125xi32, #tpu.memory_space<vmem>> -> memref<125xi32, #tpu.memory_space<vmem>>
      %dma_wait3A_156 = arith.constant 0 : i32
      %dma_wait3A_157 = arith.constant 0 : i32
      %dma_wait3A_158 = tpu.memref_slice %arg4[%dma_wait3A_156, %dma_wait3A_157] : memref<10240x128xf32, #tpu.memory_space<hbm>> -> memref<10240x128xf32, #tpu.memory_space<hbm>>
      tpu.wait_indirect_dma semaphore(%arg18 : memref<!tpu.dma_semaphore, #tpu.memory_space<semaphore_mem>>) src(%dma_wait3A_158 : memref<10240x128xf32, #tpu.memory_space<hbm>>) dst(%arg15 : memref<125x128xf32, #tpu.memory_space<vmem>>)
      "tpu.region"() ({
        %run_scoped3A = tpu.sem_alloc : memref<!tpu.dma_semaphore, #tpu.memory_space<semaphore_mem>>
        %dma_start3A_177 = arith.constant 0 : i32
        %dma_start3A_178 = tpu.memref_slice %arg14[%mul3A_143, %dma_start3A_177] : memref<40x125xi32, #tpu.memory_space<vmem>> -> memref<1x125xi32, #tpu.memory_space<vmem>>
        %dma_start3A_179 = tpu.memref_squeeze %dma_start3A_178 : memref<1x125xi32, #tpu.memory_space<vmem>> -> memref<125xi32, #tpu.memory_space<vmem>>
        %dma_start3A_180 = arith.constant 0 : i32
        %dma_start3A_181 = arith.constant 0 : i32
        %dma_start3A_182 = tpu.memref_slice %arg17[%dma_start3A_180, %dma_start3A_181] : memref<10240x128xf32, #tpu.memory_space<vmem_shared>> -> memref<10240x128xf32, #tpu.memory_space<vmem_shared>>
        tpu.enqueue_indirect_dma source(%arg15 : memref<125x128xf32, #tpu.memory_space<vmem>>) target(%dma_start3A_182 : memref<10240x128xf32, #tpu.memory_space<vmem_shared>>) offsets(%dma_start3A_179 : memref<125xi32, #tpu.memory_space<vmem>>) semaphore(%run_scoped3A : memref<!tpu.dma_semaphore, #tpu.memory_space<semaphore_mem>>) {add = true}
        %dma_wait3A_183 = arith.constant 0 : i32
        %dma_wait3A_184 = tpu.memref_slice %arg14[%mul3A_143, %dma_wait3A_183] : memref<40x125xi32, #tpu.memory_space<vmem>> -> memref<1x125xi32, #tpu.memory_space<vmem>>
        %dma_wait3A_185 = tpu.memref_squeeze %dma_wait3A_184 : memref<1x125xi32, #tpu.memory_space<vmem>> -> memref<125xi32, #tpu.memory_space<vmem>>
        %dma_wait3A_186 = arith.constant 0 : i32
        %dma_wait3A_187 = arith.constant 0 : i32
        %dma_wait3A_188 = tpu.memref_slice %arg17[%dma_wait3A_186, %dma_wait3A_187] : memref<10240x128xf32, #tpu.memory_space<vmem_shared>> -> memref<10240x128xf32, #tpu.memory_space<vmem_shared>>
        tpu.wait_indirect_dma semaphore(%run_scoped3A : memref<!tpu.dma_semaphore, #tpu.memory_space<semaphore_mem>>) src(%arg15 : memref<125x128xf32, #tpu.memory_space<vmem>>) dst(%dma_wait3A_188 : memref<10240x128xf32, #tpu.memory_space<vmem_shared>>)
        tpu.yield
      }) : () -> ()
      %add3A_159 = arith.constant 2 : i32
      %add3A_160 = arith.addi %mul3A_143, %add3A_159 : i32
      %lt3A = arith.constant 40 : i32
      %lt3A_161 = arith.cmpi slt, %add3A_160, %lt3A : i32
      %add3A_162 = arith.constant 2 : i32
      %add3A_163 = arith.addi %mul3A_143, %add3A_162 : i32
      %jit3A = arith.constant 0 : i32
      %select_n3A = arith.select %lt3A_161, %add3A_163, %jit3A : i32
      %dma_start3A_164 = arith.constant 0 : i32
      %dma_start3A_165 = tpu.memref_slice %arg13[%select_n3A, %dma_start3A_164] : memref<40x125xi32, #tpu.memory_space<vmem>> -> memref<1x125xi32, #tpu.memory_space<vmem>>
      %dma_start3A_166 = tpu.memref_squeeze %dma_start3A_165 : memref<1x125xi32, #tpu.memory_space<vmem>> -> memref<125xi32, #tpu.memory_space<vmem>>
      %dma_start3A_167 = arith.constant 0 : i32
      %dma_start3A_168 = arith.constant 0 : i32
      %dma_start3A_169 = tpu.memref_slice %arg4[%dma_start3A_167, %dma_start3A_168] : memref<10240x128xf32, #tpu.memory_space<hbm>> -> memref<10240x128xf32, #tpu.memory_space<hbm>>
      tpu.enqueue_indirect_dma source(%dma_start3A_169 : memref<10240x128xf32, #tpu.memory_space<hbm>>) target(%arg15 : memref<125x128xf32, #tpu.memory_space<vmem>>) offsets(%dma_start3A_166 : memref<125xi32, #tpu.memory_space<vmem>>) semaphore(%arg18 : memref<!tpu.dma_semaphore, #tpu.memory_space<semaphore_mem>>)
      %dma_wait3A_170 = arith.constant 0 : i32
      %dma_wait3A_171 = arith.constant 0 : i32
      %dma_wait3A_172 = tpu.memref_slice %arg13[%dma_wait3A_170, %dma_wait3A_171] : memref<40x125xi32, #tpu.memory_space<vmem>> -> memref<1x125xi32, #tpu.memory_space<vmem>>
      %dma_wait3A_173 = tpu.memref_squeeze %dma_wait3A_172 : memref<1x125xi32, #tpu.memory_space<vmem>> -> memref<125xi32, #tpu.memory_space<vmem>>
      %dma_wait3A_174 = arith.constant 0 : i32
      %dma_wait3A_175 = arith.constant 0 : i32
      %dma_wait3A_176 = tpu.memref_slice %arg4[%dma_wait3A_174, %dma_wait3A_175] : memref<10240x128xf32, #tpu.memory_space<hbm>> -> memref<10240x128xf32, #tpu.memory_space<hbm>>
      tpu.wait_indirect_dma semaphore(%arg19 : memref<!tpu.dma_semaphore, #tpu.memory_space<semaphore_mem>>) src(%dma_wait3A_176 : memref<10240x128xf32, #tpu.memory_space<hbm>>) dst(%arg16 : memref<125x128xf32, #tpu.memory_space<vmem>>)
      "tpu.region"() ({
        %run_scoped3A = tpu.sem_alloc : memref<!tpu.dma_semaphore, #tpu.memory_space<semaphore_mem>>
        %dma_start3A_177 = arith.constant 0 : i32
        %dma_start3A_178 = tpu.memref_slice %arg14[%add3A_145, %dma_start3A_177] : memref<40x125xi32, #tpu.memory_space<vmem>> -> memref<1x125xi32, #tpu.memory_space<vmem>>
        %dma_start3A_179 = tpu.memref_squeeze %dma_start3A_178 : memref<1x125xi32, #tpu.memory_space<vmem>> -> memref<125xi32, #tpu.memory_space<vmem>>
        %dma_start3A_180 = arith.constant 0 : i32
        %dma_start3A_181 = arith.constant 0 : i32
        %dma_start3A_182 = tpu.memref_slice %arg17[%dma_start3A_180, %dma_start3A_181] : memref<10240x128xf32, #tpu.memory_space<vmem_shared>> -> memref<10240x128xf32, #tpu.memory_space<vmem_shared>>
        tpu.enqueue_indirect_dma source(%arg16 : memref<125x128xf32, #tpu.memory_space<vmem>>) target(%dma_start3A_182 : memref<10240x128xf32, #tpu.memory_space<vmem_shared>>) offsets(%dma_start3A_179 : memref<125xi32, #tpu.memory_space<vmem>>) semaphore(%run_scoped3A : memref<!tpu.dma_semaphore, #tpu.memory_space<semaphore_mem>>) {add = true}
        %dma_wait3A_183 = arith.constant 0 : i32
        %dma_wait3A_184 = tpu.memref_slice %arg14[%add3A_145, %dma_wait3A_183] : memref<40x125xi32, #tpu.memory_space<vmem>> -> memref<1x125xi32, #tpu.memory_space<vmem>>
        %dma_wait3A_185 = tpu.memref_squeeze %dma_wait3A_184 : memref<1x125xi32, #tpu.memory_space<vmem>> -> memref<125xi32, #tpu.memory_space<vmem>>
        %dma_wait3A_186 = arith.constant 0 : i32
        %dma_wait3A_187 = arith.constant 0 : i32
        %dma_wait3A_188 = tpu.memref_slice %arg17[%dma_wait3A_186, %dma_wait3A_187] : memref<10240x128xf32, #tpu.memory_space<vmem_shared>> -> memref<10240x128xf32, #tpu.memory_space<vmem_shared>>
        tpu.wait_indirect_dma semaphore(%run_scoped3A : memref<!tpu.dma_semaphore, #tpu.memory_space<semaphore_mem>>) src(%arg16 : memref<125x128xf32, #tpu.memory_space<vmem>>) dst(%dma_wait3A_188 : memref<10240x128xf32, #tpu.memory_space<vmem_shared>>)
        tpu.yield
      }) : () -> ()
    }
    %scan3A_92 = arith.constant 20 : i32
    %dma_wait3A_93 = arith.constant 0 : i32
    %dma_wait3A_94 = arith.constant 0 : i32
    %dma_wait3A_95 = tpu.memref_slice %arg13[%dma_wait3A_93, %dma_wait3A_94] : memref<40x125xi32, #tpu.memory_space<vmem>> -> memref<1x125xi32, #tpu.memory_space<vmem>>
    %dma_wait3A_96 = tpu.memref_squeeze %dma_wait3A_95 : memref<1x125xi32, #tpu.memory_space<vmem>> -> memref<125xi32, #tpu.memory_space<vmem>>
    %dma_wait3A_97 = arith.constant 0 : i32
    %dma_wait3A_98 = arith.constant 0 : i32
    %dma_wait3A_99 = tpu.memref_slice %arg4[%dma_wait3A_97, %dma_wait3A_98] : memref<10240x128xf32, #tpu.memory_space<hbm>> -> memref<10240x128xf32, #tpu.memory_space<hbm>>
    tpu.wait_indirect_dma semaphore(%arg18 : memref<!tpu.dma_semaphore, #tpu.memory_space<semaphore_mem>>) src(%dma_wait3A_99 : memref<10240x128xf32, #tpu.memory_space<hbm>>) dst(%arg15 : memref<125x128xf32, #tpu.memory_space<vmem>>)
    %barrier3A_100 = arith.constant 0 : index
    tpu.barrier barrier_id(%barrier3A_100)
    %mul3A_101 = arith.constant 640 : i32
    %mul3A_102 = arith.muli %arg1, %mul3A_101 : i32
    %mul3A_103 = arith.constant 640 : i32
    %mul3A_104 = arith.muli %arg1, %mul3A_103 : i32
    "tpu.region"() ({
      %run_scoped3A = tpu.sem_alloc : memref<!tpu.dma_semaphore, #tpu.memory_space<semaphore_mem>>
      %dma_start3A_141 = arith.constant 0 : i32
      %dma_start3A_142 = tpu.memref_slice %arg11[%arg0, %mul3A_104, %dma_start3A_141] : memref<2x10240x128xf32, #tpu.memory_space<hbm>> -> memref<1x640x128xf32, #tpu.memory_space<hbm>>
      %dma_start3A_143 = tpu.memref_squeeze %dma_start3A_142 : memref<1x640x128xf32, #tpu.memory_space<hbm>> -> memref<640x128xf32, #tpu.memory_space<hbm>>
      %dma_start3A_144 = arith.constant 0 : i32
      %dma_start3A_145 = tpu.memref_slice %arg17[%mul3A_102, %dma_start3A_144] : memref<10240x128xf32, #tpu.memory_space<vmem_shared>> -> memref<640x128xf32, #tpu.memory_space<vmem_shared>>
      tpu.enqueue_dma source(%dma_start3A_145 : memref<640x128xf32, #tpu.memory_space<vmem_shared>>) target(%dma_start3A_143 : memref<640x128xf32, #tpu.memory_space<hbm>>) target_semaphore(%run_scoped3A : memref<!tpu.dma_semaphore, #tpu.memory_space<semaphore_mem>>)
      %dma_wait3A_146 = arith.constant 0 : i32
      %dma_wait3A_147 = tpu.memref_slice %arg11[%arg0, %mul3A_104, %dma_wait3A_146] : memref<2x10240x128xf32, #tpu.memory_space<hbm>> -> memref<1x640x128xf32, #tpu.memory_space<hbm>>
      %dma_wait3A_148 = tpu.memref_squeeze %dma_wait3A_147 : memref<1x640x128xf32, #tpu.memory_space<hbm>> -> memref<640x128xf32, #tpu.memory_space<hbm>>
      %dma_wait3A_149 = arith.constant 0 : i32
      %dma_wait3A_150 = tpu.memref_slice %arg17[%mul3A_102, %dma_wait3A_149] : memref<10240x128xf32, #tpu.memory_space<vmem_shared>> -> memref<640x128xf32, #tpu.memory_space<vmem_shared>>
      tpu.wait_dma2 semaphore(%run_scoped3A : memref<!tpu.dma_semaphore, #tpu.memory_space<semaphore_mem>>) src(%dma_wait3A_150 : memref<640x128xf32, #tpu.memory_space<vmem_shared>>) dst(%dma_wait3A_148 : memref<640x128xf32, #tpu.memory_space<hbm>>)
      tpu.yield
    }) : () -> ()
    %eq3A_105 = arith.constant 0 : i32
    %eq3A_106 = arith.cmpi eq, %arg0, %eq3A_105 : i32
    %convert_element_type3A_107 = arith.extui %eq3A_106 : i1 to i32
    %cond3A_108 = arith.constant 0 : i32
    %cond3A_109 = arith.cmpi ne, %convert_element_type3A_107, %cond3A_108 : i32
    scf.if %cond3A_109 {
      %mul3A_141 = arith.constant 640 : i32
      %mul3A_142 = arith.muli %arg1, %mul3A_141 : i32
      %mul3A_143 = arith.constant 640 : i32
      %mul3A_144 = arith.muli %arg1, %mul3A_143 : i32
      "tpu.region"() ({
        %run_scoped3A = tpu.sem_alloc : memref<!tpu.dma_semaphore, #tpu.memory_space<semaphore_mem>>
        %dma_start3A_145 = arith.constant 0 : i32
        %dma_start3A_146 = tpu.memref_slice %arg17[%mul3A_144, %dma_start3A_145] : memref<10240x128xf32, #tpu.memory_space<vmem_shared>> -> memref<640x128xf32, #tpu.memory_space<vmem_shared>>
        %dma_start3A_147 = arith.constant 0 : i32
        %dma_start3A_148 = tpu.memref_slice %arg5[%mul3A_142, %dma_start3A_147] : memref<10240x128xf32, #tpu.memory_space<hbm>> -> memref<640x128xf32, #tpu.memory_space<hbm>>
        tpu.enqueue_dma source(%dma_start3A_148 : memref<640x128xf32, #tpu.memory_space<hbm>>) target(%dma_start3A_146 : memref<640x128xf32, #tpu.memory_space<vmem_shared>>) target_semaphore(%run_scoped3A : memref<!tpu.dma_semaphore, #tpu.memory_space<semaphore_mem>>)
        %dma_wait3A_149 = arith.constant 0 : i32
        %dma_wait3A_150 = tpu.memref_slice %arg17[%mul3A_144, %dma_wait3A_149] : memref<10240x128xf32, #tpu.memory_space<vmem_shared>> -> memref<640x128xf32, #tpu.memory_space<vmem_shared>>
        %dma_wait3A_151 = arith.constant 0 : i32
        %dma_wait3A_152 = tpu.memref_slice %arg5[%mul3A_142, %dma_wait3A_151] : memref<10240x128xf32, #tpu.memory_space<hbm>> -> memref<640x128xf32, #tpu.memory_space<hbm>>
        tpu.wait_dma2 semaphore(%run_scoped3A : memref<!tpu.dma_semaphore, #tpu.memory_space<semaphore_mem>>) src(%dma_wait3A_152 : memref<640x128xf32, #tpu.memory_space<hbm>>) dst(%dma_wait3A_150 : memref<640x128xf32, #tpu.memory_space<vmem_shared>>)
        tpu.yield
      }) : () -> ()
    } else {
    }
    %ne3A_110 = arith.constant 0 : i32
    %ne3A_111 = arith.cmpi ne, %arg0, %ne3A_110 : i32
    %convert_element_type3A_112 = arith.extui %ne3A_111 : i1 to i32
    %cond3A_113 = arith.constant 0 : i32
    %cond3A_114 = arith.cmpi ne, %convert_element_type3A_112, %cond3A_113 : i32
    scf.if %cond3A_114 {
      %mul3A_141 = arith.constant 640 : i32
      %mul3A_142 = arith.muli %arg1, %mul3A_141 : i32
      %mul3A_143 = arith.constant 640 : i32
      %mul3A_144 = arith.muli %arg1, %mul3A_143 : i32
      "tpu.region"() ({
        %run_scoped3A = tpu.sem_alloc : memref<!tpu.dma_semaphore, #tpu.memory_space<semaphore_mem>>
        %dma_start3A_145 = arith.constant 0 : i32
        %dma_start3A_146 = tpu.memref_slice %arg17[%mul3A_144, %dma_start3A_145] : memref<10240x128xf32, #tpu.memory_space<vmem_shared>> -> memref<640x128xf32, #tpu.memory_space<vmem_shared>>
        %dma_start3A_147 = arith.constant 0 : i32
        %dma_start3A_148 = tpu.memref_slice %arg8[%mul3A_142, %dma_start3A_147] : memref<10240x128xf32, #tpu.memory_space<hbm>> -> memref<640x128xf32, #tpu.memory_space<hbm>>
        tpu.enqueue_dma source(%dma_start3A_148 : memref<640x128xf32, #tpu.memory_space<hbm>>) target(%dma_start3A_146 : memref<640x128xf32, #tpu.memory_space<vmem_shared>>) target_semaphore(%run_scoped3A : memref<!tpu.dma_semaphore, #tpu.memory_space<semaphore_mem>>)
        %dma_wait3A_149 = arith.constant 0 : i32
        %dma_wait3A_150 = tpu.memref_slice %arg17[%mul3A_144, %dma_wait3A_149] : memref<10240x128xf32, #tpu.memory_space<vmem_shared>> -> memref<640x128xf32, #tpu.memory_space<vmem_shared>>
        %dma_wait3A_151 = arith.constant 0 : i32
        %dma_wait3A_152 = tpu.memref_slice %arg8[%mul3A_142, %dma_wait3A_151] : memref<10240x128xf32, #tpu.memory_space<hbm>> -> memref<640x128xf32, #tpu.memory_space<hbm>>
        tpu.wait_dma2 semaphore(%run_scoped3A : memref<!tpu.dma_semaphore, #tpu.memory_space<semaphore_mem>>) src(%dma_wait3A_152 : memref<640x128xf32, #tpu.memory_space<hbm>>) dst(%dma_wait3A_150 : memref<640x128xf32, #tpu.memory_space<vmem_shared>>)
        tpu.yield
      }) : () -> ()
    } else {
    }
    %barrier3A_115 = arith.constant 0 : index
    tpu.barrier barrier_id(%barrier3A_115)
    %dma_start3A_116 = arith.constant 0 : i32
    %dma_start3A_117 = arith.constant 0 : i32
    %dma_start3A_118 = tpu.memref_slice %arg13[%dma_start3A_116, %dma_start3A_117] : memref<40x125xi32, #tpu.memory_space<vmem>> -> memref<1x125xi32, #tpu.memory_space<vmem>>
    %dma_start3A_119 = tpu.memref_squeeze %dma_start3A_118 : memref<1x125xi32, #tpu.memory_space<vmem>> -> memref<125xi32, #tpu.memory_space<vmem>>
    %dma_start3A_120 = arith.constant 0 : i32
    %dma_start3A_121 = arith.constant 0 : i32
    %dma_start3A_122 = tpu.memref_slice %arg5[%dma_start3A_120, %dma_start3A_121] : memref<10240x128xf32, #tpu.memory_space<hbm>> -> memref<10240x128xf32, #tpu.memory_space<hbm>>
    tpu.enqueue_indirect_dma source(%dma_start3A_122 : memref<10240x128xf32, #tpu.memory_space<hbm>>) target(%arg15 : memref<125x128xf32, #tpu.memory_space<vmem>>) offsets(%dma_start3A_119 : memref<125xi32, #tpu.memory_space<vmem>>) semaphore(%arg18 : memref<!tpu.dma_semaphore, #tpu.memory_space<semaphore_mem>>)
    %scan3A_123 = arith.constant 0 : i32
    %scan3A_124 = arith.constant 0 : i32
    %scan3A_125 = arith.constant 20 : i32
    %scan3A_126 = arith.addi %scan3A_124, %scan3A_125 : i32
    %scan3A_127 = arith.constant 1 : i32
    scf.for %scan3A_141 = %scan3A_124 to %scan3A_126 step %scan3A_127  : i32 {
      %mul3A_142 = arith.constant 2 : i32
      %mul3A_143 = arith.muli %mul3A_142, %scan3A_141 : i32
      %add3A_144 = arith.constant 1 : i32
      %add3A_145 = arith.addi %mul3A_143, %add3A_144 : i32
      %dma_start3A_146 = arith.constant 0 : i32
      %dma_start3A_147 = tpu.memref_slice %arg13[%add3A_145, %dma_start3A_146] : memref<40x125xi32, #tpu.memory_space<vmem>> -> memref<1x125xi32, #tpu.memory_space<vmem>>
      %dma_start3A_148 = tpu.memref_squeeze %dma_start3A_147 : memref<1x125xi32, #tpu.memory_space<vmem>> -> memref<125xi32, #tpu.memory_space<vmem>>
      %dma_start3A_149 = arith.constant 0 : i32
      %dma_start3A_150 = arith.constant 0 : i32
      %dma_start3A_151 = tpu.memref_slice %arg5[%dma_start3A_149, %dma_start3A_150] : memref<10240x128xf32, #tpu.memory_space<hbm>> -> memref<10240x128xf32, #tpu.memory_space<hbm>>
      tpu.enqueue_indirect_dma source(%dma_start3A_151 : memref<10240x128xf32, #tpu.memory_space<hbm>>) target(%arg16 : memref<125x128xf32, #tpu.memory_space<vmem>>) offsets(%dma_start3A_148 : memref<125xi32, #tpu.memory_space<vmem>>) semaphore(%arg19 : memref<!tpu.dma_semaphore, #tpu.memory_space<semaphore_mem>>)
      %dma_wait3A_152 = arith.constant 0 : i32
      %dma_wait3A_153 = arith.constant 0 : i32
      %dma_wait3A_154 = tpu.memref_slice %arg13[%dma_wait3A_152, %dma_wait3A_153] : memref<40x125xi32, #tpu.memory_space<vmem>> -> memref<1x125xi32, #tpu.memory_space<vmem>>
      %dma_wait3A_155 = tpu.memref_squeeze %dma_wait3A_154 : memref<1x125xi32, #tpu.memory_space<vmem>> -> memref<125xi32, #tpu.memory_space<vmem>>
      %dma_wait3A_156 = arith.constant 0 : i32
      %dma_wait3A_157 = arith.constant 0 : i32
      %dma_wait3A_158 = tpu.memref_slice %arg5[%dma_wait3A_156, %dma_wait3A_157] : memref<10240x128xf32, #tpu.memory_space<hbm>> -> memref<10240x128xf32, #tpu.memory_space<hbm>>
      tpu.wait_indirect_dma semaphore(%arg18 : memref<!tpu.dma_semaphore, #tpu.memory_space<semaphore_mem>>) src(%dma_wait3A_158 : memref<10240x128xf32, #tpu.memory_space<hbm>>) dst(%arg15 : memref<125x128xf32, #tpu.memory_space<vmem>>)
      "tpu.region"() ({
        %run_scoped3A = tpu.sem_alloc : memref<!tpu.dma_semaphore, #tpu.memory_space<semaphore_mem>>
        %dma_start3A_177 = arith.constant 0 : i32
        %dma_start3A_178 = tpu.memref_slice %arg14[%mul3A_143, %dma_start3A_177] : memref<40x125xi32, #tpu.memory_space<vmem>> -> memref<1x125xi32, #tpu.memory_space<vmem>>
        %dma_start3A_179 = tpu.memref_squeeze %dma_start3A_178 : memref<1x125xi32, #tpu.memory_space<vmem>> -> memref<125xi32, #tpu.memory_space<vmem>>
        %dma_start3A_180 = arith.constant 0 : i32
        %dma_start3A_181 = arith.constant 0 : i32
        %dma_start3A_182 = tpu.memref_slice %arg17[%dma_start3A_180, %dma_start3A_181] : memref<10240x128xf32, #tpu.memory_space<vmem_shared>> -> memref<10240x128xf32, #tpu.memory_space<vmem_shared>>
        tpu.enqueue_indirect_dma source(%arg15 : memref<125x128xf32, #tpu.memory_space<vmem>>) target(%dma_start3A_182 : memref<10240x128xf32, #tpu.memory_space<vmem_shared>>) offsets(%dma_start3A_179 : memref<125xi32, #tpu.memory_space<vmem>>) semaphore(%run_scoped3A : memref<!tpu.dma_semaphore, #tpu.memory_space<semaphore_mem>>) {add = true}
        %dma_wait3A_183 = arith.constant 0 : i32
        %dma_wait3A_184 = tpu.memref_slice %arg14[%mul3A_143, %dma_wait3A_183] : memref<40x125xi32, #tpu.memory_space<vmem>> -> memref<1x125xi32, #tpu.memory_space<vmem>>
        %dma_wait3A_185 = tpu.memref_squeeze %dma_wait3A_184 : memref<1x125xi32, #tpu.memory_space<vmem>> -> memref<125xi32, #tpu.memory_space<vmem>>
        %dma_wait3A_186 = arith.constant 0 : i32
        %dma_wait3A_187 = arith.constant 0 : i32
        %dma_wait3A_188 = tpu.memref_slice %arg17[%dma_wait3A_186, %dma_wait3A_187] : memref<10240x128xf32, #tpu.memory_space<vmem_shared>> -> memref<10240x128xf32, #tpu.memory_space<vmem_shared>>
        tpu.wait_indirect_dma semaphore(%run_scoped3A : memref<!tpu.dma_semaphore, #tpu.memory_space<semaphore_mem>>) src(%arg15 : memref<125x128xf32, #tpu.memory_space<vmem>>) dst(%dma_wait3A_188 : memref<10240x128xf32, #tpu.memory_space<vmem_shared>>)
        tpu.yield
      }) : () -> ()
      %add3A_159 = arith.constant 2 : i32
      %add3A_160 = arith.addi %mul3A_143, %add3A_159 : i32
      %lt3A = arith.constant 40 : i32
      %lt3A_161 = arith.cmpi slt, %add3A_160, %lt3A : i32
      %add3A_162 = arith.constant 2 : i32
      %add3A_163 = arith.addi %mul3A_143, %add3A_162 : i32
      %jit3A = arith.constant 0 : i32
      %select_n3A = arith.select %lt3A_161, %add3A_163, %jit3A : i32
      %dma_start3A_164 = arith.constant 0 : i32
      %dma_start3A_165 = tpu.memref_slice %arg13[%select_n3A, %dma_start3A_164] : memref<40x125xi32, #tpu.memory_space<vmem>> -> memref<1x125xi32, #tpu.memory_space<vmem>>
      %dma_start3A_166 = tpu.memref_squeeze %dma_start3A_165 : memref<1x125xi32, #tpu.memory_space<vmem>> -> memref<125xi32, #tpu.memory_space<vmem>>
      %dma_start3A_167 = arith.constant 0 : i32
      %dma_start3A_168 = arith.constant 0 : i32
      %dma_start3A_169 = tpu.memref_slice %arg5[%dma_start3A_167, %dma_start3A_168] : memref<10240x128xf32, #tpu.memory_space<hbm>> -> memref<10240x128xf32, #tpu.memory_space<hbm>>
      tpu.enqueue_indirect_dma source(%dma_start3A_169 : memref<10240x128xf32, #tpu.memory_space<hbm>>) target(%arg15 : memref<125x128xf32, #tpu.memory_space<vmem>>) offsets(%dma_start3A_166 : memref<125xi32, #tpu.memory_space<vmem>>) semaphore(%arg18 : memref<!tpu.dma_semaphore, #tpu.memory_space<semaphore_mem>>)
      %dma_wait3A_170 = arith.constant 0 : i32
      %dma_wait3A_171 = arith.constant 0 : i32
      %dma_wait3A_172 = tpu.memref_slice %arg13[%dma_wait3A_170, %dma_wait3A_171] : memref<40x125xi32, #tpu.memory_space<vmem>> -> memref<1x125xi32, #tpu.memory_space<vmem>>
      %dma_wait3A_173 = tpu.memref_squeeze %dma_wait3A_172 : memref<1x125xi32, #tpu.memory_space<vmem>> -> memref<125xi32, #tpu.memory_space<vmem>>
      %dma_wait3A_174 = arith.constant 0 : i32
      %dma_wait3A_175 = arith.constant 0 : i32
      %dma_wait3A_176 = tpu.memref_slice %arg5[%dma_wait3A_174, %dma_wait3A_175] : memref<10240x128xf32, #tpu.memory_space<hbm>> -> memref<10240x128xf32, #tpu.memory_space<hbm>>
      tpu.wait_indirect_dma semaphore(%arg19 : memref<!tpu.dma_semaphore, #tpu.memory_space<semaphore_mem>>) src(%dma_wait3A_176 : memref<10240x128xf32, #tpu.memory_space<hbm>>) dst(%arg16 : memref<125x128xf32, #tpu.memory_space<vmem>>)
      "tpu.region"() ({
        %run_scoped3A = tpu.sem_alloc : memref<!tpu.dma_semaphore, #tpu.memory_space<semaphore_mem>>
        %dma_start3A_177 = arith.constant 0 : i32
        %dma_start3A_178 = tpu.memref_slice %arg14[%add3A_145, %dma_start3A_177] : memref<40x125xi32, #tpu.memory_space<vmem>> -> memref<1x125xi32, #tpu.memory_space<vmem>>
        %dma_start3A_179 = tpu.memref_squeeze %dma_start3A_178 : memref<1x125xi32, #tpu.memory_space<vmem>> -> memref<125xi32, #tpu.memory_space<vmem>>
        %dma_start3A_180 = arith.constant 0 : i32
        %dma_start3A_181 = arith.constant 0 : i32
        %dma_start3A_182 = tpu.memref_slice %arg17[%dma_start3A_180, %dma_start3A_181] : memref<10240x128xf32, #tpu.memory_space<vmem_shared>> -> memref<10240x128xf32, #tpu.memory_space<vmem_shared>>
        tpu.enqueue_indirect_dma source(%arg16 : memref<125x128xf32, #tpu.memory_space<vmem>>) target(%dma_start3A_182 : memref<10240x128xf32, #tpu.memory_space<vmem_shared>>) offsets(%dma_start3A_179 : memref<125xi32, #tpu.memory_space<vmem>>) semaphore(%run_scoped3A : memref<!tpu.dma_semaphore, #tpu.memory_space<semaphore_mem>>) {add = true}
        %dma_wait3A_183 = arith.constant 0 : i32
        %dma_wait3A_184 = tpu.memref_slice %arg14[%add3A_145, %dma_wait3A_183] : memref<40x125xi32, #tpu.memory_space<vmem>> -> memref<1x125xi32, #tpu.memory_space<vmem>>
        %dma_wait3A_185 = tpu.memref_squeeze %dma_wait3A_184 : memref<1x125xi32, #tpu.memory_space<vmem>> -> memref<125xi32, #tpu.memory_space<vmem>>
        %dma_wait3A_186 = arith.constant 0 : i32
        %dma_wait3A_187 = arith.constant 0 : i32
        %dma_wait3A_188 = tpu.memref_slice %arg17[%dma_wait3A_186, %dma_wait3A_187] : memref<10240x128xf32, #tpu.memory_space<vmem_shared>> -> memref<10240x128xf32, #tpu.memory_space<vmem_shared>>
        tpu.wait_indirect_dma semaphore(%run_scoped3A : memref<!tpu.dma_semaphore, #tpu.memory_space<semaphore_mem>>) src(%arg16 : memref<125x128xf32, #tpu.memory_space<vmem>>) dst(%dma_wait3A_188 : memref<10240x128xf32, #tpu.memory_space<vmem_shared>>)
        tpu.yield
      }) : () -> ()
    }
    %scan3A_128 = arith.constant 20 : i32
    %dma_wait3A_129 = arith.constant 0 : i32
    %dma_wait3A_130 = arith.constant 0 : i32
    %dma_wait3A_131 = tpu.memref_slice %arg13[%dma_wait3A_129, %dma_wait3A_130] : memref<40x125xi32, #tpu.memory_space<vmem>> -> memref<1x125xi32, #tpu.memory_space<vmem>>
    %dma_wait3A_132 = tpu.memref_squeeze %dma_wait3A_131 : memref<1x125xi32, #tpu.memory_space<vmem>> -> memref<125xi32, #tpu.memory_space<vmem>>
    %dma_wait3A_133 = arith.constant 0 : i32
    %dma_wait3A_134 = arith.constant 0 : i32
    %dma_wait3A_135 = tpu.memref_slice %arg5[%dma_wait3A_133, %dma_wait3A_134] : memref<10240x128xf32, #tpu.memory_space<hbm>> -> memref<10240x128xf32, #tpu.memory_space<hbm>>
    tpu.wait_indirect_dma semaphore(%arg18 : memref<!tpu.dma_semaphore, #tpu.memory_space<semaphore_mem>>) src(%dma_wait3A_135 : memref<10240x128xf32, #tpu.memory_space<hbm>>) dst(%arg15 : memref<125x128xf32, #tpu.memory_space<vmem>>)
    %barrier3A_136 = arith.constant 0 : index
    tpu.barrier barrier_id(%barrier3A_136)
    %mul3A_137 = arith.constant 640 : i32
    %mul3A_138 = arith.muli %arg1, %mul3A_137 : i32
    %mul3A_139 = arith.constant 640 : i32
    %mul3A_140 = arith.muli %arg1, %mul3A_139 : i32
    "tpu.region"() ({
      %run_scoped3A = tpu.sem_alloc : memref<!tpu.dma_semaphore, #tpu.memory_space<semaphore_mem>>
      %dma_start3A_141 = arith.constant 0 : i32
      %dma_start3A_142 = tpu.memref_slice %arg12[%arg0, %mul3A_140, %dma_start3A_141] : memref<2x10240x128xf32, #tpu.memory_space<hbm>> -> memref<1x640x128xf32, #tpu.memory_space<hbm>>
      %dma_start3A_143 = tpu.memref_squeeze %dma_start3A_142 : memref<1x640x128xf32, #tpu.memory_space<hbm>> -> memref<640x128xf32, #tpu.memory_space<hbm>>
      %dma_start3A_144 = arith.constant 0 : i32
      %dma_start3A_145 = tpu.memref_slice %arg17[%mul3A_138, %dma_start3A_144] : memref<10240x128xf32, #tpu.memory_space<vmem_shared>> -> memref<640x128xf32, #tpu.memory_space<vmem_shared>>
      tpu.enqueue_dma source(%dma_start3A_145 : memref<640x128xf32, #tpu.memory_space<vmem_shared>>) target(%dma_start3A_143 : memref<640x128xf32, #tpu.memory_space<hbm>>) target_semaphore(%run_scoped3A : memref<!tpu.dma_semaphore, #tpu.memory_space<semaphore_mem>>)
      %dma_wait3A_146 = arith.constant 0 : i32
      %dma_wait3A_147 = tpu.memref_slice %arg12[%arg0, %mul3A_140, %dma_wait3A_146] : memref<2x10240x128xf32, #tpu.memory_space<hbm>> -> memref<1x640x128xf32, #tpu.memory_space<hbm>>
      %dma_wait3A_148 = tpu.memref_squeeze %dma_wait3A_147 : memref<1x640x128xf32, #tpu.memory_space<hbm>> -> memref<640x128xf32, #tpu.memory_space<hbm>>
      %dma_wait3A_149 = arith.constant 0 : i32
      %dma_wait3A_150 = tpu.memref_slice %arg17[%mul3A_138, %dma_wait3A_149] : memref<10240x128xf32, #tpu.memory_space<vmem_shared>> -> memref<640x128xf32, #tpu.memory_space<vmem_shared>>
      tpu.wait_dma2 semaphore(%run_scoped3A : memref<!tpu.dma_semaphore, #tpu.memory_space<semaphore_mem>>) src(%dma_wait3A_150 : memref<640x128xf32, #tpu.memory_space<vmem_shared>>) dst(%dma_wait3A_148 : memref<640x128xf32, #tpu.memory_space<hbm>>)
      tpu.yield
    }) : () -> ()
    return
  }
}

#map = affine_map<(d0, d1) -> (0, 0)>
#map1 = affine_map<(d0, d1) -> (0, 0, 0)>
module attributes {stable_mosaic.version = 14 : i64} {
  func.func @_deg_body(%arg0: i32, %arg1: i32, %arg2: memref<1280x125xi32, #tpu.memory_space<hbm>>, %arg3: memref<125x128xf32, #tpu.memory_space<hbm>>, %arg4: memref<10240x128xf32, #tpu.memory_space<hbm>>, %arg5: memref<2x10240x128xf32, #tpu.memory_space<hbm>>, %arg6: memref<125x128xf32, #tpu.memory_space<vmem>>, %arg7: memref<40x125xi32, #tpu.memory_space<vmem>>, %arg8: memref<10240x128xf32, #tpu.memory_space<vmem_shared>>) attributes {dimension_semantics = [#tpu.dimension_semantics<core_parallel>, #tpu.dimension_semantics<subcore_parallel>], iteration_bounds = array<i64: 2, 16>, scalar_prefetch = 0 : i64, scratch_operands = 3 : i64, tpu.core_type = #tpu.core_type<sc_vector_subcore>, window_params = [{transform_indices = #map}, {transform_indices = #map}, {transform_indices = #map}, {transform_indices = #map1}]} {
    %mul3A = arith.constant 16 : i32
    %mul3A_0 = arith.muli %arg0, %mul3A : i32
    %add3A = arith.addi %mul3A_0, %arg1 : i32
    "tpu.region"() ({
      %run_scoped3A = tpu.sem_alloc : memref<!tpu.dma_semaphore, #tpu.memory_space<semaphore_mem>>
      tpu.enqueue_dma source(%arg3 : memref<125x128xf32, #tpu.memory_space<hbm>>) target(%arg6 : memref<125x128xf32, #tpu.memory_space<vmem>>) target_semaphore(%run_scoped3A : memref<!tpu.dma_semaphore, #tpu.memory_space<semaphore_mem>>)
      tpu.wait_dma2 semaphore(%run_scoped3A : memref<!tpu.dma_semaphore, #tpu.memory_space<semaphore_mem>>) src(%arg3 : memref<125x128xf32, #tpu.memory_space<hbm>>) dst(%arg6 : memref<125x128xf32, #tpu.memory_space<vmem>>)
      tpu.yield
    }) : () -> ()
    %mul3A_1 = arith.constant 40 : i32
    %mul3A_2 = arith.muli %add3A, %mul3A_1 : i32
    "tpu.region"() ({
      %run_scoped3A = tpu.sem_alloc : memref<!tpu.dma_semaphore, #tpu.memory_space<semaphore_mem>>
      %dma_start3A = arith.constant 0 : i32
      %dma_start3A_17 = tpu.memref_slice %arg2[%mul3A_2, %dma_start3A] : memref<1280x125xi32, #tpu.memory_space<hbm>> -> memref<40x125xi32, #tpu.memory_space<hbm>>
      %dma_start3A_18 = arith.constant 0 : i32
      %dma_start3A_19 = tpu.memref_slice %arg2[%mul3A_2, %dma_start3A_18] : memref<1280x125xi32, #tpu.memory_space<hbm>> -> memref<40x125xi32, #tpu.memory_space<hbm>>
      tpu.enqueue_dma source(%dma_start3A_19 : memref<40x125xi32, #tpu.memory_space<hbm>>) target(%arg7 : memref<40x125xi32, #tpu.memory_space<vmem>>) target_semaphore(%run_scoped3A : memref<!tpu.dma_semaphore, #tpu.memory_space<semaphore_mem>>)
      %dma_wait3A = arith.constant 0 : i32
      %dma_wait3A_20 = tpu.memref_slice %arg2[%mul3A_2, %dma_wait3A] : memref<1280x125xi32, #tpu.memory_space<hbm>> -> memref<40x125xi32, #tpu.memory_space<hbm>>
      %dma_wait3A_21 = arith.constant 0 : i32
      %dma_wait3A_22 = tpu.memref_slice %arg2[%mul3A_2, %dma_wait3A_21] : memref<1280x125xi32, #tpu.memory_space<hbm>> -> memref<40x125xi32, #tpu.memory_space<hbm>>
      tpu.wait_dma2 semaphore(%run_scoped3A : memref<!tpu.dma_semaphore, #tpu.memory_space<semaphore_mem>>) src(%dma_wait3A_22 : memref<40x125xi32, #tpu.memory_space<hbm>>) dst(%arg7 : memref<40x125xi32, #tpu.memory_space<vmem>>)
      tpu.yield
    }) : () -> ()
    %mul3A_3 = arith.constant 640 : i32
    %mul3A_4 = arith.muli %arg1, %mul3A_3 : i32
    %mul3A_5 = arith.constant 640 : i32
    %mul3A_6 = arith.muli %arg1, %mul3A_5 : i32
    "tpu.region"() ({
      %run_scoped3A = tpu.sem_alloc : memref<!tpu.dma_semaphore, #tpu.memory_space<semaphore_mem>>
      %dma_start3A = arith.constant 0 : i32
      %dma_start3A_17 = tpu.memref_slice %arg8[%mul3A_6, %dma_start3A] : memref<10240x128xf32, #tpu.memory_space<vmem_shared>> -> memref<640x128xf32, #tpu.memory_space<vmem_shared>>
      %dma_start3A_18 = arith.constant 0 : i32
      %dma_start3A_19 = tpu.memref_slice %arg4[%mul3A_4, %dma_start3A_18] : memref<10240x128xf32, #tpu.memory_space<hbm>> -> memref<640x128xf32, #tpu.memory_space<hbm>>
      tpu.enqueue_dma source(%dma_start3A_19 : memref<640x128xf32, #tpu.memory_space<hbm>>) target(%dma_start3A_17 : memref<640x128xf32, #tpu.memory_space<vmem_shared>>) target_semaphore(%run_scoped3A : memref<!tpu.dma_semaphore, #tpu.memory_space<semaphore_mem>>)
      %dma_wait3A = arith.constant 0 : i32
      %dma_wait3A_20 = tpu.memref_slice %arg8[%mul3A_6, %dma_wait3A] : memref<10240x128xf32, #tpu.memory_space<vmem_shared>> -> memref<640x128xf32, #tpu.memory_space<vmem_shared>>
      %dma_wait3A_21 = arith.constant 0 : i32
      %dma_wait3A_22 = tpu.memref_slice %arg4[%mul3A_4, %dma_wait3A_21] : memref<10240x128xf32, #tpu.memory_space<hbm>> -> memref<640x128xf32, #tpu.memory_space<hbm>>
      tpu.wait_dma2 semaphore(%run_scoped3A : memref<!tpu.dma_semaphore, #tpu.memory_space<semaphore_mem>>) src(%dma_wait3A_22 : memref<640x128xf32, #tpu.memory_space<hbm>>) dst(%dma_wait3A_20 : memref<640x128xf32, #tpu.memory_space<vmem_shared>>)
      tpu.yield
    }) : () -> ()
    %barrier3A = arith.constant 0 : index
    tpu.barrier barrier_id(%barrier3A)
    %scan3A = arith.constant 0 : i32
    %scan3A_7 = arith.constant 0 : i32
    %scan3A_8 = arith.constant 40 : i32
    %scan3A_9 = arith.addi %scan3A_7, %scan3A_8 : i32
    %scan3A_10 = arith.constant 1 : i32
    scf.for %scan3A_17 = %scan3A_7 to %scan3A_9 step %scan3A_10  : i32 {
      "tpu.region"() ({
        %run_scoped3A = tpu.sem_alloc : memref<!tpu.dma_semaphore, #tpu.memory_space<semaphore_mem>>
        %dma_start3A = arith.constant 0 : i32
        %dma_start3A_18 = tpu.memref_slice %arg7[%scan3A_17, %dma_start3A] : memref<40x125xi32, #tpu.memory_space<vmem>> -> memref<1x125xi32, #tpu.memory_space<vmem>>
        %dma_start3A_19 = tpu.memref_squeeze %dma_start3A_18 : memref<1x125xi32, #tpu.memory_space<vmem>> -> memref<125xi32, #tpu.memory_space<vmem>>
        %dma_start3A_20 = arith.constant 0 : i32
        %dma_start3A_21 = arith.constant 0 : i32
        %dma_start3A_22 = tpu.memref_slice %arg8[%dma_start3A_20, %dma_start3A_21] : memref<10240x128xf32, #tpu.memory_space<vmem_shared>> -> memref<10240x128xf32, #tpu.memory_space<vmem_shared>>
        tpu.enqueue_indirect_dma source(%arg6 : memref<125x128xf32, #tpu.memory_space<vmem>>) target(%dma_start3A_22 : memref<10240x128xf32, #tpu.memory_space<vmem_shared>>) offsets(%dma_start3A_19 : memref<125xi32, #tpu.memory_space<vmem>>) semaphore(%run_scoped3A : memref<!tpu.dma_semaphore, #tpu.memory_space<semaphore_mem>>) {add = true}
        %dma_wait3A = arith.constant 0 : i32
        %dma_wait3A_23 = tpu.memref_slice %arg7[%scan3A_17, %dma_wait3A] : memref<40x125xi32, #tpu.memory_space<vmem>> -> memref<1x125xi32, #tpu.memory_space<vmem>>
        %dma_wait3A_24 = tpu.memref_squeeze %dma_wait3A_23 : memref<1x125xi32, #tpu.memory_space<vmem>> -> memref<125xi32, #tpu.memory_space<vmem>>
        %dma_wait3A_25 = arith.constant 0 : i32
        %dma_wait3A_26 = arith.constant 0 : i32
        %dma_wait3A_27 = tpu.memref_slice %arg8[%dma_wait3A_25, %dma_wait3A_26] : memref<10240x128xf32, #tpu.memory_space<vmem_shared>> -> memref<10240x128xf32, #tpu.memory_space<vmem_shared>>
        tpu.wait_indirect_dma semaphore(%run_scoped3A : memref<!tpu.dma_semaphore, #tpu.memory_space<semaphore_mem>>) src(%arg6 : memref<125x128xf32, #tpu.memory_space<vmem>>) dst(%dma_wait3A_27 : memref<10240x128xf32, #tpu.memory_space<vmem_shared>>)
        tpu.yield
      }) : () -> ()
    }
    %scan3A_11 = arith.constant 40 : i32
    %barrier3A_12 = arith.constant 0 : index
    tpu.barrier barrier_id(%barrier3A_12)
    %mul3A_13 = arith.constant 640 : i32
    %mul3A_14 = arith.muli %arg1, %mul3A_13 : i32
    %mul3A_15 = arith.constant 640 : i32
    %mul3A_16 = arith.muli %arg1, %mul3A_15 : i32
    "tpu.region"() ({
      %run_scoped3A = tpu.sem_alloc : memref<!tpu.dma_semaphore, #tpu.memory_space<semaphore_mem>>
      %dma_start3A = arith.constant 0 : i32
      %dma_start3A_17 = tpu.memref_slice %arg5[%arg0, %mul3A_16, %dma_start3A] : memref<2x10240x128xf32, #tpu.memory_space<hbm>> -> memref<1x640x128xf32, #tpu.memory_space<hbm>>
      %dma_start3A_18 = tpu.memref_squeeze %dma_start3A_17 : memref<1x640x128xf32, #tpu.memory_space<hbm>> -> memref<640x128xf32, #tpu.memory_space<hbm>>
      %dma_start3A_19 = arith.constant 0 : i32
      %dma_start3A_20 = tpu.memref_slice %arg8[%mul3A_14, %dma_start3A_19] : memref<10240x128xf32, #tpu.memory_space<vmem_shared>> -> memref<640x128xf32, #tpu.memory_space<vmem_shared>>
      tpu.enqueue_dma source(%dma_start3A_20 : memref<640x128xf32, #tpu.memory_space<vmem_shared>>) target(%dma_start3A_18 : memref<640x128xf32, #tpu.memory_space<hbm>>) target_semaphore(%run_scoped3A : memref<!tpu.dma_semaphore, #tpu.memory_space<semaphore_mem>>)
      %dma_wait3A = arith.constant 0 : i32
      %dma_wait3A_21 = tpu.memref_slice %arg5[%arg0, %mul3A_16, %dma_wait3A] : memref<2x10240x128xf32, #tpu.memory_space<hbm>> -> memref<1x640x128xf32, #tpu.memory_space<hbm>>
      %dma_wait3A_22 = tpu.memref_squeeze %dma_wait3A_21 : memref<1x640x128xf32, #tpu.memory_space<hbm>> -> memref<640x128xf32, #tpu.memory_space<hbm>>
      %dma_wait3A_23 = arith.constant 0 : i32
      %dma_wait3A_24 = tpu.memref_slice %arg8[%mul3A_14, %dma_wait3A_23] : memref<10240x128xf32, #tpu.memory_space<vmem_shared>> -> memref<640x128xf32, #tpu.memory_space<vmem_shared>>
      tpu.wait_dma2 semaphore(%run_scoped3A : memref<!tpu.dma_semaphore, #tpu.memory_space<semaphore_mem>>) src(%dma_wait3A_24 : memref<640x128xf32, #tpu.memory_space<vmem_shared>>) dst(%dma_wait3A_22 : memref<640x128xf32, #tpu.memory_space<hbm>>)
      tpu.yield
    }) : () -> ()
    return
  }
}

#map = affine_map<(d0, d1) -> (0, 0)>
#map1 = affine_map<(d0, d1) -> (0, 0, 0)>
module attributes {stable_mosaic.version = 14 : i64} {
  func.func @body(%arg0: i32, %arg1: i32, %arg2: memref<10240x128xf32, #tpu.memory_space<hbm>>, %arg3: memref<1280x125xi32, #tpu.memory_space<hbm>>, %arg4: memref<1280x125xi32, #tpu.memory_space<hbm>>, %arg5: memref<10240x128xf32, #tpu.memory_space<hbm>>, %arg6: memref<2x10240x128xf32, #tpu.memory_space<hbm>>, %arg7: memref<40x125xi32, #tpu.memory_space<vmem>>, %arg8: memref<40x125xi32, #tpu.memory_space<vmem>>, %arg9: memref<125x128xf32, #tpu.memory_space<vmem>>, %arg10: memref<125x128xf32, #tpu.memory_space<vmem>>, %arg11: memref<10240x128xf32, #tpu.memory_space<vmem_shared>>, %arg12: memref<!tpu.dma_semaphore, #tpu.memory_space<semaphore_mem>>, %arg13: memref<!tpu.dma_semaphore, #tpu.memory_space<semaphore_mem>>) attributes {dimension_semantics = [#tpu.dimension_semantics<core_parallel>, #tpu.dimension_semantics<subcore_parallel>], iteration_bounds = array<i64: 2, 16>, scalar_prefetch = 0 : i64, scratch_operands = 7 : i64, tpu.core_type = #tpu.core_type<sc_vector_subcore>, window_params = [{transform_indices = #map}, {transform_indices = #map}, {transform_indices = #map}, {transform_indices = #map}, {transform_indices = #map1}]} {
    %mul3A = arith.constant 16 : i32
    %mul3A_0 = arith.muli %arg0, %mul3A : i32
    %add3A = arith.addi %mul3A_0, %arg1 : i32
    %mul3A_1 = arith.constant 40 : i32
    %mul3A_2 = arith.muli %add3A, %mul3A_1 : i32
    "tpu.region"() ({
      %run_scoped3A = tpu.sem_alloc : memref<!tpu.dma_semaphore, #tpu.memory_space<semaphore_mem>>
      %dma_start3A_33 = arith.constant 0 : i32
      %dma_start3A_34 = tpu.memref_slice %arg3[%mul3A_2, %dma_start3A_33] : memref<1280x125xi32, #tpu.memory_space<hbm>> -> memref<40x125xi32, #tpu.memory_space<hbm>>
      %dma_start3A_35 = arith.constant 0 : i32
      %dma_start3A_36 = tpu.memref_slice %arg3[%mul3A_2, %dma_start3A_35] : memref<1280x125xi32, #tpu.memory_space<hbm>> -> memref<40x125xi32, #tpu.memory_space<hbm>>
      tpu.enqueue_dma source(%dma_start3A_36 : memref<40x125xi32, #tpu.memory_space<hbm>>) target(%arg7 : memref<40x125xi32, #tpu.memory_space<vmem>>) target_semaphore(%run_scoped3A : memref<!tpu.dma_semaphore, #tpu.memory_space<semaphore_mem>>)
      %dma_wait3A_37 = arith.constant 0 : i32
      %dma_wait3A_38 = tpu.memref_slice %arg3[%mul3A_2, %dma_wait3A_37] : memref<1280x125xi32, #tpu.memory_space<hbm>> -> memref<40x125xi32, #tpu.memory_space<hbm>>
      %dma_wait3A_39 = arith.constant 0 : i32
      %dma_wait3A_40 = tpu.memref_slice %arg3[%mul3A_2, %dma_wait3A_39] : memref<1280x125xi32, #tpu.memory_space<hbm>> -> memref<40x125xi32, #tpu.memory_space<hbm>>
      tpu.wait_dma2 semaphore(%run_scoped3A : memref<!tpu.dma_semaphore, #tpu.memory_space<semaphore_mem>>) src(%dma_wait3A_40 : memref<40x125xi32, #tpu.memory_space<hbm>>) dst(%arg7 : memref<40x125xi32, #tpu.memory_space<vmem>>)
      tpu.yield
    }) : () -> ()
    %mul3A_3 = arith.constant 40 : i32
    %mul3A_4 = arith.muli %add3A, %mul3A_3 : i32
    "tpu.region"() ({
      %run_scoped3A = tpu.sem_alloc : memref<!tpu.dma_semaphore, #tpu.memory_space<semaphore_mem>>
      %dma_start3A_33 = arith.constant 0 : i32
      %dma_start3A_34 = tpu.memref_slice %arg4[%mul3A_4, %dma_start3A_33] : memref<1280x125xi32, #tpu.memory_space<hbm>> -> memref<40x125xi32, #tpu.memory_space<hbm>>
      %dma_start3A_35 = arith.constant 0 : i32
      %dma_start3A_36 = tpu.memref_slice %arg4[%mul3A_4, %dma_start3A_35] : memref<1280x125xi32, #tpu.memory_space<hbm>> -> memref<40x125xi32, #tpu.memory_space<hbm>>
      tpu.enqueue_dma source(%dma_start3A_36 : memref<40x125xi32, #tpu.memory_space<hbm>>) target(%arg8 : memref<40x125xi32, #tpu.memory_space<vmem>>) target_semaphore(%run_scoped3A : memref<!tpu.dma_semaphore, #tpu.memory_space<semaphore_mem>>)
      %dma_wait3A_37 = arith.constant 0 : i32
      %dma_wait3A_38 = tpu.memref_slice %arg4[%mul3A_4, %dma_wait3A_37] : memref<1280x125xi32, #tpu.memory_space<hbm>> -> memref<40x125xi32, #tpu.memory_space<hbm>>
      %dma_wait3A_39 = arith.constant 0 : i32
      %dma_wait3A_40 = tpu.memref_slice %arg4[%mul3A_4, %dma_wait3A_39] : memref<1280x125xi32, #tpu.memory_space<hbm>> -> memref<40x125xi32, #tpu.memory_space<hbm>>
      tpu.wait_dma2 semaphore(%run_scoped3A : memref<!tpu.dma_semaphore, #tpu.memory_space<semaphore_mem>>) src(%dma_wait3A_40 : memref<40x125xi32, #tpu.memory_space<hbm>>) dst(%arg8 : memref<40x125xi32, #tpu.memory_space<vmem>>)
      tpu.yield
    }) : () -> ()
    %eq3A = arith.constant 0 : i32
    %eq3A_5 = arith.cmpi eq, %arg0, %eq3A : i32
    %convert_element_type3A = arith.extui %eq3A_5 : i1 to i32
    %cond3A = arith.constant 0 : i32
    %cond3A_6 = arith.cmpi ne, %convert_element_type3A, %cond3A : i32
    scf.if %cond3A_6 {
      %mul3A_33 = arith.constant 640 : i32
      %mul3A_34 = arith.muli %arg1, %mul3A_33 : i32
      %mul3A_35 = arith.constant 640 : i32
      %mul3A_36 = arith.muli %arg1, %mul3A_35 : i32
      "tpu.region"() ({
        %run_scoped3A = tpu.sem_alloc : memref<!tpu.dma_semaphore, #tpu.memory_space<semaphore_mem>>
        %dma_start3A_37 = arith.constant 0 : i32
        %dma_start3A_38 = tpu.memref_slice %arg11[%mul3A_36, %dma_start3A_37] : memref<10240x128xf32, #tpu.memory_space<vmem_shared>> -> memref<640x128xf32, #tpu.memory_space<vmem_shared>>
        %dma_start3A_39 = arith.constant 0 : i32
        %dma_start3A_40 = tpu.memref_slice %arg2[%mul3A_34, %dma_start3A_39] : memref<10240x128xf32, #tpu.memory_space<hbm>> -> memref<640x128xf32, #tpu.memory_space<hbm>>
        tpu.enqueue_dma source(%dma_start3A_40 : memref<640x128xf32, #tpu.memory_space<hbm>>) target(%dma_start3A_38 : memref<640x128xf32, #tpu.memory_space<vmem_shared>>) target_semaphore(%run_scoped3A : memref<!tpu.dma_semaphore, #tpu.memory_space<semaphore_mem>>)
        %dma_wait3A_41 = arith.constant 0 : i32
        %dma_wait3A_42 = tpu.memref_slice %arg11[%mul3A_36, %dma_wait3A_41] : memref<10240x128xf32, #tpu.memory_space<vmem_shared>> -> memref<640x128xf32, #tpu.memory_space<vmem_shared>>
        %dma_wait3A_43 = arith.constant 0 : i32
        %dma_wait3A_44 = tpu.memref_slice %arg2[%mul3A_34, %dma_wait3A_43] : memref<10240x128xf32, #tpu.memory_space<hbm>> -> memref<640x128xf32, #tpu.memory_space<hbm>>
        tpu.wait_dma2 semaphore(%run_scoped3A : memref<!tpu.dma_semaphore, #tpu.memory_space<semaphore_mem>>) src(%dma_wait3A_44 : memref<640x128xf32, #tpu.memory_space<hbm>>) dst(%dma_wait3A_42 : memref<640x128xf32, #tpu.memory_space<vmem_shared>>)
        tpu.yield
      }) : () -> ()
    } else {
    }
    %ne3A = arith.constant 0 : i32
    %ne3A_7 = arith.cmpi ne, %arg0, %ne3A : i32
    %convert_element_type3A_8 = arith.extui %ne3A_7 : i1 to i32
    %cond3A_9 = arith.constant 0 : i32
    %cond3A_10 = arith.cmpi ne, %convert_element_type3A_8, %cond3A_9 : i32
    scf.if %cond3A_10 {
      %mul3A_33 = arith.constant 640 : i32
      %mul3A_34 = arith.muli %arg1, %mul3A_33 : i32
      %mul3A_35 = arith.constant 640 : i32
      %mul3A_36 = arith.muli %arg1, %mul3A_35 : i32
      "tpu.region"() ({
        %run_scoped3A = tpu.sem_alloc : memref<!tpu.dma_semaphore, #tpu.memory_space<semaphore_mem>>
        %dma_start3A_37 = arith.constant 0 : i32
        %dma_start3A_38 = tpu.memref_slice %arg11[%mul3A_36, %dma_start3A_37] : memref<10240x128xf32, #tpu.memory_space<vmem_shared>> -> memref<640x128xf32, #tpu.memory_space<vmem_shared>>
        %dma_start3A_39 = arith.constant 0 : i32
        %dma_start3A_40 = tpu.memref_slice %arg5[%mul3A_34, %dma_start3A_39] : memref<10240x128xf32, #tpu.memory_space<hbm>> -> memref<640x128xf32, #tpu.memory_space<hbm>>
        tpu.enqueue_dma source(%dma_start3A_40 : memref<640x128xf32, #tpu.memory_space<hbm>>) target(%dma_start3A_38 : memref<640x128xf32, #tpu.memory_space<vmem_shared>>) target_semaphore(%run_scoped3A : memref<!tpu.dma_semaphore, #tpu.memory_space<semaphore_mem>>)
        %dma_wait3A_41 = arith.constant 0 : i32
        %dma_wait3A_42 = tpu.memref_slice %arg11[%mul3A_36, %dma_wait3A_41] : memref<10240x128xf32, #tpu.memory_space<vmem_shared>> -> memref<640x128xf32, #tpu.memory_space<vmem_shared>>
        %dma_wait3A_43 = arith.constant 0 : i32
        %dma_wait3A_44 = tpu.memref_slice %arg5[%mul3A_34, %dma_wait3A_43] : memref<10240x128xf32, #tpu.memory_space<hbm>> -> memref<640x128xf32, #tpu.memory_space<hbm>>
        tpu.wait_dma2 semaphore(%run_scoped3A : memref<!tpu.dma_semaphore, #tpu.memory_space<semaphore_mem>>) src(%dma_wait3A_44 : memref<640x128xf32, #tpu.memory_space<hbm>>) dst(%dma_wait3A_42 : memref<640x128xf32, #tpu.memory_space<vmem_shared>>)
        tpu.yield
      }) : () -> ()
    } else {
    }
    %barrier3A = arith.constant 0 : index
    tpu.barrier barrier_id(%barrier3A)
    %dma_start3A = arith.constant 0 : i32
    %dma_start3A_11 = arith.constant 0 : i32
    %dma_start3A_12 = tpu.memref_slice %arg7[%dma_start3A, %dma_start3A_11] : memref<40x125xi32, #tpu.memory_space<vmem>> -> memref<1x125xi32, #tpu.memory_space<vmem>>
    %dma_start3A_13 = tpu.memref_squeeze %dma_start3A_12 : memref<1x125xi32, #tpu.memory_space<vmem>> -> memref<125xi32, #tpu.memory_space<vmem>>
    %dma_start3A_14 = arith.constant 0 : i32
    %dma_start3A_15 = arith.constant 0 : i32
    %dma_start3A_16 = tpu.memref_slice %arg2[%dma_start3A_14, %dma_start3A_15] : memref<10240x128xf32, #tpu.memory_space<hbm>> -> memref<10240x128xf32, #tpu.memory_space<hbm>>
    tpu.enqueue_indirect_dma source(%dma_start3A_16 : memref<10240x128xf32, #tpu.memory_space<hbm>>) target(%arg9 : memref<125x128xf32, #tpu.memory_space<vmem>>) offsets(%dma_start3A_13 : memref<125xi32, #tpu.memory_space<vmem>>) semaphore(%arg12 : memref<!tpu.dma_semaphore, #tpu.memory_space<semaphore_mem>>)
    %scan3A = arith.constant 0 : i32
    %scan3A_17 = arith.constant 0 : i32
    %scan3A_18 = arith.constant 20 : i32
    %scan3A_19 = arith.addi %scan3A_17, %scan3A_18 : i32
    %scan3A_20 = arith.constant 1 : i32
    scf.for %scan3A_33 = %scan3A_17 to %scan3A_19 step %scan3A_20  : i32 {
      %mul3A_34 = arith.constant 2 : i32
      %mul3A_35 = arith.muli %mul3A_34, %scan3A_33 : i32
      %add3A_36 = arith.constant 1 : i32
      %add3A_37 = arith.addi %mul3A_35, %add3A_36 : i32
      %dma_start3A_38 = arith.constant 0 : i32
      %dma_start3A_39 = tpu.memref_slice %arg7[%add3A_37, %dma_start3A_38] : memref<40x125xi32, #tpu.memory_space<vmem>> -> memref<1x125xi32, #tpu.memory_space<vmem>>
      %dma_start3A_40 = tpu.memref_squeeze %dma_start3A_39 : memref<1x125xi32, #tpu.memory_space<vmem>> -> memref<125xi32, #tpu.memory_space<vmem>>
      %dma_start3A_41 = arith.constant 0 : i32
      %dma_start3A_42 = arith.constant 0 : i32
      %dma_start3A_43 = tpu.memref_slice %arg2[%dma_start3A_41, %dma_start3A_42] : memref<10240x128xf32, #tpu.memory_space<hbm>> -> memref<10240x128xf32, #tpu.memory_space<hbm>>
      tpu.enqueue_indirect_dma source(%dma_start3A_43 : memref<10240x128xf32, #tpu.memory_space<hbm>>) target(%arg10 : memref<125x128xf32, #tpu.memory_space<vmem>>) offsets(%dma_start3A_40 : memref<125xi32, #tpu.memory_space<vmem>>) semaphore(%arg13 : memref<!tpu.dma_semaphore, #tpu.memory_space<semaphore_mem>>)
      %dma_wait3A_44 = arith.constant 0 : i32
      %dma_wait3A_45 = arith.constant 0 : i32
      %dma_wait3A_46 = tpu.memref_slice %arg7[%dma_wait3A_44, %dma_wait3A_45] : memref<40x125xi32, #tpu.memory_space<vmem>> -> memref<1x125xi32, #tpu.memory_space<vmem>>
      %dma_wait3A_47 = tpu.memref_squeeze %dma_wait3A_46 : memref<1x125xi32, #tpu.memory_space<vmem>> -> memref<125xi32, #tpu.memory_space<vmem>>
      %dma_wait3A_48 = arith.constant 0 : i32
      %dma_wait3A_49 = arith.constant 0 : i32
      %dma_wait3A_50 = tpu.memref_slice %arg2[%dma_wait3A_48, %dma_wait3A_49] : memref<10240x128xf32, #tpu.memory_space<hbm>> -> memref<10240x128xf32, #tpu.memory_space<hbm>>
      tpu.wait_indirect_dma semaphore(%arg12 : memref<!tpu.dma_semaphore, #tpu.memory_space<semaphore_mem>>) src(%dma_wait3A_50 : memref<10240x128xf32, #tpu.memory_space<hbm>>) dst(%arg9 : memref<125x128xf32, #tpu.memory_space<vmem>>)
      "tpu.region"() ({
        %run_scoped3A = tpu.sem_alloc : memref<!tpu.dma_semaphore, #tpu.memory_space<semaphore_mem>>
        %dma_start3A_69 = arith.constant 0 : i32
        %dma_start3A_70 = tpu.memref_slice %arg8[%mul3A_35, %dma_start3A_69] : memref<40x125xi32, #tpu.memory_space<vmem>> -> memref<1x125xi32, #tpu.memory_space<vmem>>
        %dma_start3A_71 = tpu.memref_squeeze %dma_start3A_70 : memref<1x125xi32, #tpu.memory_space<vmem>> -> memref<125xi32, #tpu.memory_space<vmem>>
        %dma_start3A_72 = arith.constant 0 : i32
        %dma_start3A_73 = arith.constant 0 : i32
        %dma_start3A_74 = tpu.memref_slice %arg11[%dma_start3A_72, %dma_start3A_73] : memref<10240x128xf32, #tpu.memory_space<vmem_shared>> -> memref<10240x128xf32, #tpu.memory_space<vmem_shared>>
        tpu.enqueue_indirect_dma source(%arg9 : memref<125x128xf32, #tpu.memory_space<vmem>>) target(%dma_start3A_74 : memref<10240x128xf32, #tpu.memory_space<vmem_shared>>) offsets(%dma_start3A_71 : memref<125xi32, #tpu.memory_space<vmem>>) semaphore(%run_scoped3A : memref<!tpu.dma_semaphore, #tpu.memory_space<semaphore_mem>>) {add = true}
        %dma_wait3A_75 = arith.constant 0 : i32
        %dma_wait3A_76 = tpu.memref_slice %arg8[%mul3A_35, %dma_wait3A_75] : memref<40x125xi32, #tpu.memory_space<vmem>> -> memref<1x125xi32, #tpu.memory_space<vmem>>
        %dma_wait3A_77 = tpu.memref_squeeze %dma_wait3A_76 : memref<1x125xi32, #tpu.memory_space<vmem>> -> memref<125xi32, #tpu.memory_space<vmem>>
        %dma_wait3A_78 = arith.constant 0 : i32
        %dma_wait3A_79 = arith.constant 0 : i32
        %dma_wait3A_80 = tpu.memref_slice %arg11[%dma_wait3A_78, %dma_wait3A_79] : memref<10240x128xf32, #tpu.memory_space<vmem_shared>> -> memref<10240x128xf32, #tpu.memory_space<vmem_shared>>
        tpu.wait_indirect_dma semaphore(%run_scoped3A : memref<!tpu.dma_semaphore, #tpu.memory_space<semaphore_mem>>) src(%arg9 : memref<125x128xf32, #tpu.memory_space<vmem>>) dst(%dma_wait3A_80 : memref<10240x128xf32, #tpu.memory_space<vmem_shared>>)
        tpu.yield
      }) : () -> ()
      %add3A_51 = arith.constant 2 : i32
      %add3A_52 = arith.addi %mul3A_35, %add3A_51 : i32
      %lt3A = arith.constant 40 : i32
      %lt3A_53 = arith.cmpi slt, %add3A_52, %lt3A : i32
      %add3A_54 = arith.constant 2 : i32
      %add3A_55 = arith.addi %mul3A_35, %add3A_54 : i32
      %jit3A = arith.constant 0 : i32
      %select_n3A = arith.select %lt3A_53, %add3A_55, %jit3A : i32
      %dma_start3A_56 = arith.constant 0 : i32
      %dma_start3A_57 = tpu.memref_slice %arg7[%select_n3A, %dma_start3A_56] : memref<40x125xi32, #tpu.memory_space<vmem>> -> memref<1x125xi32, #tpu.memory_space<vmem>>
      %dma_start3A_58 = tpu.memref_squeeze %dma_start3A_57 : memref<1x125xi32, #tpu.memory_space<vmem>> -> memref<125xi32, #tpu.memory_space<vmem>>
      %dma_start3A_59 = arith.constant 0 : i32
      %dma_start3A_60 = arith.constant 0 : i32
      %dma_start3A_61 = tpu.memref_slice %arg2[%dma_start3A_59, %dma_start3A_60] : memref<10240x128xf32, #tpu.memory_space<hbm>> -> memref<10240x128xf32, #tpu.memory_space<hbm>>
      tpu.enqueue_indirect_dma source(%dma_start3A_61 : memref<10240x128xf32, #tpu.memory_space<hbm>>) target(%arg9 : memref<125x128xf32, #tpu.memory_space<vmem>>) offsets(%dma_start3A_58 : memref<125xi32, #tpu.memory_space<vmem>>) semaphore(%arg12 : memref<!tpu.dma_semaphore, #tpu.memory_space<semaphore_mem>>)
      %dma_wait3A_62 = arith.constant 0 : i32
      %dma_wait3A_63 = arith.constant 0 : i32
      %dma_wait3A_64 = tpu.memref_slice %arg7[%dma_wait3A_62, %dma_wait3A_63] : memref<40x125xi32, #tpu.memory_space<vmem>> -> memref<1x125xi32, #tpu.memory_space<vmem>>
      %dma_wait3A_65 = tpu.memref_squeeze %dma_wait3A_64 : memref<1x125xi32, #tpu.memory_space<vmem>> -> memref<125xi32, #tpu.memory_space<vmem>>
      %dma_wait3A_66 = arith.constant 0 : i32
      %dma_wait3A_67 = arith.constant 0 : i32
      %dma_wait3A_68 = tpu.memref_slice %arg2[%dma_wait3A_66, %dma_wait3A_67] : memref<10240x128xf32, #tpu.memory_space<hbm>> -> memref<10240x128xf32, #tpu.memory_space<hbm>>
      tpu.wait_indirect_dma semaphore(%arg13 : memref<!tpu.dma_semaphore, #tpu.memory_space<semaphore_mem>>) src(%dma_wait3A_68 : memref<10240x128xf32, #tpu.memory_space<hbm>>) dst(%arg10 : memref<125x128xf32, #tpu.memory_space<vmem>>)
      "tpu.region"() ({
        %run_scoped3A = tpu.sem_alloc : memref<!tpu.dma_semaphore, #tpu.memory_space<semaphore_mem>>
        %dma_start3A_69 = arith.constant 0 : i32
        %dma_start3A_70 = tpu.memref_slice %arg8[%add3A_37, %dma_start3A_69] : memref<40x125xi32, #tpu.memory_space<vmem>> -> memref<1x125xi32, #tpu.memory_space<vmem>>
        %dma_start3A_71 = tpu.memref_squeeze %dma_start3A_70 : memref<1x125xi32, #tpu.memory_space<vmem>> -> memref<125xi32, #tpu.memory_space<vmem>>
        %dma_start3A_72 = arith.constant 0 : i32
        %dma_start3A_73 = arith.constant 0 : i32
        %dma_start3A_74 = tpu.memref_slice %arg11[%dma_start3A_72, %dma_start3A_73] : memref<10240x128xf32, #tpu.memory_space<vmem_shared>> -> memref<10240x128xf32, #tpu.memory_space<vmem_shared>>
        tpu.enqueue_indirect_dma source(%arg10 : memref<125x128xf32, #tpu.memory_space<vmem>>) target(%dma_start3A_74 : memref<10240x128xf32, #tpu.memory_space<vmem_shared>>) offsets(%dma_start3A_71 : memref<125xi32, #tpu.memory_space<vmem>>) semaphore(%run_scoped3A : memref<!tpu.dma_semaphore, #tpu.memory_space<semaphore_mem>>) {add = true}
        %dma_wait3A_75 = arith.constant 0 : i32
        %dma_wait3A_76 = tpu.memref_slice %arg8[%add3A_37, %dma_wait3A_75] : memref<40x125xi32, #tpu.memory_space<vmem>> -> memref<1x125xi32, #tpu.memory_space<vmem>>
        %dma_wait3A_77 = tpu.memref_squeeze %dma_wait3A_76 : memref<1x125xi32, #tpu.memory_space<vmem>> -> memref<125xi32, #tpu.memory_space<vmem>>
        %dma_wait3A_78 = arith.constant 0 : i32
        %dma_wait3A_79 = arith.constant 0 : i32
        %dma_wait3A_80 = tpu.memref_slice %arg11[%dma_wait3A_78, %dma_wait3A_79] : memref<10240x128xf32, #tpu.memory_space<vmem_shared>> -> memref<10240x128xf32, #tpu.memory_space<vmem_shared>>
        tpu.wait_indirect_dma semaphore(%run_scoped3A : memref<!tpu.dma_semaphore, #tpu.memory_space<semaphore_mem>>) src(%arg10 : memref<125x128xf32, #tpu.memory_space<vmem>>) dst(%dma_wait3A_80 : memref<10240x128xf32, #tpu.memory_space<vmem_shared>>)
        tpu.yield
      }) : () -> ()
    }
    %scan3A_21 = arith.constant 20 : i32
    %dma_wait3A = arith.constant 0 : i32
    %dma_wait3A_22 = arith.constant 0 : i32
    %dma_wait3A_23 = tpu.memref_slice %arg7[%dma_wait3A, %dma_wait3A_22] : memref<40x125xi32, #tpu.memory_space<vmem>> -> memref<1x125xi32, #tpu.memory_space<vmem>>
    %dma_wait3A_24 = tpu.memref_squeeze %dma_wait3A_23 : memref<1x125xi32, #tpu.memory_space<vmem>> -> memref<125xi32, #tpu.memory_space<vmem>>
    %dma_wait3A_25 = arith.constant 0 : i32
    %dma_wait3A_26 = arith.constant 0 : i32
    %dma_wait3A_27 = tpu.memref_slice %arg2[%dma_wait3A_25, %dma_wait3A_26] : memref<10240x128xf32, #tpu.memory_space<hbm>> -> memref<10240x128xf32, #tpu.memory_space<hbm>>
    tpu.wait_indirect_dma semaphore(%arg12 : memref<!tpu.dma_semaphore, #tpu.memory_space<semaphore_mem>>) src(%dma_wait3A_27 : memref<10240x128xf32, #tpu.memory_space<hbm>>) dst(%arg9 : memref<125x128xf32, #tpu.memory_space<vmem>>)
    %barrier3A_28 = arith.constant 0 : index
    tpu.barrier barrier_id(%barrier3A_28)
    %mul3A_29 = arith.constant 640 : i32
    %mul3A_30 = arith.muli %arg1, %mul3A_29 : i32
    %mul3A_31 = arith.constant 640 : i32
    %mul3A_32 = arith.muli %arg1, %mul3A_31 : i32
    "tpu.region"() ({
      %run_scoped3A = tpu.sem_alloc : memref<!tpu.dma_semaphore, #tpu.memory_space<semaphore_mem>>
      %dma_start3A_33 = arith.constant 0 : i32
      %dma_start3A_34 = tpu.memref_slice %arg6[%arg0, %mul3A_32, %dma_start3A_33] : memref<2x10240x128xf32, #tpu.memory_space<hbm>> -> memref<1x640x128xf32, #tpu.memory_space<hbm>>
      %dma_start3A_35 = tpu.memref_squeeze %dma_start3A_34 : memref<1x640x128xf32, #tpu.memory_space<hbm>> -> memref<640x128xf32, #tpu.memory_space<hbm>>
      %dma_start3A_36 = arith.constant 0 : i32
      %dma_start3A_37 = tpu.memref_slice %arg11[%mul3A_30, %dma_start3A_36] : memref<10240x128xf32, #tpu.memory_space<vmem_shared>> -> memref<640x128xf32, #tpu.memory_space<vmem_shared>>
      tpu.enqueue_dma source(%dma_start3A_37 : memref<640x128xf32, #tpu.memory_space<vmem_shared>>) target(%dma_start3A_35 : memref<640x128xf32, #tpu.memory_space<hbm>>) target_semaphore(%run_scoped3A : memref<!tpu.dma_semaphore, #tpu.memory_space<semaphore_mem>>)
      %dma_wait3A_38 = arith.constant 0 : i32
      %dma_wait3A_39 = tpu.memref_slice %arg6[%arg0, %mul3A_32, %dma_wait3A_38] : memref<2x10240x128xf32, #tpu.memory_space<hbm>> -> memref<1x640x128xf32, #tpu.memory_space<hbm>>
      %dma_wait3A_40 = tpu.memref_squeeze %dma_wait3A_39 : memref<1x640x128xf32, #tpu.memory_space<hbm>> -> memref<640x128xf32, #tpu.memory_space<hbm>>
      %dma_wait3A_41 = arith.constant 0 : i32
      %dma_wait3A_42 = tpu.memref_slice %arg11[%mul3A_30, %dma_wait3A_41] : memref<10240x128xf32, #tpu.memory_space<vmem_shared>> -> memref<640x128xf32, #tpu.memory_space<vmem_shared>>
      tpu.wait_dma2 semaphore(%run_scoped3A : memref<!tpu.dma_semaphore, #tpu.memory_space<semaphore_mem>>) src(%dma_wait3A_42 : memref<640x128xf32, #tpu.memory_space<vmem_shared>>) dst(%dma_wait3A_40 : memref<640x128xf32, #tpu.memory_space<hbm>>)
      tpu.yield
    }) : () -> ()
    return
  }
}

#map = affine_map<(d0, d1) -> (0, 0)>
#map1 = affine_map<(d0, d1) -> (0, 0, 0)>
module attributes {stable_mosaic.version = 14 : i64} {
  func.func @body(%arg0: i32, %arg1: i32, %arg2: memref<10240x128xf32, #tpu.memory_space<hbm>>, %arg3: memref<10240x128xf32, #tpu.memory_space<hbm>>, %arg4: memref<10240x128xf32, #tpu.memory_space<hbm>>, %arg5: memref<10240x128xf32, #tpu.memory_space<hbm>>, %arg6: memref<1280x125xi32, #tpu.memory_space<hbm>>, %arg7: memref<1280x125xi32, #tpu.memory_space<hbm>>, %arg8: memref<10240x128xf32, #tpu.memory_space<hbm>>, %arg9: memref<2x10240x128xf32, #tpu.memory_space<hbm>>, %arg10: memref<2x10240x128xf32, #tpu.memory_space<hbm>>, %arg11: memref<2x10240x128xf32, #tpu.memory_space<hbm>>, %arg12: memref<2x10240x128xf32, #tpu.memory_space<hbm>>, %arg13: memref<40x125xi32, #tpu.memory_space<vmem>>, %arg14: memref<40x125xi32, #tpu.memory_space<vmem>>, %arg15: memref<125x128xf32, #tpu.memory_space<vmem>>, %arg16: memref<125x128xf32, #tpu.memory_space<vmem>>, %arg17: memref<10240x128xf32, #tpu.memory_space<vmem_shared>>, %arg18: memref<!tpu.dma_semaphore, #tpu.memory_space<semaphore_mem>>, %arg19: memref<!tpu.dma_semaphore, #tpu.memory_space<semaphore_mem>>) attributes {dimension_semantics = [#tpu.dimension_semantics<core_parallel>, #tpu.dimension_semantics<subcore_parallel>], iteration_bounds = array<i64: 2, 16>, scalar_prefetch = 0 : i64, scratch_operands = 7 : i64, tpu.core_type = #tpu.core_type<sc_vector_subcore>, window_params = [{transform_indices = #map}, {transform_indices = #map}, {transform_indices = #map}, {transform_indices = #map}, {transform_indices = #map}, {transform_indices = #map}, {transform_indices = #map}, {transform_indices = #map1}, {transform_indices = #map1}, {transform_indices = #map1}, {transform_indices = #map1}]} {
    %mul3A = arith.constant 16 : i32
    %mul3A_0 = arith.muli %arg0, %mul3A : i32
    %add3A = arith.addi %mul3A_0, %arg1 : i32
    %mul3A_1 = arith.constant 40 : i32
    %mul3A_2 = arith.muli %add3A, %mul3A_1 : i32
    "tpu.region"() ({
      %run_scoped3A = tpu.sem_alloc : memref<!tpu.dma_semaphore, #tpu.memory_space<semaphore_mem>>
      %dma_start3A_141 = arith.constant 0 : i32
      %dma_start3A_142 = tpu.memref_slice %arg6[%mul3A_2, %dma_start3A_141] : memref<1280x125xi32, #tpu.memory_space<hbm>> -> memref<40x125xi32, #tpu.memory_space<hbm>>
      %dma_start3A_143 = arith.constant 0 : i32
      %dma_start3A_144 = tpu.memref_slice %arg6[%mul3A_2, %dma_start3A_143] : memref<1280x125xi32, #tpu.memory_space<hbm>> -> memref<40x125xi32, #tpu.memory_space<hbm>>
      tpu.enqueue_dma source(%dma_start3A_144 : memref<40x125xi32, #tpu.memory_space<hbm>>) target(%arg13 : memref<40x125xi32, #tpu.memory_space<vmem>>) target_semaphore(%run_scoped3A : memref<!tpu.dma_semaphore, #tpu.memory_space<semaphore_mem>>)
      %dma_wait3A_145 = arith.constant 0 : i32
      %dma_wait3A_146 = tpu.memref_slice %arg6[%mul3A_2, %dma_wait3A_145] : memref<1280x125xi32, #tpu.memory_space<hbm>> -> memref<40x125xi32, #tpu.memory_space<hbm>>
      %dma_wait3A_147 = arith.constant 0 : i32
      %dma_wait3A_148 = tpu.memref_slice %arg6[%mul3A_2, %dma_wait3A_147] : memref<1280x125xi32, #tpu.memory_space<hbm>> -> memref<40x125xi32, #tpu.memory_space<hbm>>
      tpu.wait_dma2 semaphore(%run_scoped3A : memref<!tpu.dma_semaphore, #tpu.memory_space<semaphore_mem>>) src(%dma_wait3A_148 : memref<40x125xi32, #tpu.memory_space<hbm>>) dst(%arg13 : memref<40x125xi32, #tpu.memory_space<vmem>>)
      tpu.yield
    }) : () -> ()
    %mul3A_3 = arith.constant 40 : i32
    %mul3A_4 = arith.muli %add3A, %mul3A_3 : i32
    "tpu.region"() ({
      %run_scoped3A = tpu.sem_alloc : memref<!tpu.dma_semaphore, #tpu.memory_space<semaphore_mem>>
      %dma_start3A_141 = arith.constant 0 : i32
      %dma_start3A_142 = tpu.memref_slice %arg7[%mul3A_4, %dma_start3A_141] : memref<1280x125xi32, #tpu.memory_space<hbm>> -> memref<40x125xi32, #tpu.memory_space<hbm>>
      %dma_start3A_143 = arith.constant 0 : i32
      %dma_start3A_144 = tpu.memref_slice %arg7[%mul3A_4, %dma_start3A_143] : memref<1280x125xi32, #tpu.memory_space<hbm>> -> memref<40x125xi32, #tpu.memory_space<hbm>>
      tpu.enqueue_dma source(%dma_start3A_144 : memref<40x125xi32, #tpu.memory_space<hbm>>) target(%arg14 : memref<40x125xi32, #tpu.memory_space<vmem>>) target_semaphore(%run_scoped3A : memref<!tpu.dma_semaphore, #tpu.memory_space<semaphore_mem>>)
      %dma_wait3A_145 = arith.constant 0 : i32
      %dma_wait3A_146 = tpu.memref_slice %arg7[%mul3A_4, %dma_wait3A_145] : memref<1280x125xi32, #tpu.memory_space<hbm>> -> memref<40x125xi32, #tpu.memory_space<hbm>>
      %dma_wait3A_147 = arith.constant 0 : i32
      %dma_wait3A_148 = tpu.memref_slice %arg7[%mul3A_4, %dma_wait3A_147] : memref<1280x125xi32, #tpu.memory_space<hbm>> -> memref<40x125xi32, #tpu.memory_space<hbm>>
      tpu.wait_dma2 semaphore(%run_scoped3A : memref<!tpu.dma_semaphore, #tpu.memory_space<semaphore_mem>>) src(%dma_wait3A_148 : memref<40x125xi32, #tpu.memory_space<hbm>>) dst(%arg14 : memref<40x125xi32, #tpu.memory_space<vmem>>)
      tpu.yield
    }) : () -> ()
    %eq3A = arith.constant 0 : i32
    %eq3A_5 = arith.cmpi eq, %arg0, %eq3A : i32
    %convert_element_type3A = arith.extui %eq3A_5 : i1 to i32
    %cond3A = arith.constant 0 : i32
    %cond3A_6 = arith.cmpi ne, %convert_element_type3A, %cond3A : i32
    scf.if %cond3A_6 {
      %mul3A_141 = arith.constant 640 : i32
      %mul3A_142 = arith.muli %arg1, %mul3A_141 : i32
      %mul3A_143 = arith.constant 640 : i32
      %mul3A_144 = arith.muli %arg1, %mul3A_143 : i32
      "tpu.region"() ({
        %run_scoped3A = tpu.sem_alloc : memref<!tpu.dma_semaphore, #tpu.memory_space<semaphore_mem>>
        %dma_start3A_145 = arith.constant 0 : i32
        %dma_start3A_146 = tpu.memref_slice %arg17[%mul3A_144, %dma_start3A_145] : memref<10240x128xf32, #tpu.memory_space<vmem_shared>> -> memref<640x128xf32, #tpu.memory_space<vmem_shared>>
        %dma_start3A_147 = arith.constant 0 : i32
        %dma_start3A_148 = tpu.memref_slice %arg2[%mul3A_142, %dma_start3A_147] : memref<10240x128xf32, #tpu.memory_space<hbm>> -> memref<640x128xf32, #tpu.memory_space<hbm>>
        tpu.enqueue_dma source(%dma_start3A_148 : memref<640x128xf32, #tpu.memory_space<hbm>>) target(%dma_start3A_146 : memref<640x128xf32, #tpu.memory_space<vmem_shared>>) target_semaphore(%run_scoped3A : memref<!tpu.dma_semaphore, #tpu.memory_space<semaphore_mem>>)
        %dma_wait3A_149 = arith.constant 0 : i32
        %dma_wait3A_150 = tpu.memref_slice %arg17[%mul3A_144, %dma_wait3A_149] : memref<10240x128xf32, #tpu.memory_space<vmem_shared>> -> memref<640x128xf32, #tpu.memory_space<vmem_shared>>
        %dma_wait3A_151 = arith.constant 0 : i32
        %dma_wait3A_152 = tpu.memref_slice %arg2[%mul3A_142, %dma_wait3A_151] : memref<10240x128xf32, #tpu.memory_space<hbm>> -> memref<640x128xf32, #tpu.memory_space<hbm>>
        tpu.wait_dma2 semaphore(%run_scoped3A : memref<!tpu.dma_semaphore, #tpu.memory_space<semaphore_mem>>) src(%dma_wait3A_152 : memref<640x128xf32, #tpu.memory_space<hbm>>) dst(%dma_wait3A_150 : memref<640x128xf32, #tpu.memory_space<vmem_shared>>)
        tpu.yield
      }) : () -> ()
    } else {
    }
    %ne3A = arith.constant 0 : i32
    %ne3A_7 = arith.cmpi ne, %arg0, %ne3A : i32
    %convert_element_type3A_8 = arith.extui %ne3A_7 : i1 to i32
    %cond3A_9 = arith.constant 0 : i32
    %cond3A_10 = arith.cmpi ne, %convert_element_type3A_8, %cond3A_9 : i32
    scf.if %cond3A_10 {
      %mul3A_141 = arith.constant 640 : i32
      %mul3A_142 = arith.muli %arg1, %mul3A_141 : i32
      %mul3A_143 = arith.constant 640 : i32
      %mul3A_144 = arith.muli %arg1, %mul3A_143 : i32
      "tpu.region"() ({
        %run_scoped3A = tpu.sem_alloc : memref<!tpu.dma_semaphore, #tpu.memory_space<semaphore_mem>>
        %dma_start3A_145 = arith.constant 0 : i32
        %dma_start3A_146 = tpu.memref_slice %arg17[%mul3A_144, %dma_start3A_145] : memref<10240x128xf32, #tpu.memory_space<vmem_shared>> -> memref<640x128xf32, #tpu.memory_space<vmem_shared>>
        %dma_start3A_147 = arith.constant 0 : i32
        %dma_start3A_148 = tpu.memref_slice %arg8[%mul3A_142, %dma_start3A_147] : memref<10240x128xf32, #tpu.memory_space<hbm>> -> memref<640x128xf32, #tpu.memory_space<hbm>>
        tpu.enqueue_dma source(%dma_start3A_148 : memref<640x128xf32, #tpu.memory_space<hbm>>) target(%dma_start3A_146 : memref<640x128xf32, #tpu.memory_space<vmem_shared>>) target_semaphore(%run_scoped3A : memref<!tpu.dma_semaphore, #tpu.memory_space<semaphore_mem>>)
        %dma_wait3A_149 = arith.constant 0 : i32
        %dma_wait3A_150 = tpu.memref_slice %arg17[%mul3A_144, %dma_wait3A_149] : memref<10240x128xf32, #tpu.memory_space<vmem_shared>> -> memref<640x128xf32, #tpu.memory_space<vmem_shared>>
        %dma_wait3A_151 = arith.constant 0 : i32
        %dma_wait3A_152 = tpu.memref_slice %arg8[%mul3A_142, %dma_wait3A_151] : memref<10240x128xf32, #tpu.memory_space<hbm>> -> memref<640x128xf32, #tpu.memory_space<hbm>>
        tpu.wait_dma2 semaphore(%run_scoped3A : memref<!tpu.dma_semaphore, #tpu.memory_space<semaphore_mem>>) src(%dma_wait3A_152 : memref<640x128xf32, #tpu.memory_space<hbm>>) dst(%dma_wait3A_150 : memref<640x128xf32, #tpu.memory_space<vmem_shared>>)
        tpu.yield
      }) : () -> ()
    } else {
    }
    %barrier3A = arith.constant 0 : index
    tpu.barrier barrier_id(%barrier3A)
    %dma_start3A = arith.constant 0 : i32
    %dma_start3A_11 = arith.constant 0 : i32
    %dma_start3A_12 = tpu.memref_slice %arg13[%dma_start3A, %dma_start3A_11] : memref<40x125xi32, #tpu.memory_space<vmem>> -> memref<1x125xi32, #tpu.memory_space<vmem>>
    %dma_start3A_13 = tpu.memref_squeeze %dma_start3A_12 : memref<1x125xi32, #tpu.memory_space<vmem>> -> memref<125xi32, #tpu.memory_space<vmem>>
    %dma_start3A_14 = arith.constant 0 : i32
    %dma_start3A_15 = arith.constant 0 : i32
    %dma_start3A_16 = tpu.memref_slice %arg2[%dma_start3A_14, %dma_start3A_15] : memref<10240x128xf32, #tpu.memory_space<hbm>> -> memref<10240x128xf32, #tpu.memory_space<hbm>>
    tpu.enqueue_indirect_dma source(%dma_start3A_16 : memref<10240x128xf32, #tpu.memory_space<hbm>>) target(%arg15 : memref<125x128xf32, #tpu.memory_space<vmem>>) offsets(%dma_start3A_13 : memref<125xi32, #tpu.memory_space<vmem>>) semaphore(%arg18 : memref<!tpu.dma_semaphore, #tpu.memory_space<semaphore_mem>>)
    %scan3A = arith.constant 0 : i32
    %scan3A_17 = arith.constant 0 : i32
    %scan3A_18 = arith.constant 20 : i32
    %scan3A_19 = arith.addi %scan3A_17, %scan3A_18 : i32
    %scan3A_20 = arith.constant 1 : i32
    scf.for %scan3A_141 = %scan3A_17 to %scan3A_19 step %scan3A_20  : i32 {
      %mul3A_142 = arith.constant 2 : i32
      %mul3A_143 = arith.muli %mul3A_142, %scan3A_141 : i32
      %add3A_144 = arith.constant 1 : i32
      %add3A_145 = arith.addi %mul3A_143, %add3A_144 : i32
      %dma_start3A_146 = arith.constant 0 : i32
      %dma_start3A_147 = tpu.memref_slice %arg13[%add3A_145, %dma_start3A_146] : memref<40x125xi32, #tpu.memory_space<vmem>> -> memref<1x125xi32, #tpu.memory_space<vmem>>
      %dma_start3A_148 = tpu.memref_squeeze %dma_start3A_147 : memref<1x125xi32, #tpu.memory_space<vmem>> -> memref<125xi32, #tpu.memory_space<vmem>>
      %dma_start3A_149 = arith.constant 0 : i32
      %dma_start3A_150 = arith.constant 0 : i32
      %dma_start3A_151 = tpu.memref_slice %arg2[%dma_start3A_149, %dma_start3A_150] : memref<10240x128xf32, #tpu.memory_space<hbm>> -> memref<10240x128xf32, #tpu.memory_space<hbm>>
      tpu.enqueue_indirect_dma source(%dma_start3A_151 : memref<10240x128xf32, #tpu.memory_space<hbm>>) target(%arg16 : memref<125x128xf32, #tpu.memory_space<vmem>>) offsets(%dma_start3A_148 : memref<125xi32, #tpu.memory_space<vmem>>) semaphore(%arg19 : memref<!tpu.dma_semaphore, #tpu.memory_space<semaphore_mem>>)
      %dma_wait3A_152 = arith.constant 0 : i32
      %dma_wait3A_153 = arith.constant 0 : i32
      %dma_wait3A_154 = tpu.memref_slice %arg13[%dma_wait3A_152, %dma_wait3A_153] : memref<40x125xi32, #tpu.memory_space<vmem>> -> memref<1x125xi32, #tpu.memory_space<vmem>>
      %dma_wait3A_155 = tpu.memref_squeeze %dma_wait3A_154 : memref<1x125xi32, #tpu.memory_space<vmem>> -> memref<125xi32, #tpu.memory_space<vmem>>
      %dma_wait3A_156 = arith.constant 0 : i32
      %dma_wait3A_157 = arith.constant 0 : i32
      %dma_wait3A_158 = tpu.memref_slice %arg2[%dma_wait3A_156, %dma_wait3A_157] : memref<10240x128xf32, #tpu.memory_space<hbm>> -> memref<10240x128xf32, #tpu.memory_space<hbm>>
      tpu.wait_indirect_dma semaphore(%arg18 : memref<!tpu.dma_semaphore, #tpu.memory_space<semaphore_mem>>) src(%dma_wait3A_158 : memref<10240x128xf32, #tpu.memory_space<hbm>>) dst(%arg15 : memref<125x128xf32, #tpu.memory_space<vmem>>)
      "tpu.region"() ({
        %run_scoped3A = tpu.sem_alloc : memref<!tpu.dma_semaphore, #tpu.memory_space<semaphore_mem>>
        %dma_start3A_177 = arith.constant 0 : i32
        %dma_start3A_178 = tpu.memref_slice %arg14[%mul3A_143, %dma_start3A_177] : memref<40x125xi32, #tpu.memory_space<vmem>> -> memref<1x125xi32, #tpu.memory_space<vmem>>
        %dma_start3A_179 = tpu.memref_squeeze %dma_start3A_178 : memref<1x125xi32, #tpu.memory_space<vmem>> -> memref<125xi32, #tpu.memory_space<vmem>>
        %dma_start3A_180 = arith.constant 0 : i32
        %dma_start3A_181 = arith.constant 0 : i32
        %dma_start3A_182 = tpu.memref_slice %arg17[%dma_start3A_180, %dma_start3A_181] : memref<10240x128xf32, #tpu.memory_space<vmem_shared>> -> memref<10240x128xf32, #tpu.memory_space<vmem_shared>>
        tpu.enqueue_indirect_dma source(%arg15 : memref<125x128xf32, #tpu.memory_space<vmem>>) target(%dma_start3A_182 : memref<10240x128xf32, #tpu.memory_space<vmem_shared>>) offsets(%dma_start3A_179 : memref<125xi32, #tpu.memory_space<vmem>>) semaphore(%run_scoped3A : memref<!tpu.dma_semaphore, #tpu.memory_space<semaphore_mem>>) {add = true}
        %dma_wait3A_183 = arith.constant 0 : i32
        %dma_wait3A_184 = tpu.memref_slice %arg14[%mul3A_143, %dma_wait3A_183] : memref<40x125xi32, #tpu.memory_space<vmem>> -> memref<1x125xi32, #tpu.memory_space<vmem>>
        %dma_wait3A_185 = tpu.memref_squeeze %dma_wait3A_184 : memref<1x125xi32, #tpu.memory_space<vmem>> -> memref<125xi32, #tpu.memory_space<vmem>>
        %dma_wait3A_186 = arith.constant 0 : i32
        %dma_wait3A_187 = arith.constant 0 : i32
        %dma_wait3A_188 = tpu.memref_slice %arg17[%dma_wait3A_186, %dma_wait3A_187] : memref<10240x128xf32, #tpu.memory_space<vmem_shared>> -> memref<10240x128xf32, #tpu.memory_space<vmem_shared>>
        tpu.wait_indirect_dma semaphore(%run_scoped3A : memref<!tpu.dma_semaphore, #tpu.memory_space<semaphore_mem>>) src(%arg15 : memref<125x128xf32, #tpu.memory_space<vmem>>) dst(%dma_wait3A_188 : memref<10240x128xf32, #tpu.memory_space<vmem_shared>>)
        tpu.yield
      }) : () -> ()
      %add3A_159 = arith.constant 2 : i32
      %add3A_160 = arith.addi %mul3A_143, %add3A_159 : i32
      %lt3A = arith.constant 40 : i32
      %lt3A_161 = arith.cmpi slt, %add3A_160, %lt3A : i32
      %add3A_162 = arith.constant 2 : i32
      %add3A_163 = arith.addi %mul3A_143, %add3A_162 : i32
      %jit3A = arith.constant 0 : i32
      %select_n3A = arith.select %lt3A_161, %add3A_163, %jit3A : i32
      %dma_start3A_164 = arith.constant 0 : i32
      %dma_start3A_165 = tpu.memref_slice %arg13[%select_n3A, %dma_start3A_164] : memref<40x125xi32, #tpu.memory_space<vmem>> -> memref<1x125xi32, #tpu.memory_space<vmem>>
      %dma_start3A_166 = tpu.memref_squeeze %dma_start3A_165 : memref<1x125xi32, #tpu.memory_space<vmem>> -> memref<125xi32, #tpu.memory_space<vmem>>
      %dma_start3A_167 = arith.constant 0 : i32
      %dma_start3A_168 = arith.constant 0 : i32
      %dma_start3A_169 = tpu.memref_slice %arg2[%dma_start3A_167, %dma_start3A_168] : memref<10240x128xf32, #tpu.memory_space<hbm>> -> memref<10240x128xf32, #tpu.memory_space<hbm>>
      tpu.enqueue_indirect_dma source(%dma_start3A_169 : memref<10240x128xf32, #tpu.memory_space<hbm>>) target(%arg15 : memref<125x128xf32, #tpu.memory_space<vmem>>) offsets(%dma_start3A_166 : memref<125xi32, #tpu.memory_space<vmem>>) semaphore(%arg18 : memref<!tpu.dma_semaphore, #tpu.memory_space<semaphore_mem>>)
      %dma_wait3A_170 = arith.constant 0 : i32
      %dma_wait3A_171 = arith.constant 0 : i32
      %dma_wait3A_172 = tpu.memref_slice %arg13[%dma_wait3A_170, %dma_wait3A_171] : memref<40x125xi32, #tpu.memory_space<vmem>> -> memref<1x125xi32, #tpu.memory_space<vmem>>
      %dma_wait3A_173 = tpu.memref_squeeze %dma_wait3A_172 : memref<1x125xi32, #tpu.memory_space<vmem>> -> memref<125xi32, #tpu.memory_space<vmem>>
      %dma_wait3A_174 = arith.constant 0 : i32
      %dma_wait3A_175 = arith.constant 0 : i32
      %dma_wait3A_176 = tpu.memref_slice %arg2[%dma_wait3A_174, %dma_wait3A_175] : memref<10240x128xf32, #tpu.memory_space<hbm>> -> memref<10240x128xf32, #tpu.memory_space<hbm>>
      tpu.wait_indirect_dma semaphore(%arg19 : memref<!tpu.dma_semaphore, #tpu.memory_space<semaphore_mem>>) src(%dma_wait3A_176 : memref<10240x128xf32, #tpu.memory_space<hbm>>) dst(%arg16 : memref<125x128xf32, #tpu.memory_space<vmem>>)
      "tpu.region"() ({
        %run_scoped3A = tpu.sem_alloc : memref<!tpu.dma_semaphore, #tpu.memory_space<semaphore_mem>>
        %dma_start3A_177 = arith.constant 0 : i32
        %dma_start3A_178 = tpu.memref_slice %arg14[%add3A_145, %dma_start3A_177] : memref<40x125xi32, #tpu.memory_space<vmem>> -> memref<1x125xi32, #tpu.memory_space<vmem>>
        %dma_start3A_179 = tpu.memref_squeeze %dma_start3A_178 : memref<1x125xi32, #tpu.memory_space<vmem>> -> memref<125xi32, #tpu.memory_space<vmem>>
        %dma_start3A_180 = arith.constant 0 : i32
        %dma_start3A_181 = arith.constant 0 : i32
        %dma_start3A_182 = tpu.memref_slice %arg17[%dma_start3A_180, %dma_start3A_181] : memref<10240x128xf32, #tpu.memory_space<vmem_shared>> -> memref<10240x128xf32, #tpu.memory_space<vmem_shared>>
        tpu.enqueue_indirect_dma source(%arg16 : memref<125x128xf32, #tpu.memory_space<vmem>>) target(%dma_start3A_182 : memref<10240x128xf32, #tpu.memory_space<vmem_shared>>) offsets(%dma_start3A_179 : memref<125xi32, #tpu.memory_space<vmem>>) semaphore(%run_scoped3A : memref<!tpu.dma_semaphore, #tpu.memory_space<semaphore_mem>>) {add = true}
        %dma_wait3A_183 = arith.constant 0 : i32
        %dma_wait3A_184 = tpu.memref_slice %arg14[%add3A_145, %dma_wait3A_183] : memref<40x125xi32, #tpu.memory_space<vmem>> -> memref<1x125xi32, #tpu.memory_space<vmem>>
        %dma_wait3A_185 = tpu.memref_squeeze %dma_wait3A_184 : memref<1x125xi32, #tpu.memory_space<vmem>> -> memref<125xi32, #tpu.memory_space<vmem>>
        %dma_wait3A_186 = arith.constant 0 : i32
        %dma_wait3A_187 = arith.constant 0 : i32
        %dma_wait3A_188 = tpu.memref_slice %arg17[%dma_wait3A_186, %dma_wait3A_187] : memref<10240x128xf32, #tpu.memory_space<vmem_shared>> -> memref<10240x128xf32, #tpu.memory_space<vmem_shared>>
        tpu.wait_indirect_dma semaphore(%run_scoped3A : memref<!tpu.dma_semaphore, #tpu.memory_space<semaphore_mem>>) src(%arg16 : memref<125x128xf32, #tpu.memory_space<vmem>>) dst(%dma_wait3A_188 : memref<10240x128xf32, #tpu.memory_space<vmem_shared>>)
        tpu.yield
      }) : () -> ()
    }
    %scan3A_21 = arith.constant 20 : i32
    %dma_wait3A = arith.constant 0 : i32
    %dma_wait3A_22 = arith.constant 0 : i32
    %dma_wait3A_23 = tpu.memref_slice %arg13[%dma_wait3A, %dma_wait3A_22] : memref<40x125xi32, #tpu.memory_space<vmem>> -> memref<1x125xi32, #tpu.memory_space<vmem>>
    %dma_wait3A_24 = tpu.memref_squeeze %dma_wait3A_23 : memref<1x125xi32, #tpu.memory_space<vmem>> -> memref<125xi32, #tpu.memory_space<vmem>>
    %dma_wait3A_25 = arith.constant 0 : i32
    %dma_wait3A_26 = arith.constant 0 : i32
    %dma_wait3A_27 = tpu.memref_slice %arg2[%dma_wait3A_25, %dma_wait3A_26] : memref<10240x128xf32, #tpu.memory_space<hbm>> -> memref<10240x128xf32, #tpu.memory_space<hbm>>
    tpu.wait_indirect_dma semaphore(%arg18 : memref<!tpu.dma_semaphore, #tpu.memory_space<semaphore_mem>>) src(%dma_wait3A_27 : memref<10240x128xf32, #tpu.memory_space<hbm>>) dst(%arg15 : memref<125x128xf32, #tpu.memory_space<vmem>>)
    %barrier3A_28 = arith.constant 0 : index
    tpu.barrier barrier_id(%barrier3A_28)
    %mul3A_29 = arith.constant 640 : i32
    %mul3A_30 = arith.muli %arg1, %mul3A_29 : i32
    %mul3A_31 = arith.constant 640 : i32
    %mul3A_32 = arith.muli %arg1, %mul3A_31 : i32
    "tpu.region"() ({
      %run_scoped3A = tpu.sem_alloc : memref<!tpu.dma_semaphore, #tpu.memory_space<semaphore_mem>>
      %dma_start3A_141 = arith.constant 0 : i32
      %dma_start3A_142 = tpu.memref_slice %arg9[%arg0, %mul3A_32, %dma_start3A_141] : memref<2x10240x128xf32, #tpu.memory_space<hbm>> -> memref<1x640x128xf32, #tpu.memory_space<hbm>>
      %dma_start3A_143 = tpu.memref_squeeze %dma_start3A_142 : memref<1x640x128xf32, #tpu.memory_space<hbm>> -> memref<640x128xf32, #tpu.memory_space<hbm>>
      %dma_start3A_144 = arith.constant 0 : i32
      %dma_start3A_145 = tpu.memref_slice %arg17[%mul3A_30, %dma_start3A_144] : memref<10240x128xf32, #tpu.memory_space<vmem_shared>> -> memref<640x128xf32, #tpu.memory_space<vmem_shared>>
      tpu.enqueue_dma source(%dma_start3A_145 : memref<640x128xf32, #tpu.memory_space<vmem_shared>>) target(%dma_start3A_143 : memref<640x128xf32, #tpu.memory_space<hbm>>) target_semaphore(%run_scoped3A : memref<!tpu.dma_semaphore, #tpu.memory_space<semaphore_mem>>)
      %dma_wait3A_146 = arith.constant 0 : i32
      %dma_wait3A_147 = tpu.memref_slice %arg9[%arg0, %mul3A_32, %dma_wait3A_146] : memref<2x10240x128xf32, #tpu.memory_space<hbm>> -> memref<1x640x128xf32, #tpu.memory_space<hbm>>
      %dma_wait3A_148 = tpu.memref_squeeze %dma_wait3A_147 : memref<1x640x128xf32, #tpu.memory_space<hbm>> -> memref<640x128xf32, #tpu.memory_space<hbm>>
      %dma_wait3A_149 = arith.constant 0 : i32
      %dma_wait3A_150 = tpu.memref_slice %arg17[%mul3A_30, %dma_wait3A_149] : memref<10240x128xf32, #tpu.memory_space<vmem_shared>> -> memref<640x128xf32, #tpu.memory_space<vmem_shared>>
      tpu.wait_dma2 semaphore(%run_scoped3A : memref<!tpu.dma_semaphore, #tpu.memory_space<semaphore_mem>>) src(%dma_wait3A_150 : memref<640x128xf32, #tpu.memory_space<vmem_shared>>) dst(%dma_wait3A_148 : memref<640x128xf32, #tpu.memory_space<hbm>>)
      tpu.yield
    }) : () -> ()
    %eq3A_33 = arith.constant 0 : i32
    %eq3A_34 = arith.cmpi eq, %arg0, %eq3A_33 : i32
    %convert_element_type3A_35 = arith.extui %eq3A_34 : i1 to i32
    %cond3A_36 = arith.constant 0 : i32
    %cond3A_37 = arith.cmpi ne, %convert_element_type3A_35, %cond3A_36 : i32
    scf.if %cond3A_37 {
      %mul3A_141 = arith.constant 640 : i32
      %mul3A_142 = arith.muli %arg1, %mul3A_141 : i32
      %mul3A_143 = arith.constant 640 : i32
      %mul3A_144 = arith.muli %arg1, %mul3A_143 : i32
      "tpu.region"() ({
        %run_scoped3A = tpu.sem_alloc : memref<!tpu.dma_semaphore, #tpu.memory_space<semaphore_mem>>
        %dma_start3A_145 = arith.constant 0 : i32
        %dma_start3A_146 = tpu.memref_slice %arg17[%mul3A_144, %dma_start3A_145] : memref<10240x128xf32, #tpu.memory_space<vmem_shared>> -> memref<640x128xf32, #tpu.memory_space<vmem_shared>>
        %dma_start3A_147 = arith.constant 0 : i32
        %dma_start3A_148 = tpu.memref_slice %arg3[%mul3A_142, %dma_start3A_147] : memref<10240x128xf32, #tpu.memory_space<hbm>> -> memref<640x128xf32, #tpu.memory_space<hbm>>
        tpu.enqueue_dma source(%dma_start3A_148 : memref<640x128xf32, #tpu.memory_space<hbm>>) target(%dma_start3A_146 : memref<640x128xf32, #tpu.memory_space<vmem_shared>>) target_semaphore(%run_scoped3A : memref<!tpu.dma_semaphore, #tpu.memory_space<semaphore_mem>>)
        %dma_wait3A_149 = arith.constant 0 : i32
        %dma_wait3A_150 = tpu.memref_slice %arg17[%mul3A_144, %dma_wait3A_149] : memref<10240x128xf32, #tpu.memory_space<vmem_shared>> -> memref<640x128xf32, #tpu.memory_space<vmem_shared>>
        %dma_wait3A_151 = arith.constant 0 : i32
        %dma_wait3A_152 = tpu.memref_slice %arg3[%mul3A_142, %dma_wait3A_151] : memref<10240x128xf32, #tpu.memory_space<hbm>> -> memref<640x128xf32, #tpu.memory_space<hbm>>
        tpu.wait_dma2 semaphore(%run_scoped3A : memref<!tpu.dma_semaphore, #tpu.memory_space<semaphore_mem>>) src(%dma_wait3A_152 : memref<640x128xf32, #tpu.memory_space<hbm>>) dst(%dma_wait3A_150 : memref<640x128xf32, #tpu.memory_space<vmem_shared>>)
        tpu.yield
      }) : () -> ()
    } else {
    }
    %ne3A_38 = arith.constant 0 : i32
    %ne3A_39 = arith.cmpi ne, %arg0, %ne3A_38 : i32
    %convert_element_type3A_40 = arith.extui %ne3A_39 : i1 to i32
    %cond3A_41 = arith.constant 0 : i32
    %cond3A_42 = arith.cmpi ne, %convert_element_type3A_40, %cond3A_41 : i32
    scf.if %cond3A_42 {
      %mul3A_141 = arith.constant 640 : i32
      %mul3A_142 = arith.muli %arg1, %mul3A_141 : i32
      %mul3A_143 = arith.constant 640 : i32
      %mul3A_144 = arith.muli %arg1, %mul3A_143 : i32
      "tpu.region"() ({
        %run_scoped3A = tpu.sem_alloc : memref<!tpu.dma_semaphore, #tpu.memory_space<semaphore_mem>>
        %dma_start3A_145 = arith.constant 0 : i32
        %dma_start3A_146 = tpu.memref_slice %arg17[%mul3A_144, %dma_start3A_145] : memref<10240x128xf32, #tpu.memory_space<vmem_shared>> -> memref<640x128xf32, #tpu.memory_space<vmem_shared>>
        %dma_start3A_147 = arith.constant 0 : i32
        %dma_start3A_148 = tpu.memref_slice %arg8[%mul3A_142, %dma_start3A_147] : memref<10240x128xf32, #tpu.memory_space<hbm>> -> memref<640x128xf32, #tpu.memory_space<hbm>>
        tpu.enqueue_dma source(%dma_start3A_148 : memref<640x128xf32, #tpu.memory_space<hbm>>) target(%dma_start3A_146 : memref<640x128xf32, #tpu.memory_space<vmem_shared>>) target_semaphore(%run_scoped3A : memref<!tpu.dma_semaphore, #tpu.memory_space<semaphore_mem>>)
        %dma_wait3A_149 = arith.constant 0 : i32
        %dma_wait3A_150 = tpu.memref_slice %arg17[%mul3A_144, %dma_wait3A_149] : memref<10240x128xf32, #tpu.memory_space<vmem_shared>> -> memref<640x128xf32, #tpu.memory_space<vmem_shared>>
        %dma_wait3A_151 = arith.constant 0 : i32
        %dma_wait3A_152 = tpu.memref_slice %arg8[%mul3A_142, %dma_wait3A_151] : memref<10240x128xf32, #tpu.memory_space<hbm>> -> memref<640x128xf32, #tpu.memory_space<hbm>>
        tpu.wait_dma2 semaphore(%run_scoped3A : memref<!tpu.dma_semaphore, #tpu.memory_space<semaphore_mem>>) src(%dma_wait3A_152 : memref<640x128xf32, #tpu.memory_space<hbm>>) dst(%dma_wait3A_150 : memref<640x128xf32, #tpu.memory_space<vmem_shared>>)
        tpu.yield
      }) : () -> ()
    } else {
    }
    %barrier3A_43 = arith.constant 0 : index
    tpu.barrier barrier_id(%barrier3A_43)
    %dma_start3A_44 = arith.constant 0 : i32
    %dma_start3A_45 = arith.constant 0 : i32
    %dma_start3A_46 = tpu.memref_slice %arg13[%dma_start3A_44, %dma_start3A_45] : memref<40x125xi32, #tpu.memory_space<vmem>> -> memref<1x125xi32, #tpu.memory_space<vmem>>
    %dma_start3A_47 = tpu.memref_squeeze %dma_start3A_46 : memref<1x125xi32, #tpu.memory_space<vmem>> -> memref<125xi32, #tpu.memory_space<vmem>>
    %dma_start3A_48 = arith.constant 0 : i32
    %dma_start3A_49 = arith.constant 0 : i32
    %dma_start3A_50 = tpu.memref_slice %arg3[%dma_start3A_48, %dma_start3A_49] : memref<10240x128xf32, #tpu.memory_space<hbm>> -> memref<10240x128xf32, #tpu.memory_space<hbm>>
    tpu.enqueue_indirect_dma source(%dma_start3A_50 : memref<10240x128xf32, #tpu.memory_space<hbm>>) target(%arg15 : memref<125x128xf32, #tpu.memory_space<vmem>>) offsets(%dma_start3A_47 : memref<125xi32, #tpu.memory_space<vmem>>) semaphore(%arg18 : memref<!tpu.dma_semaphore, #tpu.memory_space<semaphore_mem>>)
    %scan3A_51 = arith.constant 0 : i32
    %scan3A_52 = arith.constant 0 : i32
    %scan3A_53 = arith.constant 20 : i32
    %scan3A_54 = arith.addi %scan3A_52, %scan3A_53 : i32
    %scan3A_55 = arith.constant 1 : i32
    scf.for %scan3A_141 = %scan3A_52 to %scan3A_54 step %scan3A_55  : i32 {
      %mul3A_142 = arith.constant 2 : i32
      %mul3A_143 = arith.muli %mul3A_142, %scan3A_141 : i32
      %add3A_144 = arith.constant 1 : i32
      %add3A_145 = arith.addi %mul3A_143, %add3A_144 : i32
      %dma_start3A_146 = arith.constant 0 : i32
      %dma_start3A_147 = tpu.memref_slice %arg13[%add3A_145, %dma_start3A_146] : memref<40x125xi32, #tpu.memory_space<vmem>> -> memref<1x125xi32, #tpu.memory_space<vmem>>
      %dma_start3A_148 = tpu.memref_squeeze %dma_start3A_147 : memref<1x125xi32, #tpu.memory_space<vmem>> -> memref<125xi32, #tpu.memory_space<vmem>>
      %dma_start3A_149 = arith.constant 0 : i32
      %dma_start3A_150 = arith.constant 0 : i32
      %dma_start3A_151 = tpu.memref_slice %arg3[%dma_start3A_149, %dma_start3A_150] : memref<10240x128xf32, #tpu.memory_space<hbm>> -> memref<10240x128xf32, #tpu.memory_space<hbm>>
      tpu.enqueue_indirect_dma source(%dma_start3A_151 : memref<10240x128xf32, #tpu.memory_space<hbm>>) target(%arg16 : memref<125x128xf32, #tpu.memory_space<vmem>>) offsets(%dma_start3A_148 : memref<125xi32, #tpu.memory_space<vmem>>) semaphore(%arg19 : memref<!tpu.dma_semaphore, #tpu.memory_space<semaphore_mem>>)
      %dma_wait3A_152 = arith.constant 0 : i32
      %dma_wait3A_153 = arith.constant 0 : i32
      %dma_wait3A_154 = tpu.memref_slice %arg13[%dma_wait3A_152, %dma_wait3A_153] : memref<40x125xi32, #tpu.memory_space<vmem>> -> memref<1x125xi32, #tpu.memory_space<vmem>>
      %dma_wait3A_155 = tpu.memref_squeeze %dma_wait3A_154 : memref<1x125xi32, #tpu.memory_space<vmem>> -> memref<125xi32, #tpu.memory_space<vmem>>
      %dma_wait3A_156 = arith.constant 0 : i32
      %dma_wait3A_157 = arith.constant 0 : i32
      %dma_wait3A_158 = tpu.memref_slice %arg3[%dma_wait3A_156, %dma_wait3A_157] : memref<10240x128xf32, #tpu.memory_space<hbm>> -> memref<10240x128xf32, #tpu.memory_space<hbm>>
      tpu.wait_indirect_dma semaphore(%arg18 : memref<!tpu.dma_semaphore, #tpu.memory_space<semaphore_mem>>) src(%dma_wait3A_158 : memref<10240x128xf32, #tpu.memory_space<hbm>>) dst(%arg15 : memref<125x128xf32, #tpu.memory_space<vmem>>)
      "tpu.region"() ({
        %run_scoped3A = tpu.sem_alloc : memref<!tpu.dma_semaphore, #tpu.memory_space<semaphore_mem>>
        %dma_start3A_177 = arith.constant 0 : i32
        %dma_start3A_178 = tpu.memref_slice %arg14[%mul3A_143, %dma_start3A_177] : memref<40x125xi32, #tpu.memory_space<vmem>> -> memref<1x125xi32, #tpu.memory_space<vmem>>
        %dma_start3A_179 = tpu.memref_squeeze %dma_start3A_178 : memref<1x125xi32, #tpu.memory_space<vmem>> -> memref<125xi32, #tpu.memory_space<vmem>>
        %dma_start3A_180 = arith.constant 0 : i32
        %dma_start3A_181 = arith.constant 0 : i32
        %dma_start3A_182 = tpu.memref_slice %arg17[%dma_start3A_180, %dma_start3A_181] : memref<10240x128xf32, #tpu.memory_space<vmem_shared>> -> memref<10240x128xf32, #tpu.memory_space<vmem_shared>>
        tpu.enqueue_indirect_dma source(%arg15 : memref<125x128xf32, #tpu.memory_space<vmem>>) target(%dma_start3A_182 : memref<10240x128xf32, #tpu.memory_space<vmem_shared>>) offsets(%dma_start3A_179 : memref<125xi32, #tpu.memory_space<vmem>>) semaphore(%run_scoped3A : memref<!tpu.dma_semaphore, #tpu.memory_space<semaphore_mem>>) {add = true}
        %dma_wait3A_183 = arith.constant 0 : i32
        %dma_wait3A_184 = tpu.memref_slice %arg14[%mul3A_143, %dma_wait3A_183] : memref<40x125xi32, #tpu.memory_space<vmem>> -> memref<1x125xi32, #tpu.memory_space<vmem>>
        %dma_wait3A_185 = tpu.memref_squeeze %dma_wait3A_184 : memref<1x125xi32, #tpu.memory_space<vmem>> -> memref<125xi32, #tpu.memory_space<vmem>>
        %dma_wait3A_186 = arith.constant 0 : i32
        %dma_wait3A_187 = arith.constant 0 : i32
        %dma_wait3A_188 = tpu.memref_slice %arg17[%dma_wait3A_186, %dma_wait3A_187] : memref<10240x128xf32, #tpu.memory_space<vmem_shared>> -> memref<10240x128xf32, #tpu.memory_space<vmem_shared>>
        tpu.wait_indirect_dma semaphore(%run_scoped3A : memref<!tpu.dma_semaphore, #tpu.memory_space<semaphore_mem>>) src(%arg15 : memref<125x128xf32, #tpu.memory_space<vmem>>) dst(%dma_wait3A_188 : memref<10240x128xf32, #tpu.memory_space<vmem_shared>>)
        tpu.yield
      }) : () -> ()
      %add3A_159 = arith.constant 2 : i32
      %add3A_160 = arith.addi %mul3A_143, %add3A_159 : i32
      %lt3A = arith.constant 40 : i32
      %lt3A_161 = arith.cmpi slt, %add3A_160, %lt3A : i32
      %add3A_162 = arith.constant 2 : i32
      %add3A_163 = arith.addi %mul3A_143, %add3A_162 : i32
      %jit3A = arith.constant 0 : i32
      %select_n3A = arith.select %lt3A_161, %add3A_163, %jit3A : i32
      %dma_start3A_164 = arith.constant 0 : i32
      %dma_start3A_165 = tpu.memref_slice %arg13[%select_n3A, %dma_start3A_164] : memref<40x125xi32, #tpu.memory_space<vmem>> -> memref<1x125xi32, #tpu.memory_space<vmem>>
      %dma_start3A_166 = tpu.memref_squeeze %dma_start3A_165 : memref<1x125xi32, #tpu.memory_space<vmem>> -> memref<125xi32, #tpu.memory_space<vmem>>
      %dma_start3A_167 = arith.constant 0 : i32
      %dma_start3A_168 = arith.constant 0 : i32
      %dma_start3A_169 = tpu.memref_slice %arg3[%dma_start3A_167, %dma_start3A_168] : memref<10240x128xf32, #tpu.memory_space<hbm>> -> memref<10240x128xf32, #tpu.memory_space<hbm>>
      tpu.enqueue_indirect_dma source(%dma_start3A_169 : memref<10240x128xf32, #tpu.memory_space<hbm>>) target(%arg15 : memref<125x128xf32, #tpu.memory_space<vmem>>) offsets(%dma_start3A_166 : memref<125xi32, #tpu.memory_space<vmem>>) semaphore(%arg18 : memref<!tpu.dma_semaphore, #tpu.memory_space<semaphore_mem>>)
      %dma_wait3A_170 = arith.constant 0 : i32
      %dma_wait3A_171 = arith.constant 0 : i32
      %dma_wait3A_172 = tpu.memref_slice %arg13[%dma_wait3A_170, %dma_wait3A_171] : memref<40x125xi32, #tpu.memory_space<vmem>> -> memref<1x125xi32, #tpu.memory_space<vmem>>
      %dma_wait3A_173 = tpu.memref_squeeze %dma_wait3A_172 : memref<1x125xi32, #tpu.memory_space<vmem>> -> memref<125xi32, #tpu.memory_space<vmem>>
      %dma_wait3A_174 = arith.constant 0 : i32
      %dma_wait3A_175 = arith.constant 0 : i32
      %dma_wait3A_176 = tpu.memref_slice %arg3[%dma_wait3A_174, %dma_wait3A_175] : memref<10240x128xf32, #tpu.memory_space<hbm>> -> memref<10240x128xf32, #tpu.memory_space<hbm>>
      tpu.wait_indirect_dma semaphore(%arg19 : memref<!tpu.dma_semaphore, #tpu.memory_space<semaphore_mem>>) src(%dma_wait3A_176 : memref<10240x128xf32, #tpu.memory_space<hbm>>) dst(%arg16 : memref<125x128xf32, #tpu.memory_space<vmem>>)
      "tpu.region"() ({
        %run_scoped3A = tpu.sem_alloc : memref<!tpu.dma_semaphore, #tpu.memory_space<semaphore_mem>>
        %dma_start3A_177 = arith.constant 0 : i32
        %dma_start3A_178 = tpu.memref_slice %arg14[%add3A_145, %dma_start3A_177] : memref<40x125xi32, #tpu.memory_space<vmem>> -> memref<1x125xi32, #tpu.memory_space<vmem>>
        %dma_start3A_179 = tpu.memref_squeeze %dma_start3A_178 : memref<1x125xi32, #tpu.memory_space<vmem>> -> memref<125xi32, #tpu.memory_space<vmem>>
        %dma_start3A_180 = arith.constant 0 : i32
        %dma_start3A_181 = arith.constant 0 : i32
        %dma_start3A_182 = tpu.memref_slice %arg17[%dma_start3A_180, %dma_start3A_181] : memref<10240x128xf32, #tpu.memory_space<vmem_shared>> -> memref<10240x128xf32, #tpu.memory_space<vmem_shared>>
        tpu.enqueue_indirect_dma source(%arg16 : memref<125x128xf32, #tpu.memory_space<vmem>>) target(%dma_start3A_182 : memref<10240x128xf32, #tpu.memory_space<vmem_shared>>) offsets(%dma_start3A_179 : memref<125xi32, #tpu.memory_space<vmem>>) semaphore(%run_scoped3A : memref<!tpu.dma_semaphore, #tpu.memory_space<semaphore_mem>>) {add = true}
        %dma_wait3A_183 = arith.constant 0 : i32
        %dma_wait3A_184 = tpu.memref_slice %arg14[%add3A_145, %dma_wait3A_183] : memref<40x125xi32, #tpu.memory_space<vmem>> -> memref<1x125xi32, #tpu.memory_space<vmem>>
        %dma_wait3A_185 = tpu.memref_squeeze %dma_wait3A_184 : memref<1x125xi32, #tpu.memory_space<vmem>> -> memref<125xi32, #tpu.memory_space<vmem>>
        %dma_wait3A_186 = arith.constant 0 : i32
        %dma_wait3A_187 = arith.constant 0 : i32
        %dma_wait3A_188 = tpu.memref_slice %arg17[%dma_wait3A_186, %dma_wait3A_187] : memref<10240x128xf32, #tpu.memory_space<vmem_shared>> -> memref<10240x128xf32, #tpu.memory_space<vmem_shared>>
        tpu.wait_indirect_dma semaphore(%run_scoped3A : memref<!tpu.dma_semaphore, #tpu.memory_space<semaphore_mem>>) src(%arg16 : memref<125x128xf32, #tpu.memory_space<vmem>>) dst(%dma_wait3A_188 : memref<10240x128xf32, #tpu.memory_space<vmem_shared>>)
        tpu.yield
      }) : () -> ()
    }
    %scan3A_56 = arith.constant 20 : i32
    %dma_wait3A_57 = arith.constant 0 : i32
    %dma_wait3A_58 = arith.constant 0 : i32
    %dma_wait3A_59 = tpu.memref_slice %arg13[%dma_wait3A_57, %dma_wait3A_58] : memref<40x125xi32, #tpu.memory_space<vmem>> -> memref<1x125xi32, #tpu.memory_space<vmem>>
    %dma_wait3A_60 = tpu.memref_squeeze %dma_wait3A_59 : memref<1x125xi32, #tpu.memory_space<vmem>> -> memref<125xi32, #tpu.memory_space<vmem>>
    %dma_wait3A_61 = arith.constant 0 : i32
    %dma_wait3A_62 = arith.constant 0 : i32
    %dma_wait3A_63 = tpu.memref_slice %arg3[%dma_wait3A_61, %dma_wait3A_62] : memref<10240x128xf32, #tpu.memory_space<hbm>> -> memref<10240x128xf32, #tpu.memory_space<hbm>>
    tpu.wait_indirect_dma semaphore(%arg18 : memref<!tpu.dma_semaphore, #tpu.memory_space<semaphore_mem>>) src(%dma_wait3A_63 : memref<10240x128xf32, #tpu.memory_space<hbm>>) dst(%arg15 : memref<125x128xf32, #tpu.memory_space<vmem>>)
    %barrier3A_64 = arith.constant 0 : index
    tpu.barrier barrier_id(%barrier3A_64)
    %mul3A_65 = arith.constant 640 : i32
    %mul3A_66 = arith.muli %arg1, %mul3A_65 : i32
    %mul3A_67 = arith.constant 640 : i32
    %mul3A_68 = arith.muli %arg1, %mul3A_67 : i32
    "tpu.region"() ({
      %run_scoped3A = tpu.sem_alloc : memref<!tpu.dma_semaphore, #tpu.memory_space<semaphore_mem>>
      %dma_start3A_141 = arith.constant 0 : i32
      %dma_start3A_142 = tpu.memref_slice %arg10[%arg0, %mul3A_68, %dma_start3A_141] : memref<2x10240x128xf32, #tpu.memory_space<hbm>> -> memref<1x640x128xf32, #tpu.memory_space<hbm>>
      %dma_start3A_143 = tpu.memref_squeeze %dma_start3A_142 : memref<1x640x128xf32, #tpu.memory_space<hbm>> -> memref<640x128xf32, #tpu.memory_space<hbm>>
      %dma_start3A_144 = arith.constant 0 : i32
      %dma_start3A_145 = tpu.memref_slice %arg17[%mul3A_66, %dma_start3A_144] : memref<10240x128xf32, #tpu.memory_space<vmem_shared>> -> memref<640x128xf32, #tpu.memory_space<vmem_shared>>
      tpu.enqueue_dma source(%dma_start3A_145 : memref<640x128xf32, #tpu.memory_space<vmem_shared>>) target(%dma_start3A_143 : memref<640x128xf32, #tpu.memory_space<hbm>>) target_semaphore(%run_scoped3A : memref<!tpu.dma_semaphore, #tpu.memory_space<semaphore_mem>>)
      %dma_wait3A_146 = arith.constant 0 : i32
      %dma_wait3A_147 = tpu.memref_slice %arg10[%arg0, %mul3A_68, %dma_wait3A_146] : memref<2x10240x128xf32, #tpu.memory_space<hbm>> -> memref<1x640x128xf32, #tpu.memory_space<hbm>>
      %dma_wait3A_148 = tpu.memref_squeeze %dma_wait3A_147 : memref<1x640x128xf32, #tpu.memory_space<hbm>> -> memref<640x128xf32, #tpu.memory_space<hbm>>
      %dma_wait3A_149 = arith.constant 0 : i32
      %dma_wait3A_150 = tpu.memref_slice %arg17[%mul3A_66, %dma_wait3A_149] : memref<10240x128xf32, #tpu.memory_space<vmem_shared>> -> memref<640x128xf32, #tpu.memory_space<vmem_shared>>
      tpu.wait_dma2 semaphore(%run_scoped3A : memref<!tpu.dma_semaphore, #tpu.memory_space<semaphore_mem>>) src(%dma_wait3A_150 : memref<640x128xf32, #tpu.memory_space<vmem_shared>>) dst(%dma_wait3A_148 : memref<640x128xf32, #tpu.memory_space<hbm>>)
      tpu.yield
    }) : () -> ()
    %eq3A_69 = arith.constant 0 : i32
    %eq3A_70 = arith.cmpi eq, %arg0, %eq3A_69 : i32
    %convert_element_type3A_71 = arith.extui %eq3A_70 : i1 to i32
    %cond3A_72 = arith.constant 0 : i32
    %cond3A_73 = arith.cmpi ne, %convert_element_type3A_71, %cond3A_72 : i32
    scf.if %cond3A_73 {
      %mul3A_141 = arith.constant 640 : i32
      %mul3A_142 = arith.muli %arg1, %mul3A_141 : i32
      %mul3A_143 = arith.constant 640 : i32
      %mul3A_144 = arith.muli %arg1, %mul3A_143 : i32
      "tpu.region"() ({
        %run_scoped3A = tpu.sem_alloc : memref<!tpu.dma_semaphore, #tpu.memory_space<semaphore_mem>>
        %dma_start3A_145 = arith.constant 0 : i32
        %dma_start3A_146 = tpu.memref_slice %arg17[%mul3A_144, %dma_start3A_145] : memref<10240x128xf32, #tpu.memory_space<vmem_shared>> -> memref<640x128xf32, #tpu.memory_space<vmem_shared>>
        %dma_start3A_147 = arith.constant 0 : i32
        %dma_start3A_148 = tpu.memref_slice %arg4[%mul3A_142, %dma_start3A_147] : memref<10240x128xf32, #tpu.memory_space<hbm>> -> memref<640x128xf32, #tpu.memory_space<hbm>>
        tpu.enqueue_dma source(%dma_start3A_148 : memref<640x128xf32, #tpu.memory_space<hbm>>) target(%dma_start3A_146 : memref<640x128xf32, #tpu.memory_space<vmem_shared>>) target_semaphore(%run_scoped3A : memref<!tpu.dma_semaphore, #tpu.memory_space<semaphore_mem>>)
        %dma_wait3A_149 = arith.constant 0 : i32
        %dma_wait3A_150 = tpu.memref_slice %arg17[%mul3A_144, %dma_wait3A_149] : memref<10240x128xf32, #tpu.memory_space<vmem_shared>> -> memref<640x128xf32, #tpu.memory_space<vmem_shared>>
        %dma_wait3A_151 = arith.constant 0 : i32
        %dma_wait3A_152 = tpu.memref_slice %arg4[%mul3A_142, %dma_wait3A_151] : memref<10240x128xf32, #tpu.memory_space<hbm>> -> memref<640x128xf32, #tpu.memory_space<hbm>>
        tpu.wait_dma2 semaphore(%run_scoped3A : memref<!tpu.dma_semaphore, #tpu.memory_space<semaphore_mem>>) src(%dma_wait3A_152 : memref<640x128xf32, #tpu.memory_space<hbm>>) dst(%dma_wait3A_150 : memref<640x128xf32, #tpu.memory_space<vmem_shared>>)
        tpu.yield
      }) : () -> ()
    } else {
    }
    %ne3A_74 = arith.constant 0 : i32
    %ne3A_75 = arith.cmpi ne, %arg0, %ne3A_74 : i32
    %convert_element_type3A_76 = arith.extui %ne3A_75 : i1 to i32
    %cond3A_77 = arith.constant 0 : i32
    %cond3A_78 = arith.cmpi ne, %convert_element_type3A_76, %cond3A_77 : i32
    scf.if %cond3A_78 {
      %mul3A_141 = arith.constant 640 : i32
      %mul3A_142 = arith.muli %arg1, %mul3A_141 : i32
      %mul3A_143 = arith.constant 640 : i32
      %mul3A_144 = arith.muli %arg1, %mul3A_143 : i32
      "tpu.region"() ({
        %run_scoped3A = tpu.sem_alloc : memref<!tpu.dma_semaphore, #tpu.memory_space<semaphore_mem>>
        %dma_start3A_145 = arith.constant 0 : i32
        %dma_start3A_146 = tpu.memref_slice %arg17[%mul3A_144, %dma_start3A_145] : memref<10240x128xf32, #tpu.memory_space<vmem_shared>> -> memref<640x128xf32, #tpu.memory_space<vmem_shared>>
        %dma_start3A_147 = arith.constant 0 : i32
        %dma_start3A_148 = tpu.memref_slice %arg8[%mul3A_142, %dma_start3A_147] : memref<10240x128xf32, #tpu.memory_space<hbm>> -> memref<640x128xf32, #tpu.memory_space<hbm>>
        tpu.enqueue_dma source(%dma_start3A_148 : memref<640x128xf32, #tpu.memory_space<hbm>>) target(%dma_start3A_146 : memref<640x128xf32, #tpu.memory_space<vmem_shared>>) target_semaphore(%run_scoped3A : memref<!tpu.dma_semaphore, #tpu.memory_space<semaphore_mem>>)
        %dma_wait3A_149 = arith.constant 0 : i32
        %dma_wait3A_150 = tpu.memref_slice %arg17[%mul3A_144, %dma_wait3A_149] : memref<10240x128xf32, #tpu.memory_space<vmem_shared>> -> memref<640x128xf32, #tpu.memory_space<vmem_shared>>
        %dma_wait3A_151 = arith.constant 0 : i32
        %dma_wait3A_152 = tpu.memref_slice %arg8[%mul3A_142, %dma_wait3A_151] : memref<10240x128xf32, #tpu.memory_space<hbm>> -> memref<640x128xf32, #tpu.memory_space<hbm>>
        tpu.wait_dma2 semaphore(%run_scoped3A : memref<!tpu.dma_semaphore, #tpu.memory_space<semaphore_mem>>) src(%dma_wait3A_152 : memref<640x128xf32, #tpu.memory_space<hbm>>) dst(%dma_wait3A_150 : memref<640x128xf32, #tpu.memory_space<vmem_shared>>)
        tpu.yield
      }) : () -> ()
    } else {
    }
    %barrier3A_79 = arith.constant 0 : index
    tpu.barrier barrier_id(%barrier3A_79)
    %dma_start3A_80 = arith.constant 0 : i32
    %dma_start3A_81 = arith.constant 0 : i32
    %dma_start3A_82 = tpu.memref_slice %arg13[%dma_start3A_80, %dma_start3A_81] : memref<40x125xi32, #tpu.memory_space<vmem>> -> memref<1x125xi32, #tpu.memory_space<vmem>>
    %dma_start3A_83 = tpu.memref_squeeze %dma_start3A_82 : memref<1x125xi32, #tpu.memory_space<vmem>> -> memref<125xi32, #tpu.memory_space<vmem>>
    %dma_start3A_84 = arith.constant 0 : i32
    %dma_start3A_85 = arith.constant 0 : i32
    %dma_start3A_86 = tpu.memref_slice %arg4[%dma_start3A_84, %dma_start3A_85] : memref<10240x128xf32, #tpu.memory_space<hbm>> -> memref<10240x128xf32, #tpu.memory_space<hbm>>
    tpu.enqueue_indirect_dma source(%dma_start3A_86 : memref<10240x128xf32, #tpu.memory_space<hbm>>) target(%arg15 : memref<125x128xf32, #tpu.memory_space<vmem>>) offsets(%dma_start3A_83 : memref<125xi32, #tpu.memory_space<vmem>>) semaphore(%arg18 : memref<!tpu.dma_semaphore, #tpu.memory_space<semaphore_mem>>)
    %scan3A_87 = arith.constant 0 : i32
    %scan3A_88 = arith.constant 0 : i32
    %scan3A_89 = arith.constant 20 : i32
    %scan3A_90 = arith.addi %scan3A_88, %scan3A_89 : i32
    %scan3A_91 = arith.constant 1 : i32
    scf.for %scan3A_141 = %scan3A_88 to %scan3A_90 step %scan3A_91  : i32 {
      %mul3A_142 = arith.constant 2 : i32
      %mul3A_143 = arith.muli %mul3A_142, %scan3A_141 : i32
      %add3A_144 = arith.constant 1 : i32
      %add3A_145 = arith.addi %mul3A_143, %add3A_144 : i32
      %dma_start3A_146 = arith.constant 0 : i32
      %dma_start3A_147 = tpu.memref_slice %arg13[%add3A_145, %dma_start3A_146] : memref<40x125xi32, #tpu.memory_space<vmem>> -> memref<1x125xi32, #tpu.memory_space<vmem>>
      %dma_start3A_148 = tpu.memref_squeeze %dma_start3A_147 : memref<1x125xi32, #tpu.memory_space<vmem>> -> memref<125xi32, #tpu.memory_space<vmem>>
      %dma_start3A_149 = arith.constant 0 : i32
      %dma_start3A_150 = arith.constant 0 : i32
      %dma_start3A_151 = tpu.memref_slice %arg4[%dma_start3A_149, %dma_start3A_150] : memref<10240x128xf32, #tpu.memory_space<hbm>> -> memref<10240x128xf32, #tpu.memory_space<hbm>>
      tpu.enqueue_indirect_dma source(%dma_start3A_151 : memref<10240x128xf32, #tpu.memory_space<hbm>>) target(%arg16 : memref<125x128xf32, #tpu.memory_space<vmem>>) offsets(%dma_start3A_148 : memref<125xi32, #tpu.memory_space<vmem>>) semaphore(%arg19 : memref<!tpu.dma_semaphore, #tpu.memory_space<semaphore_mem>>)
      %dma_wait3A_152 = arith.constant 0 : i32
      %dma_wait3A_153 = arith.constant 0 : i32
      %dma_wait3A_154 = tpu.memref_slice %arg13[%dma_wait3A_152, %dma_wait3A_153] : memref<40x125xi32, #tpu.memory_space<vmem>> -> memref<1x125xi32, #tpu.memory_space<vmem>>
      %dma_wait3A_155 = tpu.memref_squeeze %dma_wait3A_154 : memref<1x125xi32, #tpu.memory_space<vmem>> -> memref<125xi32, #tpu.memory_space<vmem>>
      %dma_wait3A_156 = arith.constant 0 : i32
      %dma_wait3A_157 = arith.constant 0 : i32
      %dma_wait3A_158 = tpu.memref_slice %arg4[%dma_wait3A_156, %dma_wait3A_157] : memref<10240x128xf32, #tpu.memory_space<hbm>> -> memref<10240x128xf32, #tpu.memory_space<hbm>>
      tpu.wait_indirect_dma semaphore(%arg18 : memref<!tpu.dma_semaphore, #tpu.memory_space<semaphore_mem>>) src(%dma_wait3A_158 : memref<10240x128xf32, #tpu.memory_space<hbm>>) dst(%arg15 : memref<125x128xf32, #tpu.memory_space<vmem>>)
      "tpu.region"() ({
        %run_scoped3A = tpu.sem_alloc : memref<!tpu.dma_semaphore, #tpu.memory_space<semaphore_mem>>
        %dma_start3A_177 = arith.constant 0 : i32
        %dma_start3A_178 = tpu.memref_slice %arg14[%mul3A_143, %dma_start3A_177] : memref<40x125xi32, #tpu.memory_space<vmem>> -> memref<1x125xi32, #tpu.memory_space<vmem>>
        %dma_start3A_179 = tpu.memref_squeeze %dma_start3A_178 : memref<1x125xi32, #tpu.memory_space<vmem>> -> memref<125xi32, #tpu.memory_space<vmem>>
        %dma_start3A_180 = arith.constant 0 : i32
        %dma_start3A_181 = arith.constant 0 : i32
        %dma_start3A_182 = tpu.memref_slice %arg17[%dma_start3A_180, %dma_start3A_181] : memref<10240x128xf32, #tpu.memory_space<vmem_shared>> -> memref<10240x128xf32, #tpu.memory_space<vmem_shared>>
        tpu.enqueue_indirect_dma source(%arg15 : memref<125x128xf32, #tpu.memory_space<vmem>>) target(%dma_start3A_182 : memref<10240x128xf32, #tpu.memory_space<vmem_shared>>) offsets(%dma_start3A_179 : memref<125xi32, #tpu.memory_space<vmem>>) semaphore(%run_scoped3A : memref<!tpu.dma_semaphore, #tpu.memory_space<semaphore_mem>>) {add = true}
        %dma_wait3A_183 = arith.constant 0 : i32
        %dma_wait3A_184 = tpu.memref_slice %arg14[%mul3A_143, %dma_wait3A_183] : memref<40x125xi32, #tpu.memory_space<vmem>> -> memref<1x125xi32, #tpu.memory_space<vmem>>
        %dma_wait3A_185 = tpu.memref_squeeze %dma_wait3A_184 : memref<1x125xi32, #tpu.memory_space<vmem>> -> memref<125xi32, #tpu.memory_space<vmem>>
        %dma_wait3A_186 = arith.constant 0 : i32
        %dma_wait3A_187 = arith.constant 0 : i32
        %dma_wait3A_188 = tpu.memref_slice %arg17[%dma_wait3A_186, %dma_wait3A_187] : memref<10240x128xf32, #tpu.memory_space<vmem_shared>> -> memref<10240x128xf32, #tpu.memory_space<vmem_shared>>
        tpu.wait_indirect_dma semaphore(%run_scoped3A : memref<!tpu.dma_semaphore, #tpu.memory_space<semaphore_mem>>) src(%arg15 : memref<125x128xf32, #tpu.memory_space<vmem>>) dst(%dma_wait3A_188 : memref<10240x128xf32, #tpu.memory_space<vmem_shared>>)
        tpu.yield
      }) : () -> ()
      %add3A_159 = arith.constant 2 : i32
      %add3A_160 = arith.addi %mul3A_143, %add3A_159 : i32
      %lt3A = arith.constant 40 : i32
      %lt3A_161 = arith.cmpi slt, %add3A_160, %lt3A : i32
      %add3A_162 = arith.constant 2 : i32
      %add3A_163 = arith.addi %mul3A_143, %add3A_162 : i32
      %jit3A = arith.constant 0 : i32
      %select_n3A = arith.select %lt3A_161, %add3A_163, %jit3A : i32
      %dma_start3A_164 = arith.constant 0 : i32
      %dma_start3A_165 = tpu.memref_slice %arg13[%select_n3A, %dma_start3A_164] : memref<40x125xi32, #tpu.memory_space<vmem>> -> memref<1x125xi32, #tpu.memory_space<vmem>>
      %dma_start3A_166 = tpu.memref_squeeze %dma_start3A_165 : memref<1x125xi32, #tpu.memory_space<vmem>> -> memref<125xi32, #tpu.memory_space<vmem>>
      %dma_start3A_167 = arith.constant 0 : i32
      %dma_start3A_168 = arith.constant 0 : i32
      %dma_start3A_169 = tpu.memref_slice %arg4[%dma_start3A_167, %dma_start3A_168] : memref<10240x128xf32, #tpu.memory_space<hbm>> -> memref<10240x128xf32, #tpu.memory_space<hbm>>
      tpu.enqueue_indirect_dma source(%dma_start3A_169 : memref<10240x128xf32, #tpu.memory_space<hbm>>) target(%arg15 : memref<125x128xf32, #tpu.memory_space<vmem>>) offsets(%dma_start3A_166 : memref<125xi32, #tpu.memory_space<vmem>>) semaphore(%arg18 : memref<!tpu.dma_semaphore, #tpu.memory_space<semaphore_mem>>)
      %dma_wait3A_170 = arith.constant 0 : i32
      %dma_wait3A_171 = arith.constant 0 : i32
      %dma_wait3A_172 = tpu.memref_slice %arg13[%dma_wait3A_170, %dma_wait3A_171] : memref<40x125xi32, #tpu.memory_space<vmem>> -> memref<1x125xi32, #tpu.memory_space<vmem>>
      %dma_wait3A_173 = tpu.memref_squeeze %dma_wait3A_172 : memref<1x125xi32, #tpu.memory_space<vmem>> -> memref<125xi32, #tpu.memory_space<vmem>>
      %dma_wait3A_174 = arith.constant 0 : i32
      %dma_wait3A_175 = arith.constant 0 : i32
      %dma_wait3A_176 = tpu.memref_slice %arg4[%dma_wait3A_174, %dma_wait3A_175] : memref<10240x128xf32, #tpu.memory_space<hbm>> -> memref<10240x128xf32, #tpu.memory_space<hbm>>
      tpu.wait_indirect_dma semaphore(%arg19 : memref<!tpu.dma_semaphore, #tpu.memory_space<semaphore_mem>>) src(%dma_wait3A_176 : memref<10240x128xf32, #tpu.memory_space<hbm>>) dst(%arg16 : memref<125x128xf32, #tpu.memory_space<vmem>>)
      "tpu.region"() ({
        %run_scoped3A = tpu.sem_alloc : memref<!tpu.dma_semaphore, #tpu.memory_space<semaphore_mem>>
        %dma_start3A_177 = arith.constant 0 : i32
        %dma_start3A_178 = tpu.memref_slice %arg14[%add3A_145, %dma_start3A_177] : memref<40x125xi32, #tpu.memory_space<vmem>> -> memref<1x125xi32, #tpu.memory_space<vmem>>
        %dma_start3A_179 = tpu.memref_squeeze %dma_start3A_178 : memref<1x125xi32, #tpu.memory_space<vmem>> -> memref<125xi32, #tpu.memory_space<vmem>>
        %dma_start3A_180 = arith.constant 0 : i32
        %dma_start3A_181 = arith.constant 0 : i32
        %dma_start3A_182 = tpu.memref_slice %arg17[%dma_start3A_180, %dma_start3A_181] : memref<10240x128xf32, #tpu.memory_space<vmem_shared>> -> memref<10240x128xf32, #tpu.memory_space<vmem_shared>>
        tpu.enqueue_indirect_dma source(%arg16 : memref<125x128xf32, #tpu.memory_space<vmem>>) target(%dma_start3A_182 : memref<10240x128xf32, #tpu.memory_space<vmem_shared>>) offsets(%dma_start3A_179 : memref<125xi32, #tpu.memory_space<vmem>>) semaphore(%run_scoped3A : memref<!tpu.dma_semaphore, #tpu.memory_space<semaphore_mem>>) {add = true}
        %dma_wait3A_183 = arith.constant 0 : i32
        %dma_wait3A_184 = tpu.memref_slice %arg14[%add3A_145, %dma_wait3A_183] : memref<40x125xi32, #tpu.memory_space<vmem>> -> memref<1x125xi32, #tpu.memory_space<vmem>>
        %dma_wait3A_185 = tpu.memref_squeeze %dma_wait3A_184 : memref<1x125xi32, #tpu.memory_space<vmem>> -> memref<125xi32, #tpu.memory_space<vmem>>
        %dma_wait3A_186 = arith.constant 0 : i32
        %dma_wait3A_187 = arith.constant 0 : i32
        %dma_wait3A_188 = tpu.memref_slice %arg17[%dma_wait3A_186, %dma_wait3A_187] : memref<10240x128xf32, #tpu.memory_space<vmem_shared>> -> memref<10240x128xf32, #tpu.memory_space<vmem_shared>>
        tpu.wait_indirect_dma semaphore(%run_scoped3A : memref<!tpu.dma_semaphore, #tpu.memory_space<semaphore_mem>>) src(%arg16 : memref<125x128xf32, #tpu.memory_space<vmem>>) dst(%dma_wait3A_188 : memref<10240x128xf32, #tpu.memory_space<vmem_shared>>)
        tpu.yield
      }) : () -> ()
    }
    %scan3A_92 = arith.constant 20 : i32
    %dma_wait3A_93 = arith.constant 0 : i32
    %dma_wait3A_94 = arith.constant 0 : i32
    %dma_wait3A_95 = tpu.memref_slice %arg13[%dma_wait3A_93, %dma_wait3A_94] : memref<40x125xi32, #tpu.memory_space<vmem>> -> memref<1x125xi32, #tpu.memory_space<vmem>>
    %dma_wait3A_96 = tpu.memref_squeeze %dma_wait3A_95 : memref<1x125xi32, #tpu.memory_space<vmem>> -> memref<125xi32, #tpu.memory_space<vmem>>
    %dma_wait3A_97 = arith.constant 0 : i32
    %dma_wait3A_98 = arith.constant 0 : i32
    %dma_wait3A_99 = tpu.memref_slice %arg4[%dma_wait3A_97, %dma_wait3A_98] : memref<10240x128xf32, #tpu.memory_space<hbm>> -> memref<10240x128xf32, #tpu.memory_space<hbm>>
    tpu.wait_indirect_dma semaphore(%arg18 : memref<!tpu.dma_semaphore, #tpu.memory_space<semaphore_mem>>) src(%dma_wait3A_99 : memref<10240x128xf32, #tpu.memory_space<hbm>>) dst(%arg15 : memref<125x128xf32, #tpu.memory_space<vmem>>)
    %barrier3A_100 = arith.constant 0 : index
    tpu.barrier barrier_id(%barrier3A_100)
    %mul3A_101 = arith.constant 640 : i32
    %mul3A_102 = arith.muli %arg1, %mul3A_101 : i32
    %mul3A_103 = arith.constant 640 : i32
    %mul3A_104 = arith.muli %arg1, %mul3A_103 : i32
    "tpu.region"() ({
      %run_scoped3A = tpu.sem_alloc : memref<!tpu.dma_semaphore, #tpu.memory_space<semaphore_mem>>
      %dma_start3A_141 = arith.constant 0 : i32
      %dma_start3A_142 = tpu.memref_slice %arg11[%arg0, %mul3A_104, %dma_start3A_141] : memref<2x10240x128xf32, #tpu.memory_space<hbm>> -> memref<1x640x128xf32, #tpu.memory_space<hbm>>
      %dma_start3A_143 = tpu.memref_squeeze %dma_start3A_142 : memref<1x640x128xf32, #tpu.memory_space<hbm>> -> memref<640x128xf32, #tpu.memory_space<hbm>>
      %dma_start3A_144 = arith.constant 0 : i32
      %dma_start3A_145 = tpu.memref_slice %arg17[%mul3A_102, %dma_start3A_144] : memref<10240x128xf32, #tpu.memory_space<vmem_shared>> -> memref<640x128xf32, #tpu.memory_space<vmem_shared>>
      tpu.enqueue_dma source(%dma_start3A_145 : memref<640x128xf32, #tpu.memory_space<vmem_shared>>) target(%dma_start3A_143 : memref<640x128xf32, #tpu.memory_space<hbm>>) target_semaphore(%run_scoped3A : memref<!tpu.dma_semaphore, #tpu.memory_space<semaphore_mem>>)
      %dma_wait3A_146 = arith.constant 0 : i32
      %dma_wait3A_147 = tpu.memref_slice %arg11[%arg0, %mul3A_104, %dma_wait3A_146] : memref<2x10240x128xf32, #tpu.memory_space<hbm>> -> memref<1x640x128xf32, #tpu.memory_space<hbm>>
      %dma_wait3A_148 = tpu.memref_squeeze %dma_wait3A_147 : memref<1x640x128xf32, #tpu.memory_space<hbm>> -> memref<640x128xf32, #tpu.memory_space<hbm>>
      %dma_wait3A_149 = arith.constant 0 : i32
      %dma_wait3A_150 = tpu.memref_slice %arg17[%mul3A_102, %dma_wait3A_149] : memref<10240x128xf32, #tpu.memory_space<vmem_shared>> -> memref<640x128xf32, #tpu.memory_space<vmem_shared>>
      tpu.wait_dma2 semaphore(%run_scoped3A : memref<!tpu.dma_semaphore, #tpu.memory_space<semaphore_mem>>) src(%dma_wait3A_150 : memref<640x128xf32, #tpu.memory_space<vmem_shared>>) dst(%dma_wait3A_148 : memref<640x128xf32, #tpu.memory_space<hbm>>)
      tpu.yield
    }) : () -> ()
    %eq3A_105 = arith.constant 0 : i32
    %eq3A_106 = arith.cmpi eq, %arg0, %eq3A_105 : i32
    %convert_element_type3A_107 = arith.extui %eq3A_106 : i1 to i32
    %cond3A_108 = arith.constant 0 : i32
    %cond3A_109 = arith.cmpi ne, %convert_element_type3A_107, %cond3A_108 : i32
    scf.if %cond3A_109 {
      %mul3A_141 = arith.constant 640 : i32
      %mul3A_142 = arith.muli %arg1, %mul3A_141 : i32
      %mul3A_143 = arith.constant 640 : i32
      %mul3A_144 = arith.muli %arg1, %mul3A_143 : i32
      "tpu.region"() ({
        %run_scoped3A = tpu.sem_alloc : memref<!tpu.dma_semaphore, #tpu.memory_space<semaphore_mem>>
        %dma_start3A_145 = arith.constant 0 : i32
        %dma_start3A_146 = tpu.memref_slice %arg17[%mul3A_144, %dma_start3A_145] : memref<10240x128xf32, #tpu.memory_space<vmem_shared>> -> memref<640x128xf32, #tpu.memory_space<vmem_shared>>
        %dma_start3A_147 = arith.constant 0 : i32
        %dma_start3A_148 = tpu.memref_slice %arg5[%mul3A_142, %dma_start3A_147] : memref<10240x128xf32, #tpu.memory_space<hbm>> -> memref<640x128xf32, #tpu.memory_space<hbm>>
        tpu.enqueue_dma source(%dma_start3A_148 : memref<640x128xf32, #tpu.memory_space<hbm>>) target(%dma_start3A_146 : memref<640x128xf32, #tpu.memory_space<vmem_shared>>) target_semaphore(%run_scoped3A : memref<!tpu.dma_semaphore, #tpu.memory_space<semaphore_mem>>)
        %dma_wait3A_149 = arith.constant 0 : i32
        %dma_wait3A_150 = tpu.memref_slice %arg17[%mul3A_144, %dma_wait3A_149] : memref<10240x128xf32, #tpu.memory_space<vmem_shared>> -> memref<640x128xf32, #tpu.memory_space<vmem_shared>>
        %dma_wait3A_151 = arith.constant 0 : i32
        %dma_wait3A_152 = tpu.memref_slice %arg5[%mul3A_142, %dma_wait3A_151] : memref<10240x128xf32, #tpu.memory_space<hbm>> -> memref<640x128xf32, #tpu.memory_space<hbm>>
        tpu.wait_dma2 semaphore(%run_scoped3A : memref<!tpu.dma_semaphore, #tpu.memory_space<semaphore_mem>>) src(%dma_wait3A_152 : memref<640x128xf32, #tpu.memory_space<hbm>>) dst(%dma_wait3A_150 : memref<640x128xf32, #tpu.memory_space<vmem_shared>>)
        tpu.yield
      }) : () -> ()
    } else {
    }
    %ne3A_110 = arith.constant 0 : i32
    %ne3A_111 = arith.cmpi ne, %arg0, %ne3A_110 : i32
    %convert_element_type3A_112 = arith.extui %ne3A_111 : i1 to i32
    %cond3A_113 = arith.constant 0 : i32
    %cond3A_114 = arith.cmpi ne, %convert_element_type3A_112, %cond3A_113 : i32
    scf.if %cond3A_114 {
      %mul3A_141 = arith.constant 640 : i32
      %mul3A_142 = arith.muli %arg1, %mul3A_141 : i32
      %mul3A_143 = arith.constant 640 : i32
      %mul3A_144 = arith.muli %arg1, %mul3A_143 : i32
      "tpu.region"() ({
        %run_scoped3A = tpu.sem_alloc : memref<!tpu.dma_semaphore, #tpu.memory_space<semaphore_mem>>
        %dma_start3A_145 = arith.constant 0 : i32
        %dma_start3A_146 = tpu.memref_slice %arg17[%mul3A_144, %dma_start3A_145] : memref<10240x128xf32, #tpu.memory_space<vmem_shared>> -> memref<640x128xf32, #tpu.memory_space<vmem_shared>>
        %dma_start3A_147 = arith.constant 0 : i32
        %dma_start3A_148 = tpu.memref_slice %arg8[%mul3A_142, %dma_start3A_147] : memref<10240x128xf32, #tpu.memory_space<hbm>> -> memref<640x128xf32, #tpu.memory_space<hbm>>
        tpu.enqueue_dma source(%dma_start3A_148 : memref<640x128xf32, #tpu.memory_space<hbm>>) target(%dma_start3A_146 : memref<640x128xf32, #tpu.memory_space<vmem_shared>>) target_semaphore(%run_scoped3A : memref<!tpu.dma_semaphore, #tpu.memory_space<semaphore_mem>>)
        %dma_wait3A_149 = arith.constant 0 : i32
        %dma_wait3A_150 = tpu.memref_slice %arg17[%mul3A_144, %dma_wait3A_149] : memref<10240x128xf32, #tpu.memory_space<vmem_shared>> -> memref<640x128xf32, #tpu.memory_space<vmem_shared>>
        %dma_wait3A_151 = arith.constant 0 : i32
        %dma_wait3A_152 = tpu.memref_slice %arg8[%mul3A_142, %dma_wait3A_151] : memref<10240x128xf32, #tpu.memory_space<hbm>> -> memref<640x128xf32, #tpu.memory_space<hbm>>
        tpu.wait_dma2 semaphore(%run_scoped3A : memref<!tpu.dma_semaphore, #tpu.memory_space<semaphore_mem>>) src(%dma_wait3A_152 : memref<640x128xf32, #tpu.memory_space<hbm>>) dst(%dma_wait3A_150 : memref<640x128xf32, #tpu.memory_space<vmem_shared>>)
        tpu.yield
      }) : () -> ()
    } else {
    }
    %barrier3A_115 = arith.constant 0 : index
    tpu.barrier barrier_id(%barrier3A_115)
    %dma_start3A_116 = arith.constant 0 : i32
    %dma_start3A_117 = arith.constant 0 : i32
    %dma_start3A_118 = tpu.memref_slice %arg13[%dma_start3A_116, %dma_start3A_117] : memref<40x125xi32, #tpu.memory_space<vmem>> -> memref<1x125xi32, #tpu.memory_space<vmem>>
    %dma_start3A_119 = tpu.memref_squeeze %dma_start3A_118 : memref<1x125xi32, #tpu.memory_space<vmem>> -> memref<125xi32, #tpu.memory_space<vmem>>
    %dma_start3A_120 = arith.constant 0 : i32
    %dma_start3A_121 = arith.constant 0 : i32
    %dma_start3A_122 = tpu.memref_slice %arg5[%dma_start3A_120, %dma_start3A_121] : memref<10240x128xf32, #tpu.memory_space<hbm>> -> memref<10240x128xf32, #tpu.memory_space<hbm>>
    tpu.enqueue_indirect_dma source(%dma_start3A_122 : memref<10240x128xf32, #tpu.memory_space<hbm>>) target(%arg15 : memref<125x128xf32, #tpu.memory_space<vmem>>) offsets(%dma_start3A_119 : memref<125xi32, #tpu.memory_space<vmem>>) semaphore(%arg18 : memref<!tpu.dma_semaphore, #tpu.memory_space<semaphore_mem>>)
    %scan3A_123 = arith.constant 0 : i32
    %scan3A_124 = arith.constant 0 : i32
    %scan3A_125 = arith.constant 20 : i32
    %scan3A_126 = arith.addi %scan3A_124, %scan3A_125 : i32
    %scan3A_127 = arith.constant 1 : i32
    scf.for %scan3A_141 = %scan3A_124 to %scan3A_126 step %scan3A_127  : i32 {
      %mul3A_142 = arith.constant 2 : i32
      %mul3A_143 = arith.muli %mul3A_142, %scan3A_141 : i32
      %add3A_144 = arith.constant 1 : i32
      %add3A_145 = arith.addi %mul3A_143, %add3A_144 : i32
      %dma_start3A_146 = arith.constant 0 : i32
      %dma_start3A_147 = tpu.memref_slice %arg13[%add3A_145, %dma_start3A_146] : memref<40x125xi32, #tpu.memory_space<vmem>> -> memref<1x125xi32, #tpu.memory_space<vmem>>
      %dma_start3A_148 = tpu.memref_squeeze %dma_start3A_147 : memref<1x125xi32, #tpu.memory_space<vmem>> -> memref<125xi32, #tpu.memory_space<vmem>>
      %dma_start3A_149 = arith.constant 0 : i32
      %dma_start3A_150 = arith.constant 0 : i32
      %dma_start3A_151 = tpu.memref_slice %arg5[%dma_start3A_149, %dma_start3A_150] : memref<10240x128xf32, #tpu.memory_space<hbm>> -> memref<10240x128xf32, #tpu.memory_space<hbm>>
      tpu.enqueue_indirect_dma source(%dma_start3A_151 : memref<10240x128xf32, #tpu.memory_space<hbm>>) target(%arg16 : memref<125x128xf32, #tpu.memory_space<vmem>>) offsets(%dma_start3A_148 : memref<125xi32, #tpu.memory_space<vmem>>) semaphore(%arg19 : memref<!tpu.dma_semaphore, #tpu.memory_space<semaphore_mem>>)
      %dma_wait3A_152 = arith.constant 0 : i32
      %dma_wait3A_153 = arith.constant 0 : i32
      %dma_wait3A_154 = tpu.memref_slice %arg13[%dma_wait3A_152, %dma_wait3A_153] : memref<40x125xi32, #tpu.memory_space<vmem>> -> memref<1x125xi32, #tpu.memory_space<vmem>>
      %dma_wait3A_155 = tpu.memref_squeeze %dma_wait3A_154 : memref<1x125xi32, #tpu.memory_space<vmem>> -> memref<125xi32, #tpu.memory_space<vmem>>
      %dma_wait3A_156 = arith.constant 0 : i32
      %dma_wait3A_157 = arith.constant 0 : i32
      %dma_wait3A_158 = tpu.memref_slice %arg5[%dma_wait3A_156, %dma_wait3A_157] : memref<10240x128xf32, #tpu.memory_space<hbm>> -> memref<10240x128xf32, #tpu.memory_space<hbm>>
      tpu.wait_indirect_dma semaphore(%arg18 : memref<!tpu.dma_semaphore, #tpu.memory_space<semaphore_mem>>) src(%dma_wait3A_158 : memref<10240x128xf32, #tpu.memory_space<hbm>>) dst(%arg15 : memref<125x128xf32, #tpu.memory_space<vmem>>)
      "tpu.region"() ({
        %run_scoped3A = tpu.sem_alloc : memref<!tpu.dma_semaphore, #tpu.memory_space<semaphore_mem>>
        %dma_start3A_177 = arith.constant 0 : i32
        %dma_start3A_178 = tpu.memref_slice %arg14[%mul3A_143, %dma_start3A_177] : memref<40x125xi32, #tpu.memory_space<vmem>> -> memref<1x125xi32, #tpu.memory_space<vmem>>
        %dma_start3A_179 = tpu.memref_squeeze %dma_start3A_178 : memref<1x125xi32, #tpu.memory_space<vmem>> -> memref<125xi32, #tpu.memory_space<vmem>>
        %dma_start3A_180 = arith.constant 0 : i32
        %dma_start3A_181 = arith.constant 0 : i32
        %dma_start3A_182 = tpu.memref_slice %arg17[%dma_start3A_180, %dma_start3A_181] : memref<10240x128xf32, #tpu.memory_space<vmem_shared>> -> memref<10240x128xf32, #tpu.memory_space<vmem_shared>>
        tpu.enqueue_indirect_dma source(%arg15 : memref<125x128xf32, #tpu.memory_space<vmem>>) target(%dma_start3A_182 : memref<10240x128xf32, #tpu.memory_space<vmem_shared>>) offsets(%dma_start3A_179 : memref<125xi32, #tpu.memory_space<vmem>>) semaphore(%run_scoped3A : memref<!tpu.dma_semaphore, #tpu.memory_space<semaphore_mem>>) {add = true}
        %dma_wait3A_183 = arith.constant 0 : i32
        %dma_wait3A_184 = tpu.memref_slice %arg14[%mul3A_143, %dma_wait3A_183] : memref<40x125xi32, #tpu.memory_space<vmem>> -> memref<1x125xi32, #tpu.memory_space<vmem>>
        %dma_wait3A_185 = tpu.memref_squeeze %dma_wait3A_184 : memref<1x125xi32, #tpu.memory_space<vmem>> -> memref<125xi32, #tpu.memory_space<vmem>>
        %dma_wait3A_186 = arith.constant 0 : i32
        %dma_wait3A_187 = arith.constant 0 : i32
        %dma_wait3A_188 = tpu.memref_slice %arg17[%dma_wait3A_186, %dma_wait3A_187] : memref<10240x128xf32, #tpu.memory_space<vmem_shared>> -> memref<10240x128xf32, #tpu.memory_space<vmem_shared>>
        tpu.wait_indirect_dma semaphore(%run_scoped3A : memref<!tpu.dma_semaphore, #tpu.memory_space<semaphore_mem>>) src(%arg15 : memref<125x128xf32, #tpu.memory_space<vmem>>) dst(%dma_wait3A_188 : memref<10240x128xf32, #tpu.memory_space<vmem_shared>>)
        tpu.yield
      }) : () -> ()
      %add3A_159 = arith.constant 2 : i32
      %add3A_160 = arith.addi %mul3A_143, %add3A_159 : i32
      %lt3A = arith.constant 40 : i32
      %lt3A_161 = arith.cmpi slt, %add3A_160, %lt3A : i32
      %add3A_162 = arith.constant 2 : i32
      %add3A_163 = arith.addi %mul3A_143, %add3A_162 : i32
      %jit3A = arith.constant 0 : i32
      %select_n3A = arith.select %lt3A_161, %add3A_163, %jit3A : i32
      %dma_start3A_164 = arith.constant 0 : i32
      %dma_start3A_165 = tpu.memref_slice %arg13[%select_n3A, %dma_start3A_164] : memref<40x125xi32, #tpu.memory_space<vmem>> -> memref<1x125xi32, #tpu.memory_space<vmem>>
      %dma_start3A_166 = tpu.memref_squeeze %dma_start3A_165 : memref<1x125xi32, #tpu.memory_space<vmem>> -> memref<125xi32, #tpu.memory_space<vmem>>
      %dma_start3A_167 = arith.constant 0 : i32
      %dma_start3A_168 = arith.constant 0 : i32
      %dma_start3A_169 = tpu.memref_slice %arg5[%dma_start3A_167, %dma_start3A_168] : memref<10240x128xf32, #tpu.memory_space<hbm>> -> memref<10240x128xf32, #tpu.memory_space<hbm>>
      tpu.enqueue_indirect_dma source(%dma_start3A_169 : memref<10240x128xf32, #tpu.memory_space<hbm>>) target(%arg15 : memref<125x128xf32, #tpu.memory_space<vmem>>) offsets(%dma_start3A_166 : memref<125xi32, #tpu.memory_space<vmem>>) semaphore(%arg18 : memref<!tpu.dma_semaphore, #tpu.memory_space<semaphore_mem>>)
      %dma_wait3A_170 = arith.constant 0 : i32
      %dma_wait3A_171 = arith.constant 0 : i32
      %dma_wait3A_172 = tpu.memref_slice %arg13[%dma_wait3A_170, %dma_wait3A_171] : memref<40x125xi32, #tpu.memory_space<vmem>> -> memref<1x125xi32, #tpu.memory_space<vmem>>
      %dma_wait3A_173 = tpu.memref_squeeze %dma_wait3A_172 : memref<1x125xi32, #tpu.memory_space<vmem>> -> memref<125xi32, #tpu.memory_space<vmem>>
      %dma_wait3A_174 = arith.constant 0 : i32
      %dma_wait3A_175 = arith.constant 0 : i32
      %dma_wait3A_176 = tpu.memref_slice %arg5[%dma_wait3A_174, %dma_wait3A_175] : memref<10240x128xf32, #tpu.memory_space<hbm>> -> memref<10240x128xf32, #tpu.memory_space<hbm>>
      tpu.wait_indirect_dma semaphore(%arg19 : memref<!tpu.dma_semaphore, #tpu.memory_space<semaphore_mem>>) src(%dma_wait3A_176 : memref<10240x128xf32, #tpu.memory_space<hbm>>) dst(%arg16 : memref<125x128xf32, #tpu.memory_space<vmem>>)
      "tpu.region"() ({
        %run_scoped3A = tpu.sem_alloc : memref<!tpu.dma_semaphore, #tpu.memory_space<semaphore_mem>>
        %dma_start3A_177 = arith.constant 0 : i32
        %dma_start3A_178 = tpu.memref_slice %arg14[%add3A_145, %dma_start3A_177] : memref<40x125xi32, #tpu.memory_space<vmem>> -> memref<1x125xi32, #tpu.memory_space<vmem>>
        %dma_start3A_179 = tpu.memref_squeeze %dma_start3A_178 : memref<1x125xi32, #tpu.memory_space<vmem>> -> memref<125xi32, #tpu.memory_space<vmem>>
        %dma_start3A_180 = arith.constant 0 : i32
        %dma_start3A_181 = arith.constant 0 : i32
        %dma_start3A_182 = tpu.memref_slice %arg17[%dma_start3A_180, %dma_start3A_181] : memref<10240x128xf32, #tpu.memory_space<vmem_shared>> -> memref<10240x128xf32, #tpu.memory_space<vmem_shared>>
        tpu.enqueue_indirect_dma source(%arg16 : memref<125x128xf32, #tpu.memory_space<vmem>>) target(%dma_start3A_182 : memref<10240x128xf32, #tpu.memory_space<vmem_shared>>) offsets(%dma_start3A_179 : memref<125xi32, #tpu.memory_space<vmem>>) semaphore(%run_scoped3A : memref<!tpu.dma_semaphore, #tpu.memory_space<semaphore_mem>>) {add = true}
        %dma_wait3A_183 = arith.constant 0 : i32
        %dma_wait3A_184 = tpu.memref_slice %arg14[%add3A_145, %dma_wait3A_183] : memref<40x125xi32, #tpu.memory_space<vmem>> -> memref<1x125xi32, #tpu.memory_space<vmem>>
        %dma_wait3A_185 = tpu.memref_squeeze %dma_wait3A_184 : memref<1x125xi32, #tpu.memory_space<vmem>> -> memref<125xi32, #tpu.memory_space<vmem>>
        %dma_wait3A_186 = arith.constant 0 : i32
        %dma_wait3A_187 = arith.constant 0 : i32
        %dma_wait3A_188 = tpu.memref_slice %arg17[%dma_wait3A_186, %dma_wait3A_187] : memref<10240x128xf32, #tpu.memory_space<vmem_shared>> -> memref<10240x128xf32, #tpu.memory_space<vmem_shared>>
        tpu.wait_indirect_dma semaphore(%run_scoped3A : memref<!tpu.dma_semaphore, #tpu.memory_space<semaphore_mem>>) src(%arg16 : memref<125x128xf32, #tpu.memory_space<vmem>>) dst(%dma_wait3A_188 : memref<10240x128xf32, #tpu.memory_space<vmem_shared>>)
        tpu.yield
      }) : () -> ()
    }
    %scan3A_128 = arith.constant 20 : i32
    %dma_wait3A_129 = arith.constant 0 : i32
    %dma_wait3A_130 = arith.constant 0 : i32
    %dma_wait3A_131 = tpu.memref_slice %arg13[%dma_wait3A_129, %dma_wait3A_130] : memref<40x125xi32, #tpu.memory_space<vmem>> -> memref<1x125xi32, #tpu.memory_space<vmem>>
    %dma_wait3A_132 = tpu.memref_squeeze %dma_wait3A_131 : memref<1x125xi32, #tpu.memory_space<vmem>> -> memref<125xi32, #tpu.memory_space<vmem>>
    %dma_wait3A_133 = arith.constant 0 : i32
    %dma_wait3A_134 = arith.constant 0 : i32
    %dma_wait3A_135 = tpu.memref_slice %arg5[%dma_wait3A_133, %dma_wait3A_134] : memref<10240x128xf32, #tpu.memory_space<hbm>> -> memref<10240x128xf32, #tpu.memory_space<hbm>>
    tpu.wait_indirect_dma semaphore(%arg18 : memref<!tpu.dma_semaphore, #tpu.memory_space<semaphore_mem>>) src(%dma_wait3A_135 : memref<10240x128xf32, #tpu.memory_space<hbm>>) dst(%arg15 : memref<125x128xf32, #tpu.memory_space<vmem>>)
    %barrier3A_136 = arith.constant 0 : index
    tpu.barrier barrier_id(%barrier3A_136)
    %mul3A_137 = arith.constant 640 : i32
    %mul3A_138 = arith.muli %arg1, %mul3A_137 : i32
    %mul3A_139 = arith.constant 640 : i32
    %mul3A_140 = arith.muli %arg1, %mul3A_139 : i32
    "tpu.region"() ({
      %run_scoped3A = tpu.sem_alloc : memref<!tpu.dma_semaphore, #tpu.memory_space<semaphore_mem>>
      %dma_start3A_141 = arith.constant 0 : i32
      %dma_start3A_142 = tpu.memref_slice %arg12[%arg0, %mul3A_140, %dma_start3A_141] : memref<2x10240x128xf32, #tpu.memory_space<hbm>> -> memref<1x640x128xf32, #tpu.memory_space<hbm>>
      %dma_start3A_143 = tpu.memref_squeeze %dma_start3A_142 : memref<1x640x128xf32, #tpu.memory_space<hbm>> -> memref<640x128xf32, #tpu.memory_space<hbm>>
      %dma_start3A_144 = arith.constant 0 : i32
      %dma_start3A_145 = tpu.memref_slice %arg17[%mul3A_138, %dma_start3A_144] : memref<10240x128xf32, #tpu.memory_space<vmem_shared>> -> memref<640x128xf32, #tpu.memory_space<vmem_shared>>
      tpu.enqueue_dma source(%dma_start3A_145 : memref<640x128xf32, #tpu.memory_space<vmem_shared>>) target(%dma_start3A_143 : memref<640x128xf32, #tpu.memory_space<hbm>>) target_semaphore(%run_scoped3A : memref<!tpu.dma_semaphore, #tpu.memory_space<semaphore_mem>>)
      %dma_wait3A_146 = arith.constant 0 : i32
      %dma_wait3A_147 = tpu.memref_slice %arg12[%arg0, %mul3A_140, %dma_wait3A_146] : memref<2x10240x128xf32, #tpu.memory_space<hbm>> -> memref<1x640x128xf32, #tpu.memory_space<hbm>>
      %dma_wait3A_148 = tpu.memref_squeeze %dma_wait3A_147 : memref<1x640x128xf32, #tpu.memory_space<hbm>> -> memref<640x128xf32, #tpu.memory_space<hbm>>
      %dma_wait3A_149 = arith.constant 0 : i32
      %dma_wait3A_150 = tpu.memref_slice %arg17[%mul3A_138, %dma_wait3A_149] : memref<10240x128xf32, #tpu.memory_space<vmem_shared>> -> memref<640x128xf32, #tpu.memory_space<vmem_shared>>
      tpu.wait_dma2 semaphore(%run_scoped3A : memref<!tpu.dma_semaphore, #tpu.memory_space<semaphore_mem>>) src(%dma_wait3A_150 : memref<640x128xf32, #tpu.memory_space<vmem_shared>>) dst(%dma_wait3A_148 : memref<640x128xf32, #tpu.memory_space<hbm>>)
      tpu.yield
    }) : () -> ()
    return
  }
}

module attributes {stable_mosaic.version = 14 : i64} {
  func.func @_mm2_body(%arg0: i32, %arg1: memref<2x1024x128xf32, #tpu.memory_space<vmem>>, %arg2: memref<2x1024x128xf32, #tpu.memory_space<vmem>>, %arg3: memref<2x1024x128xf32, #tpu.memory_space<vmem>>, %arg4: memref<2x1024x128xf32, #tpu.memory_space<vmem>>, %arg5: memref<1024x1xf32, #tpu.memory_space<vmem>>, %arg6: memref<4x128xf32, #tpu.memory_space<vmem>>, %arg7: memref<512x512xf32, #tpu.memory_space<vmem>>, %arg8: memref<1024x128xf32, #tpu.memory_space<vmem>>, %arg9: memref<1024x128xf32, #tpu.memory_space<vmem>>, %arg10: memref<1024x128xf32, #tpu.memory_space<vmem>>, %arg11: memref<1024x128xf32, #tpu.memory_space<vmem>>) attributes {dimension_semantics = [#tpu.dimension_semantics<arbitrary>], iteration_bounds = array<i64: 10>, scalar_prefetch = 0 : i64, scratch_operands = 0 : i64, tpu.core_type = #tpu.core_type<tc>, window_params = [{transform_indices = @transform_0, window_bounds = array<i64: 2, 1024, 128>}, {transform_indices = @transform_1, window_bounds = array<i64: 2, 1024, 128>}, {transform_indices = @transform_2, window_bounds = array<i64: 2, 1024, 128>}, {transform_indices = @transform_3, window_bounds = array<i64: 2, 1024, 128>}, {transform_indices = @transform_4, window_bounds = array<i64: 1024, 1>}, {pipeline_mode = #tpu.pipeline_mode<synchronous>, transform_indices = @transform_5, window_bounds = array<i64: 4, 128>}, {pipeline_mode = #tpu.pipeline_mode<synchronous>, transform_indices = @transform_6, window_bounds = array<i64: 512, 512>}, {transform_indices = @transform_7, window_bounds = array<i64: 1024, 128>}, {transform_indices = @transform_8, window_bounds = array<i64: 1024, 128>}, {transform_indices = @transform_9, window_bounds = array<i64: 1024, 128>}, {transform_indices = @transform_10, window_bounds = array<i64: 1024, 128>}]} {
    %get3A = arith.constant 0 : index
    %get3A_0 = arith.constant 0 : index
    %get3A_1 = vector.load %arg5[%get3A, %get3A_0] : memref<1024x1xf32, #tpu.memory_space<vmem>>, vector<1024x1xf32>
    %get3A_2 = arith.constant 0 : index
    %get3A_3 = arith.constant 0 : index
    %get3A_4 = arith.constant 0 : index
    %get3A_5 = vector.load %arg1[%get3A_2, %get3A_3, %get3A_4] : memref<2x1024x128xf32, #tpu.memory_space<vmem>>, vector<1x1024x128xf32>
    %get3A_6 = vector.shape_cast %get3A_5 : vector<1x1024x128xf32> to vector<1024x128xf32>
    %get3A_7 = arith.constant 1 : index
    %get3A_8 = arith.constant 0 : index
    %get3A_9 = arith.constant 0 : index
    %get3A_10 = vector.load %arg1[%get3A_7, %get3A_8, %get3A_9] : memref<2x1024x128xf32, #tpu.memory_space<vmem>>, vector<1x1024x128xf32>
    %get3A_11 = vector.shape_cast %get3A_10 : vector<1x1024x128xf32> to vector<1024x128xf32>
    %add3A = arith.addf %get3A_6, %get3A_11 : vector<1024x128xf32>
    %mul3A = vector.broadcast %get3A_1 : vector<1024x1xf32> to vector<1024x128xf32>
    %mul3A_12 = arith.mulf %mul3A, %add3A : vector<1024x128xf32>
    %get3A_13 = arith.constant 0 : index
    %get3A_14 = arith.constant 0 : index
    %get3A_15 = vector.load %arg6[%get3A_13, %get3A_14] : memref<4x128xf32, #tpu.memory_space<vmem>>, vector<1x128xf32>
    %get3A_16 = vector.shape_cast %get3A_15 : vector<1x128xf32> to vector<128xf32>
    %broadcast_in_dim3A = vector.shape_cast %get3A_16 : vector<128xf32> to vector<1x128xf32>
    %add3A_17 = vector.broadcast %broadcast_in_dim3A : vector<1x128xf32> to vector<1024x128xf32>
    %add3A_18 = arith.addf %mul3A_12, %add3A_17 : vector<1024x128xf32>
    %max3A = arith.constant 0.000000e+00 : f32
    %max3A_19 = vector.broadcast %max3A : f32 to vector<1024x128xf32>
    %max3A_20 = arith.maximumf %add3A_18, %max3A_19 : vector<1024x128xf32>
    %get3A_21 = arith.constant 0 : index
    %get3A_22 = arith.constant 0 : index
    %get3A_23 = arith.constant 0 : index
    %get3A_24 = vector.load %arg2[%get3A_21, %get3A_22, %get3A_23] : memref<2x1024x128xf32, #tpu.memory_space<vmem>>, vector<1x1024x128xf32>
    %get3A_25 = vector.shape_cast %get3A_24 : vector<1x1024x128xf32> to vector<1024x128xf32>
    %get3A_26 = arith.constant 1 : index
    %get3A_27 = arith.constant 0 : index
    %get3A_28 = arith.constant 0 : index
    %get3A_29 = vector.load %arg2[%get3A_26, %get3A_27, %get3A_28] : memref<2x1024x128xf32, #tpu.memory_space<vmem>>, vector<1x1024x128xf32>
    %get3A_30 = vector.shape_cast %get3A_29 : vector<1x1024x128xf32> to vector<1024x128xf32>
    %add3A_31 = arith.addf %get3A_25, %get3A_30 : vector<1024x128xf32>
    %mul3A_32 = vector.broadcast %get3A_1 : vector<1024x1xf32> to vector<1024x128xf32>
    %mul3A_33 = arith.mulf %mul3A_32, %add3A_31 : vector<1024x128xf32>
    %get3A_34 = arith.constant 1 : index
    %get3A_35 = arith.constant 0 : index
    %get3A_36 = vector.load %arg6[%get3A_34, %get3A_35] : memref<4x128xf32, #tpu.memory_space<vmem>>, vector<1x128xf32>
    %get3A_37 = vector.shape_cast %get3A_36 : vector<1x128xf32> to vector<128xf32>
    %broadcast_in_dim3A_38 = vector.shape_cast %get3A_37 : vector<128xf32> to vector<1x128xf32>
    %add3A_39 = vector.broadcast %broadcast_in_dim3A_38 : vector<1x128xf32> to vector<1024x128xf32>
    %add3A_40 = arith.addf %mul3A_33, %add3A_39 : vector<1024x128xf32>
    %max3A_41 = arith.constant 0.000000e+00 : f32
    %max3A_42 = vector.broadcast %max3A_41 : f32 to vector<1024x128xf32>
    %max3A_43 = arith.maximumf %add3A_40, %max3A_42 : vector<1024x128xf32>
    %get3A_44 = arith.constant 0 : index
    %get3A_45 = arith.constant 0 : index
    %get3A_46 = arith.constant 0 : index
    %get3A_47 = vector.load %arg3[%get3A_44, %get3A_45, %get3A_46] : memref<2x1024x128xf32, #tpu.memory_space<vmem>>, vector<1x1024x128xf32>
    %get3A_48 = vector.shape_cast %get3A_47 : vector<1x1024x128xf32> to vector<1024x128xf32>
    %get3A_49 = arith.constant 1 : index
    %get3A_50 = arith.constant 0 : index
    %get3A_51 = arith.constant 0 : index
    %get3A_52 = vector.load %arg3[%get3A_49, %get3A_50, %get3A_51] : memref<2x1024x128xf32, #tpu.memory_space<vmem>>, vector<1x1024x128xf32>
    %get3A_53 = vector.shape_cast %get3A_52 : vector<1x1024x128xf32> to vector<1024x128xf32>
    %add3A_54 = arith.addf %get3A_48, %get3A_53 : vector<1024x128xf32>
    %mul3A_55 = vector.broadcast %get3A_1 : vector<1024x1xf32> to vector<1024x128xf32>
    %mul3A_56 = arith.mulf %mul3A_55, %add3A_54 : vector<1024x128xf32>
    %get3A_57 = arith.constant 2 : index
    %get3A_58 = arith.constant 0 : index
    %get3A_59 = vector.load %arg6[%get3A_57, %get3A_58] : memref<4x128xf32, #tpu.memory_space<vmem>>, vector<1x128xf32>
    %get3A_60 = vector.shape_cast %get3A_59 : vector<1x128xf32> to vector<128xf32>
    %broadcast_in_dim3A_61 = vector.shape_cast %get3A_60 : vector<128xf32> to vector<1x128xf32>
    %add3A_62 = vector.broadcast %broadcast_in_dim3A_61 : vector<1x128xf32> to vector<1024x128xf32>
    %add3A_63 = arith.addf %mul3A_56, %add3A_62 : vector<1024x128xf32>
    %max3A_64 = arith.constant 0.000000e+00 : f32
    %max3A_65 = vector.broadcast %max3A_64 : f32 to vector<1024x128xf32>
    %max3A_66 = arith.maximumf %add3A_63, %max3A_65 : vector<1024x128xf32>
    %get3A_67 = arith.constant 0 : index
    %get3A_68 = arith.constant 0 : index
    %get3A_69 = arith.constant 0 : index
    %get3A_70 = vector.load %arg4[%get3A_67, %get3A_68, %get3A_69] : memref<2x1024x128xf32, #tpu.memory_space<vmem>>, vector<1x1024x128xf32>
    %get3A_71 = vector.shape_cast %get3A_70 : vector<1x1024x128xf32> to vector<1024x128xf32>
    %get3A_72 = arith.constant 1 : index
    %get3A_73 = arith.constant 0 : index
    %get3A_74 = arith.constant 0 : index
    %get3A_75 = vector.load %arg4[%get3A_72, %get3A_73, %get3A_74] : memref<2x1024x128xf32, #tpu.memory_space<vmem>>, vector<1x1024x128xf32>
    %get3A_76 = vector.shape_cast %get3A_75 : vector<1x1024x128xf32> to vector<1024x128xf32>
    %add3A_77 = arith.addf %get3A_71, %get3A_76 : vector<1024x128xf32>
    %mul3A_78 = vector.broadcast %get3A_1 : vector<1024x1xf32> to vector<1024x128xf32>
    %mul3A_79 = arith.mulf %mul3A_78, %add3A_77 : vector<1024x128xf32>
    %get3A_80 = arith.constant 3 : index
    %get3A_81 = arith.constant 0 : index
    %get3A_82 = vector.load %arg6[%get3A_80, %get3A_81] : memref<4x128xf32, #tpu.memory_space<vmem>>, vector<1x128xf32>
    %get3A_83 = vector.shape_cast %get3A_82 : vector<1x128xf32> to vector<128xf32>
    %broadcast_in_dim3A_84 = vector.shape_cast %get3A_83 : vector<128xf32> to vector<1x128xf32>
    %add3A_85 = vector.broadcast %broadcast_in_dim3A_84 : vector<1x128xf32> to vector<1024x128xf32>
    %add3A_86 = arith.addf %mul3A_79, %add3A_85 : vector<1024x128xf32>
    %max3A_87 = arith.constant 0.000000e+00 : f32
    %max3A_88 = vector.broadcast %max3A_87 : f32 to vector<1024x128xf32>
    %max3A_89 = arith.maximumf %add3A_86, %max3A_88 : vector<1024x128xf32>
    %concatenate3A = tpu.concatenate %max3A_20, %max3A_43, %max3A_66, %max3A_89 in 1 : vector<1024x128xf32>, vector<1024x128xf32>, vector<1024x128xf32>, vector<1024x128xf32> -> vector<1024x512xf32>
    %get3A_90 = arith.constant 0 : index
    %get3A_91 = arith.constant 0 : index
    %get3A_92 = vector.load %arg7[%get3A_90, %get3A_91] : memref<512x512xf32, #tpu.memory_space<vmem>>, vector<512x512xf32>
    %dot_general3A = arith.constant dense<0.000000e+00> : vector<1024x512xf32>
    %dot_general3A_93 = tpu.matmul %concatenate3A, %get3A_92, %dot_general3A {dimension_numbers = #tpu.dot_dimension_numbers<[1], [0], [0], [1], [0, 0, 1, 1], [], []>, transpose_lhs_hint = false} : vector<1024x512xf32>, vector<512x512xf32>, vector<1024x512xf32> -> vector<1024x512xf32>
    %mul3A_94 = vector.broadcast %get3A_1 : vector<1024x1xf32> to vector<1024x512xf32>
    %mul3A_95 = arith.mulf %dot_general3A_93, %mul3A_94 : vector<1024x512xf32>
    %slice3A = vector.extract_strided_slice %mul3A_95 {offsets = [0, 0], sizes = [1024, 128], strides = [1, 1]} : vector<1024x512xf32> to vector<1024x128xf32>
    %swap3A = arith.constant 0 : index
    %swap3A_96 = arith.constant 0 : index
    %swap3A_97 = vector.load %arg8[%swap3A, %swap3A_96] : memref<1024x128xf32, #tpu.memory_space<vmem>>, vector<1024x128xf32>
    tpu.vector_store %arg8[%swap3A, %swap3A_96], %slice3A {strides = array<i32>} : memref<1024x128xf32, #tpu.memory_space<vmem>>, vector<1024x128xf32>,
    %slice3A_98 = vector.extract_strided_slice %mul3A_95 {offsets = [0, 128], sizes = [1024, 128], strides = [1, 1]} : vector<1024x512xf32> to vector<1024x128xf32>
    %swap3A_99 = arith.constant 0 : index
    %swap3A_100 = arith.constant 0 : index
    %swap3A_101 = vector.load %arg9[%swap3A_99, %swap3A_100] : memref<1024x128xf32, #tpu.memory_space<vmem>>, vector<1024x128xf32>
    tpu.vector_store %arg9[%swap3A_99, %swap3A_100], %slice3A_98 {strides = array<i32>} : memref<1024x128xf32, #tpu.memory_space<vmem>>, vector<1024x128xf32>,
    %slice3A_102 = vector.extract_strided_slice %mul3A_95 {offsets = [0, 256], sizes = [1024, 128], strides = [1, 1]} : vector<1024x512xf32> to vector<1024x128xf32>
    %swap3A_103 = arith.constant 0 : index
    %swap3A_104 = arith.constant 0 : index
    %swap3A_105 = vector.load %arg10[%swap3A_103, %swap3A_104] : memref<1024x128xf32, #tpu.memory_space<vmem>>, vector<1024x128xf32>
    tpu.vector_store %arg10[%swap3A_103, %swap3A_104], %slice3A_102 {strides = array<i32>} : memref<1024x128xf32, #tpu.memory_space<vmem>>, vector<1024x128xf32>,
    %slice3A_106 = vector.extract_strided_slice %mul3A_95 {offsets = [0, 384], sizes = [1024, 128], strides = [1, 1]} : vector<1024x512xf32> to vector<1024x128xf32>
    %swap3A_107 = arith.constant 0 : index
    %swap3A_108 = arith.constant 0 : index
    %swap3A_109 = vector.load %arg11[%swap3A_107, %swap3A_108] : memref<1024x128xf32, #tpu.memory_space<vmem>>, vector<1024x128xf32>
    tpu.vector_store %arg11[%swap3A_107, %swap3A_108], %slice3A_106 {strides = array<i32>} : memref<1024x128xf32, #tpu.memory_space<vmem>>, vector<1024x128xf32>,
    return
  }
  func.func @transform_0(%arg0: i32) -> (i32, i32, i32) {
    %c0_i32 = arith.constant 0 : i32
    %c0_i32_0 = arith.constant 0 : i32
    %c0_i32_1 = arith.constant 0 : i32
    return %c0_i32, %arg0, %c0_i32_0 : i32, i32, i32
  }
  func.func @transform_1(%arg0: i32) -> (i32, i32, i32) {
    %c0_i32 = arith.constant 0 : i32
    %c0_i32_0 = arith.constant 0 : i32
    %c0_i32_1 = arith.constant 0 : i32
    return %c0_i32, %arg0, %c0_i32_0 : i32, i32, i32
  }
  func.func @transform_2(%arg0: i32) -> (i32, i32, i32) {
    %c0_i32 = arith.constant 0 : i32
    %c0_i32_0 = arith.constant 0 : i32
    %c0_i32_1 = arith.constant 0 : i32
    return %c0_i32, %arg0, %c0_i32_0 : i32, i32, i32
  }
  func.func @transform_3(%arg0: i32) -> (i32, i32, i32) {
    %c0_i32 = arith.constant 0 : i32
    %c0_i32_0 = arith.constant 0 : i32
    %c0_i32_1 = arith.constant 0 : i32
    return %c0_i32, %arg0, %c0_i32_0 : i32, i32, i32
  }
  func.func @transform_4(%arg0: i32) -> (i32, i32) {
    %c0_i32 = arith.constant 0 : i32
    %c0_i32_0 = arith.constant 0 : i32
    return %arg0, %c0_i32 : i32, i32
  }
  func.func @transform_5(%arg0: i32) -> (i32, i32) {
    %c0_i32 = arith.constant 0 : i32
    %c0_i32_0 = arith.constant 0 : i32
    %c0_i32_1 = arith.constant 0 : i32
    return %c0_i32, %c0_i32_0 : i32, i32
  }
  func.func @transform_6(%arg0: i32) -> (i32, i32) {
    %c0_i32 = arith.constant 0 : i32
    %c0_i32_0 = arith.constant 0 : i32
    %c0_i32_1 = arith.constant 0 : i32
    return %c0_i32, %c0_i32_0 : i32, i32
  }
  func.func @transform_7(%arg0: i32) -> (i32, i32) {
    %c0_i32 = arith.constant 0 : i32
    %c0_i32_0 = arith.constant 0 : i32
    return %arg0, %c0_i32 : i32, i32
  }
  func.func @transform_8(%arg0: i32) -> (i32, i32) {
    %c0_i32 = arith.constant 0 : i32
    %c0_i32_0 = arith.constant 0 : i32
    return %arg0, %c0_i32 : i32, i32
  }
  func.func @transform_9(%arg0: i32) -> (i32, i32) {
    %c0_i32 = arith.constant 0 : i32
    %c0_i32_0 = arith.constant 0 : i32
    return %arg0, %c0_i32 : i32, i32
  }
  func.func @transform_10(%arg0: i32) -> (i32, i32) {
    %c0_i32 = arith.constant 0 : i32
    %c0_i32_0 = arith.constant 0 : i32
    return %arg0, %c0_i32 : i32, i32
  }
}

module attributes {stable_mosaic.version = 14 : i64} {
  func.func @_mm1_body(%arg0: i32, %arg1: memref<1024x784xf32, #tpu.memory_space<vmem>>, %arg2: memref<784x512xf32, #tpu.memory_space<vmem>>, %arg3: memref<2x1024x128xf32, #tpu.memory_space<vmem>>, %arg4: memref<1024x128xf32, #tpu.memory_space<vmem>>, %arg5: memref<1024x128xf32, #tpu.memory_space<vmem>>, %arg6: memref<1024x128xf32, #tpu.memory_space<vmem>>, %arg7: memref<1024x128xf32, #tpu.memory_space<vmem>>, %arg8: memref<1024x1xf32, #tpu.memory_space<vmem>>) attributes {dimension_semantics = [#tpu.dimension_semantics<arbitrary>], iteration_bounds = array<i64: 10>, scalar_prefetch = 0 : i64, scratch_operands = 0 : i64, tpu.core_type = #tpu.core_type<tc>, window_params = [{transform_indices = @transform_0, window_bounds = array<i64: 1024, 784>}, {pipeline_mode = #tpu.pipeline_mode<synchronous>, transform_indices = @transform_1, window_bounds = array<i64: 784, 512>}, {transform_indices = @transform_2, window_bounds = array<i64: 2, 1024, 128>}, {transform_indices = @transform_3, window_bounds = array<i64: 1024, 128>}, {transform_indices = @transform_4, window_bounds = array<i64: 1024, 128>}, {transform_indices = @transform_5, window_bounds = array<i64: 1024, 128>}, {transform_indices = @transform_6, window_bounds = array<i64: 1024, 128>}, {transform_indices = @transform_7, window_bounds = array<i64: 1024, 1>}]} {
    %get3A = arith.constant 0 : index
    %get3A_0 = arith.constant 0 : index
    %get3A_1 = arith.constant 0 : index
    %get3A_2 = vector.load %arg3[%get3A, %get3A_0, %get3A_1] : memref<2x1024x128xf32, #tpu.memory_space<vmem>>, vector<1x1024x1xf32>
    %get3A_3 = vector.shape_cast %get3A_2 : vector<1x1024x1xf32> to vector<1024x1xf32>
    %get3A_4 = arith.constant 1 : index
    %get3A_5 = arith.constant 0 : index
    %get3A_6 = arith.constant 0 : index
    %get3A_7 = vector.load %arg3[%get3A_4, %get3A_5, %get3A_6] : memref<2x1024x128xf32, #tpu.memory_space<vmem>>, vector<1x1024x1xf32>
    %get3A_8 = vector.shape_cast %get3A_7 : vector<1x1024x1xf32> to vector<1024x1xf32>
    %add3A = arith.addf %get3A_3, %get3A_8 : vector<1024x1xf32>
    %add3A_9 = arith.constant 1.000000e+00 : f32
    %add3A_10 = vector.broadcast %add3A_9 : f32 to vector<1024x1xf32>
    %add3A_11 = arith.addf %add3A, %add3A_10 : vector<1024x1xf32>
    %rsqrt3A = math.rsqrt %add3A_11 : vector<1024x1xf32>
    %get3A_12 = arith.constant 0 : index
    %get3A_13 = arith.constant 0 : index
    %get3A_14 = vector.load %arg1[%get3A_12, %get3A_13] : memref<1024x784xf32, #tpu.memory_space<vmem>>, vector<1024x784xf32>
    %get3A_15 = arith.constant 0 : index
    %get3A_16 = arith.constant 0 : index
    %get3A_17 = vector.load %arg2[%get3A_15, %get3A_16] : memref<784x512xf32, #tpu.memory_space<vmem>>, vector<784x512xf32>
    %dot_general3A = arith.constant dense<0.000000e+00> : vector<1024x512xf32>
    %dot_general3A_18 = tpu.matmul %get3A_14, %get3A_17, %dot_general3A {dimension_numbers = #tpu.dot_dimension_numbers<[1], [0], [0], [1], [0, 0, 1, 1], [], []>, transpose_lhs_hint = false} : vector<1024x784xf32>, vector<784x512xf32>, vector<1024x512xf32> -> vector<1024x512xf32>
    %mul3A = vector.broadcast %rsqrt3A : vector<1024x1xf32> to vector<1024x512xf32>
    %mul3A_19 = arith.mulf %dot_general3A_18, %mul3A : vector<1024x512xf32>
    %slice3A = vector.extract_strided_slice %mul3A_19 {offsets = [0, 0], sizes = [1024, 128], strides = [1, 1]} : vector<1024x512xf32> to vector<1024x128xf32>
    %swap3A = arith.constant 0 : index
    %swap3A_20 = arith.constant 0 : index
    %swap3A_21 = vector.load %arg4[%swap3A, %swap3A_20] : memref<1024x128xf32, #tpu.memory_space<vmem>>, vector<1024x128xf32>
    tpu.vector_store %arg4[%swap3A, %swap3A_20], %slice3A {strides = array<i32>} : memref<1024x128xf32, #tpu.memory_space<vmem>>, vector<1024x128xf32>,
    %slice3A_22 = vector.extract_strided_slice %mul3A_19 {offsets = [0, 128], sizes = [1024, 128], strides = [1, 1]} : vector<1024x512xf32> to vector<1024x128xf32>
    %swap3A_23 = arith.constant 0 : index
    %swap3A_24 = arith.constant 0 : index
    %swap3A_25 = vector.load %arg5[%swap3A_23, %swap3A_24] : memref<1024x128xf32, #tpu.memory_space<vmem>>, vector<1024x128xf32>
    tpu.vector_store %arg5[%swap3A_23, %swap3A_24], %slice3A_22 {strides = array<i32>} : memref<1024x128xf32, #tpu.memory_space<vmem>>, vector<1024x128xf32>,
    %slice3A_26 = vector.extract_strided_slice %mul3A_19 {offsets = [0, 256], sizes = [1024, 128], strides = [1, 1]} : vector<1024x512xf32> to vector<1024x128xf32>
    %swap3A_27 = arith.constant 0 : index
    %swap3A_28 = arith.constant 0 : index
    %swap3A_29 = vector.load %arg6[%swap3A_27, %swap3A_28] : memref<1024x128xf32, #tpu.memory_space<vmem>>, vector<1024x128xf32>
    tpu.vector_store %arg6[%swap3A_27, %swap3A_28], %slice3A_26 {strides = array<i32>} : memref<1024x128xf32, #tpu.memory_space<vmem>>, vector<1024x128xf32>,
    %slice3A_30 = vector.extract_strided_slice %mul3A_19 {offsets = [0, 384], sizes = [1024, 128], strides = [1, 1]} : vector<1024x512xf32> to vector<1024x128xf32>
    %swap3A_31 = arith.constant 0 : index
    %swap3A_32 = arith.constant 0 : index
    %swap3A_33 = vector.load %arg7[%swap3A_31, %swap3A_32] : memref<1024x128xf32, #tpu.memory_space<vmem>>, vector<1024x128xf32>
    tpu.vector_store %arg7[%swap3A_31, %swap3A_32], %slice3A_30 {strides = array<i32>} : memref<1024x128xf32, #tpu.memory_space<vmem>>, vector<1024x128xf32>,
    %swap3A_34 = arith.constant 0 : index
    %swap3A_35 = arith.constant 0 : index
    %swap3A_36 = vector.load %arg8[%swap3A_34, %swap3A_35] : memref<1024x1xf32, #tpu.memory_space<vmem>>, vector<1024x1xf32>
    tpu.vector_store %arg8[%swap3A_34, %swap3A_35], %rsqrt3A {strides = array<i32>} : memref<1024x1xf32, #tpu.memory_space<vmem>>, vector<1024x1xf32>,
    return
  }
  func.func @transform_0(%arg0: i32) -> (i32, i32) {
    %c0_i32 = arith.constant 0 : i32
    %c0_i32_0 = arith.constant 0 : i32
    return %arg0, %c0_i32 : i32, i32
  }
  func.func @transform_1(%arg0: i32) -> (i32, i32) {
    %c0_i32 = arith.constant 0 : i32
    %c0_i32_0 = arith.constant 0 : i32
    %c0_i32_1 = arith.constant 0 : i32
    return %c0_i32, %c0_i32_0 : i32, i32
  }
  func.func @transform_2(%arg0: i32) -> (i32, i32, i32) {
    %c0_i32 = arith.constant 0 : i32
    %c0_i32_0 = arith.constant 0 : i32
    %c0_i32_1 = arith.constant 0 : i32
    return %c0_i32, %arg0, %c0_i32_0 : i32, i32, i32
  }
  func.func @transform_3(%arg0: i32) -> (i32, i32) {
    %c0_i32 = arith.constant 0 : i32
    %c0_i32_0 = arith.constant 0 : i32
    return %arg0, %c0_i32 : i32, i32
  }
  func.func @transform_4(%arg0: i32) -> (i32, i32) {
    %c0_i32 = arith.constant 0 : i32
    %c0_i32_0 = arith.constant 0 : i32
    return %arg0, %c0_i32 : i32, i32
  }
  func.func @transform_5(%arg0: i32) -> (i32, i32) {
    %c0_i32 = arith.constant 0 : i32
    %c0_i32_0 = arith.constant 0 : i32
    return %arg0, %c0_i32 : i32, i32
  }
  func.func @transform_6(%arg0: i32) -> (i32, i32) {
    %c0_i32 = arith.constant 0 : i32
    %c0_i32_0 = arith.constant 0 : i32
    return %arg0, %c0_i32 : i32, i32
  }
  func.func @transform_7(%arg0: i32) -> (i32, i32) {
    %c0_i32 = arith.constant 0 : i32
    %c0_i32_0 = arith.constant 0 : i32
    return %arg0, %c0_i32 : i32, i32
  }
}

module attributes {stable_mosaic.version = 14 : i64} {
  func.func @_mm3_body(%arg0: i32, %arg1: memref<2x1024x128xf32, #tpu.memory_space<vmem>>, %arg2: memref<2x1024x128xf32, #tpu.memory_space<vmem>>, %arg3: memref<2x1024x128xf32, #tpu.memory_space<vmem>>, %arg4: memref<2x1024x128xf32, #tpu.memory_space<vmem>>, %arg5: memref<1024x1xf32, #tpu.memory_space<vmem>>, %arg6: memref<4x128xf32, #tpu.memory_space<vmem>>, %arg7: memref<512x128xf32, #tpu.memory_space<vmem>>, %arg8: memref<1024x128xf32, #tpu.memory_space<vmem>>) attributes {dimension_semantics = [#tpu.dimension_semantics<arbitrary>], iteration_bounds = array<i64: 10>, scalar_prefetch = 0 : i64, scratch_operands = 0 : i64, tpu.core_type = #tpu.core_type<tc>, window_params = [{transform_indices = @transform_0, window_bounds = array<i64: 2, 1024, 128>}, {transform_indices = @transform_1, window_bounds = array<i64: 2, 1024, 128>}, {transform_indices = @transform_2, window_bounds = array<i64: 2, 1024, 128>}, {transform_indices = @transform_3, window_bounds = array<i64: 2, 1024, 128>}, {transform_indices = @transform_4, window_bounds = array<i64: 1024, 1>}, {pipeline_mode = #tpu.pipeline_mode<synchronous>, transform_indices = @transform_5, window_bounds = array<i64: 4, 128>}, {pipeline_mode = #tpu.pipeline_mode<synchronous>, transform_indices = @transform_6, window_bounds = array<i64: 512, 128>}, {transform_indices = @transform_7, window_bounds = array<i64: 1024, 128>}]} {
    %get3A = arith.constant 0 : index
    %get3A_0 = arith.constant 0 : index
    %get3A_1 = vector.load %arg5[%get3A, %get3A_0] : memref<1024x1xf32, #tpu.memory_space<vmem>>, vector<1024x1xf32>
    %get3A_2 = arith.constant 0 : index
    %get3A_3 = arith.constant 0 : index
    %get3A_4 = arith.constant 0 : index
    %get3A_5 = vector.load %arg1[%get3A_2, %get3A_3, %get3A_4] : memref<2x1024x128xf32, #tpu.memory_space<vmem>>, vector<1x1024x128xf32>
    %get3A_6 = vector.shape_cast %get3A_5 : vector<1x1024x128xf32> to vector<1024x128xf32>
    %get3A_7 = arith.constant 1 : index
    %get3A_8 = arith.constant 0 : index
    %get3A_9 = arith.constant 0 : index
    %get3A_10 = vector.load %arg1[%get3A_7, %get3A_8, %get3A_9] : memref<2x1024x128xf32, #tpu.memory_space<vmem>>, vector<1x1024x128xf32>
    %get3A_11 = vector.shape_cast %get3A_10 : vector<1x1024x128xf32> to vector<1024x128xf32>
    %add3A = arith.addf %get3A_6, %get3A_11 : vector<1024x128xf32>
    %mul3A = vector.broadcast %get3A_1 : vector<1024x1xf32> to vector<1024x128xf32>
    %mul3A_12 = arith.mulf %mul3A, %add3A : vector<1024x128xf32>
    %get3A_13 = arith.constant 0 : index
    %get3A_14 = arith.constant 0 : index
    %get3A_15 = vector.load %arg6[%get3A_13, %get3A_14] : memref<4x128xf32, #tpu.memory_space<vmem>>, vector<1x128xf32>
    %get3A_16 = vector.shape_cast %get3A_15 : vector<1x128xf32> to vector<128xf32>
    %broadcast_in_dim3A = vector.shape_cast %get3A_16 : vector<128xf32> to vector<1x128xf32>
    %add3A_17 = vector.broadcast %broadcast_in_dim3A : vector<1x128xf32> to vector<1024x128xf32>
    %add3A_18 = arith.addf %mul3A_12, %add3A_17 : vector<1024x128xf32>
    %max3A = arith.constant 0.000000e+00 : f32
    %max3A_19 = vector.broadcast %max3A : f32 to vector<1024x128xf32>
    %max3A_20 = arith.maximumf %add3A_18, %max3A_19 : vector<1024x128xf32>
    %get3A_21 = arith.constant 0 : index
    %get3A_22 = arith.constant 0 : index
    %get3A_23 = arith.constant 0 : index
    %get3A_24 = vector.load %arg2[%get3A_21, %get3A_22, %get3A_23] : memref<2x1024x128xf32, #tpu.memory_space<vmem>>, vector<1x1024x128xf32>
    %get3A_25 = vector.shape_cast %get3A_24 : vector<1x1024x128xf32> to vector<1024x128xf32>
    %get3A_26 = arith.constant 1 : index
    %get3A_27 = arith.constant 0 : index
    %get3A_28 = arith.constant 0 : index
    %get3A_29 = vector.load %arg2[%get3A_26, %get3A_27, %get3A_28] : memref<2x1024x128xf32, #tpu.memory_space<vmem>>, vector<1x1024x128xf32>
    %get3A_30 = vector.shape_cast %get3A_29 : vector<1x1024x128xf32> to vector<1024x128xf32>
    %add3A_31 = arith.addf %get3A_25, %get3A_30 : vector<1024x128xf32>
    %mul3A_32 = vector.broadcast %get3A_1 : vector<1024x1xf32> to vector<1024x128xf32>
    %mul3A_33 = arith.mulf %mul3A_32, %add3A_31 : vector<1024x128xf32>
    %get3A_34 = arith.constant 1 : index
    %get3A_35 = arith.constant 0 : index
    %get3A_36 = vector.load %arg6[%get3A_34, %get3A_35] : memref<4x128xf32, #tpu.memory_space<vmem>>, vector<1x128xf32>
    %get3A_37 = vector.shape_cast %get3A_36 : vector<1x128xf32> to vector<128xf32>
    %broadcast_in_dim3A_38 = vector.shape_cast %get3A_37 : vector<128xf32> to vector<1x128xf32>
    %add3A_39 = vector.broadcast %broadcast_in_dim3A_38 : vector<1x128xf32> to vector<1024x128xf32>
    %add3A_40 = arith.addf %mul3A_33, %add3A_39 : vector<1024x128xf32>
    %max3A_41 = arith.constant 0.000000e+00 : f32
    %max3A_42 = vector.broadcast %max3A_41 : f32 to vector<1024x128xf32>
    %max3A_43 = arith.maximumf %add3A_40, %max3A_42 : vector<1024x128xf32>
    %get3A_44 = arith.constant 0 : index
    %get3A_45 = arith.constant 0 : index
    %get3A_46 = arith.constant 0 : index
    %get3A_47 = vector.load %arg3[%get3A_44, %get3A_45, %get3A_46] : memref<2x1024x128xf32, #tpu.memory_space<vmem>>, vector<1x1024x128xf32>
    %get3A_48 = vector.shape_cast %get3A_47 : vector<1x1024x128xf32> to vector<1024x128xf32>
    %get3A_49 = arith.constant 1 : index
    %get3A_50 = arith.constant 0 : index
    %get3A_51 = arith.constant 0 : index
    %get3A_52 = vector.load %arg3[%get3A_49, %get3A_50, %get3A_51] : memref<2x1024x128xf32, #tpu.memory_space<vmem>>, vector<1x1024x128xf32>
    %get3A_53 = vector.shape_cast %get3A_52 : vector<1x1024x128xf32> to vector<1024x128xf32>
    %add3A_54 = arith.addf %get3A_48, %get3A_53 : vector<1024x128xf32>
    %mul3A_55 = vector.broadcast %get3A_1 : vector<1024x1xf32> to vector<1024x128xf32>
    %mul3A_56 = arith.mulf %mul3A_55, %add3A_54 : vector<1024x128xf32>
    %get3A_57 = arith.constant 2 : index
    %get3A_58 = arith.constant 0 : index
    %get3A_59 = vector.load %arg6[%get3A_57, %get3A_58] : memref<4x128xf32, #tpu.memory_space<vmem>>, vector<1x128xf32>
    %get3A_60 = vector.shape_cast %get3A_59 : vector<1x128xf32> to vector<128xf32>
    %broadcast_in_dim3A_61 = vector.shape_cast %get3A_60 : vector<128xf32> to vector<1x128xf32>
    %add3A_62 = vector.broadcast %broadcast_in_dim3A_61 : vector<1x128xf32> to vector<1024x128xf32>
    %add3A_63 = arith.addf %mul3A_56, %add3A_62 : vector<1024x128xf32>
    %max3A_64 = arith.constant 0.000000e+00 : f32
    %max3A_65 = vector.broadcast %max3A_64 : f32 to vector<1024x128xf32>
    %max3A_66 = arith.maximumf %add3A_63, %max3A_65 : vector<1024x128xf32>
    %get3A_67 = arith.constant 0 : index
    %get3A_68 = arith.constant 0 : index
    %get3A_69 = arith.constant 0 : index
    %get3A_70 = vector.load %arg4[%get3A_67, %get3A_68, %get3A_69] : memref<2x1024x128xf32, #tpu.memory_space<vmem>>, vector<1x1024x128xf32>
    %get3A_71 = vector.shape_cast %get3A_70 : vector<1x1024x128xf32> to vector<1024x128xf32>
    %get3A_72 = arith.constant 1 : index
    %get3A_73 = arith.constant 0 : index
    %get3A_74 = arith.constant 0 : index
    %get3A_75 = vector.load %arg4[%get3A_72, %get3A_73, %get3A_74] : memref<2x1024x128xf32, #tpu.memory_space<vmem>>, vector<1x1024x128xf32>
    %get3A_76 = vector.shape_cast %get3A_75 : vector<1x1024x128xf32> to vector<1024x128xf32>
    %add3A_77 = arith.addf %get3A_71, %get3A_76 : vector<1024x128xf32>
    %mul3A_78 = vector.broadcast %get3A_1 : vector<1024x1xf32> to vector<1024x128xf32>
    %mul3A_79 = arith.mulf %mul3A_78, %add3A_77 : vector<1024x128xf32>
    %get3A_80 = arith.constant 3 : index
    %get3A_81 = arith.constant 0 : index
    %get3A_82 = vector.load %arg6[%get3A_80, %get3A_81] : memref<4x128xf32, #tpu.memory_space<vmem>>, vector<1x128xf32>
    %get3A_83 = vector.shape_cast %get3A_82 : vector<1x128xf32> to vector<128xf32>
    %broadcast_in_dim3A_84 = vector.shape_cast %get3A_83 : vector<128xf32> to vector<1x128xf32>
    %add3A_85 = vector.broadcast %broadcast_in_dim3A_84 : vector<1x128xf32> to vector<1024x128xf32>
    %add3A_86 = arith.addf %mul3A_79, %add3A_85 : vector<1024x128xf32>
    %max3A_87 = arith.constant 0.000000e+00 : f32
    %max3A_88 = vector.broadcast %max3A_87 : f32 to vector<1024x128xf32>
    %max3A_89 = arith.maximumf %add3A_86, %max3A_88 : vector<1024x128xf32>
    %concatenate3A = tpu.concatenate %max3A_20, %max3A_43, %max3A_66, %max3A_89 in 1 : vector<1024x128xf32>, vector<1024x128xf32>, vector<1024x128xf32>, vector<1024x128xf32> -> vector<1024x512xf32>
    %get3A_90 = arith.constant 0 : index
    %get3A_91 = arith.constant 0 : index
    %get3A_92 = vector.load %arg7[%get3A_90, %get3A_91] : memref<512x128xf32, #tpu.memory_space<vmem>>, vector<512x128xf32>
    %dot_general3A = arith.constant dense<0.000000e+00> : vector<1024x128xf32>
    %dot_general3A_93 = tpu.matmul %concatenate3A, %get3A_92, %dot_general3A {dimension_numbers = #tpu.dot_dimension_numbers<[1], [0], [0], [1], [0, 0, 1, 1], [], []>, transpose_lhs_hint = false} : vector<1024x512xf32>, vector<512x128xf32>, vector<1024x128xf32> -> vector<1024x128xf32>
    %mul3A_94 = vector.broadcast %get3A_1 : vector<1024x1xf32> to vector<1024x128xf32>
    %mul3A_95 = arith.mulf %dot_general3A_93, %mul3A_94 : vector<1024x128xf32>
    %swap3A = arith.constant 0 : index
    %swap3A_96 = arith.constant 0 : index
    %swap3A_97 = vector.load %arg8[%swap3A, %swap3A_96] : memref<1024x128xf32, #tpu.memory_space<vmem>>, vector<1024x128xf32>
    tpu.vector_store %arg8[%swap3A, %swap3A_96], %mul3A_95 {strides = array<i32>} : memref<1024x128xf32, #tpu.memory_space<vmem>>, vector<1024x128xf32>,
    return
  }
  func.func @transform_0(%arg0: i32) -> (i32, i32, i32) {
    %c0_i32 = arith.constant 0 : i32
    %c0_i32_0 = arith.constant 0 : i32
    %c0_i32_1 = arith.constant 0 : i32
    return %c0_i32, %arg0, %c0_i32_0 : i32, i32, i32
  }
  func.func @transform_1(%arg0: i32) -> (i32, i32, i32) {
    %c0_i32 = arith.constant 0 : i32
    %c0_i32_0 = arith.constant 0 : i32
    %c0_i32_1 = arith.constant 0 : i32
    return %c0_i32, %arg0, %c0_i32_0 : i32, i32, i32
  }
  func.func @transform_2(%arg0: i32) -> (i32, i32, i32) {
    %c0_i32 = arith.constant 0 : i32
    %c0_i32_0 = arith.constant 0 : i32
    %c0_i32_1 = arith.constant 0 : i32
    return %c0_i32, %arg0, %c0_i32_0 : i32, i32, i32
  }
  func.func @transform_3(%arg0: i32) -> (i32, i32, i32) {
    %c0_i32 = arith.constant 0 : i32
    %c0_i32_0 = arith.constant 0 : i32
    %c0_i32_1 = arith.constant 0 : i32
    return %c0_i32, %arg0, %c0_i32_0 : i32, i32, i32
  }
  func.func @transform_4(%arg0: i32) -> (i32, i32) {
    %c0_i32 = arith.constant 0 : i32
    %c0_i32_0 = arith.constant 0 : i32
    return %arg0, %c0_i32 : i32, i32
  }
  func.func @transform_5(%arg0: i32) -> (i32, i32) {
    %c0_i32 = arith.constant 0 : i32
    %c0_i32_0 = arith.constant 0 : i32
    %c0_i32_1 = arith.constant 0 : i32
    return %c0_i32, %c0_i32_0 : i32, i32
  }
  func.func @transform_6(%arg0: i32) -> (i32, i32) {
    %c0_i32 = arith.constant 0 : i32
    %c0_i32_0 = arith.constant 0 : i32
    %c0_i32_1 = arith.constant 0 : i32
    return %c0_i32, %c0_i32_0 : i32, i32
  }
  func.func @transform_7(%arg0: i32) -> (i32, i32) {
    %c0_i32 = arith.constant 0 : i32
    %c0_i32_0 = arith.constant 0 : i32
    return %arg0, %c0_i32 : i32, i32
  }
}

module attributes {stable_mosaic.version = 14 : i64} {
  func.func @_fin_body(%arg0: i32, %arg1: memref<2x1024x128xf32, #tpu.memory_space<vmem>>, %arg2: memref<1024x1xf32, #tpu.memory_space<vmem>>, %arg3: memref<1x128xf32, #tpu.memory_space<vmem>>, %arg4: memref<1024x16xf32, #tpu.memory_space<vmem>>) attributes {dimension_semantics = [#tpu.dimension_semantics<arbitrary>], iteration_bounds = array<i64: 10>, scalar_prefetch = 0 : i64, scratch_operands = 0 : i64, tpu.core_type = #tpu.core_type<tc>, window_params = [{transform_indices = @transform_0, window_bounds = array<i64: 2, 1024, 128>}, {transform_indices = @transform_1, window_bounds = array<i64: 1024, 1>}, {pipeline_mode = #tpu.pipeline_mode<synchronous>, transform_indices = @transform_2, window_bounds = array<i64: 1, 128>}, {transform_indices = @transform_3, window_bounds = array<i64: 1024, 16>}]} {
    %get3A = arith.constant 0 : index
    %get3A_0 = arith.constant 0 : index
    %get3A_1 = arith.constant 0 : index
    %get3A_2 = vector.load %arg1[%get3A, %get3A_0, %get3A_1] : memref<2x1024x128xf32, #tpu.memory_space<vmem>>, vector<1x1024x128xf32>
    %get3A_3 = vector.shape_cast %get3A_2 : vector<1x1024x128xf32> to vector<1024x128xf32>
    %get3A_4 = arith.constant 1 : index
    %get3A_5 = arith.constant 0 : index
    %get3A_6 = arith.constant 0 : index
    %get3A_7 = vector.load %arg1[%get3A_4, %get3A_5, %get3A_6] : memref<2x1024x128xf32, #tpu.memory_space<vmem>>, vector<1x1024x128xf32>
    %get3A_8 = vector.shape_cast %get3A_7 : vector<1x1024x128xf32> to vector<1024x128xf32>
    %add3A = arith.addf %get3A_3, %get3A_8 : vector<1024x128xf32>
    %get3A_9 = arith.constant 0 : index
    %get3A_10 = arith.constant 0 : index
    %get3A_11 = vector.load %arg2[%get3A_9, %get3A_10] : memref<1024x1xf32, #tpu.memory_space<vmem>>, vector<1024x1xf32>
    %mul3A = vector.broadcast %get3A_11 : vector<1024x1xf32> to vector<1024x128xf32>
    %mul3A_12 = arith.mulf %mul3A, %add3A : vector<1024x128xf32>
    %get3A_13 = arith.constant 0 : index
    %get3A_14 = arith.constant 0 : index
    %get3A_15 = vector.load %arg3[%get3A_13, %get3A_14] : memref<1x128xf32, #tpu.memory_space<vmem>>, vector<1x128xf32>
    %add3A_16 = vector.broadcast %get3A_15 : vector<1x128xf32> to vector<1024x128xf32>
    %add3A_17 = arith.addf %mul3A_12, %add3A_16 : vector<1024x128xf32>
    %iota3A = tpu.iota {dimensions = array<i32: 1>} : vector<1024x128xi32>
    %lt3A = arith.constant 10 : i32
    %lt3A_18 = vector.broadcast %lt3A : i32 to vector<1024x128xi32>
    %lt3A_19 = arith.cmpi slt, %iota3A, %lt3A_18 : vector<1024x128xi32>
    %jit3A = arith.constant -1.000000e+30 : f32
    %broadcast_in_dim3A = vector.broadcast %jit3A : f32 to vector<1024x128xf32>
    %select_n3A = arith.select %lt3A_19, %add3A_17, %broadcast_in_dim3A : vector<1024x128xi1>, vector<1024x128xf32>
    %reduce_max3A = arith.constant dense<0xFF800000> : vector<1024xf32>
    %reduce_max3A_20 = vector.multi_reduction <maximumf>, %select_n3A, %reduce_max3A [1] : vector<1024x128xf32> to vector<1024xf32>
    %broadcast_in_dim3A_21 = vector.shape_cast %reduce_max3A_20 : vector<1024xf32> to vector<1024x1xf32>
    %sub3A = vector.broadcast %broadcast_in_dim3A_21 : vector<1024x1xf32> to vector<1024x128xf32>
    %sub3A_22 = arith.subf %add3A_17, %sub3A : vector<1024x128xf32>
    %exp3A = math.exp %sub3A_22 : vector<1024x128xf32>
    %jit3A_23 = arith.constant 0.000000e+00 : f32
    %broadcast_in_dim3A_24 = vector.broadcast %jit3A_23 : f32 to vector<1024x128xf32>
    %select_n3A_25 = arith.select %lt3A_19, %exp3A, %broadcast_in_dim3A_24 : vector<1024x128xi1>, vector<1024x128xf32>
    %reduce_sum3A = arith.constant dense<0.000000e+00> : vector<1024xf32>
    %reduce_sum3A_26 = vector.multi_reduction <add>, %select_n3A_25, %reduce_sum3A [1] : vector<1024x128xf32> to vector<1024xf32>
    %broadcast_in_dim3A_27 = vector.shape_cast %reduce_sum3A_26 : vector<1024xf32> to vector<1024x1xf32>
    %sub3A_28 = vector.broadcast %broadcast_in_dim3A_21 : vector<1024x1xf32> to vector<1024x128xf32>
    %sub3A_29 = arith.subf %add3A_17, %sub3A_28 : vector<1024x128xf32>
    %log3A = math.log %broadcast_in_dim3A_27 : vector<1024x1xf32>
    %sub3A_30 = vector.broadcast %log3A : vector<1024x1xf32> to vector<1024x128xf32>
    %sub3A_31 = arith.subf %sub3A_29, %sub3A_30 : vector<1024x128xf32>
    %slice3A = vector.extract_strided_slice %sub3A_31 {offsets = [0, 0], sizes = [1024, 16], strides = [1, 1]} : vector<1024x128xf32> to vector<1024x16xf32>
    %swap3A = arith.constant 0 : index
    %swap3A_32 = arith.constant 0 : index
    %swap3A_33 = vector.load %arg4[%swap3A, %swap3A_32] : memref<1024x16xf32, #tpu.memory_space<vmem>>, vector<1024x16xf32>
    tpu.vector_store %arg4[%swap3A, %swap3A_32], %slice3A {strides = array<i32>} : memref<1024x16xf32, #tpu.memory_space<vmem>>, vector<1024x16xf32>,
    return
  }
  func.func @transform_0(%arg0: i32) -> (i32, i32, i32) {
    %c0_i32 = arith.constant 0 : i32
    %c0_i32_0 = arith.constant 0 : i32
    %c0_i32_1 = arith.constant 0 : i32
    return %c0_i32, %arg0, %c0_i32_0 : i32, i32, i32
  }
  func.func @transform_1(%arg0: i32) -> (i32, i32) {
    %c0_i32 = arith.constant 0 : i32
    %c0_i32_0 = arith.constant 0 : i32
    return %arg0, %c0_i32 : i32, i32
  }
  func.func @transform_2(%arg0: i32) -> (i32, i32) {
    %c0_i32 = arith.constant 0 : i32
    %c0_i32_0 = arith.constant 0 : i32
    %c0_i32_1 = arith.constant 0 : i32
    return %c0_i32, %c0_i32_0 : i32, i32
  }
  func.func @transform_3(%arg0: i32) -> (i32, i32) {
    %c0_i32 = arith.constant 0 : i32
    %c0_i32_0 = arith.constant 0 : i32
    return %arg0, %c0_i32 : i32, i32
  }
}

</mosaic_0001>

<sc_bundles>
// kernel: kernel.10.cloned.1.call-start
scs
__scs_entry_jumppad:
0x0: {  	(pc) =	sbr.rel $0x88, $3  }
0x1: {  	(tag) =	ssettag $0x0;
	lr =	simm.s32 $0x1  }
0x2: {  	[smem:$0x3F99] =	sst lr;
	_ =	strace $0xD0000000  }
0x3: {  	_ = 	snop  }
0x4: {  	_ = 	snop  }
0x5: {  	_ = 	snop  }
0x6: {  	_ = 	snop  }
0x7: {  	_ = 	snop  }
__scs_overlays_trampoline_lowered:
0x8: {  	[smem:$0x3FA8] =	sst s0  }
0x9: {  	[smem:$0x3FA9] =	sst s1  }
0xa: {  	[smem:$0x3FAA] =	sst s2  }
0xb: {  	[smem:$0x3FAB] =	sst s3  }
0xc: {  	[smem:$0x3FAC] =	sst s4  }
0xd: {  	[smem:$0x3FAD] =	sst s5  }
0xe: {  	[smem:$0x3FAE] =	sst s6  }
0xf: {  	[smem:$0x3FAF] =	sst s7  }
0x10: {  	[smem:$0x3FB0] =	sst s8  }
0x11: {  	[smem:$0x3FB1] =	sst s9;
	s0 =	simm.s32 @!p0 $0x0  }
0x12: {  	s1 =	sld [smem:$0x3F97];
	s0 =	simm.s32 @p0 $0x1  }
0x13: {  	[smem:$0x3FB2] =	sst s0;
	s0 =	simm.s32 @!p1 $0x0  }
0x14: {  	s2 =	sld [smem:$0x3F96];
	s0 =	simm.s32 @p1 $0x1  }
0x15: {  	[smem:$0x3FB3] =	sst s0;
	s0 =	simm.s32 @!p2 $0x0  }
0x16: {  	s3 =	sld [smem:$0x3FDB];
	s0 =	simm.s32 @p2 $0x1  }
0x17: {  	s4 =	simm.s32 $0x1BF5;
	[smem:$0x3FB5] =	sst s0  }
0x18: {  	s0 =	sld [smem:$0x3F98];
	_ =	swait.ge [sflag:s4], $0x0  }
0x19: {  	s7 =	sld [smem:$0x3F99]  }
0x1a: {  	s8 =	sadd.s32 $0xFFFFE003, lr  }
0x1b: {  	s9 =	sadd.s32 $0xFFFFFEF7, lr;
	s5 =	simm.s32 $0xFFFFFFFF;
	p2 =	slt.u32 s8, $0xFFFFF086  }
0x1c: {  	p1 =	slt.u32 s9, $0xF7A;
	s5 =	simm.s32 @!p2 $0x0  }
0x1d: {  	s5 =	simm.s32 @p1 $0x1;
	p0 =	seq.s32 s7, s2  }
0x1e: {  	s7 =	smul.u32 @!p0 $0xF7A, s2;
	p2 =	seq.s32 @!p0 s5, $0x0  }
0x1f: {  	s9 =	smul.u32 $0xF7A, s1;
	s8 =	simm.s32 @!p0 $0x1BF5;
	p2 =	por !p2, p0  }
0x20: {  	[sflag:s8] =	ssyncset.s32 @!p0 $0xFFFFF086;
	s6 =	sadd.s32 @!p0 s3, s7;
	s7 =	simm.s32 @!p0 $0x108  }
0x21: {  	s3 =	sadd.s32 s3, s9;
	s6 =	sadd.s32 @!p0 $0x88, s6;
	s7 =	simm.s32 @p2 $0x1082  }
0x22: {  	[simem:s7], [sflag:s8] =	dma.local @!p0 [hbm:s6], $0xF7A  }
0x23: {  	s9 =	sor.u32 $0xD0000000, s2;
	s6 =	simm.s32 $0x108;
	_ =	swait.ge @!p0 [sflag:s8], $0x0  }
0x24: {  	s3 =	sadd.s32 $0x88, s3;
	s6 =	simm.s32 @!p1 $0x1082;
	[sflag:s4] =	ssyncset.s32 $0xFFFFF086  }
0x25: {  	[simem:s6], [sflag:s4] =	dma.local [hbm:s3], $0xF7A  }
0x26: {  	[smem:$0x3F99] =	sst s1;
	(tag) =	ssettag s2;
	_ =	strace s9  }
0x27: {  	s1 =	sld [smem:$0x3FA9]  }
0x28: {  	s2 =	sld [smem:$0x3FAA]  }
0x29: {  	s4 =	sld [smem:$0x3FAC]  }
0x2a: {  	p0 =	seq.s32 s5, $0x0;
	s5 =	sld [smem:$0x3FAD]  }
0x2b: {  	s6 =	sld [smem:$0x3FAE]  }
0x2c: {  	s7 =	sld [smem:$0x3FAF]  }
0x2d: {  	s3 =	simm.s32 $0x108;
	s8 =	sld [smem:$0x3FB0]  }
0x2e: {  	s3 =	simm.s32 @!p0 $0x1082;
	s9 =	sld [smem:$0x3FB1]  }
0x2f: {  	lr =	sadd.s32 s0, s3;
	s0 =	sld [smem:$0x3FA8]  }
0x30: {  	s3 =	sld [smem:$0x3FAB]  }
0x31: {  	[smem:$0x3FB4] =	sst s10  }
0x32: {  	s10 =	sld [smem:$0x3FB2];
	_ =	sdelay $0x3  }
0x33: {  	p0 =	seq.s32 s10, $0x1;
	s10 =	sld [smem:$0x3FB4];
	_ =	sdelay $0x3  }
0x34: {  	[smem:$0x3FB4] =	sst s10  }
0x35: {  	s10 =	sld [smem:$0x3FB3];
	_ =	sdelay $0x3  }
0x36: {  	p1 =	seq.s32 s10, $0x1;
	s10 =	sld [smem:$0x3FB4];
	_ =	sdelay $0x3  }
0x37: {  	[smem:$0x3FB4] =	sst s10  }
0x38: {  	s10 =	sld [smem:$0x3FB5]  }
0x39: {  	_ = 	snop;
	(pc) =	sbr.ind lr, $3  }
0x3a: {  	_ = 	snop  }
0x3b: {  	_ = 	snop  }
0x3c: {  	p2 =	seq.s32 s10, $0x1;
	s10 =	sld [smem:$0x3FB4]  }
0x3d: {  	_ =	shalt  }
0x3e: {  	_ =	shalt  }
0x3f: {  	_ =	shalt  }
0x40: {  	_ =	shalt  }
0x41: {  	_ =	shalt  }
0x42: {  	_ =	shalt  }
0x43: {  	_ =	shalt  }
0x44: {  	_ =	shalt  }
0x45: {  	_ =	shalt  }
0x46: {  	_ =	shalt  }
0x47: {  	_ =	shalt  }
0x48: {  	_ =	shalt  }
0x49: {  	_ =	shalt  }
0x4a: {  	_ =	shalt  }
0x4b: {  	_ =	shalt  }
0x4c: {  	_ =	shalt  }
0x4d: {  	_ =	shalt  }
0x4e: {  	_ =	shalt  }
0x4f: {  	_ =	shalt  }
0x50: {  	_ =	shalt  }
0x51: {  	_ =	shalt  }
0x52: {  	_ =	shalt  }
0x53: {  	_ =	shalt  }
0x54: {  	_ =	shalt  }
0x55: {  	_ =	shalt  }
0x56: {  	_ =	shalt  }
0x57: {  	_ =	shalt  }
0x58: {  	_ =	shalt  }
0x59: {  	_ =	shalt  }
0x5a: {  	_ =	shalt  }
0x5b: {  	_ =	shalt  }
0x5c: {  	_ =	shalt  }
0x5d: {  	_ =	shalt  }
0x5e: {  	_ =	shalt  }
0x5f: {  	_ =	shalt  }
0x60: {  	_ =	shalt  }
0x61: {  	_ =	shalt  }
0x62: {  	_ =	shalt  }
0x63: {  	_ =	shalt  }
0x64: {  	_ =	shalt  }
0x65: {  	_ =	shalt  }
0x66: {  	_ =	shalt  }
0x67: {  	_ =	shalt  }
0x68: {  	_ =	shalt  }
0x69: {  	_ =	shalt  }
0x6a: {  	_ =	shalt  }
0x6b: {  	_ =	shalt  }
0x6c: {  	_ =	shalt  }
0x6d: {  	_ =	shalt  }
0x6e: {  	_ =	shalt  }
0x6f: {  	_ =	shalt  }
0x70: {  	_ =	shalt  }
0x71: {  	_ =	shalt  }
0x72: {  	_ =	shalt  }
0x73: {  	_ =	shalt  }
0x74: {  	_ =	shalt  }
0x75: {  	_ =	shalt  }
0x76: {  	_ =	shalt  }
0x77: {  	_ =	shalt  }
0x78: {  	_ =	shalt  }
0x79: {  	_ =	shalt  }
0x7a: {  	_ =	shalt  }
0x7b: {  	_ =	shalt  }
0x7c: {  	_ =	shalt  }
0x7d: {  	_ =	shalt  }
0x7e: {  	_ =	shalt  }
0x7f: {  	_ =	shalt  }
0x80: {  	_ =	shalt  }
0x81: {  	_ =	shalt  }
0x82: {  	_ =	shalt  }
0x83: {  	_ =	shalt  }
0x84: {  	_ =	shalt  }
0x85: {  	_ =	shalt  }
0x86: {  	_ =	shalt  }
0x87: {  	_ =	shalt  }
.Lfunc_end0:
.L_simem_size_0:
called_computation_lowered:
.L_overlay_start_0:
0x88: {  	s2 =	sld [smem:$0x3FD9]  }
0x89: {  	s3 =	sld [smem:$0x3FFE];
	_ =	sdelay $0x1  }
0x8a: {  	s1 =	srdreg.scid  }
0x8b: {  	s0 =	sand.u32 $0x1, s1  }
0x8c: {  	s17 =	sshll.u32 s0, $0xA;
	s2 =	sadd.s32 s3, s2  }
0x8d: {  	s2 =	sadd.s32 s2, s17  }
0x8e: {  	[smem:$0x3FC0] =	sst s2  }
0x8f: {  	_ = 	snop  }
0x90: {  	s2 =	sld [smem:$0x3FD0];
	(tm) =	ssettm $0x1  }
0x91: {  	s18 =	sld [smem:$0x3FFB];
	_ =	sdelay $0x3  }
0x92: {  	_ =	strace s18  }
0x93: {  	s3 =	sld [smem:$0x3FFC];
	_ =	sdelay $0x3  }
0x94: {  	_ =	strace s3  }
0x95: {  	s3 =	sld [smem:$0x3FFD];
	_ =	sdelay $0x3  }
0x96: {  	_ =	strace s3  }
0x97: {  	_ =	strace $0x8FFFFFFF  }
0x98: {  	s19 =	sld [smem:$0x3FDB];
	_ =	sdelay $0x1  }
0x99: {  	s4 =	simm.s32 $_scs_section_size  }
0x9a: {  	s5 =	simm.s32 $_size__tile_overlayer_lowered;
	s6 =	simm.s32 $_tile_overlayer_lowered  }
0x9b: {  	s22 =	simm.s32 $0x1BFF;
	s21 =	sshll.u32 s6, $0x1;
	s3 =	sadd.s32 s4, s19  }
0x9c: {  	s7 =	simm.s32 $0x0;
	s20 =	sshll.u32 s5, $0x1;
	s5 =	sadd.s32 s21, s3  }
0x9d: {  	[timem:s7], [sflag:s22] =	dma.local [hbm:s5], s20  }
0x9e: {  	_ =	swait.ge [sflag:s22], s20  }
0x9f: {  	s4 =	ssub.s32 $0x0, s20;
	[sflag:s22] =	ssyncset.done $0x0  }
0xa0: {  	[sflag:s22] =	ssyncadd.s32 s4;
	_ =	sdelay $0x1  }
0xa1: {  	s23 =	simm.s32 $0x1B8B  }
0xa2: {  	_ =	swait.ge [sflag:s23], $0x1  }
0xa3: {  	[sflag:s23] =	ssyncset.done $0x0  }
0xa4: {  	s25 =	simm.s32 $0x1B8E;
	s24 =	sld [smem:$0x3FFE];
	[sflag:s23] =	ssyncadd.s32 $0xFFFFFFFF  }
0xa5: {  	s26 =	simm.s32 $execute0_lowered;
	[smem:$0x3FD2] =	sst s25  }
0xa6: {  	s5 =	sshll.u32 s26, $0x1;
	_ =	strace $0x80000046;
	[dreg:$0x1] =	wrdreg $0xFFFFFFFF  }
0xa7: {  	s28 =	simm.s32 $_size_execute0_lowered;
	s3 =	sadd.s32 s3, s5;
	[dreg:$0x0] =	wrdreg $0x0  }
0xa8: {  	s5 =	sshll.u32 s28, $0x1;
	[dreg:$0x2] =	wrdreg s3  }
0xa9: {  	[dreg:$0x3] =	wrdreg s5  }
0xaa: {  	[dreg:$0x4] =	wrdreg $0xC0  }
0xab: {  	_ =	task [dreg:s7], $0x5FFFF  }
0xac: {  	[dreg:$0x1] =	wrdreg $0xFFFFFFFF  }
0xad: {  	[dreg:$0x0] =	wrdreg $0x60  }
0xae: {  	[dreg:$0x2] =	wrdreg s24  }
0xaf: {  	[dreg:$0x3] =	wrdreg s2  }
0xb0: {  	[dreg:$0x4] =	wrdreg $0x54000  }
0xb1: {  	[dreg:$0x5] =	wrdreg $0x9  }
0xb2: {  	_ =	task.clear_ibuf [dreg:s7], $0x6FFFF;
	_ =	strace $0x90000046  }
0xb3: {  	s29 =	simm.s32 $0x9;
	_ =	strace $0x80000048  }
0xb4: {  	_ =	swait.ge [sflag:s29], $0x1  }
0xb5: {  	[sflag:s29] =	ssyncadd.s32 $0xFFFFFFFF  }
0xb6: {  	_ =	strace $0x90000048  }
0xb7: {  	_ =	sfence  }
0xb8: {  	s30 =	sld [smem:$0x0];
	_ =	sdelay $0x2  }
0xb9: {  	s31 =	sshll.u32 s1, $0xD;
	s1 =	sshrl.u32 s1, $0x2  }
0xba: {  	s3 =	sand.u32 $0x4000, s31;
	s1 =	sadd.s32 s1, s30  }
0xbb: {  	s0 =	sor.u32 s3, s0;
	s1 =	sshll.u32 s1, $0x11  }
0xbc: {  	s0 =	sor.u32 s1, s0  }
0xbd: {  	s0 =	sadd.s32 $0x8F2B, s0  }
0xbe: {  	[sflag:s0] =	ssyncadd.remote.s32 $0x1  }
0xbf: {  	_ =	sfence.sel $0xFFFF  }
0xc0: {  	[dreg:$0x0] =	wrdreg $0xFFFFFFFF;
	(pc) =	sbr.abs _section_cstart, $3  }
0xc1: {  	[dreg:$0x1] =	wrdreg $0xFFFFFFFF  }
0xc2: {  	_ =	task.clear_ibuf [dreg:s7], $0x2FFFF;
	_ =	strace $0x9FFFFFFF  }
0xc3: {  	(tm) =	ssettm $0x7FFFFFFF  }
tec
execute0_lowered:
.L_overlay_start_1:
0x0: {  	(tag) =	ssettag $0x1  }
0x1: {  	s6 =	rddreg [dreg:$0x0]  }
0x2: {  	s2 =	rddreg [dreg:$0x1]  }
0x3: {  	s0 =	srdreg.scid;
	s3 =	rddreg [dreg:$0x2];
	s4 =	simm.s32 $0x0  }
0x4: {  	s13 =	simm.s32 $0x7D;
	s5 =	sand.u32 $0x1, s0;
	s0 =	stileid.u32  }
0x5: {  	s14 =	simm.s32 $0x0;
	[smem:$0x7FF] =	sst s4;
	s8 =	smul.u32 $0x14000, s0  }
0x6: {  	s1 =	sshll.u32 s5, $0x4;
	s9 =	smul.u32 $0x140000, s5;
	s5 =	ssub.s32 $0x2, s5  }
0x7: {  	s29 =	smul.u32 $0x50000, s0;
	s31 =	sshll.u32 s0, $0x6;
	s1 =	sor.u32 s0, s1  }
0x8: {  	s11 =	sshrl.u32 s5, $0x1;
	s7 =	smul.u32 $0x280, s1;
	s1 =	rddreg [dreg:$0x3]  }
0x9: {  	_ =	strace $0x80000047;
	s10 =	sshrl.u32 s8, $0x3;
	s8 =	sadd.s32 s8, s9  }
0xa: {  	s11 =	ssub.s32 s5, s11;
	s30 =	sshrl.u32 s29, $0x2;
	s9 =	simm.s32 $0x1  }
0xb: {  	s10 =	sadd.s32 s10, s6;
	s8 =	sshrl.u32 s8, $0x3;
	s12 =	sadd.s32 s30, s3  }
0xc: {  	s7 =	sadd.s32 s7, s6;
	s8 =	sadd.s32 s8, s6;
	s6 =	sadd.s32 $0x8E00, s10  }
0xd: {  	s10 =	simm.s32 $0x4000;
	s12 =	sshrl.u32 s12, $0x3;
	s5 =	sadd.s32 $0x3E00, s7  }
0xe: {  	s7 =	sadd.s32 $0x30E00, s8;
	s8 =	smax.u32 s11, $0x1;
	s11 =	sor.u32 $0x1C01, s31  }
.LBB2_1:
0xf: {  	[tilespmem:s4], [sflag:$0x1] =	stream.linear.gather [hbm4b:s2+s4], $0x3E80, $0x38;
	[tilespmem:$0x19400] =	vst v63  }
0x10: {  	_ =	swait.ge [sflag:s9], $0x3E80  }
0x11: {  	[sflag:s9] =	ssyncset.done $0x0  }
0x12: {  	[sflag:s9] =	ssyncadd.s32 $0xFFFFC180  }
0x13: {  	[tilespmem:s10], [sflag:$0x1] =	stream.linear.gather [hbm4b:s5+s4], $0x1400, $0x38;
	[tilespmem:$0x19400] =	vst v63  }
0x14: {  	_ =	swait.ge [sflag:s9], $0x1400  }
0x15: {  	[sflag:s9] =	ssyncset.done $0x0  }
0x16: {  	[sflag:s9] =	ssyncadd.s32 $0xFFFFEC00  }
0x17: {  	[spmem:s12], [sflag:s11] =	dma.local [hbm:s6], $0x2800  }
0x18: {  	_ =	swait.ge [sflag:s9], $0x2800  }
0x19: {  	[sflag:s9] =	ssyncset.done $0x0  }
0x1a: {  	[sflag:s9] =	ssyncadd.s32 $0xFFFFD800  }
0x1b: {  	s15 =	simm.s32 $0x4000;
	[bflag:$0x0] =	sbarrier.arrive $0xFFFF  }
0x1c: {  	[spmem:s3] =	stream.indirect.scatter.add.f32 [tilespmem:s4], [sflag:$0x1], $0x80, s15, s13, $0xb8;
	[tilespmem:$0x19400] =	vst v63  }
0x1d: {  	s15 =	simm.s32 $0x200;
	_ =	swait.ge [sflag:s9], $0x3E80  }
.LBB2_2:
0x1e: {  	s16 =	sshra.s32 s15, $0x2;
	[sflag:s9] =	ssyncset.done $0x0;
	p0 =	sne.s32 s15, $0x4E00  }
.Ltmp0:
0x1f: {  	s16 =	sadd.s32 $0x4000, s16;
	[sflag:s9] =	ssyncadd.s32 $0xFFFFC180;
	(pc) =	sbr.rel @p0 .LBB2_2-.Ltmp0, $3  }
0x20: {  	[spmem:s3] =	stream.indirect.scatter.add.f32 [tilespmem:s4], [sflag:$0x1], $0x80, s16, s13, $0xb8;
	[tilespmem:$0x19400] =	vst v63  }
0x21: {  	s15 =	sadd.s32 $0x200, s15;
	_ =	sdelay $0x1  }
0x22: {  	_ =	swait.ge [sflag:s9], $0x3E80  }
0x23: {  	[sflag:s9] =	ssyncset.done $0x0;
	s14 =	sadd.s32 $0x1, s14  }
0x24: {  	[sflag:s9] =	ssyncadd.s32 $0xFFFFC180;
	p0 =	sne.s32 s14, s8  }
.Ltmp1:
0x25: {  	[bflag:$0x0] =	sbarrier.arrive $0xFFFF;
	(pc) =	sbr.rel @p0 .LBB2_1-.Ltmp1, $4  }
0x26: {  	[hbm:s7], [sflag:s11] =	dma.local [spmem:s12], $0x2800  }
0x27: {  	_ =	swait.ge [sflag:s9], $0x2800  }
0x28: {  	[sflag:s9] =	ssyncset.done $0x0  }
0x29: {  	[sflag:s9] =	ssyncadd.s32 $0xFFFFD800  }
0x2a: {  	_ =	sfence.sel $0x180000  }
0x2b: {  	[bflag:$0x0] =	sbarrier.arrive $0xFFFF  }
0x2c: {  	p0 =	sne.s32 s0, $0x0;
	_ =	strace $0x90000047  }
0x2d: {  	s0 =	sadd.s32 @!p0 $0x100000, s1;
	[bflag:$0x2] =	sbarrier.arrive $0xFFFF  }
0x2e: {  	[sflag:s0] =	ssyncadd.tile.s32 @!p0 $0x1;
	_ =	shalt  }
.Lfunc_end2:
_tile_overlayer_lowered:
.L_overlay_start_2:
0x2f: {  	(tag) =	ssettag $0x2  }
0x30: {  	s0 =	rddreg [dreg:$0x0];
	s2 =	stileid.u32  }
0x31: {  	s1 =	rddreg [dreg:$0x1];
	p0 =	sne.s32 s2, $0x0  }
0x32: {  	s3 =	rddreg [dreg:$0x2];
	[bflag:$0x3] =	sbarrier.arrive $0xFFFF;
	s2 =	simm.s32 @!p0 $0x1C01  }
0x33: {  	[timem:s3], [sflag:s2] =	dma.local @!p0 [hbm:s0], s1  }
0x34: {  	s0 =	simm.s32 @!p0 $0x1  }
0x35: {  	_ =	swait.ge @!p0 [sflag:s0], s1  }
0x36: {  	s1 =	ssub.s32 @!p0 $0x0, s1;
	[sflag:s0] =	ssyncset.done @!p0 $0x0  }
0x37: {  	[sflag:s0] =	ssyncadd.s32 @!p0 s1  }
0x38: {  	[bflag:$0x3] =	sbarrier.arrive $0xFFFF  }
0x39: {  	_ =	shalt  }

// kernel: kernel.13.cloned.1.call-start
scs
__scs_entry_jumppad:
0x0: {  	(pc) =	sbr.rel $0x88, $3  }
0x1: {  	(tag) =	ssettag $0x0;
	lr =	simm.s32 $0x1  }
0x2: {  	[smem:$0x3F99] =	sst lr;
	_ =	strace $0xD0000000  }
0x3: {  	_ = 	snop  }
0x4: {  	_ = 	snop  }
0x5: {  	_ = 	snop  }
0x6: {  	_ = 	snop  }
0x7: {  	_ = 	snop  }
__scs_overlays_trampoline_lowered:
0x8: {  	[smem:$0x3FA8] =	sst s0  }
0x9: {  	[smem:$0x3FA9] =	sst s1  }
0xa: {  	[smem:$0x3FAA] =	sst s2  }
0xb: {  	[smem:$0x3FAB] =	sst s3  }
0xc: {  	[smem:$0x3FAC] =	sst s4  }
0xd: {  	[smem:$0x3FAD] =	sst s5  }
0xe: {  	[smem:$0x3FAE] =	sst s6  }
0xf: {  	[smem:$0x3FAF] =	sst s7  }
0x10: {  	[smem:$0x3FB0] =	sst s8  }
0x11: {  	[smem:$0x3FB1] =	sst s9;
	s0 =	simm.s32 @!p0 $0x0  }
0x12: {  	s1 =	sld [smem:$0x3F97];
	s0 =	simm.s32 @p0 $0x1  }
0x13: {  	[smem:$0x3FB2] =	sst s0;
	s0 =	simm.s32 @!p1 $0x0  }
0x14: {  	s2 =	sld [smem:$0x3F96];
	s0 =	simm.s32 @p1 $0x1  }
0x15: {  	[smem:$0x3FB3] =	sst s0;
	s0 =	simm.s32 @!p2 $0x0  }
0x16: {  	s3 =	sld [smem:$0x3FDB];
	s0 =	simm.s32 @p2 $0x1  }
0x17: {  	s4 =	simm.s32 $0x1BF5;
	[smem:$0x3FB5] =	sst s0  }
0x18: {  	s0 =	sld [smem:$0x3F98];
	_ =	swait.ge [sflag:s4], $0x0  }
0x19: {  	s7 =	sld [smem:$0x3F99]  }
0x1a: {  	s8 =	sadd.s32 $0xFFFFE003, lr  }
0x1b: {  	s9 =	sadd.s32 $0xFFFFFEF7, lr;
	s5 =	simm.s32 $0xFFFFFFFF;
	p2 =	slt.u32 s8, $0xFFFFF086  }
0x1c: {  	p1 =	slt.u32 s9, $0xF7A;
	s5 =	simm.s32 @!p2 $0x0  }
0x1d: {  	s5 =	simm.s32 @p1 $0x1;
	p0 =	seq.s32 s7, s2  }
0x1e: {  	s7 =	smul.u32 @!p0 $0xF7A, s2;
	p2 =	seq.s32 @!p0 s5, $0x0  }
0x1f: {  	s9 =	smul.u32 $0xF7A, s1;
	s8 =	simm.s32 @!p0 $0x1BF5;
	p2 =	por !p2, p0  }
0x20: {  	[sflag:s8] =	ssyncset.s32 @!p0 $0xFFFFF086;
	s6 =	sadd.s32 @!p0 s3, s7;
	s7 =	simm.s32 @!p0 $0x108  }
0x21: {  	s3 =	sadd.s32 s3, s9;
	s6 =	sadd.s32 @!p0 $0x88, s6;
	s7 =	simm.s32 @p2 $0x1082  }
0x22: {  	[simem:s7], [sflag:s8] =	dma.local @!p0 [hbm:s6], $0xF7A  }
0x23: {  	s9 =	sor.u32 $0xD0000000, s2;
	s6 =	simm.s32 $0x108;
	_ =	swait.ge @!p0 [sflag:s8], $0x0  }
0x24: {  	s3 =	sadd.s32 $0x88, s3;
	s6 =	simm.s32 @!p1 $0x1082;
	[sflag:s4] =	ssyncset.s32 $0xFFFFF086  }
0x25: {  	[simem:s6], [sflag:s4] =	dma.local [hbm:s3], $0xF7A  }
0x26: {  	[smem:$0x3F99] =	sst s1;
	(tag) =	ssettag s2;
	_ =	strace s9  }
0x27: {  	s1 =	sld [smem:$0x3FA9]  }
0x28: {  	s2 =	sld [smem:$0x3FAA]  }
0x29: {  	s4 =	sld [smem:$0x3FAC]  }
0x2a: {  	p0 =	seq.s32 s5, $0x0;
	s5 =	sld [smem:$0x3FAD]  }
0x2b: {  	s6 =	sld [smem:$0x3FAE]  }
0x2c: {  	s7 =	sld [smem:$0x3FAF]  }
0x2d: {  	s3 =	simm.s32 $0x108;
	s8 =	sld [smem:$0x3FB0]  }
0x2e: {  	s3 =	simm.s32 @!p0 $0x1082;
	s9 =	sld [smem:$0x3FB1]  }
0x2f: {  	lr =	sadd.s32 s0, s3;
	s0 =	sld [smem:$0x3FA8]  }
0x30: {  	s3 =	sld [smem:$0x3FAB]  }
0x31: {  	[smem:$0x3FB4] =	sst s10  }
0x32: {  	s10 =	sld [smem:$0x3FB2];
	_ =	sdelay $0x3  }
0x33: {  	p0 =	seq.s32 s10, $0x1;
	s10 =	sld [smem:$0x3FB4];
	_ =	sdelay $0x3  }
0x34: {  	[smem:$0x3FB4] =	sst s10  }
0x35: {  	s10 =	sld [smem:$0x3FB3];
	_ =	sdelay $0x3  }
0x36: {  	p1 =	seq.s32 s10, $0x1;
	s10 =	sld [smem:$0x3FB4];
	_ =	sdelay $0x3  }
0x37: {  	[smem:$0x3FB4] =	sst s10  }
0x38: {  	s10 =	sld [smem:$0x3FB5]  }
0x39: {  	_ = 	snop;
	(pc) =	sbr.ind lr, $3  }
0x3a: {  	_ = 	snop  }
0x3b: {  	_ = 	snop  }
0x3c: {  	p2 =	seq.s32 s10, $0x1;
	s10 =	sld [smem:$0x3FB4]  }
0x3d: {  	_ =	shalt  }
0x3e: {  	_ =	shalt  }
0x3f: {  	_ =	shalt  }
0x40: {  	_ =	shalt  }
0x41: {  	_ =	shalt  }
0x42: {  	_ =	shalt  }
0x43: {  	_ =	shalt  }
0x44: {  	_ =	shalt  }
0x45: {  	_ =	shalt  }
0x46: {  	_ =	shalt  }
0x47: {  	_ =	shalt  }
0x48: {  	_ =	shalt  }
0x49: {  	_ =	shalt  }
0x4a: {  	_ =	shalt  }
0x4b: {  	_ =	shalt  }
0x4c: {  	_ =	shalt  }
0x4d: {  	_ =	shalt  }
0x4e: {  	_ =	shalt  }
0x4f: {  	_ =	shalt  }
0x50: {  	_ =	shalt  }
0x51: {  	_ =	shalt  }
0x52: {  	_ =	shalt  }
0x53: {  	_ =	shalt  }
0x54: {  	_ =	shalt  }
0x55: {  	_ =	shalt  }
0x56: {  	_ =	shalt  }
0x57: {  	_ =	shalt  }
0x58: {  	_ =	shalt  }
0x59: {  	_ =	shalt  }
0x5a: {  	_ =	shalt  }
0x5b: {  	_ =	shalt  }
0x5c: {  	_ =	shalt  }
0x5d: {  	_ =	shalt  }
0x5e: {  	_ =	shalt  }
0x5f: {  	_ =	shalt  }
0x60: {  	_ =	shalt  }
0x61: {  	_ =	shalt  }
0x62: {  	_ =	shalt  }
0x63: {  	_ =	shalt  }
0x64: {  	_ =	shalt  }
0x65: {  	_ =	shalt  }
0x66: {  	_ =	shalt  }
0x67: {  	_ =	shalt  }
0x68: {  	_ =	shalt  }
0x69: {  	_ =	shalt  }
0x6a: {  	_ =	shalt  }
0x6b: {  	_ =	shalt  }
0x6c: {  	_ =	shalt  }
0x6d: {  	_ =	shalt  }
0x6e: {  	_ =	shalt  }
0x6f: {  	_ =	shalt  }
0x70: {  	_ =	shalt  }
0x71: {  	_ =	shalt  }
0x72: {  	_ =	shalt  }
0x73: {  	_ =	shalt  }
0x74: {  	_ =	shalt  }
0x75: {  	_ =	shalt  }
0x76: {  	_ =	shalt  }
0x77: {  	_ =	shalt  }
0x78: {  	_ =	shalt  }
0x79: {  	_ =	shalt  }
0x7a: {  	_ =	shalt  }
0x7b: {  	_ =	shalt  }
0x7c: {  	_ =	shalt  }
0x7d: {  	_ =	shalt  }
0x7e: {  	_ =	shalt  }
0x7f: {  	_ =	shalt  }
0x80: {  	_ =	shalt  }
0x81: {  	_ =	shalt  }
0x82: {  	_ =	shalt  }
0x83: {  	_ =	shalt  }
0x84: {  	_ =	shalt  }
0x85: {  	_ =	shalt  }
0x86: {  	_ =	shalt  }
0x87: {  	_ =	shalt  }
.Lfunc_end0:
.L_simem_size_0:
called_computation.1_lowered:
.L_overlay_start_0:
0x88: {  	s2 =	sld [smem:$0x3FD9]  }
0x89: {  	s3 =	sld [smem:$0x3FFE];
	_ =	sdelay $0x1  }
0x8a: {  	s1 =	srdreg.scid  }
0x8b: {  	s0 =	sand.u32 $0x1, s1  }
0x8c: {  	s16 =	sshll.u32 s0, $0xA;
	s2 =	sadd.s32 s3, s2  }
0x8d: {  	s2 =	sadd.s32 s2, s16  }
0x8e: {  	[smem:$0x3FC0] =	sst s2  }
0x8f: {  	_ = 	snop  }
0x90: {  	(tm) =	ssettm $0x1  }
0x91: {  	s17 =	sld [smem:$0x3FFB];
	_ =	sdelay $0x3  }
0x92: {  	_ =	strace s17  }
0x93: {  	s2 =	sld [smem:$0x3FFC];
	_ =	sdelay $0x3  }
0x94: {  	_ =	strace s2  }
0x95: {  	s2 =	sld [smem:$0x3FFD];
	_ =	sdelay $0x3  }
0x96: {  	_ =	strace s2  }
0x97: {  	_ =	strace $0x8FFFFFFF  }
0x98: {  	s18 =	sld [smem:$0x3FDB];
	_ =	sdelay $0x1  }
0x99: {  	s19 =	simm.s32 $_scs_section_size  }
0x9a: {  	s4 =	simm.s32 $_size__tile_overlayer_lowered;
	s5 =	simm.s32 $_tile_overlayer_lowered  }
0x9b: {  	s22 =	simm.s32 $0x1BFF;
	s21 =	sshll.u32 s5, $0x1;
	s2 =	sadd.s32 s19, s18  }
0x9c: {  	s6 =	simm.s32 $0x0;
	s20 =	sshll.u32 s4, $0x1;
	s4 =	sadd.s32 s21, s2  }
0x9d: {  	[timem:s6], [sflag:s22] =	dma.local [hbm:s4], s20  }
0x9e: {  	_ =	swait.ge [sflag:s22], s20  }
0x9f: {  	s3 =	ssub.s32 $0x0, s20;
	[sflag:s22] =	ssyncset.done $0x0  }
0xa0: {  	[sflag:s22] =	ssyncadd.s32 s3;
	_ =	sdelay $0x1  }
0xa1: {  	s23 =	simm.s32 $0x1B8B  }
0xa2: {  	_ =	swait.ge [sflag:s23], $0x1  }
0xa3: {  	[sflag:s23] =	ssyncset.done $0x0  }
0xa4: {  	s25 =	simm.s32 $0x1B8E;
	s24 =	sld [smem:$0x3FFE];
	[sflag:s23] =	ssyncadd.s32 $0xFFFFFFFF  }
0xa5: {  	s26 =	simm.s32 $execute0_lowered;
	[smem:$0x3FD2] =	sst s25  }
0xa6: {  	s4 =	sshll.u32 s26, $0x1;
	_ =	strace $0x80000049;
	[dreg:$0x1] =	wrdreg $0xFFFFFFFF  }
0xa7: {  	s28 =	simm.s32 $_size_execute0_lowered;
	s2 =	sadd.s32 s2, s4;
	[dreg:$0x0] =	wrdreg $0x0  }
0xa8: {  	s4 =	sshll.u32 s28, $0x1;
	[dreg:$0x2] =	wrdreg s2  }
0xa9: {  	[dreg:$0x3] =	wrdreg s4  }
0xaa: {  	[dreg:$0x4] =	wrdreg $0xC0  }
0xab: {  	_ =	task [dreg:s6], $0x5FFFF  }
0xac: {  	[dreg:$0x1] =	wrdreg $0xFFFFFFFF  }
0xad: {  	[dreg:$0x0] =	wrdreg $0x60  }
0xae: {  	[dreg:$0x2] =	wrdreg s24  }
0xaf: {  	[dreg:$0x3] =	wrdreg $0xA8000  }
0xb0: {  	[dreg:$0x4] =	wrdreg $0x9  }
0xb1: {  	_ =	task.clear_ibuf [dreg:s6], $0x5FFFF;
	_ =	strace $0x90000049  }
0xb2: {  	s29 =	simm.s32 $0x9;
	_ =	strace $0x8000004B  }
0xb3: {  	_ =	swait.ge [sflag:s29], $0x1  }
0xb4: {  	[sflag:s29] =	ssyncadd.s32 $0xFFFFFFFF  }
0xb5: {  	_ =	strace $0x9000004B  }
0xb6: {  	_ =	sfence  }
0xb7: {  	s30 =	sld [smem:$0x0];
	_ =	sdelay $0x2  }
0xb8: {  	s31 =	sshll.u32 s1, $0xD;
	s1 =	sshrl.u32 s1, $0x2  }
0xb9: {  	s3 =	sand.u32 $0x4000, s31;
	s1 =	sadd.s32 s1, s30  }
0xba: {  	s0 =	sor.u32 s3, s0;
	s1 =	sshll.u32 s1, $0x11  }
0xbb: {  	s0 =	sor.u32 s1, s0  }
0xbc: {  	s0 =	sadd.s32 $0x8F2B, s0  }
0xbd: {  	[sflag:s0] =	ssyncadd.remote.s32 $0x1  }
0xbe: {  	_ =	sfence.sel $0xFFFF  }
0xbf: {  	[dreg:$0x0] =	wrdreg $0xFFFFFFFF;
	(pc) =	sbr.abs _section_cstart, $3  }
0xc0: {  	[dreg:$0x1] =	wrdreg $0xFFFFFFFF  }
0xc1: {  	_ =	task.clear_ibuf [dreg:s6], $0x2FFFF;
	_ =	strace $0x9FFFFFFF  }
0xc2: {  	(tm) =	ssettm $0x7FFFFFFF  }
0xc3: {  	_ =	shalt  }
tec
execute0_lowered:
.L_overlay_start_1:
0x0: {  	(tag) =	ssettag $0x1  }
0x1: {  	s0 =	srdreg.scid  }
0x2: {  	s1 =	rddreg [dreg:$0x0];
	s13 =	stileid.u32  }
0x3: {  	s2 =	rddreg [dreg:$0x1];
	s28 =	simm.s32 $0x1380;
	s29 =	simm.s32 $0x2700  }
0x4: {  	s30 =	simm.s32 $0x2780;
	s31 =	simm.s32 $0x0;
	s12 =	smul.u32 $0x14000, s13  }
0x5: {  	s0 =	sand.u32 $0x1, s0;
	s5 =	sadd.s32 $0x58E00, s1;
	s11 =	smul.u32 $0x50000, s13  }
0x6: {  	s6 =	sadd.s32 $0x80E00, s1;
	s7 =	sadd.s32 $0xA8E00, s1;
	s24 =	smul.u32 $0x2800, s13  }
0x7: {  	s19 =	sadd.s32 $0x8E00, s1;
	s3 =	sshll.u32 s0, $0x4;
	s9 =	smul.u32 $0x140000, s0  }
0x8: {  	s10 =	ssub.s32 $0x2, s0;
	p0 =	seq.s32 s0, $0x0;
	s4 =	sor.u32 s13, s3  }
0x9: {  	s3 =	simm.s32 $0x0;
	s20 =	sshrl.u32 s10, $0x1;
	s22 =	sshrl.u32 s11, $0x2  }
0xa: {  	s26 =	sshrl.u32 s12, $0x3;
	s8 =	smul.u32 $0x280, s4;
	[smem:$0x7FF] =	sst s3  }
0xb: {  	s4 =	sadd.s32 $0x30E00, s1;
	s9 =	sadd.s32 s12, s9;
	s16 =	ssub.s32 s10, s20  }
0xc: {  	s23 =	sadd.s32 s22, s2;
	s12 =	sadd.s32 s19, s26;
	s20 =	sadd.s32 s5, s26  }
0xd: {  	s22 =	simm.s32 $0x7D;
	_ =	strace $0x8000004A;
	s9 =	sshrl.u32 s9, $0x3  }
0xe: {  	[dreg:$0x5] =	wrdreg s23;
	s16 =	smax.u32 s16, $0x1;
	s19 =	smov.u32 @p0 s4  }
0xf: {  	s17 =	smov.u32 s12;
	s18 =	smov.u32 s12;
	s23 =	simm.s32 $0x2800  }
0x10: {  	s8 =	sadd.s32 s8, s1;
	s1 =	sadd.s32 s9, s1;
	s19 =	sadd.s32 s19, s24  }
0x11: {  	s17 =	smov.u32 @p0 s20;
	s20 =	simm.s32 $0x3;
	s21 =	sadd.s32 $0x192600, s8  }
0x12: {  	s24 =	simm.s32 $0x6800;
	s8 =	sadd.s32 $0x3E00, s8;
	[dreg:$0x3] =	wrdreg s21  }
0x13: {  	s25 =	sadd.s32 $0xD0E00, s1;
	s13 =	sadd.s32 $0x120E00, s1;
	[dreg:$0x4] =	wrdreg s8  }
0x14: {  	s14 =	sadd.s32 $0x1BF600, s1;
	s15 =	sadd.s32 $0x20F600, s1;
	[dreg:$0x6] =	wrdreg s25  }
0x15: {  	s21 =	sadd.s32 s6, s26;
	s8 =	sadd.s32 s7, s26;
	s25 =	simm.s32 $0x1  }
0x16: {  	s26 =	simm.s32 $0x2;
	s18 =	smov.u32 @p0 s21;
	s12 =	smov.u32 @p0 s8  }
.LBB2_1:
0x17: {  	s0 =	rddreg [dreg:$0x3]  }
0x18: {  	[tilespmem:s3], [sflag:$0x3] =	stream.linear.gather [hbm4b:s0+s3], $0x1400, $0x38;
	[tilespmem:$0x1E800] =	vst v63  }
0x19: {  	_ =	swait.ge [sflag:s20], $0x1400  }
0x1a: {  	[sflag:s20] =	ssyncset.done $0x0  }
0x1b: {  	s1 =	simm.s32 $0x1400;
	s10 =	rddreg [dreg:$0x4];
	[sflag:s20] =	ssyncadd.s32 $0xFFFFEC00  }
0x1c: {  	[tilespmem:s1], [sflag:$0x3] =	stream.linear.gather [hbm4b:s10+s3], $0x1400, $0x38;
	[tilespmem:$0x1E800] =	vst v63  }
0x1d: {  	s11 =	stileid.u32;
	_ =	swait.ge [sflag:s20], $0x1400  }
0x1e: {  	s0 =	sshll.u32 s11, $0x6;
	[sflag:s20] =	ssyncset.done $0x0;
	s21 =	rddreg [dreg:$0x5]  }
0x1f: {  	s1 =	sor.u32 $0x1C03, s0;
	[sflag:s20] =	ssyncadd.s32 $0xFFFFEC00;
	s21 =	sshrl.u32 s21, $0x3  }
0x20: {  	[spmem:s21], [sflag:s1] =	dma.local [hbm:s19], $0x2800  }
0x21: {  	_ =	swait.ge [sflag:s20], $0x2800  }
0x22: {  	[sflag:s20] =	ssyncset.done $0x0  }
0x23: {  	[sflag:s20] =	ssyncadd.s32 $0xFFFFD800  }
0x24: {  	[bflag:$0x0] =	sbarrier.arrive $0xFFFF  }
0x25: {  	[tilespmem:s23], [sflag:$0x1] =	stream.indirect.gather [hbm4b:s4+s22], $0x80, s3, s22, $0xb8;
	[tilespmem:$0x1E800] =	vst v63  }
0x26: {  	s8 =	simm.s32 $0x80  }
0x27: {  	[tilespmem:s24], [sflag:$0x2] =	stream.indirect.gather [hbm4b:s4+s22], $0x80, s8, s22, $0xb8;
	[tilespmem:$0x1E800] =	vst v63  }
0x28: {  	_ =	swait.ge [sflag:s25], $0x3E80  }
0x29: {  	[sflag:s25] =	ssyncset.done $0x0  }
0x2a: {  	s9 =	simm.s32 $0x1400;
	[sflag:s25] =	ssyncadd.s32 $0xFFFFC180  }
0x2b: {  	[spmem:s2] =	stream.indirect.scatter.add.f32 [tilespmem:s23], [sflag:$0x3], $0x80, s9, s22, $0xb8;
	[tilespmem:$0x1E800] =	vst v63  }
0x2c: {  	_ =	swait.ge [sflag:s20], $0x3E80  }
0x2d: {  	[sflag:s20] =	ssyncset.done $0x0  }
0x2e: {  	s10 =	simm.s32 $0x100;
	[sflag:s20] =	ssyncadd.s32 $0xFFFFC180  }
0x2f: {  	[tilespmem:s23], [sflag:$0x1] =	stream.indirect.gather [hbm4b:s4+s22], $0x80, s10, s22, $0xb8;
	[tilespmem:$0x1E800] =	vst v63  }
0x30: {  	_ =	swait.ge [sflag:s26], $0x3E80  }
0x31: {  	[sflag:s26] =	ssyncset.done $0x0  }
0x32: {  	s11 =	simm.s32 $0x1480;
	[sflag:s26] =	ssyncadd.s32 $0xFFFFC180  }
0x33: {  	[spmem:s2] =	stream.indirect.scatter.add.f32 [tilespmem:s24], [sflag:$0x3], $0x80, s11, s22, $0xb8;
	[tilespmem:$0x1E800] =	vst v63  }
0x34: {  	_ =	swait.ge [sflag:s20], $0x3E80  }
0x35: {  	s0 =	simm.s32 $0x100;
	s8 =	simm.s32 $0x800;
	[sflag:s20] =	ssyncset.done $0x0  }
.LBB2_2:
0x36: {  	s9 =	sadd.s32 $0x80, s0  }
0x37: {  	[sflag:s20] =	ssyncadd.s32 $0xFFFFC180;
	s10 =	smov.u32 s8;
	s11 =	sadd.s32 $0x400, s8  }
0x38: {  	[tilespmem:s24], [sflag:$0x2] =	stream.indirect.gather [hbm4b:s4+s22], $0x80, s9, s22, $0xb8;
	[tilespmem:$0x1E800] =	vst v63  }
0x39: {  	p0 =	sne.s32 s8, $0x4800;
	_ =	swait.ge [sflag:s25], $0x3E80  }
0x3a: {  	[sflag:s25] =	ssyncset.done $0x0  }
0x3b: {  	s8 =	sadd.s32 $0x1400, s0;
	[sflag:s25] =	ssyncadd.s32 $0xFFFFC180  }
0x3c: {  	[spmem:s2] =	stream.indirect.scatter.add.f32 [tilespmem:s23], [sflag:$0x3], $0x80, s8, s22, $0xb8;
	[tilespmem:$0x1E800] =	vst v63  }
0x3d: {  	_ =	swait.ge [sflag:s20], $0x3E80  }
0x3e: {  	[sflag:s20] =	ssyncset.done $0x0  }
0x3f: {  	s8 =	sadd.s32 $0x100, s0;
	[sflag:s20] =	ssyncadd.s32 $0xFFFFC180  }
0x40: {  	[tilespmem:s23], [sflag:$0x1] =	stream.indirect.gather [hbm4b:s4+s22], $0x80, s8, s22, $0xb8;
	[tilespmem:$0x1E800] =	vst v63  }
0x41: {  	_ =	swait.ge [sflag:s26], $0x3E80  }
.Ltmp0:
0x42: {  	[sflag:s26] =	ssyncset.done $0x0;
	(pc) =	sbr.rel @p0 .LBB2_2-.Ltmp0, $4  }
0x43: {  	s0 =	sadd.s32 $0x1480, s0;
	[sflag:s26] =	ssyncadd.s32 $0xFFFFC180  }
0x44: {  	[spmem:s2] =	stream.indirect.scatter.add.f32 [tilespmem:s24], [sflag:$0x3], $0x80, s0, s22, $0xb8;
	[tilespmem:$0x1E800] =	vst v63  }
0x45: {  	_ =	swait.ge [sflag:s20], $0x3E80  }
0x46: {  	s8 =	smov.u32 s11;
	s0 =	sshra.s32 s10, $0x2;
	[sflag:s20] =	ssyncset.done $0x0  }
0x47: {  	s8 =	sadd.s32 $0x80, s0;
	[sflag:s20] =	ssyncadd.s32 $0xFFFFC180  }
0x48: {  	[tilespmem:s24], [sflag:$0x2] =	stream.indirect.gather [hbm4b:s4+s22], $0x80, s8, s22, $0xb8;
	[tilespmem:$0x1E800] =	vst v63  }
0x49: {  	_ =	swait.ge [sflag:s25], $0x3E80  }
0x4a: {  	[sflag:s25] =	ssyncset.done $0x0  }
0x4b: {  	s10 =	sadd.s32 $0x1400, s0;
	[sflag:s25] =	ssyncadd.s32 $0xFFFFC180  }
0x4c: {  	[spmem:s2] =	stream.indirect.scatter.add.f32 [tilespmem:s23], [sflag:$0x3], $0x80, s10, s22, $0xb8;
	[tilespmem:$0x1E800] =	vst v63  }
0x4d: {  	_ =	swait.ge [sflag:s20], $0x3E80  }
0x4e: {  	[sflag:s20] =	ssyncset.done $0x0  }
0x4f: {  	s11 =	sadd.s32 $0x100, s0;
	[sflag:s20] =	ssyncadd.s32 $0xFFFFC180  }
0x50: {  	[tilespmem:s23], [sflag:$0x1] =	stream.indirect.gather [hbm4b:s4+s22], $0x80, s11, s22, $0xb8;
	[tilespmem:$0x1E800] =	vst v63  }
0x51: {  	_ =	swait.ge [sflag:s26], $0x3E80  }
0x52: {  	[sflag:s26] =	ssyncset.done $0x0  }
0x53: {  	s9 =	sadd.s32 $0x1480, s0;
	[sflag:s26] =	ssyncadd.s32 $0xFFFFC180  }
0x54: {  	[spmem:s2] =	stream.indirect.scatter.add.f32 [tilespmem:s24], [sflag:$0x3], $0x80, s9, s22, $0xb8;
	[tilespmem:$0x1E800] =	vst v63  }
0x55: {  	_ =	swait.ge [sflag:s20], $0x3E80  }
0x56: {  	[sflag:s20] =	ssyncset.done $0x0  }
0x57: {  	[sflag:s20] =	ssyncadd.s32 $0xFFFFC180  }
0x58: {  	[tilespmem:s24], [sflag:$0x2] =	stream.indirect.gather [hbm4b:s4+s22], $0x80, s28, s22, $0xb8;
	[tilespmem:$0x1E800] =	vst v63  }
0x59: {  	_ =	swait.ge [sflag:s25], $0x3E80  }
0x5a: {  	[sflag:s25] =	ssyncset.done $0x0  }
0x5b: {  	[sflag:s25] =	ssyncadd.s32 $0xFFFFC180  }
0x5c: {  	[spmem:s2] =	stream.indirect.scatter.add.f32 [tilespmem:s23], [sflag:$0x3], $0x80, s29, s22, $0xb8;
	[tilespmem:$0x1E800] =	vst v63  }
0x5d: {  	_ =	swait.ge [sflag:s20], $0x3E80  }
0x5e: {  	[sflag:s20] =	ssyncset.done $0x0  }
0x5f: {  	s10 =	simm.s32 $0x0;
	[sflag:s20] =	ssyncadd.s32 $0xFFFFC180  }
0x60: {  	[tilespmem:s23], [sflag:$0x1] =	stream.indirect.gather [hbm4b:s4+s22], $0x80, s10, s22, $0xb8;
	[tilespmem:$0x1E800] =	vst v63  }
0x61: {  	_ =	swait.ge [sflag:s26], $0x3E80  }
0x62: {  	[sflag:s26] =	ssyncset.done $0x0  }
0x63: {  	[sflag:s26] =	ssyncadd.s32 $0xFFFFC180  }
0x64: {  	[spmem:s2] =	stream.indirect.scatter.add.f32 [tilespmem:s24], [sflag:$0x3], $0x80, s30, s22, $0xb8;
	[tilespmem:$0x1E800] =	vst v63  }
0x65: {  	_ =	swait.ge [sflag:s20], $0x3E80  }
0x66: {  	[sflag:s20] =	ssyncset.done $0x0  }
0x67: {  	[sflag:s20] =	ssyncadd.s32 $0xFFFFC180  }
0x68: {  	_ =	swait.ge [sflag:s25], $0x3E80  }
0x69: {  	[sflag:s25] =	ssyncset.done $0x0  }
0x6a: {  	[sflag:s25] =	ssyncadd.s32 $0xFFFFC180  }
0x6b: {  	[bflag:$0x0] =	sbarrier.arrive $0xFFFF  }
0x6c: {  	s11 =	rddreg [dreg:$0x6]  }
0x6d: {  	[hbm:s11], [sflag:s1] =	dma.local [spmem:s21], $0x2800  }
0x6e: {  	_ =	swait.ge [sflag:s20], $0x2800  }
0x6f: {  	[sflag:s20] =	ssyncset.done $0x0  }
0x70: {  	[sflag:s20] =	ssyncadd.s32 $0xFFFFD800  }
0x71: {  	[spmem:s21], [sflag:s1] =	dma.local [hbm:s17], $0x2800  }
0x72: {  	_ =	swait.ge [sflag:s20], $0x2800  }
0x73: {  	[sflag:s20] =	ssyncset.done $0x0  }
0x74: {  	[sflag:s20] =	ssyncadd.s32 $0xFFFFD800  }
0x75: {  	[bflag:$0x0] =	sbarrier.arrive $0xFFFF  }
0x76: {  	[tilespmem:s23], [sflag:$0x1] =	stream.indirect.gather [hbm4b:s5+s22], $0x80, s10, s22, $0xb8;
	[tilespmem:$0x1E800] =	vst v63  }
0x77: {  	s8 =	simm.s32 $0x80  }
0x78: {  	[tilespmem:s24], [sflag:$0x2] =	stream.indirect.gather [hbm4b:s5+s22], $0x80, s8, s22, $0xb8;
	[tilespmem:$0x1E800] =	vst v63  }
0x79: {  	_ =	swait.ge [sflag:s25], $0x3E80  }
0x7a: {  	[sflag:s25] =	ssyncset.done $0x0  }
0x7b: {  	s9 =	simm.s32 $0x1400;
	[sflag:s25] =	ssyncadd.s32 $0xFFFFC180  }
0x7c: {  	[spmem:s2] =	stream.indirect.scatter.add.f32 [tilespmem:s23], [sflag:$0x3], $0x80, s9, s22, $0xb8;
	[tilespmem:$0x1E800] =	vst v63  }
0x7d: {  	_ =	swait.ge [sflag:s20], $0x3E80  }
0x7e: {  	[sflag:s20] =	ssyncset.done $0x0  }
0x7f: {  	s10 =	simm.s32 $0x100;
	[sflag:s20] =	ssyncadd.s32 $0xFFFFC180  }
0x80: {  	[tilespmem:s23], [sflag:$0x1] =	stream.indirect.gather [hbm4b:s5+s22], $0x80, s10, s22, $0xb8;
	[tilespmem:$0x1E800] =	vst v63  }
0x81: {  	_ =	swait.ge [sflag:s26], $0x3E80  }
0x82: {  	[sflag:s26] =	ssyncset.done $0x0  }
0x83: {  	s11 =	simm.s32 $0x1480;
	[sflag:s26] =	ssyncadd.s32 $0xFFFFC180  }
0x84: {  	[spmem:s2] =	stream.indirect.scatter.add.f32 [tilespmem:s24], [sflag:$0x3], $0x80, s11, s22, $0xb8;
	[tilespmem:$0x1E800] =	vst v63  }
0x85: {  	_ =	swait.ge [sflag:s20], $0x3E80  }
0x86: {  	s0 =	simm.s32 $0x100;
	s8 =	simm.s32 $0x800;
	[sflag:s20] =	ssyncset.done $0x0  }
.LBB2_4:
0x87: {  	s9 =	sadd.s32 $0x80, s0  }
0x88: {  	[sflag:s20] =	ssyncadd.s32 $0xFFFFC180;
	s10 =	smov.u32 s8;
	s11 =	sadd.s32 $0x400, s8  }
0x89: {  	[tilespmem:s24], [sflag:$0x2] =	stream.indirect.gather [hbm4b:s5+s22], $0x80, s9, s22, $0xb8;
	[tilespmem:$0x1E800] =	vst v63  }
0x8a: {  	p0 =	sne.s32 s8, $0x4800;
	_ =	swait.ge [sflag:s25], $0x3E80  }
0x8b: {  	[sflag:s25] =	ssyncset.done $0x0  }
0x8c: {  	s8 =	sadd.s32 $0x1400, s0;
	[sflag:s25] =	ssyncadd.s32 $0xFFFFC180  }
0x8d: {  	[spmem:s2] =	stream.indirect.scatter.add.f32 [tilespmem:s23], [sflag:$0x3], $0x80, s8, s22, $0xb8;
	[tilespmem:$0x1E800] =	vst v63  }
0x8e: {  	_ =	swait.ge [sflag:s20], $0x3E80  }
0x8f: {  	[sflag:s20] =	ssyncset.done $0x0  }
0x90: {  	s8 =	sadd.s32 $0x100, s0;
	[sflag:s20] =	ssyncadd.s32 $0xFFFFC180  }
0x91: {  	[tilespmem:s23], [sflag:$0x1] =	stream.indirect.gather [hbm4b:s5+s22], $0x80, s8, s22, $0xb8;
	[tilespmem:$0x1E800] =	vst v63  }
0x92: {  	_ =	swait.ge [sflag:s26], $0x3E80  }
.Ltmp1:
0x93: {  	[sflag:s26] =	ssyncset.done $0x0;
	(pc) =	sbr.rel @p0 .LBB2_4-.Ltmp1, $4  }
0x94: {  	s0 =	sadd.s32 $0x1480, s0;
	[sflag:s26] =	ssyncadd.s32 $0xFFFFC180  }
0x95: {  	[spmem:s2] =	stream.indirect.scatter.add.f32 [tilespmem:s24], [sflag:$0x3], $0x80, s0, s22, $0xb8;
	[tilespmem:$0x1E800] =	vst v63  }
0x96: {  	_ =	swait.ge [sflag:s20], $0x3E80  }
0x97: {  	s8 =	smov.u32 s11;
	s0 =	sshra.s32 s10, $0x2;
	[sflag:s20] =	ssyncset.done $0x0  }
0x98: {  	s8 =	sadd.s32 $0x80, s0;
	[sflag:s20] =	ssyncadd.s32 $0xFFFFC180  }
0x99: {  	[tilespmem:s24], [sflag:$0x2] =	stream.indirect.gather [hbm4b:s5+s22], $0x80, s8, s22, $0xb8;
	[tilespmem:$0x1E800] =	vst v63  }
0x9a: {  	_ =	swait.ge [sflag:s25], $0x3E80  }
0x9b: {  	[sflag:s25] =	ssyncset.done $0x0  }
0x9c: {  	s11 =	sadd.s32 $0x1400, s0;
	[sflag:s25] =	ssyncadd.s32 $0xFFFFC180  }
0x9d: {  	[spmem:s2] =	stream.indirect.scatter.add.f32 [tilespmem:s23], [sflag:$0x3], $0x80, s11, s22, $0xb8;
	[tilespmem:$0x1E800] =	vst v63  }
0x9e: {  	_ =	swait.ge [sflag:s20], $0x3E80  }
0x9f: {  	[sflag:s20] =	ssyncset.done $0x0  }
0xa0: {  	s9 =	sadd.s32 $0x100, s0;
	[sflag:s20] =	ssyncadd.s32 $0xFFFFC180  }
0xa1: {  	[tilespmem:s23], [sflag:$0x1] =	stream.indirect.gather [hbm4b:s5+s22], $0x80, s9, s22, $0xb8;
	[tilespmem:$0x1E800] =	vst v63  }
0xa2: {  	_ =	swait.ge [sflag:s26], $0x3E80  }
0xa3: {  	[sflag:s26] =	ssyncset.done $0x0  }
0xa4: {  	s10 =	sadd.s32 $0x1480, s0;
	[sflag:s26] =	ssyncadd.s32 $0xFFFFC180  }
0xa5: {  	[spmem:s2] =	stream.indirect.scatter.add.f32 [tilespmem:s24], [sflag:$0x3], $0x80, s10, s22, $0xb8;
	[tilespmem:$0x1E800] =	vst v63  }
0xa6: {  	_ =	swait.ge [sflag:s20], $0x3E80  }
0xa7: {  	[sflag:s20] =	ssyncset.done $0x0  }
0xa8: {  	[sflag:s20] =	ssyncadd.s32 $0xFFFFC180  }
0xa9: {  	[tilespmem:s24], [sflag:$0x2] =	stream.indirect.gather [hbm4b:s5+s22], $0x80, s28, s22, $0xb8;
	[tilespmem:$0x1E800] =	vst v63  }
0xaa: {  	_ =	swait.ge [sflag:s25], $0x3E80  }
0xab: {  	[sflag:s25] =	ssyncset.done $0x0  }
0xac: {  	[sflag:s25] =	ssyncadd.s32 $0xFFFFC180  }
0xad: {  	[spmem:s2] =	stream.indirect.scatter.add.f32 [tilespmem:s23], [sflag:$0x3], $0x80, s29, s22, $0xb8;
	[tilespmem:$0x1E800] =	vst v63  }
0xae: {  	_ =	swait.ge [sflag:s20], $0x3E80  }
0xaf: {  	[sflag:s20] =	ssyncset.done $0x0  }
0xb0: {  	s11 =	simm.s32 $0x0;
	[sflag:s20] =	ssyncadd.s32 $0xFFFFC180  }
0xb1: {  	[tilespmem:s23], [sflag:$0x1] =	stream.indirect.gather [hbm4b:s5+s22], $0x80, s11, s22, $0xb8;
	[tilespmem:$0x1E800] =	vst v63  }
0xb2: {  	_ =	swait.ge [sflag:s26], $0x3E80  }
0xb3: {  	[sflag:s26] =	ssyncset.done $0x0  }
0xb4: {  	[sflag:s26] =	ssyncadd.s32 $0xFFFFC180  }
0xb5: {  	[spmem:s2] =	stream.indirect.scatter.add.f32 [tilespmem:s24], [sflag:$0x3], $0x80, s30, s22, $0xb8;
	[tilespmem:$0x1E800] =	vst v63  }
0xb6: {  	_ =	swait.ge [sflag:s20], $0x3E80  }
0xb7: {  	[sflag:s20] =	ssyncset.done $0x0  }
0xb8: {  	[sflag:s20] =	ssyncadd.s32 $0xFFFFC180  }
0xb9: {  	_ =	swait.ge [sflag:s25], $0x3E80  }
0xba: {  	[sflag:s25] =	ssyncset.done $0x0  }
0xbb: {  	[sflag:s25] =	ssyncadd.s32 $0xFFFFC180  }
0xbc: {  	[bflag:$0x0] =	sbarrier.arrive $0xFFFF  }
0xbd: {  	[hbm:s13], [sflag:s1] =	dma.local [spmem:s21], $0x2800  }
0xbe: {  	_ =	swait.ge [sflag:s20], $0x2800  }
0xbf: {  	[sflag:s20] =	ssyncset.done $0x0  }
0xc0: {  	[sflag:s20] =	ssyncadd.s32 $0xFFFFD800  }
0xc1: {  	[spmem:s21], [sflag:s1] =	dma.local [hbm:s18], $0x2800  }
0xc2: {  	_ =	swait.ge [sflag:s20], $0x2800  }
0xc3: {  	[sflag:s20] =	ssyncset.done $0x0  }
0xc4: {  	[sflag:s20] =	ssyncadd.s32 $0xFFFFD800  }
0xc5: {  	[bflag:$0x0] =	sbarrier.arrive $0xFFFF  }
0xc6: {  	[tilespmem:s23], [sflag:$0x1] =	stream.indirect.gather [hbm4b:s6+s22], $0x80, s11, s22, $0xb8;
	[tilespmem:$0x1E800] =	vst v63  }
0xc7: {  	s8 =	simm.s32 $0x80  }
0xc8: {  	[tilespmem:s24], [sflag:$0x2] =	stream.indirect.gather [hbm4b:s6+s22], $0x80, s8, s22, $0xb8;
	[tilespmem:$0x1E800] =	vst v63  }
0xc9: {  	_ =	swait.ge [sflag:s25], $0x3E80  }
0xca: {  	[sflag:s25] =	ssyncset.done $0x0  }
0xcb: {  	s9 =	simm.s32 $0x1400;
	[sflag:s25] =	ssyncadd.s32 $0xFFFFC180  }
0xcc: {  	[spmem:s2] =	stream.indirect.scatter.add.f32 [tilespmem:s23], [sflag:$0x3], $0x80, s9, s22, $0xb8;
	[tilespmem:$0x1E800] =	vst v63  }
0xcd: {  	_ =	swait.ge [sflag:s20], $0x3E80  }
0xce: {  	[sflag:s20] =	ssyncset.done $0x0  }
0xcf: {  	s10 =	simm.s32 $0x100;
	[sflag:s20] =	ssyncadd.s32 $0xFFFFC180  }
0xd0: {  	[tilespmem:s23], [sflag:$0x1] =	stream.indirect.gather [hbm4b:s6+s22], $0x80, s10, s22, $0xb8;
	[tilespmem:$0x1E800] =	vst v63  }
0xd1: {  	_ =	swait.ge [sflag:s26], $0x3E80  }
0xd2: {  	[sflag:s26] =	ssyncset.done $0x0  }
0xd3: {  	s11 =	simm.s32 $0x1480;
	[sflag:s26] =	ssyncadd.s32 $0xFFFFC180  }
0xd4: {  	[spmem:s2] =	stream.indirect.scatter.add.f32 [tilespmem:s24], [sflag:$0x3], $0x80, s11, s22, $0xb8;
	[tilespmem:$0x1E800] =	vst v63  }
0xd5: {  	_ =	swait.ge [sflag:s20], $0x3E80  }
0xd6: {  	s0 =	simm.s32 $0x100;
	s8 =	simm.s32 $0x800;
	[sflag:s20] =	ssyncset.done $0x0  }
.LBB2_6:
0xd7: {  	s9 =	sadd.s32 $0x80, s0  }
0xd8: {  	[sflag:s20] =	ssyncadd.s32 $0xFFFFC180;
	s10 =	smov.u32 s8;
	s11 =	sadd.s32 $0x400, s8  }
0xd9: {  	[tilespmem:s24], [sflag:$0x2] =	stream.indirect.gather [hbm4b:s6+s22], $0x80, s9, s22, $0xb8;
	[tilespmem:$0x1E800] =	vst v63  }
0xda: {  	p0 =	sne.s32 s8, $0x4800;
	_ =	swait.ge [sflag:s25], $0x3E80  }
0xdb: {  	[sflag:s25] =	ssyncset.done $0x0  }
0xdc: {  	s8 =	sadd.s32 $0x1400, s0;
	[sflag:s25] =	ssyncadd.s32 $0xFFFFC180  }
0xdd: {  	[spmem:s2] =	stream.indirect.scatter.add.f32 [tilespmem:s23], [sflag:$0x3], $0x80, s8, s22, $0xb8;
	[tilespmem:$0x1E800] =	vst v63  }
0xde: {  	_ =	swait.ge [sflag:s20], $0x3E80  }
0xdf: {  	[sflag:s20] =	ssyncset.done $0x0  }
0xe0: {  	s8 =	sadd.s32 $0x100, s0;
	[sflag:s20] =	ssyncadd.s32 $0xFFFFC180  }
0xe1: {  	[tilespmem:s23], [sflag:$0x1] =	stream.indirect.gather [hbm4b:s6+s22], $0x80, s8, s22, $0xb8;
	[tilespmem:$0x1E800] =	vst v63  }
0xe2: {  	_ =	swait.ge [sflag:s26], $0x3E80  }
.Ltmp2:
0xe3: {  	[sflag:s26] =	ssyncset.done $0x0;
	(pc) =	sbr.rel @p0 .LBB2_6-.Ltmp2, $4  }
0xe4: {  	s0 =	sadd.s32 $0x1480, s0;
	[sflag:s26] =	ssyncadd.s32 $0xFFFFC180  }
0xe5: {  	[spmem:s2] =	stream.indirect.scatter.add.f32 [tilespmem:s24], [sflag:$0x3], $0x80, s0, s22, $0xb8;
	[tilespmem:$0x1E800] =	vst v63  }
0xe6: {  	_ =	swait.ge [sflag:s20], $0x3E80  }
0xe7: {  	s8 =	smov.u32 s11;
	s0 =	sshra.s32 s10, $0x2;
	[sflag:s20] =	ssyncset.done $0x0  }
0xe8: {  	s8 =	sadd.s32 $0x80, s0;
	[sflag:s20] =	ssyncadd.s32 $0xFFFFC180  }
0xe9: {  	[tilespmem:s24], [sflag:$0x2] =	stream.indirect.gather [hbm4b:s6+s22], $0x80, s8, s22, $0xb8;
	[tilespmem:$0x1E800] =	vst v63  }
0xea: {  	_ =	swait.ge [sflag:s25], $0x3E80  }
0xeb: {  	[sflag:s25] =	ssyncset.done $0x0  }
0xec: {  	s11 =	sadd.s32 $0x1400, s0;
	[sflag:s25] =	ssyncadd.s32 $0xFFFFC180  }
0xed: {  	[spmem:s2] =	stream.indirect.scatter.add.f32 [tilespmem:s23], [sflag:$0x3], $0x80, s11, s22, $0xb8;
	[tilespmem:$0x1E800] =	vst v63  }
0xee: {  	_ =	swait.ge [sflag:s20], $0x3E80  }
0xef: {  	[sflag:s20] =	ssyncset.done $0x0  }
0xf0: {  	s9 =	sadd.s32 $0x100, s0;
	[sflag:s20] =	ssyncadd.s32 $0xFFFFC180  }
0xf1: {  	[tilespmem:s23], [sflag:$0x1] =	stream.indirect.gather [hbm4b:s6+s22], $0x80, s9, s22, $0xb8;
	[tilespmem:$0x1E800] =	vst v63  }
0xf2: {  	_ =	swait.ge [sflag:s26], $0x3E80  }
0xf3: {  	[sflag:s26] =	ssyncset.done $0x0  }
0xf4: {  	s10 =	sadd.s32 $0x1480, s0;
	[sflag:s26] =	ssyncadd.s32 $0xFFFFC180  }
0xf5: {  	[spmem:s2] =	stream.indirect.scatter.add.f32 [tilespmem:s24], [sflag:$0x3], $0x80, s10, s22, $0xb8;
	[tilespmem:$0x1E800] =	vst v63  }
0xf6: {  	_ =	swait.ge [sflag:s20], $0x3E80  }
0xf7: {  	[sflag:s20] =	ssyncset.done $0x0  }
0xf8: {  	[sflag:s20] =	ssyncadd.s32 $0xFFFFC180  }
0xf9: {  	[tilespmem:s24], [sflag:$0x2] =	stream.indirect.gather [hbm4b:s6+s22], $0x80, s28, s22, $0xb8;
	[tilespmem:$0x1E800] =	vst v63  }
0xfa: {  	_ =	swait.ge [sflag:s25], $0x3E80  }
0xfb: {  	[sflag:s25] =	ssyncset.done $0x0  }
0xfc: {  	[sflag:s25] =	ssyncadd.s32 $0xFFFFC180  }
0xfd: {  	[spmem:s2] =	stream.indirect.scatter.add.f32 [tilespmem:s23], [sflag:$0x3], $0x80, s29, s22, $0xb8;
	[tilespmem:$0x1E800] =	vst v63  }
0xfe: {  	_ =	swait.ge [sflag:s20], $0x3E80  }
0xff: {  	[sflag:s20] =	ssyncset.done $0x0  }
0x100: {  	s11 =	simm.s32 $0x0;
	[sflag:s20] =	ssyncadd.s32 $0xFFFFC180  }
0x101: {  	[tilespmem:s23], [sflag:$0x1] =	stream.indirect.gather [hbm4b:s6+s22], $0x80, s11, s22, $0xb8;
	[tilespmem:$0x1E800] =	vst v63  }
0x102: {  	_ =	swait.ge [sflag:s26], $0x3E80  }
0x103: {  	[sflag:s26] =	ssyncset.done $0x0  }
0x104: {  	[sflag:s26] =	ssyncadd.s32 $0xFFFFC180  }
0x105: {  	[spmem:s2] =	stream.indirect.scatter.add.f32 [tilespmem:s24], [sflag:$0x3], $0x80, s30, s22, $0xb8;
	[tilespmem:$0x1E800] =	vst v63  }
0x106: {  	_ =	swait.ge [sflag:s20], $0x3E80  }
0x107: {  	[sflag:s20] =	ssyncset.done $0x0  }
0x108: {  	[sflag:s20] =	ssyncadd.s32 $0xFFFFC180  }
0x109: {  	_ =	swait.ge [sflag:s25], $0x3E80  }
0x10a: {  	[sflag:s25] =	ssyncset.done $0x0  }
0x10b: {  	[sflag:s25] =	ssyncadd.s32 $0xFFFFC180  }
0x10c: {  	[bflag:$0x0] =	sbarrier.arrive $0xFFFF  }
0x10d: {  	[hbm:s14], [sflag:s1] =	dma.local [spmem:s21], $0x2800  }
0x10e: {  	_ =	swait.ge [sflag:s20], $0x2800  }
0x10f: {  	[sflag:s20] =	ssyncset.done $0x0  }
0x110: {  	[sflag:s20] =	ssyncadd.s32 $0xFFFFD800  }
0x111: {  	[spmem:s21], [sflag:s1] =	dma.local [hbm:s12], $0x2800  }
0x112: {  	_ =	swait.ge [sflag:s20], $0x2800  }
0x113: {  	[sflag:s20] =	ssyncset.done $0x0  }
0x114: {  	[sflag:s20] =	ssyncadd.s32 $0xFFFFD800  }
0x115: {  	[bflag:$0x0] =	sbarrier.arrive $0xFFFF  }
0x116: {  	[tilespmem:s23], [sflag:$0x1] =	stream.indirect.gather [hbm4b:s7+s22], $0x80, s11, s22, $0xb8;
	[tilespmem:$0x1E800] =	vst v63  }
0x117: {  	s8 =	simm.s32 $0x80  }
0x118: {  	[tilespmem:s24], [sflag:$0x2] =	stream.indirect.gather [hbm4b:s7+s22], $0x80, s8, s22, $0xb8;
	[tilespmem:$0x1E800] =	vst v63  }
0x119: {  	_ =	swait.ge [sflag:s25], $0x3E80  }
0x11a: {  	[sflag:s25] =	ssyncset.done $0x0  }
0x11b: {  	s9 =	simm.s32 $0x1400;
	[sflag:s25] =	ssyncadd.s32 $0xFFFFC180  }
0x11c: {  	[spmem:s2] =	stream.indirect.scatter.add.f32 [tilespmem:s23], [sflag:$0x3], $0x80, s9, s22, $0xb8;
	[tilespmem:$0x1E800] =	vst v63  }
0x11d: {  	_ =	swait.ge [sflag:s20], $0x3E80  }
0x11e: {  	[sflag:s20] =	ssyncset.done $0x0  }
0x11f: {  	s10 =	simm.s32 $0x100;
	[sflag:s20] =	ssyncadd.s32 $0xFFFFC180  }
0x120: {  	[tilespmem:s23], [sflag:$0x1] =	stream.indirect.gather [hbm4b:s7+s22], $0x80, s10, s22, $0xb8;
	[tilespmem:$0x1E800] =	vst v63  }
0x121: {  	_ =	swait.ge [sflag:s26], $0x3E80  }
0x122: {  	[sflag:s26] =	ssyncset.done $0x0  }
0x123: {  	s11 =	simm.s32 $0x1480;
	[sflag:s26] =	ssyncadd.s32 $0xFFFFC180  }
0x124: {  	[spmem:s2] =	stream.indirect.scatter.add.f32 [tilespmem:s24], [sflag:$0x3], $0x80, s11, s22, $0xb8;
	[tilespmem:$0x1E800] =	vst v63  }
0x125: {  	_ =	swait.ge [sflag:s20], $0x3E80  }
0x126: {  	s0 =	simm.s32 $0x100;
	s8 =	simm.s32 $0x800;
	[sflag:s20] =	ssyncset.done $0x0  }
.LBB2_8:
0x127: {  	s9 =	sadd.s32 $0x80, s0  }
0x128: {  	[sflag:s20] =	ssyncadd.s32 $0xFFFFC180;
	s10 =	smov.u32 s8;
	s11 =	sadd.s32 $0x400, s8  }
0x129: {  	[tilespmem:s24], [sflag:$0x2] =	stream.indirect.gather [hbm4b:s7+s22], $0x80, s9, s22, $0xb8;
	[tilespmem:$0x1E800] =	vst v63  }
0x12a: {  	p0 =	sne.s32 s8, $0x4800;
	_ =	swait.ge [sflag:s25], $0x3E80  }
0x12b: {  	[sflag:s25] =	ssyncset.done $0x0  }
0x12c: {  	s8 =	sadd.s32 $0x1400, s0;
	[sflag:s25] =	ssyncadd.s32 $0xFFFFC180  }
0x12d: {  	[spmem:s2] =	stream.indirect.scatter.add.f32 [tilespmem:s23], [sflag:$0x3], $0x80, s8, s22, $0xb8;
	[tilespmem:$0x1E800] =	vst v63  }
0x12e: {  	_ =	swait.ge [sflag:s20], $0x3E80  }
0x12f: {  	[sflag:s20] =	ssyncset.done $0x0  }
0x130: {  	s8 =	sadd.s32 $0x100, s0;
	[sflag:s20] =	ssyncadd.s32 $0xFFFFC180  }
0x131: {  	[tilespmem:s23], [sflag:$0x1] =	stream.indirect.gather [hbm4b:s7+s22], $0x80, s8, s22, $0xb8;
	[tilespmem:$0x1E800] =	vst v63  }
0x132: {  	_ =	swait.ge [sflag:s26], $0x3E80  }
.Ltmp3:
0x133: {  	[sflag:s26] =	ssyncset.done $0x0;
	(pc) =	sbr.rel @p0 .LBB2_8-.Ltmp3, $4  }
0x134: {  	s0 =	sadd.s32 $0x1480, s0;
	[sflag:s26] =	ssyncadd.s32 $0xFFFFC180  }
0x135: {  	[spmem:s2] =	stream.indirect.scatter.add.f32 [tilespmem:s24], [sflag:$0x3], $0x80, s0, s22, $0xb8;
	[tilespmem:$0x1E800] =	vst v63  }
0x136: {  	_ =	swait.ge [sflag:s20], $0x3E80  }
0x137: {  	s8 =	smov.u32 s11;
	s0 =	sshra.s32 s10, $0x2;
	[sflag:s20] =	ssyncset.done $0x0  }
0x138: {  	s8 =	sadd.s32 $0x80, s0;
	[sflag:s20] =	ssyncadd.s32 $0xFFFFC180  }
0x139: {  	[tilespmem:s24], [sflag:$0x2] =	stream.indirect.gather [hbm4b:s7+s22], $0x80, s8, s22, $0xb8;
	[tilespmem:$0x1E800] =	vst v63  }
0x13a: {  	_ =	swait.ge [sflag:s25], $0x3E80  }
0x13b: {  	[sflag:s25] =	ssyncset.done $0x0  }
0x13c: {  	s9 =	sadd.s32 $0x1400, s0;
	[sflag:s25] =	ssyncadd.s32 $0xFFFFC180  }
0x13d: {  	[spmem:s2] =	stream.indirect.scatter.add.f32 [tilespmem:s23], [sflag:$0x3], $0x80, s9, s22, $0xb8;
	[tilespmem:$0x1E800] =	vst v63  }
0x13e: {  	_ =	swait.ge [sflag:s20], $0x3E80  }
0x13f: {  	[sflag:s20] =	ssyncset.done $0x0  }
0x140: {  	s10 =	sadd.s32 $0x100, s0;
	[sflag:s20] =	ssyncadd.s32 $0xFFFFC180  }
0x141: {  	[tilespmem:s23], [sflag:$0x1] =	stream.indirect.gather [hbm4b:s7+s22], $0x80, s10, s22, $0xb8;
	[tilespmem:$0x1E800] =	vst v63  }
0x142: {  	_ =	swait.ge [sflag:s26], $0x3E80  }
0x143: {  	[sflag:s26] =	ssyncset.done $0x0  }
0x144: {  	s11 =	sadd.s32 $0x1480, s0;
	[sflag:s26] =	ssyncadd.s32 $0xFFFFC180  }
0x145: {  	[spmem:s2] =	stream.indirect.scatter.add.f32 [tilespmem:s24], [sflag:$0x3], $0x80, s11, s22, $0xb8;
	[tilespmem:$0x1E800] =	vst v63  }
0x146: {  	_ =	swait.ge [sflag:s20], $0x3E80  }
0x147: {  	[sflag:s20] =	ssyncset.done $0x0  }
0x148: {  	[sflag:s20] =	ssyncadd.s32 $0xFFFFC180  }
0x149: {  	[tilespmem:s24], [sflag:$0x2] =	stream.indirect.gather [hbm4b:s7+s22], $0x80, s28, s22, $0xb8;
	[tilespmem:$0x1E800] =	vst v63  }
0x14a: {  	_ =	swait.ge [sflag:s25], $0x3E80  }
0x14b: {  	[sflag:s25] =	ssyncset.done $0x0  }
0x14c: {  	[sflag:s25] =	ssyncadd.s32 $0xFFFFC180  }
0x14d: {  	[spmem:s2] =	stream.indirect.scatter.add.f32 [tilespmem:s23], [sflag:$0x3], $0x80, s29, s22, $0xb8;
	[tilespmem:$0x1E800] =	vst v63  }
0x14e: {  	_ =	swait.ge [sflag:s20], $0x3E80  }
0x14f: {  	[sflag:s20] =	ssyncset.done $0x0  }
0x150: {  	[sflag:s20] =	ssyncadd.s32 $0xFFFFC180  }
0x151: {  	[tilespmem:s23], [sflag:$0x1] =	stream.indirect.gather [hbm4b:s7+s22], $0x80, s3, s22, $0xb8;
	[tilespmem:$0x1E800] =	vst v63  }
0x152: {  	_ =	swait.ge [sflag:s26], $0x3E80  }
0x153: {  	[sflag:s26] =	ssyncset.done $0x0  }
0x154: {  	[sflag:s26] =	ssyncadd.s32 $0xFFFFC180  }
0x155: {  	[spmem:s2] =	stream.indirect.scatter.add.f32 [tilespmem:s24], [sflag:$0x3], $0x80, s30, s22, $0xb8;
	[tilespmem:$0x1E800] =	vst v63  }
0x156: {  	_ =	swait.ge [sflag:s20], $0x3E80  }
0x157: {  	[sflag:s20] =	ssyncset.done $0x0  }
0x158: {  	[sflag:s20] =	ssyncadd.s32 $0xFFFFC180  }
0x159: {  	_ =	swait.ge [sflag:s25], $0x3E80  }
0x15a: {  	s31 =	sadd.s32 $0x1, s31;
	[sflag:s25] =	ssyncset.done $0x0  }
0x15b: {  	p0 =	sne.s32 s31, s16;
	[sflag:s25] =	ssyncadd.s32 $0xFFFFC180  }
.Ltmp4:
0x15c: {  	[bflag:$0x0] =	sbarrier.arrive $0xFFFF;
	(pc) =	sbr.rel @p0 .LBB2_1-.Ltmp4, $4  }
0x15d: {  	[hbm:s15], [sflag:s1] =	dma.local [spmem:s21], $0x2800  }
0x15e: {  	_ =	swait.ge [sflag:s20], $0x2800  }
0x15f: {  	[sflag:s20] =	ssyncset.done $0x0  }
0x160: {  	[sflag:s20] =	ssyncadd.s32 $0xFFFFD800  }
0x161: {  	_ =	sfence.sel $0x180000  }
0x162: {  	[bflag:$0x0] =	sbarrier.arrive $0xFFFF  }
0x163: {  	_ =	strace $0x9000004A  }
0x164: {  	s0 =	stileid.u32;
	[bflag:$0x2] =	sbarrier.arrive $0xFFFF  }
0x165: {  	p0 =	sne.s32 s0, $0x0;
	s0 =	rddreg [dreg:$0x2]  }
0x166: {  	s0 =	sadd.s32 @!p0 $0x100000, s0  }
0x167: {  	[sflag:s0] =	ssyncadd.tile.s32 @!p0 $0x1;
	_ =	shalt  }
.Lfunc_end2:
_tile_overlayer_lowered:
.L_overlay_start_2:
0x168: {  	(tag) =	ssettag $0x2  }
0x169: {  	s0 =	rddreg [dreg:$0x0];
	s2 =	stileid.u32  }
0x16a: {  	s1 =	rddreg [dreg:$0x1];
	p0 =	sne.s32 s2, $0x0  }
0x16b: {  	s3 =	rddreg [dreg:$0x2];
	[bflag:$0x3] =	sbarrier.arrive $0xFFFF;
	s2 =	simm.s32 @!p0 $0x1C03  }
0x16c: {  	[timem:s3], [sflag:s2] =	dma.local @!p0 [hbm:s0], s1  }
0x16d: {  	s0 =	simm.s32 @!p0 $0x3  }
0x16e: {  	_ =	swait.ge @!p0 [sflag:s0], s1  }
0x16f: {  	s1 =	ssub.s32 @!p0 $0x0, s1;
	[sflag:s0] =	ssyncset.done @!p0 $0x0  }
0x170: {  	[sflag:s0] =	ssyncadd.s32 @!p0 s1  }
0x171: {  	[bflag:$0x3] =	sbarrier.arrive $0xFFFF  }
0x172: {  	_ =	shalt  }

// kernel: kernel.16.cloned.1.call-start
scs
__scs_entry_jumppad:
0x0: {  	(pc) =	sbr.rel $0x88, $3  }
0x1: {  	(tag) =	ssettag $0x0;
	lr =	simm.s32 $0x1  }
0x2: {  	[smem:$0x3F99] =	sst lr;
	_ =	strace $0xD0000000  }
0x3: {  	_ = 	snop  }
0x4: {  	_ = 	snop  }
0x5: {  	_ = 	snop  }
0x6: {  	_ = 	snop  }
0x7: {  	_ = 	snop  }
__scs_overlays_trampoline_lowered:
0x8: {  	[smem:$0x3FA8] =	sst s0  }
0x9: {  	[smem:$0x3FA9] =	sst s1  }
0xa: {  	[smem:$0x3FAA] =	sst s2  }
0xb: {  	[smem:$0x3FAB] =	sst s3  }
0xc: {  	[smem:$0x3FAC] =	sst s4  }
0xd: {  	[smem:$0x3FAD] =	sst s5  }
0xe: {  	[smem:$0x3FAE] =	sst s6  }
0xf: {  	[smem:$0x3FAF] =	sst s7  }
0x10: {  	[smem:$0x3FB0] =	sst s8  }
0x11: {  	[smem:$0x3FB1] =	sst s9;
	s0 =	simm.s32 @!p0 $0x0  }
0x12: {  	s1 =	sld [smem:$0x3F97];
	s0 =	simm.s32 @p0 $0x1  }
0x13: {  	[smem:$0x3FB2] =	sst s0;
	s0 =	simm.s32 @!p1 $0x0  }
0x14: {  	s2 =	sld [smem:$0x3F96];
	s0 =	simm.s32 @p1 $0x1  }
0x15: {  	[smem:$0x3FB3] =	sst s0;
	s0 =	simm.s32 @!p2 $0x0  }
0x16: {  	s3 =	sld [smem:$0x3FDB];
	s0 =	simm.s32 @p2 $0x1  }
0x17: {  	s4 =	simm.s32 $0x1BF5;
	[smem:$0x3FB5] =	sst s0  }
0x18: {  	s0 =	sld [smem:$0x3F98];
	_ =	swait.ge [sflag:s4], $0x0  }
0x19: {  	s7 =	sld [smem:$0x3F99]  }
0x1a: {  	s8 =	sadd.s32 $0xFFFFE003, lr  }
0x1b: {  	s9 =	sadd.s32 $0xFFFFFEF7, lr;
	s5 =	simm.s32 $0xFFFFFFFF;
	p2 =	slt.u32 s8, $0xFFFFF086  }
0x1c: {  	p1 =	slt.u32 s9, $0xF7A;
	s5 =	simm.s32 @!p2 $0x0  }
0x1d: {  	s5 =	simm.s32 @p1 $0x1;
	p0 =	seq.s32 s7, s2  }
0x1e: {  	s7 =	smul.u32 @!p0 $0xF7A, s2;
	p2 =	seq.s32 @!p0 s5, $0x0  }
0x1f: {  	s9 =	smul.u32 $0xF7A, s1;
	s8 =	simm.s32 @!p0 $0x1BF5;
	p2 =	por !p2, p0  }
0x20: {  	[sflag:s8] =	ssyncset.s32 @!p0 $0xFFFFF086;
	s6 =	sadd.s32 @!p0 s3, s7;
	s7 =	simm.s32 @!p0 $0x108  }
0x21: {  	s3 =	sadd.s32 s3, s9;
	s6 =	sadd.s32 @!p0 $0x88, s6;
	s7 =	simm.s32 @p2 $0x1082  }
0x22: {  	[simem:s7], [sflag:s8] =	dma.local @!p0 [hbm:s6], $0xF7A  }
0x23: {  	s9 =	sor.u32 $0xD0000000, s2;
	s6 =	simm.s32 $0x108;
	_ =	swait.ge @!p0 [sflag:s8], $0x0  }
0x24: {  	s3 =	sadd.s32 $0x88, s3;
	s6 =	simm.s32 @!p1 $0x1082;
	[sflag:s4] =	ssyncset.s32 $0xFFFFF086  }
0x25: {  	[simem:s6], [sflag:s4] =	dma.local [hbm:s3], $0xF7A  }
0x26: {  	[smem:$0x3F99] =	sst s1;
	(tag) =	ssettag s2;
	_ =	strace s9  }
0x27: {  	s1 =	sld [smem:$0x3FA9]  }
0x28: {  	s2 =	sld [smem:$0x3FAA]  }
0x29: {  	s4 =	sld [smem:$0x3FAC]  }
0x2a: {  	p0 =	seq.s32 s5, $0x0;
	s5 =	sld [smem:$0x3FAD]  }
0x2b: {  	s6 =	sld [smem:$0x3FAE]  }
0x2c: {  	s7 =	sld [smem:$0x3FAF]  }
0x2d: {  	s3 =	simm.s32 $0x108;
	s8 =	sld [smem:$0x3FB0]  }
0x2e: {  	s3 =	simm.s32 @!p0 $0x1082;
	s9 =	sld [smem:$0x3FB1]  }
0x2f: {  	lr =	sadd.s32 s0, s3;
	s0 =	sld [smem:$0x3FA8]  }
0x30: {  	s3 =	sld [smem:$0x3FAB]  }
0x31: {  	[smem:$0x3FB4] =	sst s10  }
0x32: {  	s10 =	sld [smem:$0x3FB2];
	_ =	sdelay $0x3  }
0x33: {  	p0 =	seq.s32 s10, $0x1;
	s10 =	sld [smem:$0x3FB4];
	_ =	sdelay $0x3  }
0x34: {  	[smem:$0x3FB4] =	sst s10  }
0x35: {  	s10 =	sld [smem:$0x3FB3];
	_ =	sdelay $0x3  }
0x36: {  	p1 =	seq.s32 s10, $0x1;
	s10 =	sld [smem:$0x3FB4];
	_ =	sdelay $0x3  }
0x37: {  	[smem:$0x3FB4] =	sst s10  }
0x38: {  	s10 =	sld [smem:$0x3FB5]  }
0x39: {  	_ = 	snop;
	(pc) =	sbr.ind lr, $3  }
0x3a: {  	_ = 	snop  }
0x3b: {  	_ = 	snop  }
0x3c: {  	p2 =	seq.s32 s10, $0x1;
	s10 =	sld [smem:$0x3FB4]  }
0x3d: {  	_ =	shalt  }
0x3e: {  	_ =	shalt  }
0x3f: {  	_ =	shalt  }
0x40: {  	_ =	shalt  }
0x41: {  	_ =	shalt  }
0x42: {  	_ =	shalt  }
0x43: {  	_ =	shalt  }
0x44: {  	_ =	shalt  }
0x45: {  	_ =	shalt  }
0x46: {  	_ =	shalt  }
0x47: {  	_ =	shalt  }
0x48: {  	_ =	shalt  }
0x49: {  	_ =	shalt  }
0x4a: {  	_ =	shalt  }
0x4b: {  	_ =	shalt  }
0x4c: {  	_ =	shalt  }
0x4d: {  	_ =	shalt  }
0x4e: {  	_ =	shalt  }
0x4f: {  	_ =	shalt  }
0x50: {  	_ =	shalt  }
0x51: {  	_ =	shalt  }
0x52: {  	_ =	shalt  }
0x53: {  	_ =	shalt  }
0x54: {  	_ =	shalt  }
0x55: {  	_ =	shalt  }
0x56: {  	_ =	shalt  }
0x57: {  	_ =	shalt  }
0x58: {  	_ =	shalt  }
0x59: {  	_ =	shalt  }
0x5a: {  	_ =	shalt  }
0x5b: {  	_ =	shalt  }
0x5c: {  	_ =	shalt  }
0x5d: {  	_ =	shalt  }
0x5e: {  	_ =	shalt  }
0x5f: {  	_ =	shalt  }
0x60: {  	_ =	shalt  }
0x61: {  	_ =	shalt  }
0x62: {  	_ =	shalt  }
0x63: {  	_ =	shalt  }
0x64: {  	_ =	shalt  }
0x65: {  	_ =	shalt  }
0x66: {  	_ =	shalt  }
0x67: {  	_ =	shalt  }
0x68: {  	_ =	shalt  }
0x69: {  	_ =	shalt  }
0x6a: {  	_ =	shalt  }
0x6b: {  	_ =	shalt  }
0x6c: {  	_ =	shalt  }
0x6d: {  	_ =	shalt  }
0x6e: {  	_ =	shalt  }
0x6f: {  	_ =	shalt  }
0x70: {  	_ =	shalt  }
0x71: {  	_ =	shalt  }
0x72: {  	_ =	shalt  }
0x73: {  	_ =	shalt  }
0x74: {  	_ =	shalt  }
0x75: {  	_ =	shalt  }
0x76: {  	_ =	shalt  }
0x77: {  	_ =	shalt  }
0x78: {  	_ =	shalt  }
0x79: {  	_ =	shalt  }
0x7a: {  	_ =	shalt  }
0x7b: {  	_ =	shalt  }
0x7c: {  	_ =	shalt  }
0x7d: {  	_ =	shalt  }
0x7e: {  	_ =	shalt  }
0x7f: {  	_ =	shalt  }
0x80: {  	_ =	shalt  }
0x81: {  	_ =	shalt  }
0x82: {  	_ =	shalt  }
0x83: {  	_ =	shalt  }
0x84: {  	_ =	shalt  }
0x85: {  	_ =	shalt  }
0x86: {  	_ =	shalt  }
0x87: {  	_ =	shalt  }
.Lfunc_end0:
.L_simem_size_0:
called_computation.2_lowered:
.L_overlay_start_0:
0x88: {  	s2 =	sld [smem:$0x3FD9]  }
0x89: {  	s3 =	sld [smem:$0x3FFE];
	_ =	sdelay $0x1  }
0x8a: {  	s1 =	srdreg.scid  }
0x8b: {  	s0 =	sand.u32 $0x1, s1  }
0x8c: {  	s16 =	sshll.u32 s0, $0xA;
	s2 =	sadd.s32 s3, s2  }
0x8d: {  	s2 =	sadd.s32 s2, s16  }
0x8e: {  	[smem:$0x3FC0] =	sst s2  }
0x8f: {  	_ = 	snop  }
0x90: {  	(tm) =	ssettm $0x1  }
0x91: {  	s17 =	sld [smem:$0x3FFB];
	_ =	sdelay $0x3  }
0x92: {  	_ =	strace s17  }
0x93: {  	s2 =	sld [smem:$0x3FFC];
	_ =	sdelay $0x3  }
0x94: {  	_ =	strace s2  }
0x95: {  	s2 =	sld [smem:$0x3FFD];
	_ =	sdelay $0x3  }
0x96: {  	_ =	strace s2  }
0x97: {  	_ =	strace $0x8FFFFFFF  }
0x98: {  	s18 =	sld [smem:$0x3FDB];
	_ =	sdelay $0x1  }
0x99: {  	s19 =	simm.s32 $_scs_section_size  }
0x9a: {  	s4 =	simm.s32 $_size__tile_overlayer_lowered;
	s5 =	simm.s32 $_tile_overlayer_lowered  }
0x9b: {  	s22 =	simm.s32 $0x1BFF;
	s21 =	sshll.u32 s5, $0x1;
	s2 =	sadd.s32 s19, s18  }
0x9c: {  	s6 =	simm.s32 $0x0;
	s20 =	sshll.u32 s4, $0x1;
	s4 =	sadd.s32 s21, s2  }
0x9d: {  	[timem:s6], [sflag:s22] =	dma.local [hbm:s4], s20  }
0x9e: {  	_ =	swait.ge [sflag:s22], s20  }
0x9f: {  	s3 =	ssub.s32 $0x0, s20;
	[sflag:s22] =	ssyncset.done $0x0  }
0xa0: {  	[sflag:s22] =	ssyncadd.s32 s3;
	_ =	sdelay $0x1  }
0xa1: {  	s23 =	simm.s32 $0x1B8B  }
0xa2: {  	_ =	swait.ge [sflag:s23], $0x1  }
0xa3: {  	[sflag:s23] =	ssyncset.done $0x0  }
0xa4: {  	s25 =	simm.s32 $0x1B8E;
	s24 =	sld [smem:$0x3FFE];
	[sflag:s23] =	ssyncadd.s32 $0xFFFFFFFF  }
0xa5: {  	s26 =	simm.s32 $execute0_lowered;
	[smem:$0x3FD2] =	sst s25  }
0xa6: {  	s4 =	sshll.u32 s26, $0x1;
	_ =	strace $0x8000004C;
	[dreg:$0x1] =	wrdreg $0xFFFFFFFF  }
0xa7: {  	s28 =	simm.s32 $_size_execute0_lowered;
	s2 =	sadd.s32 s2, s4;
	[dreg:$0x0] =	wrdreg $0x0  }
0xa8: {  	s4 =	sshll.u32 s28, $0x1;
	[dreg:$0x2] =	wrdreg s2  }
0xa9: {  	[dreg:$0x3] =	wrdreg s4  }
0xaa: {  	[dreg:$0x4] =	wrdreg $0xC0  }
0xab: {  	_ =	task [dreg:s6], $0x5FFFF  }
0xac: {  	[dreg:$0x1] =	wrdreg $0xFFFFFFFF  }
0xad: {  	[dreg:$0x0] =	wrdreg $0x60  }
0xae: {  	[dreg:$0x2] =	wrdreg s24  }
0xaf: {  	[dreg:$0x3] =	wrdreg $0xA8000  }
0xb0: {  	[dreg:$0x4] =	wrdreg $0x9  }
0xb1: {  	_ =	task.clear_ibuf [dreg:s6], $0x5FFFF;
	_ =	strace $0x9000004C  }
0xb2: {  	s29 =	simm.s32 $0x9;
	_ =	strace $0x8000004E  }
0xb3: {  	_ =	swait.ge [sflag:s29], $0x1  }
0xb4: {  	[sflag:s29] =	ssyncadd.s32 $0xFFFFFFFF  }
0xb5: {  	_ =	strace $0x9000004E  }
0xb6: {  	_ =	sfence  }
0xb7: {  	s30 =	sld [smem:$0x0];
	_ =	sdelay $0x2  }
0xb8: {  	s31 =	sshll.u32 s1, $0xD;
	s1 =	sshrl.u32 s1, $0x2  }
0xb9: {  	s3 =	sand.u32 $0x4000, s31;
	s1 =	sadd.s32 s1, s30  }
0xba: {  	s0 =	sor.u32 s3, s0;
	s1 =	sshll.u32 s1, $0x11  }
0xbb: {  	s0 =	sor.u32 s1, s0  }
0xbc: {  	s0 =	sadd.s32 $0x8F2B, s0  }
0xbd: {  	[sflag:s0] =	ssyncadd.remote.s32 $0x1  }
0xbe: {  	_ =	sfence.sel $0xFFFF  }
0xbf: {  	[dreg:$0x0] =	wrdreg $0xFFFFFFFF;
	(pc) =	sbr.abs _section_cstart, $3  }
0xc0: {  	[dreg:$0x1] =	wrdreg $0xFFFFFFFF  }
0xc1: {  	_ =	task.clear_ibuf [dreg:s6], $0x2FFFF;
	_ =	strace $0x9FFFFFFF  }
0xc2: {  	(tm) =	ssettm $0x7FFFFFFF  }
0xc3: {  	_ =	shalt  }
tec
execute0_lowered:
.L_overlay_start_1:
0x0: {  	(tag) =	ssettag $0x1  }
0x1: {  	s0 =	srdreg.scid  }
0x2: {  	s1 =	rddreg [dreg:$0x0];
	s13 =	stileid.u32  }
0x3: {  	s2 =	rddreg [dreg:$0x1];
	s28 =	simm.s32 $0x1380;
	s29 =	simm.s32 $0x2700  }
0x4: {  	s30 =	simm.s32 $0x2780;
	s31 =	simm.s32 $0x0;
	s12 =	smul.u32 $0x14000, s13  }
0x5: {  	s0 =	sand.u32 $0x1, s0;
	s5 =	sadd.s32 $0x58E00, s1;
	s11 =	smul.u32 $0x50000, s13  }
0x6: {  	s6 =	sadd.s32 $0x80E00, s1;
	s7 =	sadd.s32 $0xA8E00, s1;
	s24 =	smul.u32 $0x2800, s13  }
0x7: {  	s19 =	sadd.s32 $0x8E00, s1;
	s3 =	sshll.u32 s0, $0x4;
	s9 =	smul.u32 $0x140000, s0  }
0x8: {  	s10 =	ssub.s32 $0x2, s0;
	p0 =	seq.s32 s0, $0x0;
	s4 =	sor.u32 s13, s3  }
0x9: {  	s3 =	simm.s32 $0x0;
	s20 =	sshrl.u32 s10, $0x1;
	s22 =	sshrl.u32 s11, $0x2  }
0xa: {  	s26 =	sshrl.u32 s12, $0x3;
	s8 =	smul.u32 $0x280, s4;
	[smem:$0x7FF] =	sst s3  }
0xb: {  	s4 =	sadd.s32 $0x30E00, s1;
	s9 =	sadd.s32 s12, s9;
	s16 =	ssub.s32 s10, s20  }
0xc: {  	s23 =	sadd.s32 s22, s2;
	s12 =	sadd.s32 s19, s26;
	s20 =	sadd.s32 s5, s26  }
0xd: {  	s22 =	simm.s32 $0x7D;
	_ =	strace $0x8000004D;
	s9 =	sshrl.u32 s9, $0x3  }
0xe: {  	[dreg:$0x5] =	wrdreg s23;
	s16 =	smax.u32 s16, $0x1;
	s19 =	smov.u32 @p0 s4  }
0xf: {  	s17 =	smov.u32 s12;
	s18 =	smov.u32 s12;
	s23 =	simm.s32 $0x2800  }
0x10: {  	s8 =	sadd.s32 s8, s1;
	s1 =	sadd.s32 s9, s1;
	s19 =	sadd.s32 s19, s24  }
0x11: {  	s17 =	smov.u32 @p0 s20;
	s20 =	simm.s32 $0x3;
	s21 =	sadd.s32 $0x192600, s8  }
0x12: {  	s24 =	simm.s32 $0x6800;
	s8 =	sadd.s32 $0x3E00, s8;
	[dreg:$0x3] =	wrdreg s21  }
0x13: {  	s25 =	sadd.s32 $0xD0E00, s1;
	s13 =	sadd.s32 $0x120E00, s1;
	[dreg:$0x4] =	wrdreg s8  }
0x14: {  	s14 =	sadd.s32 $0x1BF600, s1;
	s15 =	sadd.s32 $0x20F600, s1;
	[dreg:$0x6] =	wrdreg s25  }
0x15: {  	s21 =	sadd.s32 s6, s26;
	s8 =	sadd.s32 s7, s26;
	s25 =	simm.s32 $0x1  }
0x16: {  	s26 =	simm.s32 $0x2;
	s18 =	smov.u32 @p0 s21;
	s12 =	smov.u32 @p0 s8  }
.LBB2_1:
0x17: {  	s0 =	rddreg [dreg:$0x3]  }
0x18: {  	[tilespmem:s3], [sflag:$0x3] =	stream.linear.gather [hbm4b:s0+s3], $0x1400, $0x38;
	[tilespmem:$0x1E800] =	vst v63  }
0x19: {  	_ =	swait.ge [sflag:s20], $0x1400  }
0x1a: {  	[sflag:s20] =	ssyncset.done $0x0  }
0x1b: {  	s1 =	simm.s32 $0x1400;
	s10 =	rddreg [dreg:$0x4];
	[sflag:s20] =	ssyncadd.s32 $0xFFFFEC00  }
0x1c: {  	[tilespmem:s1], [sflag:$0x3] =	stream.linear.gather [hbm4b:s10+s3], $0x1400, $0x38;
	[tilespmem:$0x1E800] =	vst v63  }
0x1d: {  	s11 =	stileid.u32;
	_ =	swait.ge [sflag:s20], $0x1400  }
0x1e: {  	s0 =	sshll.u32 s11, $0x6;
	[sflag:s20] =	ssyncset.done $0x0;
	s21 =	rddreg [dreg:$0x5]  }
0x1f: {  	s1 =	sor.u32 $0x1C03, s0;
	[sflag:s20] =	ssyncadd.s32 $0xFFFFEC00;
	s21 =	sshrl.u32 s21, $0x3  }
0x20: {  	[spmem:s21], [sflag:s1] =	dma.local [hbm:s19], $0x2800  }
0x21: {  	_ =	swait.ge [sflag:s20], $0x2800  }
0x22: {  	[sflag:s20] =	ssyncset.done $0x0  }
0x23: {  	[sflag:s20] =	ssyncadd.s32 $0xFFFFD800  }
0x24: {  	[bflag:$0x0] =	sbarrier.arrive $0xFFFF  }
0x25: {  	[tilespmem:s23], [sflag:$0x1] =	stream.indirect.gather [hbm4b:s4+s22], $0x80, s3, s22, $0xb8;
	[tilespmem:$0x1E800] =	vst v63  }
0x26: {  	s8 =	simm.s32 $0x80  }
0x27: {  	[tilespmem:s24], [sflag:$0x2] =	stream.indirect.gather [hbm4b:s4+s22], $0x80, s8, s22, $0xb8;
	[tilespmem:$0x1E800] =	vst v63  }
0x28: {  	_ =	swait.ge [sflag:s25], $0x3E80  }
0x29: {  	[sflag:s25] =	ssyncset.done $0x0  }
0x2a: {  	s9 =	simm.s32 $0x1400;
	[sflag:s25] =	ssyncadd.s32 $0xFFFFC180  }
0x2b: {  	[spmem:s2] =	stream.indirect.scatter.add.f32 [tilespmem:s23], [sflag:$0x3], $0x80, s9, s22, $0xb8;
	[tilespmem:$0x1E800] =	vst v63  }
0x2c: {  	_ =	swait.ge [sflag:s20], $0x3E80  }
0x2d: {  	[sflag:s20] =	ssyncset.done $0x0  }
0x2e: {  	s10 =	simm.s32 $0x100;
	[sflag:s20] =	ssyncadd.s32 $0xFFFFC180  }
0x2f: {  	[tilespmem:s23], [sflag:$0x1] =	stream.indirect.gather [hbm4b:s4+s22], $0x80, s10, s22, $0xb8;
	[tilespmem:$0x1E800] =	vst v63  }
0x30: {  	_ =	swait.ge [sflag:s26], $0x3E80  }
0x31: {  	[sflag:s26] =	ssyncset.done $0x0  }
0x32: {  	s11 =	simm.s32 $0x1480;
	[sflag:s26] =	ssyncadd.s32 $0xFFFFC180  }
0x33: {  	[spmem:s2] =	stream.indirect.scatter.add.f32 [tilespmem:s24], [sflag:$0x3], $0x80, s11, s22, $0xb8;
	[tilespmem:$0x1E800] =	vst v63  }
0x34: {  	_ =	swait.ge [sflag:s20], $0x3E80  }
0x35: {  	s0 =	simm.s32 $0x100;
	s8 =	simm.s32 $0x800;
	[sflag:s20] =	ssyncset.done $0x0  }
.LBB2_2:
0x36: {  	s9 =	sadd.s32 $0x80, s0  }
0x37: {  	[sflag:s20] =	ssyncadd.s32 $0xFFFFC180;
	s10 =	smov.u32 s8;
	s11 =	sadd.s32 $0x400, s8  }
0x38: {  	[tilespmem:s24], [sflag:$0x2] =	stream.indirect.gather [hbm4b:s4+s22], $0x80, s9, s22, $0xb8;
	[tilespmem:$0x1E800] =	vst v63  }
0x39: {  	p0 =	sne.s32 s8, $0x4800;
	_ =	swait.ge [sflag:s25], $0x3E80  }
0x3a: {  	[sflag:s25] =	ssyncset.done $0x0  }
0x3b: {  	s8 =	sadd.s32 $0x1400, s0;
	[sflag:s25] =	ssyncadd.s32 $0xFFFFC180  }
0x3c: {  	[spmem:s2] =	stream.indirect.scatter.add.f32 [tilespmem:s23], [sflag:$0x3], $0x80, s8, s22, $0xb8;
	[tilespmem:$0x1E800] =	vst v63  }
0x3d: {  	_ =	swait.ge [sflag:s20], $0x3E80  }
0x3e: {  	[sflag:s20] =	ssyncset.done $0x0  }
0x3f: {  	s8 =	sadd.s32 $0x100, s0;
	[sflag:s20] =	ssyncadd.s32 $0xFFFFC180  }
0x40: {  	[tilespmem:s23], [sflag:$0x1] =	stream.indirect.gather [hbm4b:s4+s22], $0x80, s8, s22, $0xb8;
	[tilespmem:$0x1E800] =	vst v63  }
0x41: {  	_ =	swait.ge [sflag:s26], $0x3E80  }
.Ltmp0:
0x42: {  	[sflag:s26] =	ssyncset.done $0x0;
	(pc) =	sbr.rel @p0 .LBB2_2-.Ltmp0, $4  }
0x43: {  	s0 =	sadd.s32 $0x1480, s0;
	[sflag:s26] =	ssyncadd.s32 $0xFFFFC180  }
0x44: {  	[spmem:s2] =	stream.indirect.scatter.add.f32 [tilespmem:s24], [sflag:$0x3], $0x80, s0, s22, $0xb8;
	[tilespmem:$0x1E800] =	vst v63  }
0x45: {  	_ =	swait.ge [sflag:s20], $0x3E80  }
0x46: {  	s8 =	smov.u32 s11;
	s0 =	sshra.s32 s10, $0x2;
	[sflag:s20] =	ssyncset.done $0x0  }
0x47: {  	s8 =	sadd.s32 $0x80, s0;
	[sflag:s20] =	ssyncadd.s32 $0xFFFFC180  }
0x48: {  	[tilespmem:s24], [sflag:$0x2] =	stream.indirect.gather [hbm4b:s4+s22], $0x80, s8, s22, $0xb8;
	[tilespmem:$0x1E800] =	vst v63  }
0x49: {  	_ =	swait.ge [sflag:s25], $0x3E80  }
0x4a: {  	[sflag:s25] =	ssyncset.done $0x0  }
0x4b: {  	s10 =	sadd.s32 $0x1400, s0;
	[sflag:s25] =	ssyncadd.s32 $0xFFFFC180  }
0x4c: {  	[spmem:s2] =	stream.indirect.scatter.add.f32 [tilespmem:s23], [sflag:$0x3], $0x80, s10, s22, $0xb8;
	[tilespmem:$0x1E800] =	vst v63  }
0x4d: {  	_ =	swait.ge [sflag:s20], $0x3E80  }
0x4e: {  	[sflag:s20] =	ssyncset.done $0x0  }
0x4f: {  	s11 =	sadd.s32 $0x100, s0;
	[sflag:s20] =	ssyncadd.s32 $0xFFFFC180  }
0x50: {  	[tilespmem:s23], [sflag:$0x1] =	stream.indirect.gather [hbm4b:s4+s22], $0x80, s11, s22, $0xb8;
	[tilespmem:$0x1E800] =	vst v63  }
0x51: {  	_ =	swait.ge [sflag:s26], $0x3E80  }
0x52: {  	[sflag:s26] =	ssyncset.done $0x0  }
0x53: {  	s9 =	sadd.s32 $0x1480, s0;
	[sflag:s26] =	ssyncadd.s32 $0xFFFFC180  }
0x54: {  	[spmem:s2] =	stream.indirect.scatter.add.f32 [tilespmem:s24], [sflag:$0x3], $0x80, s9, s22, $0xb8;
	[tilespmem:$0x1E800] =	vst v63  }
0x55: {  	_ =	swait.ge [sflag:s20], $0x3E80  }
0x56: {  	[sflag:s20] =	ssyncset.done $0x0  }
0x57: {  	[sflag:s20] =	ssyncadd.s32 $0xFFFFC180  }
0x58: {  	[tilespmem:s24], [sflag:$0x2] =	stream.indirect.gather [hbm4b:s4+s22], $0x80, s28, s22, $0xb8;
	[tilespmem:$0x1E800] =	vst v63  }
0x59: {  	_ =	swait.ge [sflag:s25], $0x3E80  }
0x5a: {  	[sflag:s25] =	ssyncset.done $0x0  }
0x5b: {  	[sflag:s25] =	ssyncadd.s32 $0xFFFFC180  }
0x5c: {  	[spmem:s2] =	stream.indirect.scatter.add.f32 [tilespmem:s23], [sflag:$0x3], $0x80, s29, s22, $0xb8;
	[tilespmem:$0x1E800] =	vst v63  }
0x5d: {  	_ =	swait.ge [sflag:s20], $0x3E80  }
0x5e: {  	[sflag:s20] =	ssyncset.done $0x0  }
0x5f: {  	s10 =	simm.s32 $0x0;
	[sflag:s20] =	ssyncadd.s32 $0xFFFFC180  }
0x60: {  	[tilespmem:s23], [sflag:$0x1] =	stream.indirect.gather [hbm4b:s4+s22], $0x80, s10, s22, $0xb8;
	[tilespmem:$0x1E800] =	vst v63  }
0x61: {  	_ =	swait.ge [sflag:s26], $0x3E80  }
0x62: {  	[sflag:s26] =	ssyncset.done $0x0  }
0x63: {  	[sflag:s26] =	ssyncadd.s32 $0xFFFFC180  }
0x64: {  	[spmem:s2] =	stream.indirect.scatter.add.f32 [tilespmem:s24], [sflag:$0x3], $0x80, s30, s22, $0xb8;
	[tilespmem:$0x1E800] =	vst v63  }
0x65: {  	_ =	swait.ge [sflag:s20], $0x3E80  }
0x66: {  	[sflag:s20] =	ssyncset.done $0x0  }
0x67: {  	[sflag:s20] =	ssyncadd.s32 $0xFFFFC180  }
0x68: {  	_ =	swait.ge [sflag:s25], $0x3E80  }
0x69: {  	[sflag:s25] =	ssyncset.done $0x0  }
0x6a: {  	[sflag:s25] =	ssyncadd.s32 $0xFFFFC180  }
0x6b: {  	[bflag:$0x0] =	sbarrier.arrive $0xFFFF  }
0x6c: {  	s11 =	rddreg [dreg:$0x6]  }
0x6d: {  	[hbm:s11], [sflag:s1] =	dma.local [spmem:s21], $0x2800  }
0x6e: {  	_ =	swait.ge [sflag:s20], $0x2800  }
0x6f: {  	[sflag:s20] =	ssyncset.done $0x0  }
0x70: {  	[sflag:s20] =	ssyncadd.s32 $0xFFFFD800  }
0x71: {  	[spmem:s21], [sflag:s1] =	dma.local [hbm:s17], $0x2800  }
0x72: {  	_ =	swait.ge [sflag:s20], $0x2800  }
0x73: {  	[sflag:s20] =	ssyncset.done $0x0  }
0x74: {  	[sflag:s20] =	ssyncadd.s32 $0xFFFFD800  }
0x75: {  	[bflag:$0x0] =	sbarrier.arrive $0xFFFF  }
0x76: {  	[tilespmem:s23], [sflag:$0x1] =	stream.indirect.gather [hbm4b:s5+s22], $0x80, s10, s22, $0xb8;
	[tilespmem:$0x1E800] =	vst v63  }
0x77: {  	s8 =	simm.s32 $0x80  }
0x78: {  	[tilespmem:s24], [sflag:$0x2] =	stream.indirect.gather [hbm4b:s5+s22], $0x80, s8, s22, $0xb8;
	[tilespmem:$0x1E800] =	vst v63  }
0x79: {  	_ =	swait.ge [sflag:s25], $0x3E80  }
0x7a: {  	[sflag:s25] =	ssyncset.done $0x0  }
0x7b: {  	s9 =	simm.s32 $0x1400;
	[sflag:s25] =	ssyncadd.s32 $0xFFFFC180  }
0x7c: {  	[spmem:s2] =	stream.indirect.scatter.add.f32 [tilespmem:s23], [sflag:$0x3], $0x80, s9, s22, $0xb8;
	[tilespmem:$0x1E800] =	vst v63  }
0x7d: {  	_ =	swait.ge [sflag:s20], $0x3E80  }
0x7e: {  	[sflag:s20] =	ssyncset.done $0x0  }
0x7f: {  	s10 =	simm.s32 $0x100;
	[sflag:s20] =	ssyncadd.s32 $0xFFFFC180  }
0x80: {  	[tilespmem:s23], [sflag:$0x1] =	stream.indirect.gather [hbm4b:s5+s22], $0x80, s10, s22, $0xb8;
	[tilespmem:$0x1E800] =	vst v63  }
0x81: {  	_ =	swait.ge [sflag:s26], $0x3E80  }
0x82: {  	[sflag:s26] =	ssyncset.done $0x0  }
0x83: {  	s11 =	simm.s32 $0x1480;
	[sflag:s26] =	ssyncadd.s32 $0xFFFFC180  }
0x84: {  	[spmem:s2] =	stream.indirect.scatter.add.f32 [tilespmem:s24], [sflag:$0x3], $0x80, s11, s22, $0xb8;
	[tilespmem:$0x1E800] =	vst v63  }
0x85: {  	_ =	swait.ge [sflag:s20], $0x3E80  }
0x86: {  	s0 =	simm.s32 $0x100;
	s8 =	simm.s32 $0x800;
	[sflag:s20] =	ssyncset.done $0x0  }
.LBB2_4:
0x87: {  	s9 =	sadd.s32 $0x80, s0  }
0x88: {  	[sflag:s20] =	ssyncadd.s32 $0xFFFFC180;
	s10 =	smov.u32 s8;
	s11 =	sadd.s32 $0x400, s8  }
0x89: {  	[tilespmem:s24], [sflag:$0x2] =	stream.indirect.gather [hbm4b:s5+s22], $0x80, s9, s22, $0xb8;
	[tilespmem:$0x1E800] =	vst v63  }
0x8a: {  	p0 =	sne.s32 s8, $0x4800;
	_ =	swait.ge [sflag:s25], $0x3E80  }
0x8b: {  	[sflag:s25] =	ssyncset.done $0x0  }
0x8c: {  	s8 =	sadd.s32 $0x1400, s0;
	[sflag:s25] =	ssyncadd.s32 $0xFFFFC180  }
0x8d: {  	[spmem:s2] =	stream.indirect.scatter.add.f32 [tilespmem:s23], [sflag:$0x3], $0x80, s8, s22, $0xb8;
	[tilespmem:$0x1E800] =	vst v63  }
0x8e: {  	_ =	swait.ge [sflag:s20], $0x3E80  }
0x8f: {  	[sflag:s20] =	ssyncset.done $0x0  }
0x90: {  	s8 =	sadd.s32 $0x100, s0;
	[sflag:s20] =	ssyncadd.s32 $0xFFFFC180  }
0x91: {  	[tilespmem:s23], [sflag:$0x1] =	stream.indirect.gather [hbm4b:s5+s22], $0x80, s8, s22, $0xb8;
	[tilespmem:$0x1E800] =	vst v63  }
0x92: {  	_ =	swait.ge [sflag:s26], $0x3E80  }
.Ltmp1:
0x93: {  	[sflag:s26] =	ssyncset.done $0x0;
	(pc) =	sbr.rel @p0 .LBB2_4-.Ltmp1, $4  }
0x94: {  	s0 =	sadd.s32 $0x1480, s0;
	[sflag:s26] =	ssyncadd.s32 $0xFFFFC180  }
0x95: {  	[spmem:s2] =	stream.indirect.scatter.add.f32 [tilespmem:s24], [sflag:$0x3], $0x80, s0, s22, $0xb8;
	[tilespmem:$0x1E800] =	vst v63  }
0x96: {  	_ =	swait.ge [sflag:s20], $0x3E80  }
0x97: {  	s8 =	smov.u32 s11;
	s0 =	sshra.s32 s10, $0x2;
	[sflag:s20] =	ssyncset.done $0x0  }
0x98: {  	s8 =	sadd.s32 $0x80, s0;
	[sflag:s20] =	ssyncadd.s32 $0xFFFFC180  }
0x99: {  	[tilespmem:s24], [sflag:$0x2] =	stream.indirect.gather [hbm4b:s5+s22], $0x80, s8, s22, $0xb8;
	[tilespmem:$0x1E800] =	vst v63  }
0x9a: {  	_ =	swait.ge [sflag:s25], $0x3E80  }
0x9b: {  	[sflag:s25] =	ssyncset.done $0x0  }
0x9c: {  	s11 =	sadd.s32 $0x1400, s0;
	[sflag:s25] =	ssyncadd.s32 $0xFFFFC180  }
0x9d: {  	[spmem:s2] =	stream.indirect.scatter.add.f32 [tilespmem:s23], [sflag:$0x3], $0x80, s11, s22, $0xb8;
	[tilespmem:$0x1E800] =	vst v63  }
0x9e: {  	_ =	swait.ge [sflag:s20], $0x3E80  }
0x9f: {  	[sflag:s20] =	ssyncset.done $0x0  }
0xa0: {  	s9 =	sadd.s32 $0x100, s0;
	[sflag:s20] =	ssyncadd.s32 $0xFFFFC180  }
0xa1: {  	[tilespmem:s23], [sflag:$0x1] =	stream.indirect.gather [hbm4b:s5+s22], $0x80, s9, s22, $0xb8;
	[tilespmem:$0x1E800] =	vst v63  }
0xa2: {  	_ =	swait.ge [sflag:s26], $0x3E80  }
0xa3: {  	[sflag:s26] =	ssyncset.done $0x0  }
0xa4: {  	s10 =	sadd.s32 $0x1480, s0;
	[sflag:s26] =	ssyncadd.s32 $0xFFFFC180  }
0xa5: {  	[spmem:s2] =	stream.indirect.scatter.add.f32 [tilespmem:s24], [sflag:$0x3], $0x80, s10, s22, $0xb8;
	[tilespmem:$0x1E800] =	vst v63  }
0xa6: {  	_ =	swait.ge [sflag:s20], $0x3E80  }
0xa7: {  	[sflag:s20] =	ssyncset.done $0x0  }
0xa8: {  	[sflag:s20] =	ssyncadd.s32 $0xFFFFC180  }
0xa9: {  	[tilespmem:s24], [sflag:$0x2] =	stream.indirect.gather [hbm4b:s5+s22], $0x80, s28, s22, $0xb8;
	[tilespmem:$0x1E800] =	vst v63  }
0xaa: {  	_ =	swait.ge [sflag:s25], $0x3E80  }
0xab: {  	[sflag:s25] =	ssyncset.done $0x0  }
0xac: {  	[sflag:s25] =	ssyncadd.s32 $0xFFFFC180  }
0xad: {  	[spmem:s2] =	stream.indirect.scatter.add.f32 [tilespmem:s23], [sflag:$0x3], $0x80, s29, s22, $0xb8;
	[tilespmem:$0x1E800] =	vst v63  }
0xae: {  	_ =	swait.ge [sflag:s20], $0x3E80  }
0xaf: {  	[sflag:s20] =	ssyncset.done $0x0  }
0xb0: {  	s11 =	simm.s32 $0x0;
	[sflag:s20] =	ssyncadd.s32 $0xFFFFC180  }
0xb1: {  	[tilespmem:s23], [sflag:$0x1] =	stream.indirect.gather [hbm4b:s5+s22], $0x80, s11, s22, $0xb8;
	[tilespmem:$0x1E800] =	vst v63  }
0xb2: {  	_ =	swait.ge [sflag:s26], $0x3E80  }
0xb3: {  	[sflag:s26] =	ssyncset.done $0x0  }
0xb4: {  	[sflag:s26] =	ssyncadd.s32 $0xFFFFC180  }
0xb5: {  	[spmem:s2] =	stream.indirect.scatter.add.f32 [tilespmem:s24], [sflag:$0x3], $0x80, s30, s22, $0xb8;
	[tilespmem:$0x1E800] =	vst v63  }
0xb6: {  	_ =	swait.ge [sflag:s20], $0x3E80  }
0xb7: {  	[sflag:s20] =	ssyncset.done $0x0  }
0xb8: {  	[sflag:s20] =	ssyncadd.s32 $0xFFFFC180  }
0xb9: {  	_ =	swait.ge [sflag:s25], $0x3E80  }
0xba: {  	[sflag:s25] =	ssyncset.done $0x0  }
0xbb: {  	[sflag:s25] =	ssyncadd.s32 $0xFFFFC180  }
0xbc: {  	[bflag:$0x0] =	sbarrier.arrive $0xFFFF  }
0xbd: {  	[hbm:s13], [sflag:s1] =	dma.local [spmem:s21], $0x2800  }
0xbe: {  	_ =	swait.ge [sflag:s20], $0x2800  }
0xbf: {  	[sflag:s20] =	ssyncset.done $0x0  }
0xc0: {  	[sflag:s20] =	ssyncadd.s32 $0xFFFFD800  }
0xc1: {  	[spmem:s21], [sflag:s1] =	dma.local [hbm:s18], $0x2800  }
0xc2: {  	_ =	swait.ge [sflag:s20], $0x2800  }
0xc3: {  	[sflag:s20] =	ssyncset.done $0x0  }
0xc4: {  	[sflag:s20] =	ssyncadd.s32 $0xFFFFD800  }
0xc5: {  	[bflag:$0x0] =	sbarrier.arrive $0xFFFF  }
0xc6: {  	[tilespmem:s23], [sflag:$0x1] =	stream.indirect.gather [hbm4b:s6+s22], $0x80, s11, s22, $0xb8;
	[tilespmem:$0x1E800] =	vst v63  }
0xc7: {  	s8 =	simm.s32 $0x80  }
0xc8: {  	[tilespmem:s24], [sflag:$0x2] =	stream.indirect.gather [hbm4b:s6+s22], $0x80, s8, s22, $0xb8;
	[tilespmem:$0x1E800] =	vst v63  }
0xc9: {  	_ =	swait.ge [sflag:s25], $0x3E80  }
0xca: {  	[sflag:s25] =	ssyncset.done $0x0  }
0xcb: {  	s9 =	simm.s32 $0x1400;
	[sflag:s25] =	ssyncadd.s32 $0xFFFFC180  }
0xcc: {  	[spmem:s2] =	stream.indirect.scatter.add.f32 [tilespmem:s23], [sflag:$0x3], $0x80, s9, s22, $0xb8;
	[tilespmem:$0x1E800] =	vst v63  }
0xcd: {  	_ =	swait.ge [sflag:s20], $0x3E80  }
0xce: {  	[sflag:s20] =	ssyncset.done $0x0  }
0xcf: {  	s10 =	simm.s32 $0x100;
	[sflag:s20] =	ssyncadd.s32 $0xFFFFC180  }
0xd0: {  	[tilespmem:s23], [sflag:$0x1] =	stream.indirect.gather [hbm4b:s6+s22], $0x80, s10, s22, $0xb8;
	[tilespmem:$0x1E800] =	vst v63  }
0xd1: {  	_ =	swait.ge [sflag:s26], $0x3E80  }
0xd2: {  	[sflag:s26] =	ssyncset.done $0x0  }
0xd3: {  	s11 =	simm.s32 $0x1480;
	[sflag:s26] =	ssyncadd.s32 $0xFFFFC180  }
0xd4: {  	[spmem:s2] =	stream.indirect.scatter.add.f32 [tilespmem:s24], [sflag:$0x3], $0x80, s11, s22, $0xb8;
	[tilespmem:$0x1E800] =	vst v63  }
0xd5: {  	_ =	swait.ge [sflag:s20], $0x3E80  }
0xd6: {  	s0 =	simm.s32 $0x100;
	s8 =	simm.s32 $0x800;
	[sflag:s20] =	ssyncset.done $0x0  }
.LBB2_6:
0xd7: {  	s9 =	sadd.s32 $0x80, s0  }
0xd8: {  	[sflag:s20] =	ssyncadd.s32 $0xFFFFC180;
	s10 =	smov.u32 s8;
	s11 =	sadd.s32 $0x400, s8  }
0xd9: {  	[tilespmem:s24], [sflag:$0x2] =	stream.indirect.gather [hbm4b:s6+s22], $0x80, s9, s22, $0xb8;
	[tilespmem:$0x1E800] =	vst v63  }
0xda: {  	p0 =	sne.s32 s8, $0x4800;
	_ =	swait.ge [sflag:s25], $0x3E80  }
0xdb: {  	[sflag:s25] =	ssyncset.done $0x0  }
0xdc: {  	s8 =	sadd.s32 $0x1400, s0;
	[sflag:s25] =	ssyncadd.s32 $0xFFFFC180  }
0xdd: {  	[spmem:s2] =	stream.indirect.scatter.add.f32 [tilespmem:s23], [sflag:$0x3], $0x80, s8, s22, $0xb8;
	[tilespmem:$0x1E800] =	vst v63  }
0xde: {  	_ =	swait.ge [sflag:s20], $0x3E80  }
0xdf: {  	[sflag:s20] =	ssyncset.done $0x0  }
0xe0: {  	s8 =	sadd.s32 $0x100, s0;
	[sflag:s20] =	ssyncadd.s32 $0xFFFFC180  }
0xe1: {  	[tilespmem:s23], [sflag:$0x1] =	stream.indirect.gather [hbm4b:s6+s22], $0x80, s8, s22, $0xb8;
	[tilespmem:$0x1E800] =	vst v63  }
0xe2: {  	_ =	swait.ge [sflag:s26], $0x3E80  }
.Ltmp2:
0xe3: {  	[sflag:s26] =	ssyncset.done $0x0;
	(pc) =	sbr.rel @p0 .LBB2_6-.Ltmp2, $4  }
0xe4: {  	s0 =	sadd.s32 $0x1480, s0;
	[sflag:s26] =	ssyncadd.s32 $0xFFFFC180  }
0xe5: {  	[spmem:s2] =	stream.indirect.scatter.add.f32 [tilespmem:s24], [sflag:$0x3], $0x80, s0, s22, $0xb8;
	[tilespmem:$0x1E800] =	vst v63  }
0xe6: {  	_ =	swait.ge [sflag:s20], $0x3E80  }
0xe7: {  	s8 =	smov.u32 s11;
	s0 =	sshra.s32 s10, $0x2;
	[sflag:s20] =	ssyncset.done $0x0  }
0xe8: {  	s8 =	sadd.s32 $0x80, s0;
	[sflag:s20] =	ssyncadd.s32 $0xFFFFC180  }
0xe9: {  	[tilespmem:s24], [sflag:$0x2] =	stream.indirect.gather [hbm4b:s6+s22], $0x80, s8, s22, $0xb8;
	[tilespmem:$0x1E800] =	vst v63  }
0xea: {  	_ =	swait.ge [sflag:s25], $0x3E80  }
0xeb: {  	[sflag:s25] =	ssyncset.done $0x0  }
0xec: {  	s11 =	sadd.s32 $0x1400, s0;
	[sflag:s25] =	ssyncadd.s32 $0xFFFFC180  }
0xed: {  	[spmem:s2] =	stream.indirect.scatter.add.f32 [tilespmem:s23], [sflag:$0x3], $0x80, s11, s22, $0xb8;
	[tilespmem:$0x1E800] =	vst v63  }
0xee: {  	_ =	swait.ge [sflag:s20], $0x3E80  }
0xef: {  	[sflag:s20] =	ssyncset.done $0x0  }
0xf0: {  	s9 =	sadd.s32 $0x100, s0;
	[sflag:s20] =	ssyncadd.s32 $0xFFFFC180  }
0xf1: {  	[tilespmem:s23], [sflag:$0x1] =	stream.indirect.gather [hbm4b:s6+s22], $0x80, s9, s22, $0xb8;
	[tilespmem:$0x1E800] =	vst v63  }
0xf2: {  	_ =	swait.ge [sflag:s26], $0x3E80  }
0xf3: {  	[sflag:s26] =	ssyncset.done $0x0  }
0xf4: {  	s10 =	sadd.s32 $0x1480, s0;
	[sflag:s26] =	ssyncadd.s32 $0xFFFFC180  }
0xf5: {  	[spmem:s2] =	stream.indirect.scatter.add.f32 [tilespmem:s24], [sflag:$0x3], $0x80, s10, s22, $0xb8;
	[tilespmem:$0x1E800] =	vst v63  }
0xf6: {  	_ =	swait.ge [sflag:s20], $0x3E80  }
0xf7: {  	[sflag:s20] =	ssyncset.done $0x0  }
0xf8: {  	[sflag:s20] =	ssyncadd.s32 $0xFFFFC180  }
0xf9: {  	[tilespmem:s24], [sflag:$0x2] =	stream.indirect.gather [hbm4b:s6+s22], $0x80, s28, s22, $0xb8;
	[tilespmem:$0x1E800] =	vst v63  }
0xfa: {  	_ =	swait.ge [sflag:s25], $0x3E80  }
0xfb: {  	[sflag:s25] =	ssyncset.done $0x0  }
0xfc: {  	[sflag:s25] =	ssyncadd.s32 $0xFFFFC180  }
0xfd: {  	[spmem:s2] =	stream.indirect.scatter.add.f32 [tilespmem:s23], [sflag:$0x3], $0x80, s29, s22, $0xb8;
	[tilespmem:$0x1E800] =	vst v63  }
0xfe: {  	_ =	swait.ge [sflag:s20], $0x3E80  }
0xff: {  	[sflag:s20] =	ssyncset.done $0x0  }
0x100: {  	s11 =	simm.s32 $0x0;
	[sflag:s20] =	ssyncadd.s32 $0xFFFFC180  }
0x101: {  	[tilespmem:s23], [sflag:$0x1] =	stream.indirect.gather [hbm4b:s6+s22], $0x80, s11, s22, $0xb8;
	[tilespmem:$0x1E800] =	vst v63  }
0x102: {  	_ =	swait.ge [sflag:s26], $0x3E80  }
0x103: {  	[sflag:s26] =	ssyncset.done $0x0  }
0x104: {  	[sflag:s26] =	ssyncadd.s32 $0xFFFFC180  }
0x105: {  	[spmem:s2] =	stream.indirect.scatter.add.f32 [tilespmem:s24], [sflag:$0x3], $0x80, s30, s22, $0xb8;
	[tilespmem:$0x1E800] =	vst v63  }
0x106: {  	_ =	swait.ge [sflag:s20], $0x3E80  }
0x107: {  	[sflag:s20] =	ssyncset.done $0x0  }
0x108: {  	[sflag:s20] =	ssyncadd.s32 $0xFFFFC180  }
0x109: {  	_ =	swait.ge [sflag:s25], $0x3E80  }
0x10a: {  	[sflag:s25] =	ssyncset.done $0x0  }
0x10b: {  	[sflag:s25] =	ssyncadd.s32 $0xFFFFC180  }
0x10c: {  	[bflag:$0x0] =	sbarrier.arrive $0xFFFF  }
0x10d: {  	[hbm:s14], [sflag:s1] =	dma.local [spmem:s21], $0x2800  }
0x10e: {  	_ =	swait.ge [sflag:s20], $0x2800  }
0x10f: {  	[sflag:s20] =	ssyncset.done $0x0  }
0x110: {  	[sflag:s20] =	ssyncadd.s32 $0xFFFFD800  }
0x111: {  	[spmem:s21], [sflag:s1] =	dma.local [hbm:s12], $0x2800  }
0x112: {  	_ =	swait.ge [sflag:s20], $0x2800  }
0x113: {  	[sflag:s20] =	ssyncset.done $0x0  }
0x114: {  	[sflag:s20] =	ssyncadd.s32 $0xFFFFD800  }
0x115: {  	[bflag:$0x0] =	sbarrier.arrive $0xFFFF  }
0x116: {  	[tilespmem:s23], [sflag:$0x1] =	stream.indirect.gather [hbm4b:s7+s22], $0x80, s11, s22, $0xb8;
	[tilespmem:$0x1E800] =	vst v63  }
0x117: {  	s8 =	simm.s32 $0x80  }
0x118: {  	[tilespmem:s24], [sflag:$0x2] =	stream.indirect.gather [hbm4b:s7+s22], $0x80, s8, s22, $0xb8;
	[tilespmem:$0x1E800] =	vst v63  }
0x119: {  	_ =	swait.ge [sflag:s25], $0x3E80  }
0x11a: {  	[sflag:s25] =	ssyncset.done $0x0  }
0x11b: {  	s9 =	simm.s32 $0x1400;
	[sflag:s25] =	ssyncadd.s32 $0xFFFFC180  }
0x11c: {  	[spmem:s2] =	stream.indirect.scatter.add.f32 [tilespmem:s23], [sflag:$0x3], $0x80, s9, s22, $0xb8;
	[tilespmem:$0x1E800] =	vst v63  }
0x11d: {  	_ =	swait.ge [sflag:s20], $0x3E80  }
0x11e: {  	[sflag:s20] =	ssyncset.done $0x0  }
0x11f: {  	s10 =	simm.s32 $0x100;
	[sflag:s20] =	ssyncadd.s32 $0xFFFFC180  }
0x120: {  	[tilespmem:s23], [sflag:$0x1] =	stream.indirect.gather [hbm4b:s7+s22], $0x80, s10, s22, $0xb8;
	[tilespmem:$0x1E800] =	vst v63  }
0x121: {  	_ =	swait.ge [sflag:s26], $0x3E80  }
0x122: {  	[sflag:s26] =	ssyncset.done $0x0  }
0x123: {  	s11 =	simm.s32 $0x1480;
	[sflag:s26] =	ssyncadd.s32 $0xFFFFC180  }
0x124: {  	[spmem:s2] =	stream.indirect.scatter.add.f32 [tilespmem:s24], [sflag:$0x3], $0x80, s11, s22, $0xb8;
	[tilespmem:$0x1E800] =	vst v63  }
0x125: {  	_ =	swait.ge [sflag:s20], $0x3E80  }
0x126: {  	s0 =	simm.s32 $0x100;
	s8 =	simm.s32 $0x800;
	[sflag:s20] =	ssyncset.done $0x0  }
.LBB2_8:
0x127: {  	s9 =	sadd.s32 $0x80, s0  }
0x128: {  	[sflag:s20] =	ssyncadd.s32 $0xFFFFC180;
	s10 =	smov.u32 s8;
	s11 =	sadd.s32 $0x400, s8  }
0x129: {  	[tilespmem:s24], [sflag:$0x2] =	stream.indirect.gather [hbm4b:s7+s22], $0x80, s9, s22, $0xb8;
	[tilespmem:$0x1E800] =	vst v63  }
0x12a: {  	p0 =	sne.s32 s8, $0x4800;
	_ =	swait.ge [sflag:s25], $0x3E80  }
0x12b: {  	[sflag:s25] =	ssyncset.done $0x0  }
0x12c: {  	s8 =	sadd.s32 $0x1400, s0;
	[sflag:s25] =	ssyncadd.s32 $0xFFFFC180  }
0x12d: {  	[spmem:s2] =	stream.indirect.scatter.add.f32 [tilespmem:s23], [sflag:$0x3], $0x80, s8, s22, $0xb8;
	[tilespmem:$0x1E800] =	vst v63  }
0x12e: {  	_ =	swait.ge [sflag:s20], $0x3E80  }
0x12f: {  	[sflag:s20] =	ssyncset.done $0x0  }
0x130: {  	s8 =	sadd.s32 $0x100, s0;
	[sflag:s20] =	ssyncadd.s32 $0xFFFFC180  }
0x131: {  	[tilespmem:s23], [sflag:$0x1] =	stream.indirect.gather [hbm4b:s7+s22], $0x80, s8, s22, $0xb8;
	[tilespmem:$0x1E800] =	vst v63  }
0x132: {  	_ =	swait.ge [sflag:s26], $0x3E80  }
.Ltmp3:
0x133: {  	[sflag:s26] =	ssyncset.done $0x0;
	(pc) =	sbr.rel @p0 .LBB2_8-.Ltmp3, $4  }
0x134: {  	s0 =	sadd.s32 $0x1480, s0;
	[sflag:s26] =	ssyncadd.s32 $0xFFFFC180  }
0x135: {  	[spmem:s2] =	stream.indirect.scatter.add.f32 [tilespmem:s24], [sflag:$0x3], $0x80, s0, s22, $0xb8;
	[tilespmem:$0x1E800] =	vst v63  }
0x136: {  	_ =	swait.ge [sflag:s20], $0x3E80  }
0x137: {  	s8 =	smov.u32 s11;
	s0 =	sshra.s32 s10, $0x2;
	[sflag:s20] =	ssyncset.done $0x0  }
0x138: {  	s8 =	sadd.s32 $0x80, s0;
	[sflag:s20] =	ssyncadd.s32 $0xFFFFC180  }
0x139: {  	[tilespmem:s24], [sflag:$0x2] =	stream.indirect.gather [hbm4b:s7+s22], $0x80, s8, s22, $0xb8;
	[tilespmem:$0x1E800] =	vst v63  }
0x13a: {  	_ =	swait.ge [sflag:s25], $0x3E80  }
0x13b: {  	[sflag:s25] =	ssyncset.done $0x0  }
0x13c: {  	s9 =	sadd.s32 $0x1400, s0;
	[sflag:s25] =	ssyncadd.s32 $0xFFFFC180  }
0x13d: {  	[spmem:s2] =	stream.indirect.scatter.add.f32 [tilespmem:s23], [sflag:$0x3], $0x80, s9, s22, $0xb8;
	[tilespmem:$0x1E800] =	vst v63  }
0x13e: {  	_ =	swait.ge [sflag:s20], $0x3E80  }
0x13f: {  	[sflag:s20] =	ssyncset.done $0x0  }
0x140: {  	s10 =	sadd.s32 $0x100, s0;
	[sflag:s20] =	ssyncadd.s32 $0xFFFFC180  }
0x141: {  	[tilespmem:s23], [sflag:$0x1] =	stream.indirect.gather [hbm4b:s7+s22], $0x80, s10, s22, $0xb8;
	[tilespmem:$0x1E800] =	vst v63  }
0x142: {  	_ =	swait.ge [sflag:s26], $0x3E80  }
0x143: {  	[sflag:s26] =	ssyncset.done $0x0  }
0x144: {  	s11 =	sadd.s32 $0x1480, s0;
	[sflag:s26] =	ssyncadd.s32 $0xFFFFC180  }
0x145: {  	[spmem:s2] =	stream.indirect.scatter.add.f32 [tilespmem:s24], [sflag:$0x3], $0x80, s11, s22, $0xb8;
	[tilespmem:$0x1E800] =	vst v63  }
0x146: {  	_ =	swait.ge [sflag:s20], $0x3E80  }
0x147: {  	[sflag:s20] =	ssyncset.done $0x0  }
0x148: {  	[sflag:s20] =	ssyncadd.s32 $0xFFFFC180  }
0x149: {  	[tilespmem:s24], [sflag:$0x2] =	stream.indirect.gather [hbm4b:s7+s22], $0x80, s28, s22, $0xb8;
	[tilespmem:$0x1E800] =	vst v63  }
0x14a: {  	_ =	swait.ge [sflag:s25], $0x3E80  }
0x14b: {  	[sflag:s25] =	ssyncset.done $0x0  }
0x14c: {  	[sflag:s25] =	ssyncadd.s32 $0xFFFFC180  }
0x14d: {  	[spmem:s2] =	stream.indirect.scatter.add.f32 [tilespmem:s23], [sflag:$0x3], $0x80, s29, s22, $0xb8;
	[tilespmem:$0x1E800] =	vst v63  }
0x14e: {  	_ =	swait.ge [sflag:s20], $0x3E80  }
0x14f: {  	[sflag:s20] =	ssyncset.done $0x0  }
0x150: {  	[sflag:s20] =	ssyncadd.s32 $0xFFFFC180  }
0x151: {  	[tilespmem:s23], [sflag:$0x1] =	stream.indirect.gather [hbm4b:s7+s22], $0x80, s3, s22, $0xb8;
	[tilespmem:$0x1E800] =	vst v63  }
0x152: {  	_ =	swait.ge [sflag:s26], $0x3E80  }
0x153: {  	[sflag:s26] =	ssyncset.done $0x0  }
0x154: {  	[sflag:s26] =	ssyncadd.s32 $0xFFFFC180  }
0x155: {  	[spmem:s2] =	stream.indirect.scatter.add.f32 [tilespmem:s24], [sflag:$0x3], $0x80, s30, s22, $0xb8;
	[tilespmem:$0x1E800] =	vst v63  }
0x156: {  	_ =	swait.ge [sflag:s20], $0x3E80  }
0x157: {  	[sflag:s20] =	ssyncset.done $0x0  }
0x158: {  	[sflag:s20] =	ssyncadd.s32 $0xFFFFC180  }
0x159: {  	_ =	swait.ge [sflag:s25], $0x3E80  }
0x15a: {  	s31 =	sadd.s32 $0x1, s31;
	[sflag:s25] =	ssyncset.done $0x0  }
0x15b: {  	p0 =	sne.s32 s31, s16;
	[sflag:s25] =	ssyncadd.s32 $0xFFFFC180  }
.Ltmp4:
0x15c: {  	[bflag:$0x0] =	sbarrier.arrive $0xFFFF;
	(pc) =	sbr.rel @p0 .LBB2_1-.Ltmp4, $4  }
0x15d: {  	[hbm:s15], [sflag:s1] =	dma.local [spmem:s21], $0x2800  }
0x15e: {  	_ =	swait.ge [sflag:s20], $0x2800  }
0x15f: {  	[sflag:s20] =	ssyncset.done $0x0  }
0x160: {  	[sflag:s20] =	ssyncadd.s32 $0xFFFFD800  }
0x161: {  	_ =	sfence.sel $0x180000  }
0x162: {  	[bflag:$0x0] =	sbarrier.arrive $0xFFFF  }
0x163: {  	_ =	strace $0x9000004D  }
0x164: {  	s0 =	stileid.u32;
	[bflag:$0x2] =	sbarrier.arrive $0xFFFF  }
0x165: {  	p0 =	sne.s32 s0, $0x0;
	s0 =	rddreg [dreg:$0x2]  }
0x166: {  	s0 =	sadd.s32 @!p0 $0x100000, s0  }
0x167: {  	[sflag:s0] =	ssyncadd.tile.s32 @!p0 $0x1;
	_ =	shalt  }
.Lfunc_end2:
_tile_overlayer_lowered:
.L_overlay_start_2:
0x168: {  	(tag) =	ssettag $0x2  }
0x169: {  	s0 =	rddreg [dreg:$0x0];
	s2 =	stileid.u32  }
0x16a: {  	s1 =	rddreg [dreg:$0x1];
	p0 =	sne.s32 s2, $0x0  }
0x16b: {  	s3 =	rddreg [dreg:$0x2];
	[bflag:$0x3] =	sbarrier.arrive $0xFFFF;
	s2 =	simm.s32 @!p0 $0x1C03  }
0x16c: {  	[timem:s3], [sflag:s2] =	dma.local @!p0 [hbm:s0], s1  }
0x16d: {  	s0 =	simm.s32 @!p0 $0x3  }
0x16e: {  	_ =	swait.ge @!p0 [sflag:s0], s1  }
0x16f: {  	s1 =	ssub.s32 @!p0 $0x0, s1;
	[sflag:s0] =	ssyncset.done @!p0 $0x0  }
0x170: {  	[sflag:s0] =	ssyncadd.s32 @!p0 s1  }
0x171: {  	[bflag:$0x3] =	sbarrier.arrive $0xFFFF  }
0x172: {  	_ =	shalt  }

// kernel: kernel.19.cloned.1.call-start
scs
__scs_entry_jumppad:
0x0: {  	(pc) =	sbr.rel $0x88, $3  }
0x1: {  	(tag) =	ssettag $0x0;
	lr =	simm.s32 $0x1  }
0x2: {  	[smem:$0x3F99] =	sst lr;
	_ =	strace $0xD0000000  }
0x3: {  	_ = 	snop  }
0x4: {  	_ = 	snop  }
0x5: {  	_ = 	snop  }
0x6: {  	_ = 	snop  }
0x7: {  	_ = 	snop  }
__scs_overlays_trampoline_lowered:
0x8: {  	[smem:$0x3FA8] =	sst s0  }
0x9: {  	[smem:$0x3FA9] =	sst s1  }
0xa: {  	[smem:$0x3FAA] =	sst s2  }
0xb: {  	[smem:$0x3FAB] =	sst s3  }
0xc: {  	[smem:$0x3FAC] =	sst s4  }
0xd: {  	[smem:$0x3FAD] =	sst s5  }
0xe: {  	[smem:$0x3FAE] =	sst s6  }
0xf: {  	[smem:$0x3FAF] =	sst s7  }
0x10: {  	[smem:$0x3FB0] =	sst s8  }
0x11: {  	[smem:$0x3FB1] =	sst s9;
	s0 =	simm.s32 @!p0 $0x0  }
0x12: {  	s1 =	sld [smem:$0x3F97];
	s0 =	simm.s32 @p0 $0x1  }
0x13: {  	[smem:$0x3FB2] =	sst s0;
	s0 =	simm.s32 @!p1 $0x0  }
0x14: {  	s2 =	sld [smem:$0x3F96];
	s0 =	simm.s32 @p1 $0x1  }
0x15: {  	[smem:$0x3FB3] =	sst s0;
	s0 =	simm.s32 @!p2 $0x0  }
0x16: {  	s3 =	sld [smem:$0x3FDB];
	s0 =	simm.s32 @p2 $0x1  }
0x17: {  	s4 =	simm.s32 $0x1BF5;
	[smem:$0x3FB5] =	sst s0  }
0x18: {  	s0 =	sld [smem:$0x3F98];
	_ =	swait.ge [sflag:s4], $0x0  }
0x19: {  	s7 =	sld [smem:$0x3F99]  }
0x1a: {  	s8 =	sadd.s32 $0xFFFFE003, lr  }
0x1b: {  	s9 =	sadd.s32 $0xFFFFFEF7, lr;
	s5 =	simm.s32 $0xFFFFFFFF;
	p2 =	slt.u32 s8, $0xFFFFF086  }
0x1c: {  	p1 =	slt.u32 s9, $0xF7A;
	s5 =	simm.s32 @!p2 $0x0  }
0x1d: {  	s5 =	simm.s32 @p1 $0x1;
	p0 =	seq.s32 s7, s2  }
0x1e: {  	s7 =	smul.u32 @!p0 $0xF7A, s2;
	p2 =	seq.s32 @!p0 s5, $0x0  }
0x1f: {  	s9 =	smul.u32 $0xF7A, s1;
	s8 =	simm.s32 @!p0 $0x1BF5;
	p2 =	por !p2, p0  }
0x20: {  	[sflag:s8] =	ssyncset.s32 @!p0 $0xFFFFF086;
	s6 =	sadd.s32 @!p0 s3, s7;
	s7 =	simm.s32 @!p0 $0x108  }
0x21: {  	s3 =	sadd.s32 s3, s9;
	s6 =	sadd.s32 @!p0 $0x88, s6;
	s7 =	simm.s32 @p2 $0x1082  }
0x22: {  	[simem:s7], [sflag:s8] =	dma.local @!p0 [hbm:s6], $0xF7A  }
0x23: {  	s9 =	sor.u32 $0xD0000000, s2;
	s6 =	simm.s32 $0x108;
	_ =	swait.ge @!p0 [sflag:s8], $0x0  }
0x24: {  	s3 =	sadd.s32 $0x88, s3;
	s6 =	simm.s32 @!p1 $0x1082;
	[sflag:s4] =	ssyncset.s32 $0xFFFFF086  }
0x25: {  	[simem:s6], [sflag:s4] =	dma.local [hbm:s3], $0xF7A  }
0x26: {  	[smem:$0x3F99] =	sst s1;
	(tag) =	ssettag s2;
	_ =	strace s9  }
0x27: {  	s1 =	sld [smem:$0x3FA9]  }
0x28: {  	s2 =	sld [smem:$0x3FAA]  }
0x29: {  	s4 =	sld [smem:$0x3FAC]  }
0x2a: {  	p0 =	seq.s32 s5, $0x0;
	s5 =	sld [smem:$0x3FAD]  }
0x2b: {  	s6 =	sld [smem:$0x3FAE]  }
0x2c: {  	s7 =	sld [smem:$0x3FAF]  }
0x2d: {  	s3 =	simm.s32 $0x108;
	s8 =	sld [smem:$0x3FB0]  }
0x2e: {  	s3 =	simm.s32 @!p0 $0x1082;
	s9 =	sld [smem:$0x3FB1]  }
0x2f: {  	lr =	sadd.s32 s0, s3;
	s0 =	sld [smem:$0x3FA8]  }
0x30: {  	s3 =	sld [smem:$0x3FAB]  }
0x31: {  	[smem:$0x3FB4] =	sst s10  }
0x32: {  	s10 =	sld [smem:$0x3FB2];
	_ =	sdelay $0x3  }
0x33: {  	p0 =	seq.s32 s10, $0x1;
	s10 =	sld [smem:$0x3FB4];
	_ =	sdelay $0x3  }
0x34: {  	[smem:$0x3FB4] =	sst s10  }
0x35: {  	s10 =	sld [smem:$0x3FB3];
	_ =	sdelay $0x3  }
0x36: {  	p1 =	seq.s32 s10, $0x1;
	s10 =	sld [smem:$0x3FB4];
	_ =	sdelay $0x3  }
0x37: {  	[smem:$0x3FB4] =	sst s10  }
0x38: {  	s10 =	sld [smem:$0x3FB5]  }
0x39: {  	_ = 	snop;
	(pc) =	sbr.ind lr, $3  }
0x3a: {  	_ = 	snop  }
0x3b: {  	_ = 	snop  }
0x3c: {  	p2 =	seq.s32 s10, $0x1;
	s10 =	sld [smem:$0x3FB4]  }
0x3d: {  	_ =	shalt  }
0x3e: {  	_ =	shalt  }
0x3f: {  	_ =	shalt  }
0x40: {  	_ =	shalt  }
0x41: {  	_ =	shalt  }
0x42: {  	_ =	shalt  }
0x43: {  	_ =	shalt  }
0x44: {  	_ =	shalt  }
0x45: {  	_ =	shalt  }
0x46: {  	_ =	shalt  }
0x47: {  	_ =	shalt  }
0x48: {  	_ =	shalt  }
0x49: {  	_ =	shalt  }
0x4a: {  	_ =	shalt  }
0x4b: {  	_ =	shalt  }
0x4c: {  	_ =	shalt  }
0x4d: {  	_ =	shalt  }
0x4e: {  	_ =	shalt  }
0x4f: {  	_ =	shalt  }
0x50: {  	_ =	shalt  }
0x51: {  	_ =	shalt  }
0x52: {  	_ =	shalt  }
0x53: {  	_ =	shalt  }
0x54: {  	_ =	shalt  }
0x55: {  	_ =	shalt  }
0x56: {  	_ =	shalt  }
0x57: {  	_ =	shalt  }
0x58: {  	_ =	shalt  }
0x59: {  	_ =	shalt  }
0x5a: {  	_ =	shalt  }
0x5b: {  	_ =	shalt  }
0x5c: {  	_ =	shalt  }
0x5d: {  	_ =	shalt  }
0x5e: {  	_ =	shalt  }
0x5f: {  	_ =	shalt  }
0x60: {  	_ =	shalt  }
0x61: {  	_ =	shalt  }
0x62: {  	_ =	shalt  }
0x63: {  	_ =	shalt  }
0x64: {  	_ =	shalt  }
0x65: {  	_ =	shalt  }
0x66: {  	_ =	shalt  }
0x67: {  	_ =	shalt  }
0x68: {  	_ =	shalt  }
0x69: {  	_ =	shalt  }
0x6a: {  	_ =	shalt  }
0x6b: {  	_ =	shalt  }
0x6c: {  	_ =	shalt  }
0x6d: {  	_ =	shalt  }
0x6e: {  	_ =	shalt  }
0x6f: {  	_ =	shalt  }
0x70: {  	_ =	shalt  }
0x71: {  	_ =	shalt  }
0x72: {  	_ =	shalt  }
0x73: {  	_ =	shalt  }
0x74: {  	_ =	shalt  }
0x75: {  	_ =	shalt  }
0x76: {  	_ =	shalt  }
0x77: {  	_ =	shalt  }
0x78: {  	_ =	shalt  }
0x79: {  	_ =	shalt  }
0x7a: {  	_ =	shalt  }
0x7b: {  	_ =	shalt  }
0x7c: {  	_ =	shalt  }
0x7d: {  	_ =	shalt  }
0x7e: {  	_ =	shalt  }
0x7f: {  	_ =	shalt  }
0x80: {  	_ =	shalt  }
0x81: {  	_ =	shalt  }
0x82: {  	_ =	shalt  }
0x83: {  	_ =	shalt  }
0x84: {  	_ =	shalt  }
0x85: {  	_ =	shalt  }
0x86: {  	_ =	shalt  }
0x87: {  	_ =	shalt  }
.Lfunc_end0:
.L_simem_size_0:
called_computation.3_lowered:
.L_overlay_start_0:
0x88: {  	s2 =	sld [smem:$0x3FD9]  }
0x89: {  	s3 =	sld [smem:$0x3FFE];
	_ =	sdelay $0x1  }
0x8a: {  	s1 =	srdreg.scid  }
0x8b: {  	s0 =	sand.u32 $0x1, s1  }
0x8c: {  	s16 =	sshll.u32 s0, $0xA;
	s2 =	sadd.s32 s3, s2  }
0x8d: {  	s2 =	sadd.s32 s2, s16  }
0x8e: {  	[smem:$0x3FC0] =	sst s2  }
0x8f: {  	_ = 	snop  }
0x90: {  	(tm) =	ssettm $0x1  }
0x91: {  	s17 =	sld [smem:$0x3FFB];
	_ =	sdelay $0x3  }
0x92: {  	_ =	strace s17  }
0x93: {  	s2 =	sld [smem:$0x3FFC];
	_ =	sdelay $0x3  }
0x94: {  	_ =	strace s2  }
0x95: {  	s2 =	sld [smem:$0x3FFD];
	_ =	sdelay $0x3  }
0x96: {  	_ =	strace s2  }
0x97: {  	_ =	strace $0x8FFFFFFF  }
0x98: {  	s18 =	sld [smem:$0x3FDB];
	_ =	sdelay $0x1  }
0x99: {  	s19 =	simm.s32 $_scs_section_size  }
0x9a: {  	s4 =	simm.s32 $_size__tile_overlayer_lowered;
	s5 =	simm.s32 $_tile_overlayer_lowered  }
0x9b: {  	s22 =	simm.s32 $0x1BFF;
	s21 =	sshll.u32 s5, $0x1;
	s2 =	sadd.s32 s19, s18  }
0x9c: {  	s6 =	simm.s32 $0x0;
	s20 =	sshll.u32 s4, $0x1;
	s4 =	sadd.s32 s21, s2  }
0x9d: {  	[timem:s6], [sflag:s22] =	dma.local [hbm:s4], s20  }
0x9e: {  	_ =	swait.ge [sflag:s22], s20  }
0x9f: {  	s3 =	ssub.s32 $0x0, s20;
	[sflag:s22] =	ssyncset.done $0x0  }
0xa0: {  	[sflag:s22] =	ssyncadd.s32 s3;
	_ =	sdelay $0x1  }
0xa1: {  	s23 =	simm.s32 $0x1B8B  }
0xa2: {  	_ =	swait.ge [sflag:s23], $0x1  }
0xa3: {  	[sflag:s23] =	ssyncset.done $0x0  }
0xa4: {  	s25 =	simm.s32 $0x1B8E;
	s24 =	sld [smem:$0x3FFE];
	[sflag:s23] =	ssyncadd.s32 $0xFFFFFFFF  }
0xa5: {  	s26 =	simm.s32 $execute0_lowered;
	[smem:$0x3FD2] =	sst s25  }
0xa6: {  	s4 =	sshll.u32 s26, $0x1;
	_ =	strace $0x8000004F;
	[dreg:$0x1] =	wrdreg $0xFFFFFFFF  }
0xa7: {  	s28 =	simm.s32 $_size_execute0_lowered;
	s2 =	sadd.s32 s2, s4;
	[dreg:$0x0] =	wrdreg $0x0  }
0xa8: {  	s4 =	sshll.u32 s28, $0x1;
	[dreg:$0x2] =	wrdreg s2  }
0xa9: {  	[dreg:$0x3] =	wrdreg s4  }
0xaa: {  	[dreg:$0x4] =	wrdreg $0xC0  }
0xab: {  	_ =	task [dreg:s6], $0x5FFFF  }
0xac: {  	[dreg:$0x1] =	wrdreg $0xFFFFFFFF  }
0xad: {  	[dreg:$0x0] =	wrdreg $0x60  }
0xae: {  	[dreg:$0x2] =	wrdreg s24  }
0xaf: {  	[dreg:$0x3] =	wrdreg $0xA8000  }
0xb0: {  	[dreg:$0x4] =	wrdreg $0x9  }
0xb1: {  	_ =	task.clear_ibuf [dreg:s6], $0x5FFFF;
	_ =	strace $0x9000004F  }
0xb2: {  	s29 =	simm.s32 $0x9;
	_ =	strace $0x80000051  }
0xb3: {  	_ =	swait.ge [sflag:s29], $0x1  }
0xb4: {  	[sflag:s29] =	ssyncadd.s32 $0xFFFFFFFF  }
0xb5: {  	_ =	strace $0x90000051  }
0xb6: {  	_ =	sfence  }
0xb7: {  	s30 =	sld [smem:$0x0];
	_ =	sdelay $0x2  }
0xb8: {  	s31 =	sshll.u32 s1, $0xD;
	s1 =	sshrl.u32 s1, $0x2  }
0xb9: {  	s3 =	sand.u32 $0x4000, s31;
	s1 =	sadd.s32 s1, s30  }
0xba: {  	s0 =	sor.u32 s3, s0;
	s1 =	sshll.u32 s1, $0x11  }
0xbb: {  	s0 =	sor.u32 s1, s0  }
0xbc: {  	s0 =	sadd.s32 $0x8F2B, s0  }
0xbd: {  	[sflag:s0] =	ssyncadd.remote.s32 $0x1  }
0xbe: {  	_ =	sfence.sel $0xFFFF  }
0xbf: {  	[dreg:$0x0] =	wrdreg $0xFFFFFFFF;
	(pc) =	sbr.abs _section_cstart, $3  }
0xc0: {  	[dreg:$0x1] =	wrdreg $0xFFFFFFFF  }
0xc1: {  	_ =	task.clear_ibuf [dreg:s6], $0x2FFFF;
	_ =	strace $0x9FFFFFFF  }
0xc2: {  	(tm) =	ssettm $0x7FFFFFFF  }
0xc3: {  	_ =	shalt  }
tec
execute0_lowered:
.L_overlay_start_1:
0x0: {  	(tag) =	ssettag $0x1  }
0x1: {  	s5 =	rddreg [dreg:$0x0]  }
0x2: {  	s0 =	srdreg.scid;
	s2 =	rddreg [dreg:$0x1]  }
0x3: {  	s3 =	simm.s32 $0x0;
	s14 =	simm.s32 $0x7D;
	s15 =	simm.s32 $0x2800  }
0x4: {  	s16 =	simm.s32 $0x6800;
	s17 =	simm.s32 $0x1;
	s18 =	simm.s32 $0x2  }
0x5: {  	s19 =	simm.s32 $0x1380;
	s20 =	simm.s32 $0x2700;
	s21 =	simm.s32 $0x2780  }
0x6: {  	s22 =	simm.s32 $0x0;
	s7 =	sand.u32 $0x1, s0;
	s0 =	stileid.u32  }
0x7: {  	[smem:$0x7FF] =	sst s3;
	s4 =	sadd.s32 $0x30E00, s5;
	s8 =	smul.u32 $0x140000, s7  }
0x8: {  	s12 =	sadd.s32 $0x8E00, s5;
	s1 =	sshll.u32 s7, $0x4;
	s9 =	smul.u32 $0x14000, s0  }
0x9: {  	s28 =	ssub.s32 $0x2, s7;
	s11 =	smul.u32 $0x50000, s0;
	p0 =	seq.s32 s7, $0x0  }
0xa: {  	s30 =	smul.u32 $0x2800, s0;
	s31 =	sshll.u32 s0, $0x6;
	s1 =	sor.u32 s0, s1  }
0xb: {  	s10 =	sshrl.u32 s28, $0x1;
	s12 =	smov.u32 @p0 s4;
	s6 =	smul.u32 $0x280, s1  }
0xc: {  	s1 =	rddreg [dreg:$0x2];
	_ =	strace $0x80000050;
	s8 =	sadd.s32 s9, s8  }
0xd: {  	s9 =	ssub.s32 s28, s10;
	s29 =	sshrl.u32 s11, $0x2;
	s10 =	simm.s32 $0x3  }
0xe: {  	s11 =	simm.s32 $0x1400;
	s8 =	sshrl.u32 s8, $0x3;
	s13 =	sadd.s32 s29, s2  }
0xf: {  	s6 =	sadd.s32 s6, s5;
	s8 =	sadd.s32 s8, s5;
	s13 =	sshrl.u32 s13, $0x3  }
0x10: {  	s5 =	sadd.s32 $0x192600, s6;
	s6 =	sadd.s32 $0x3E00, s6;
	s7 =	sadd.s32 $0x58E00, s8  }
0x11: {  	s8 =	smax.u32 s9, $0x1;
	s9 =	sadd.s32 s12, s30;
	s12 =	sor.u32 $0x1C03, s31  }
.LBB2_1:
0x12: {  	[tilespmem:s3], [sflag:$0x3] =	stream.linear.gather [hbm4b:s5+s3], $0x1400, $0x38;
	[tilespmem:$0x1E800] =	vst v63  }
0x13: {  	_ =	swait.ge [sflag:s10], $0x1400  }
0x14: {  	[sflag:s10] =	ssyncset.done $0x0  }
0x15: {  	[sflag:s10] =	ssyncadd.s32 $0xFFFFEC00  }
0x16: {  	[tilespmem:s11], [sflag:$0x3] =	stream.linear.gather [hbm4b:s6+s3], $0x1400, $0x38;
	[tilespmem:$0x1E800] =	vst v63  }
0x17: {  	_ =	swait.ge [sflag:s10], $0x1400  }
0x18: {  	[sflag:s10] =	ssyncset.done $0x0  }
0x19: {  	[sflag:s10] =	ssyncadd.s32 $0xFFFFEC00  }
0x1a: {  	[spmem:s13], [sflag:s12] =	dma.local [hbm:s9], $0x2800  }
0x1b: {  	_ =	swait.ge [sflag:s10], $0x2800  }
0x1c: {  	[sflag:s10] =	ssyncset.done $0x0  }
0x1d: {  	[sflag:s10] =	ssyncadd.s32 $0xFFFFD800  }
0x1e: {  	[bflag:$0x0] =	sbarrier.arrive $0xFFFF  }
0x1f: {  	[tilespmem:s15], [sflag:$0x1] =	stream.indirect.gather [hbm4b:s4+s14], $0x80, s3, s14, $0xb8;
	[tilespmem:$0x1E800] =	vst v63  }
0x20: {  	s23 =	simm.s32 $0x80  }
0x21: {  	[tilespmem:s16], [sflag:$0x2] =	stream.indirect.gather [hbm4b:s4+s14], $0x80, s23, s14, $0xb8;
	[tilespmem:$0x1E800] =	vst v63  }
0x22: {  	_ =	swait.ge [sflag:s17], $0x3E80  }
0x23: {  	[sflag:s17] =	ssyncset.done $0x0  }
0x24: {  	s29 =	simm.s32 $0x1400;
	[sflag:s17] =	ssyncadd.s32 $0xFFFFC180  }
0x25: {  	[spmem:s2] =	stream.indirect.scatter.add.f32 [tilespmem:s15], [sflag:$0x3], $0x80, s29, s14, $0xb8;
	[tilespmem:$0x1E800] =	vst v63  }
0x26: {  	_ =	swait.ge [sflag:s10], $0x3E80  }
0x27: {  	[sflag:s10] =	ssyncset.done $0x0  }
0x28: {  	s30 =	simm.s32 $0x100;
	[sflag:s10] =	ssyncadd.s32 $0xFFFFC180  }
0x29: {  	[tilespmem:s15], [sflag:$0x1] =	stream.indirect.gather [hbm4b:s4+s14], $0x80, s30, s14, $0xb8;
	[tilespmem:$0x1E800] =	vst v63  }
0x2a: {  	_ =	swait.ge [sflag:s18], $0x3E80  }
0x2b: {  	[sflag:s18] =	ssyncset.done $0x0  }
0x2c: {  	s31 =	simm.s32 $0x1480;
	[sflag:s18] =	ssyncadd.s32 $0xFFFFC180  }
0x2d: {  	[spmem:s2] =	stream.indirect.scatter.add.f32 [tilespmem:s16], [sflag:$0x3], $0x80, s31, s14, $0xb8;
	[tilespmem:$0x1E800] =	vst v63  }
0x2e: {  	_ =	swait.ge [sflag:s10], $0x3E80  }
0x2f: {  	s24 =	simm.s32 $0x800;
	s23 =	simm.s32 $0x100;
	[sflag:s10] =	ssyncset.done $0x0  }
.LBB2_2:
0x30: {  	s25 =	sadd.s32 $0x80, s23  }
0x31: {  	[sflag:s10] =	ssyncadd.s32 $0xFFFFC180;
	s26 =	smov.u32 s24;
	s28 =	sadd.s32 $0x400, s24  }
0x32: {  	[tilespmem:s16], [sflag:$0x2] =	stream.indirect.gather [hbm4b:s4+s14], $0x80, s25, s14, $0xb8;
	[tilespmem:$0x1E800] =	vst v63  }
0x33: {  	p0 =	sne.s32 s24, $0x4800;
	_ =	swait.ge [sflag:s17], $0x3E80  }
0x34: {  	[sflag:s17] =	ssyncset.done $0x0  }
0x35: {  	s24 =	sadd.s32 $0x1400, s23;
	[sflag:s17] =	ssyncadd.s32 $0xFFFFC180  }
0x36: {  	[spmem:s2] =	stream.indirect.scatter.add.f32 [tilespmem:s15], [sflag:$0x3], $0x80, s24, s14, $0xb8;
	[tilespmem:$0x1E800] =	vst v63  }
0x37: {  	_ =	swait.ge [sflag:s10], $0x3E80  }
0x38: {  	[sflag:s10] =	ssyncset.done $0x0  }
0x39: {  	s24 =	sadd.s32 $0x100, s23;
	[sflag:s10] =	ssyncadd.s32 $0xFFFFC180  }
0x3a: {  	[tilespmem:s15], [sflag:$0x1] =	stream.indirect.gather [hbm4b:s4+s14], $0x80, s24, s14, $0xb8;
	[tilespmem:$0x1E800] =	vst v63  }
0x3b: {  	_ =	swait.ge [sflag:s18], $0x3E80  }
.Ltmp0:
0x3c: {  	[sflag:s18] =	ssyncset.done $0x0;
	(pc) =	sbr.rel @p0 .LBB2_2-.Ltmp0, $4  }
0x3d: {  	s23 =	sadd.s32 $0x1480, s23;
	[sflag:s18] =	ssyncadd.s32 $0xFFFFC180  }
0x3e: {  	[spmem:s2] =	stream.indirect.scatter.add.f32 [tilespmem:s16], [sflag:$0x3], $0x80, s23, s14, $0xb8;
	[tilespmem:$0x1E800] =	vst v63  }
0x3f: {  	_ =	swait.ge [sflag:s10], $0x3E80  }
0x40: {  	s24 =	smov.u32 s28;
	s23 =	sshra.s32 s26, $0x2;
	[sflag:s10] =	ssyncset.done $0x0  }
0x41: {  	s24 =	sadd.s32 $0x80, s23;
	[sflag:s10] =	ssyncadd.s32 $0xFFFFC180  }
0x42: {  	[tilespmem:s16], [sflag:$0x2] =	stream.indirect.gather [hbm4b:s4+s14], $0x80, s24, s14, $0xb8;
	[tilespmem:$0x1E800] =	vst v63  }
0x43: {  	_ =	swait.ge [sflag:s17], $0x3E80  }
0x44: {  	[sflag:s17] =	ssyncset.done $0x0  }
0x45: {  	s29 =	sadd.s32 $0x1400, s23;
	[sflag:s17] =	ssyncadd.s32 $0xFFFFC180  }
0x46: {  	[spmem:s2] =	stream.indirect.scatter.add.f32 [tilespmem:s15], [sflag:$0x3], $0x80, s29, s14, $0xb8;
	[tilespmem:$0x1E800] =	vst v63  }
0x47: {  	_ =	swait.ge [sflag:s10], $0x3E80  }
0x48: {  	[sflag:s10] =	ssyncset.done $0x0  }
0x49: {  	s30 =	sadd.s32 $0x100, s23;
	[sflag:s10] =	ssyncadd.s32 $0xFFFFC180  }
0x4a: {  	[tilespmem:s15], [sflag:$0x1] =	stream.indirect.gather [hbm4b:s4+s14], $0x80, s30, s14, $0xb8;
	[tilespmem:$0x1E800] =	vst v63  }
0x4b: {  	_ =	swait.ge [sflag:s18], $0x3E80  }
0x4c: {  	[sflag:s18] =	ssyncset.done $0x0  }
0x4d: {  	s31 =	sadd.s32 $0x1480, s23;
	[sflag:s18] =	ssyncadd.s32 $0xFFFFC180  }
0x4e: {  	[spmem:s2] =	stream.indirect.scatter.add.f32 [tilespmem:s16], [sflag:$0x3], $0x80, s31, s14, $0xb8;
	[tilespmem:$0x1E800] =	vst v63  }
0x4f: {  	_ =	swait.ge [sflag:s10], $0x3E80  }
0x50: {  	[sflag:s10] =	ssyncset.done $0x0  }
0x51: {  	[sflag:s10] =	ssyncadd.s32 $0xFFFFC180  }
0x52: {  	[tilespmem:s16], [sflag:$0x2] =	stream.indirect.gather [hbm4b:s4+s14], $0x80, s19, s14, $0xb8;
	[tilespmem:$0x1E800] =	vst v63  }
0x53: {  	_ =	swait.ge [sflag:s17], $0x3E80  }
0x54: {  	[sflag:s17] =	ssyncset.done $0x0  }
0x55: {  	[sflag:s17] =	ssyncadd.s32 $0xFFFFC180  }
0x56: {  	[spmem:s2] =	stream.indirect.scatter.add.f32 [tilespmem:s15], [sflag:$0x3], $0x80, s20, s14, $0xb8;
	[tilespmem:$0x1E800] =	vst v63  }
0x57: {  	_ =	swait.ge [sflag:s10], $0x3E80  }
0x58: {  	[sflag:s10] =	ssyncset.done $0x0  }
0x59: {  	[sflag:s10] =	ssyncadd.s32 $0xFFFFC180  }
0x5a: {  	[tilespmem:s15], [sflag:$0x1] =	stream.indirect.gather [hbm4b:s4+s14], $0x80, s3, s14, $0xb8;
	[tilespmem:$0x1E800] =	vst v63  }
0x5b: {  	_ =	swait.ge [sflag:s18], $0x3E80  }
0x5c: {  	[sflag:s18] =	ssyncset.done $0x0  }
0x5d: {  	[sflag:s18] =	ssyncadd.s32 $0xFFFFC180  }
0x5e: {  	[spmem:s2] =	stream.indirect.scatter.add.f32 [tilespmem:s16], [sflag:$0x3], $0x80, s21, s14, $0xb8;
	[tilespmem:$0x1E800] =	vst v63  }
0x5f: {  	_ =	swait.ge [sflag:s10], $0x3E80  }
0x60: {  	[sflag:s10] =	ssyncset.done $0x0  }
0x61: {  	[sflag:s10] =	ssyncadd.s32 $0xFFFFC180  }
0x62: {  	_ =	swait.ge [sflag:s17], $0x3E80  }
0x63: {  	s22 =	sadd.s32 $0x1, s22;
	[sflag:s17] =	ssyncset.done $0x0  }
0x64: {  	p0 =	sne.s32 s22, s8;
	[sflag:s17] =	ssyncadd.s32 $0xFFFFC180  }
.Ltmp1:
0x65: {  	[bflag:$0x0] =	sbarrier.arrive $0xFFFF;
	(pc) =	sbr.rel @p0 .LBB2_1-.Ltmp1, $4  }
0x66: {  	[hbm:s7], [sflag:s12] =	dma.local [spmem:s13], $0x2800  }
0x67: {  	_ =	swait.ge [sflag:s10], $0x2800  }
0x68: {  	[sflag:s10] =	ssyncset.done $0x0  }
0x69: {  	[sflag:s10] =	ssyncadd.s32 $0xFFFFD800  }
0x6a: {  	_ =	sfence.sel $0x180000  }
0x6b: {  	[bflag:$0x0] =	sbarrier.arrive $0xFFFF  }
0x6c: {  	p0 =	sne.s32 s0, $0x0;
	_ =	strace $0x90000050  }
0x6d: {  	s0 =	sadd.s32 @!p0 $0x100000, s1;
	[bflag:$0x2] =	sbarrier.arrive $0xFFFF  }
0x6e: {  	[sflag:s0] =	ssyncadd.tile.s32 @!p0 $0x1;
	_ =	shalt  }
.Lfunc_end2:
_tile_overlayer_lowered:
.L_overlay_start_2:
0x6f: {  	(tag) =	ssettag $0x2  }
0x70: {  	s0 =	rddreg [dreg:$0x0];
	s2 =	stileid.u32  }
0x71: {  	s1 =	rddreg [dreg:$0x1];
	p0 =	sne.s32 s2, $0x0  }
0x72: {  	s3 =	rddreg [dreg:$0x2];
	[bflag:$0x3] =	sbarrier.arrive $0xFFFF;
	s2 =	simm.s32 @!p0 $0x1C03  }
0x73: {  	[timem:s3], [sflag:s2] =	dma.local @!p0 [hbm:s0], s1  }
0x74: {  	s0 =	simm.s32 @!p0 $0x3  }
0x75: {  	_ =	swait.ge @!p0 [sflag:s0], s1  }
0x76: {  	s1 =	ssub.s32 @!p0 $0x0, s1;
	[sflag:s0] =	ssyncset.done @!p0 $0x0  }
0x77: {  	[sflag:s0] =	ssyncadd.s32 @!p0 s1  }
0x78: {  	[bflag:$0x3] =	sbarrier.arrive $0xFFFF  }
0x79: {  	_ =	shalt  }

</sc_bundles>
